<compile_context>
chip_gen: v7x
topology: tpu7x:2x2x1
jax: 0.10.2.dev20260603
libtpu: 0.0.44.dev20260713+nightly
codegen_flags: <defaults>
</compile_context>

<pallas_src>
import jax
import jax.numpy as jnp
from jax import lax
from jax.experimental import pallas as pl
from jax.experimental.pallas import tpu as pltpu
from jax.experimental.pallas import tpu_sc as plsc

N = 10000
NP = 10240
IN = 128
H = 256
G = 16
F = 3
E = 320000

CK = 128
CHUNKS = 158
TILE_E = CHUNKS * CK
EP = 16 * TILE_E
DEG_EPT = EP // 32
RB = 256
NB = NP // RB

_mesh = plsc.VectorSubcoreMesh(core_axis_name="c", subcore_axis_name="s")



def _deg_body(dstp_hbm, deg_out, idxbuf, acc, red, out640, sh):
    c = lax.axis_index("c")
    s = lax.axis_index("s")
    wid = s * 2 + c
    pltpu.sync_copy(dstp_hbm.at[pl.ds(wid * DEG_EPT, DEG_EPT)], idxbuf)
    zeros16 = jnp.zeros((16,), jnp.float32)
    ones16 = jnp.ones((16,), jnp.float32)

    def zero_body(i, carry):
        acc[pl.ds(i * 16, 16)] = zeros16
        return carry

    lax.fori_loop(0, NP // 16, zero_body, 0)

    def count_body(i, carry):
        idx16 = idxbuf[pl.ds(i * 16, 16)]
        plsc.addupdate_scatter(acc, [idx16], ones16)
        return carry

    lax.fori_loop(0, DEG_EPT // 16, count_body, 0)

    pltpu.sync_copy(acc, sh.at[s])
    plsc.subcore_barrier()
    cols = NP // 16
    pltpu.sync_copy(sh.at[:, pl.ds(s * cols, cols)], red)

    def red_body(v, carry):
        t = red[0, pl.ds(v * 16, 16)]
        for r in range(1, 16):
            t = t + red[r, pl.ds(v * 16, 16)]
        out640[pl.ds(v * 16, 16)] = t
        return carry

    lax.fori_loop(0, cols // 16, red_body, 0)
    pltpu.sync_copy(out640, deg_out.at[c, pl.ds(s * cols, cols)])


_deg_call = pl.kernel(
    _deg_body,
    out_type=jax.ShapeDtypeStruct((2, NP), jnp.float32),
    mesh=_mesh,
    compiler_params=pltpu.CompilerParams(needs_layout_passes=False),
    scratch_types=[
        pltpu.VMEM((DEG_EPT,), jnp.int32),
        pltpu.VMEM((NP,), jnp.float32),
        pltpu.VMEM((16, NP // 16), jnp.float32),
        pltpu.VMEM((NP // 16,), jnp.float32),
        pltpu.VMEM_SHARED((16, NP), jnp.float32),
    ],
)



def _agg_body(y_hbm, srcp_hbm, dstp_hbm, out_hbm,
              rows0, rows1, sidx0, sidx1, d00, d01, d10, d11,
              acc, sem0, sem1):
    c = lax.axis_index("c")
    s = lax.axis_index("s")
    ebase = s * TILE_E
    rows = (rows0, rows1)
    sidx = (sidx0, sidx1)
    didx = ((d00, d01), (d10, d11))
    sems = (sem0, sem1)
    coff = jnp.full((16,), c * NP, jnp.int32)
    zeros16 = jnp.zeros((16,), jnp.float32)

    def zero_body(r, carry):
        for j in range(CK // 16):
            rows0[r, pl.ds(j * 16, 16)] = zeros16
        return carry

    lax.fori_loop(0, CK, zero_body, 0)
    for q in range(NP // 16 // CK):
        pltpu.sync_copy(rows0, acc.at[pl.ds(s * (NP // 16) + q * CK, CK)])
    plsc.subcore_barrier()

    def load_and_fire(k, b, q):
        pltpu.sync_copy(srcp_hbm.at[pl.ds(ebase + k * CK, CK)], sidx[b])
        pltpu.sync_copy(dstp_hbm.at[pl.ds(ebase + k * CK, CK)], didx[b][q])
        for j in range(CK // 16):
            v = sidx[b][pl.ds(j * 16, 16)]
            sidx[b][pl.ds(j * 16, 16)] = v + coff
        pltpu.make_async_copy(y_hbm.at[sidx[b]], rows[b], sems[b]).start()

    load_and_fire(0, 0, 0)
    load_and_fire(1, 1, 0)

    def chunk_step(k, b, q, last):
        pltpu.make_async_copy(y_hbm.at[sidx[b]], rows[b], sems[b]).wait()
        pltpu.make_async_copy(rows[b], acc.at[didx[b][q]],
                              sems[b]).start(add=True)
        if not last:
            pltpu.sync_copy(srcp_hbm.at[pl.ds(ebase + (k + 2) * CK, CK)],
                            sidx[b])
            for j in range(CK // 16):
                v = sidx[b][pl.ds(j * 16, 16)]
                sidx[b][pl.ds(j * 16, 16)] = v + coff
            pltpu.sync_copy(dstp_hbm.at[pl.ds(ebase + (k + 2) * CK, CK)],
                            didx[b][1 - q])
        pltpu.make_async_copy(rows[b], acc.at[didx[b][q]], sems[b]).wait()
        if not last:
            pltpu.make_async_copy(y_hbm.at[sidx[b]], rows[b], sems[b]).start()

    def outer(g2, carry):
        for gpar in range(2):
            g = g2 * 2 + gpar
            for b in range(2):
                chunk_step(g * 2 + b, b, gpar, False)
        return carry

    lax.fori_loop(0, (CHUNKS - 2) // 4, outer, 0)
    chunk_step(CHUNKS - 2, 0, 0, True)
    chunk_step(CHUNKS - 1, 1, 0, True)

    plsc.subcore_barrier()
    rows_per_tile = NP // 16
    pltpu.sync_copy(acc.at[pl.ds(s * rows_per_tile, rows_per_tile)],
                    out_hbm.at[c, pl.ds(s * rows_per_tile, rows_per_tile)])


_agg_call = pl.kernel(
    _agg_body,
    out_type=jax.ShapeDtypeStruct((2, NP, 128), jnp.float32),
    mesh=_mesh,
    scratch_types=[
        pltpu.VMEM((CK, 128), jnp.float32),
        pltpu.VMEM((CK, 128), jnp.float32),
        pltpu.VMEM((CK,), jnp.int32),
        pltpu.VMEM((CK,), jnp.int32),
        pltpu.VMEM((CK,), jnp.int32),
        pltpu.VMEM((CK,), jnp.int32),
        pltpu.VMEM((CK,), jnp.int32),
        pltpu.VMEM((CK,), jnp.int32),
        pltpu.VMEM_SHARED((NP, 128), jnp.float32),
        pltpu.SemaphoreType.DMA,
        pltpu.SemaphoreType.DMA,
    ],
)


def _agg(y_st, srcp, dstp):
    return _agg_call(y_st.reshape(2 * NP, 128), srcp, dstp)



def _dinv_col(deg_ref):
    d = deg_ref[0]
    dsum = d[0:1, :] + d[1:2, :] + 1.0
    return lax.rsqrt(dsum).reshape(RB, 1)


def _full(shape):
    return pl.BlockSpec(shape, lambda *args: tuple(0 for _ in shape))



def _mm1_body(deg_ref, x_ref, w_ref, y_ref):
    dcol = _dinv_col(deg_ref)
    z = jnp.dot(x_ref[...], w_ref[...], preferred_element_type=jnp.float32)
    y = z * dcol
    y_ref[0] = y[:, :128]
    y_ref[1] = y[:, 128:]


def _mm1(xp, W1, deg3):
    return pl.pallas_call(
        _mm1_body,
        grid=(NB,),
        in_specs=[
            pl.BlockSpec((1, 2, RB), lambda i: (i, 0, 0)),
            pl.BlockSpec((RB, IN), lambda i: (i, 0)),
            _full((IN, H)),
        ],
        out_specs=pl.BlockSpec((2, RB, 128), lambda i: (0, i, 0)),
        out_shape=jax.ShapeDtypeStruct((2, NP, 128), jnp.float32),
    )(deg3, xp, W1)



def _mid_body(deg_ref, b_ref, s_ref, y_ref, w_ref, o_ref):
    dcol = _dinv_col(deg_ref)
    scat = jnp.concatenate([s_ref[0], s_ref[1]], axis=1)
    ycat = jnp.concatenate([y_ref[0], y_ref[1]], axis=1)
    h = jnp.maximum((scat + ycat) * dcol + b_ref[...], 0.0)
    z = jnp.dot(h, w_ref[...], preferred_element_type=jnp.float32)
    zs = z * dcol
    o_ref[0] = zs[:, :128]
    o_ref[1] = zs[:, 128:]


def _mid(s_st, y_st, deg3, W, b_prev):
    return pl.pallas_call(
        _mid_body,
        grid=(NB,),
        in_specs=[
            pl.BlockSpec((1, 2, RB), lambda i: (i, 0, 0)),
            _full((H,)),
            pl.BlockSpec((2, RB, 128), lambda i: (0, i, 0)),
            pl.BlockSpec((2, RB, 128), lambda i: (0, i, 0)),
            _full((H, H)),
        ],
        out_specs=pl.BlockSpec((2, RB, 128), lambda i: (0, i, 0)),
        out_shape=jax.ShapeDtypeStruct((2, NP, 128), jnp.float32),
    )(deg3, b_prev, s_st, y_st, W)



def _pool_body(deg_ref, b3_ref, gwt_ref, gb_ref, batch_ref, regw_ref,
               regb_ref, s_ref, y_ref, o_ref, m_scr, ss_scr, sp_scr):
    p = pl.program_id(0)
    i = pl.program_id(1)
    dcol = _dinv_col(deg_ref)
    scat = jnp.concatenate([s_ref[0], s_ref[1]], axis=1)
    ycat = jnp.concatenate([y_ref[0], y_ref[1]], axis=1)
    h3 = (scat + ycat) * dcol + b3_ref[...]
    gate = jnp.sum(h3 * gwt_ref[...], axis=1, keepdims=True) + gb_ref[...]
    bcol = batch_ref[...]
    iota = lax.broadcasted_iota(jnp.int32, (RB, G), 1).astype(jnp.float32)
    oh = bcol == iota

    @pl.when((p == 0) & (i == 0))
    def _():
        m_scr[...] = jnp.full((1, G), -1e30, jnp.float32)

    @pl.when(p == 0)
    def _():
        masked = jnp.where(oh, gate, -1e30)
        m_scr[...] = jnp.maximum(m_scr[...],
                                 jnp.max(masked, axis=0, keepdims=True))

    @pl.when(p == 1)
    def _():
        @pl.when(i == 0)
        def _():
            ss_scr[...] = jnp.zeros((1, G), jnp.float32)
            sp_scr[...] = jnp.zeros((G, H), jnp.float32)

        ohf = oh.astype(jnp.float32)
        mn = jnp.sum(ohf * m_scr[...], axis=1, keepdims=True)
        a = jnp.exp(gate - mn)
        ss_scr[...] = ss_scr[...] + jnp.sum(ohf * a, axis=0, keepdims=True)
        sp_scr[...] = sp_scr[...] + lax.dot_general(
            ohf, h3 * a, (((0,), (0,)), ((), ())),
            preferred_element_type=jnp.float32)

        @pl.when(i == NB - 1)
        def _():
            pooled = sp_scr[...] / (ss_scr[...].reshape(G, 1) + 1e-16)
            o_ref[...] = jnp.tanh(
                jnp.dot(pooled, regw_ref[...],
                        preferred_element_type=jnp.float32) + regb_ref[...])


def _pool(s_st, y_st, deg3, b3, gate_WT, gate_b2, batchp, reg_Wp, reg_bp):
    return pl.pallas_call(
        _pool_body,
        grid=(2, NB),
        in_specs=[
            pl.BlockSpec((1, 2, RB), lambda p, i: (i, 0, 0)),
            _full((H,)),
            _full((1, H)),
            _full((1, 1)),
            pl.BlockSpec((RB, 1), lambda p, i: (i, 0)),
            _full((H, 128)),
            _full((1, 128)),
            pl.BlockSpec((2, RB, 128), lambda p, i: (0, i, 0)),
            pl.BlockSpec((2, RB, 128), lambda p, i: (0, i, 0)),
        ],
        out_specs=pl.BlockSpec((G, 128), lambda p, i: (0, 0)),
        out_shape=jax.ShapeDtypeStruct((G, 128), jnp.float32),
        scratch_shapes=[
            pltpu.VMEM((1, G), jnp.float32),
            pltpu.VMEM((1, G), jnp.float32),
            pltpu.VMEM((G, H), jnp.float32),
        ],
    )(deg3, b3, gate_WT, gate_b2, batchp, reg_Wp, reg_bp, s_st, y_st)



def kernel(x, edge_index, batch, W1, b1, W2, b2, W3, b3,
           gate_W, gate_b, reg_W, reg_b):
    src = edge_index[0]
    dst = edge_index[1]
    pad_e = jnp.full((EP - E,), NP - 1, jnp.int32)
    srcp = jnp.concatenate([src, pad_e])
    dstp = jnp.concatenate([dst, pad_e])
    xp = jnp.pad(x, ((0, NP - N), (0, 0)))
    batchp = jnp.concatenate(
        [batch, jnp.full((NP - N,), G, jnp.int32)]
    ).astype(jnp.float32).reshape(NP, 1)


    degp = _deg_call(dstp)
    deg3 = degp.reshape(2, NB, RB).transpose(1, 0, 2)

    y1 = _mm1(xp, W1, deg3)
    s1 = _agg(y1, srcp, dstp)
    y2 = _mid(s1, y1, deg3, W2, b1)
    s2 = _agg(y2, srcp, dstp)
    y3 = _mid(s2, y2, deg3, W3, b2)
    s3 = _agg(y3, srcp, dstp)

    gate_WT = gate_W.reshape(1, H)
    gate_b2 = gate_b.reshape(1, 1)
    reg_Wp = jnp.pad(reg_W, ((0, 0), (0, 128 - F)))
    reg_bp = jnp.pad(reg_b, ((0, 128 - F),)).reshape(1, 128)
    out128 = _pool(s3, y3, deg3, b3, gate_WT, gate_b2, batchp,
                   reg_Wp, reg_bp)
    return out128[:G, :F]

# --- scband reference (transcript-rebuilt; emitter-appended) ---
"""Pipeline reference for scband-gnn-71854802862472 (READ-ONLY COPY).

The authoritative reference and input builder live on the scoring server;
editing this copy changes nothing except your own understanding.
"""

import jax, jax.numpy as jnp
import numpy as np

N = 10000
E = 320000
IN, H, OUT, G, F = 128, 256, 256, 16, 3


def setup_inputs(seed: int = 0) -> dict:
    key = jax.random.key(seed)
    ks = jax.random.split(key, 14)
    def w(k, shape, fan):
        return (jax.random.normal(k, shape, jnp.float32) * (1.0 / np.sqrt(fan))).astype(jnp.float32)
    inp = {}
    inp['x'] = jax.random.normal(ks[0], (N, IN), dtype=jnp.float32)
    inp['edge_index'] = jax.random.randint(ks[1], (2, E), 0, N, dtype=jnp.int32)
    inp['batch'] = jnp.sort(jax.random.randint(ks[2], (N,), 0, G, dtype=jnp.int32))
    inp['W1'] = w(ks[3], (IN, H), IN)
    inp['b1'] = jnp.zeros((H,), jnp.float32)
    inp['W2'] = w(ks[4], (H, H), H)
    inp['b2'] = jnp.zeros((H,), jnp.float32)
    inp['W3'] = w(ks[5], (H, OUT), H)
    inp['b3'] = jnp.zeros((OUT,), jnp.float32)
    inp['gate_W'] = w(ks[6], (OUT, 1), OUT)
    inp['gate_b'] = jnp.zeros((1,), jnp.float32)
    inp['reg_W'] = w(ks[7], (OUT, F), OUT)
    inp['reg_b'] = jnp.zeros((F,), jnp.float32)
    return inp


def _gcn_norm(edge_index):
    # add self loops (GCNConv default) and compute symmetric normalization
    loop = jnp.arange(N, dtype=edge_index.dtype)
    src = jnp.concatenate([edge_index[0], loop])
    dst = jnp.concatenate([edge_index[1], loop])
    deg = jax.ops.segment_sum(jnp.ones_like(dst, dtype=jnp.float32), dst, num_segments=N)
    dinv = jnp.where(deg > 0, 1.0 / jnp.sqrt(deg), 0.0)
    norm = dinv[src] * dinv[dst]
    return src, dst, norm


def _gcn_layer(h, src, dst, norm, W, b):
    h = h @ W
    msg = h[src] * norm[:, None]
    agg = jax.ops.segment_sum(msg, dst, num_segments=N)
    return agg + b


def reference(x, edge_index, batch, W1, b1, W2, b2, W3, b3, gate_W, gate_b, reg_W, reg_b):
    src, dst, norm = _gcn_norm(edge_index)
    h = _gcn_layer(x, src, dst, norm, W1, b1)
    h = jax.nn.relu(h)
    h = _gcn_layer(h, src, dst, norm, W2, b2)
    h = jax.nn.relu(h)
    h = _gcn_layer(h, src, dst, norm, W3, b3)
    # AttentionalAggregation: softmax(gate_nn(h), batch); sum alpha * h per graph
    gate = (h @ gate_W + gate_b)[:, 0]
    m = jax.ops.segment_max(gate, batch, num_segments=G)
    a = jnp.exp(gate - m[batch])
    s = jax.ops.segment_sum(a, batch, num_segments=G)
    alpha = a / (s[batch] + 1e-16)
    pooled = jax.ops.segment_sum(h * alpha[:, None], batch, num_segments=G)
    # dropout_rate=0.0 -> identity; regressor + tanh
    out = jnp.tanh(pooled @ reg_W + reg_b)
    return out

if __name__ == "__main__":
    import jax
    _d = setup_inputs()
    print(jax.jit(kernel)(*tuple(_d.values())))

</pallas_src>

<mosaic_0001>
#map = affine_map<(d0, d1) -> (0, 0)>
#map1 = affine_map<(d0, d1) -> (0)>
#map2 = affine_map<(d0, d1) -> (0, 0, 0)>
module attributes {stable_mosaic.version = 14 : i64} {
  func.func @_agg_body(%arg0: i32, %arg1: i32, %arg2: memref<20480x128xf32, #tpu.memory_space<hbm>>, %arg3: memref<323584xi32, #tpu.memory_space<hbm>>, %arg4: memref<323584xi32, #tpu.memory_space<hbm>>, %arg5: memref<2x10240x128xf32, #tpu.memory_space<hbm>>, %arg6: memref<128x128xf32, #tpu.memory_space<vmem>>, %arg7: memref<128x128xf32, #tpu.memory_space<vmem>>, %arg8: memref<128xi32, #tpu.memory_space<vmem>>, %arg9: memref<128xi32, #tpu.memory_space<vmem>>, %arg10: memref<128xi32, #tpu.memory_space<vmem>>, %arg11: memref<128xi32, #tpu.memory_space<vmem>>, %arg12: memref<128xi32, #tpu.memory_space<vmem>>, %arg13: memref<128xi32, #tpu.memory_space<vmem>>, %arg14: memref<10240x128xf32, #tpu.memory_space<vmem_shared>>, %arg15: memref<!tpu.dma_semaphore, #tpu.memory_space<semaphore_mem>>, %arg16: memref<!tpu.dma_semaphore, #tpu.memory_space<semaphore_mem>>) attributes {dimension_semantics = [#tpu.dimension_semantics<core_parallel>, #tpu.dimension_semantics<subcore_parallel>], iteration_bounds = array<i64: 2, 16>, scalar_prefetch = 0 : i64, scratch_operands = 11 : i64, tpu.core_type = #tpu.core_type<sc_vector_subcore>, window_params = [{transform_indices = #map}, {transform_indices = #map1}, {transform_indices = #map1}, {transform_indices = #map2}]} {
    %mul3A = arith.constant 20224 : i32
    %mul3A_0 = arith.muli %arg1, %mul3A : i32
    %mul3A_1 = arith.constant 10240 : i32
    %mul3A_2 = arith.muli %arg0, %mul3A_1 : i32
    %broadcast_in_dim3A = vector.broadcast %mul3A_2 : i32 to vector<16xi32>
    %broadcast_in_dim3A_3 = arith.constant 0.000000e+00 : f32
    %broadcast_in_dim3A_4 = vector.broadcast %broadcast_in_dim3A_3 : f32 to vector<16xf32>
    %scan3A = arith.constant 0 : i32
    %scan3A_5 = arith.constant 0 : i32
    %scan3A_6 = arith.constant 128 : i32
    %scan3A_7 = arith.addi %scan3A_5, %scan3A_6 : i32
    %scan3A_8 = arith.constant 1 : i32
    scf.for %scan3A_196 = %scan3A_5 to %scan3A_7 step %scan3A_8  : i32 {
      %swap3A_197 = arith.index_cast %scan3A_196 : i32 to index
      %swap3A_198 = arith.constant 0 : index
      %swap3A_199 = tpu.vector_load %arg6[%swap3A_197, %swap3A_198] {strides = array<i32>} : memref<128x128xf32, #tpu.memory_space<vmem>>, vector<1x16xf32>,
      %swap3A_200 = vector.shape_cast %swap3A_199 : vector<1x16xf32> to vector<16xf32>
      %swap3A_201 = vector.shape_cast %broadcast_in_dim3A_4 : vector<16xf32> to vector<1x16xf32>
      tpu.vector_store %arg6[%swap3A_197, %swap3A_198], %swap3A_201 {strides = array<i32>} : memref<128x128xf32, #tpu.memory_space<vmem>>, vector<1x16xf32>,
      %swap3A_202 = arith.index_cast %scan3A_196 : i32 to index
      %swap3A_203 = arith.constant 16 : index
      %swap3A_204 = tpu.vector_load %arg6[%swap3A_202, %swap3A_203] {strides = array<i32>} : memref<128x128xf32, #tpu.memory_space<vmem>>, vector<1x16xf32>,
      %swap3A_205 = vector.shape_cast %swap3A_204 : vector<1x16xf32> to vector<16xf32>
      %swap3A_206 = vector.shape_cast %broadcast_in_dim3A_4 : vector<16xf32> to vector<1x16xf32>
      tpu.vector_store %arg6[%swap3A_202, %swap3A_203], %swap3A_206 {strides = array<i32>} : memref<128x128xf32, #tpu.memory_space<vmem>>, vector<1x16xf32>,
      %swap3A_207 = arith.index_cast %scan3A_196 : i32 to index
      %swap3A_208 = arith.constant 32 : index
      %swap3A_209 = tpu.vector_load %arg6[%swap3A_207, %swap3A_208] {strides = array<i32>} : memref<128x128xf32, #tpu.memory_space<vmem>>, vector<1x16xf32>,
      %swap3A_210 = vector.shape_cast %swap3A_209 : vector<1x16xf32> to vector<16xf32>
      %swap3A_211 = vector.shape_cast %broadcast_in_dim3A_4 : vector<16xf32> to vector<1x16xf32>
      tpu.vector_store %arg6[%swap3A_207, %swap3A_208], %swap3A_211 {strides = array<i32>} : memref<128x128xf32, #tpu.memory_space<vmem>>, vector<1x16xf32>,
      %swap3A_212 = arith.index_cast %scan3A_196 : i32 to index
      %swap3A_213 = arith.constant 48 : index
      %swap3A_214 = tpu.vector_load %arg6[%swap3A_212, %swap3A_213] {strides = array<i32>} : memref<128x128xf32, #tpu.memory_space<vmem>>, vector<1x16xf32>,
      %swap3A_215 = vector.shape_cast %swap3A_214 : vector<1x16xf32> to vector<16xf32>
      %swap3A_216 = vector.shape_cast %broadcast_in_dim3A_4 : vector<16xf32> to vector<1x16xf32>
      tpu.vector_store %arg6[%swap3A_212, %swap3A_213], %swap3A_216 {strides = array<i32>} : memref<128x128xf32, #tpu.memory_space<vmem>>, vector<1x16xf32>,
      %swap3A_217 = arith.index_cast %scan3A_196 : i32 to index
      %swap3A_218 = arith.constant 64 : index
      %swap3A_219 = tpu.vector_load %arg6[%swap3A_217, %swap3A_218] {strides = array<i32>} : memref<128x128xf32, #tpu.memory_space<vmem>>, vector<1x16xf32>,
      %swap3A_220 = vector.shape_cast %swap3A_219 : vector<1x16xf32> to vector<16xf32>
      %swap3A_221 = vector.shape_cast %broadcast_in_dim3A_4 : vector<16xf32> to vector<1x16xf32>
      tpu.vector_store %arg6[%swap3A_217, %swap3A_218], %swap3A_221 {strides = array<i32>} : memref<128x128xf32, #tpu.memory_space<vmem>>, vector<1x16xf32>,
      %swap3A_222 = arith.index_cast %scan3A_196 : i32 to index
      %swap3A_223 = arith.constant 80 : index
      %swap3A_224 = tpu.vector_load %arg6[%swap3A_222, %swap3A_223] {strides = array<i32>} : memref<128x128xf32, #tpu.memory_space<vmem>>, vector<1x16xf32>,
      %swap3A_225 = vector.shape_cast %swap3A_224 : vector<1x16xf32> to vector<16xf32>
      %swap3A_226 = vector.shape_cast %broadcast_in_dim3A_4 : vector<16xf32> to vector<1x16xf32>
      tpu.vector_store %arg6[%swap3A_222, %swap3A_223], %swap3A_226 {strides = array<i32>} : memref<128x128xf32, #tpu.memory_space<vmem>>, vector<1x16xf32>,
      %swap3A_227 = arith.index_cast %scan3A_196 : i32 to index
      %swap3A_228 = arith.constant 96 : index
      %swap3A_229 = tpu.vector_load %arg6[%swap3A_227, %swap3A_228] {strides = array<i32>} : memref<128x128xf32, #tpu.memory_space<vmem>>, vector<1x16xf32>,
      %swap3A_230 = vector.shape_cast %swap3A_229 : vector<1x16xf32> to vector<16xf32>
      %swap3A_231 = vector.shape_cast %broadcast_in_dim3A_4 : vector<16xf32> to vector<1x16xf32>
      tpu.vector_store %arg6[%swap3A_227, %swap3A_228], %swap3A_231 {strides = array<i32>} : memref<128x128xf32, #tpu.memory_space<vmem>>, vector<1x16xf32>,
      %swap3A_232 = arith.index_cast %scan3A_196 : i32 to index
      %swap3A_233 = arith.constant 112 : index
      %swap3A_234 = tpu.vector_load %arg6[%swap3A_232, %swap3A_233] {strides = array<i32>} : memref<128x128xf32, #tpu.memory_space<vmem>>, vector<1x16xf32>,
      %swap3A_235 = vector.shape_cast %swap3A_234 : vector<1x16xf32> to vector<16xf32>
      %swap3A_236 = vector.shape_cast %broadcast_in_dim3A_4 : vector<16xf32> to vector<1x16xf32>
      tpu.vector_store %arg6[%swap3A_232, %swap3A_233], %swap3A_236 {strides = array<i32>} : memref<128x128xf32, #tpu.memory_space<vmem>>, vector<1x16xf32>,
    }
    %scan3A_9 = arith.constant 128 : i32
    %mul3A_10 = arith.constant 640 : i32
    %mul3A_11 = arith.muli %arg1, %mul3A_10 : i32
    %add3A = arith.constant 0 : i32
    %add3A_12 = arith.addi %mul3A_11, %add3A : i32
    "tpu.region"() ({
      %run_scoped3A = tpu.sem_alloc : memref<!tpu.dma_semaphore, #tpu.memory_space<semaphore_mem>>
      %dma_start3A_196 = arith.constant 0 : i32
      %dma_start3A_197 = tpu.memref_slice %arg14[%add3A_12, %dma_start3A_196] : memref<10240x128xf32, #tpu.memory_space<vmem_shared>> -> memref<128x128xf32, #tpu.memory_space<vmem_shared>>
      %dma_start3A_198 = arith.constant 0 : i32
      %dma_start3A_199 = tpu.memref_slice %arg14[%add3A_12, %dma_start3A_198] : memref<10240x128xf32, #tpu.memory_space<vmem_shared>> -> memref<128x128xf32, #tpu.memory_space<vmem_shared>>
      tpu.enqueue_dma source(%arg6 : memref<128x128xf32, #tpu.memory_space<vmem>>) target(%dma_start3A_199 : memref<128x128xf32, #tpu.memory_space<vmem_shared>>) target_semaphore(%run_scoped3A : memref<!tpu.dma_semaphore, #tpu.memory_space<semaphore_mem>>)
      %dma_wait3A_200 = arith.constant 0 : i32
      %dma_wait3A_201 = tpu.memref_slice %arg14[%add3A_12, %dma_wait3A_200] : memref<10240x128xf32, #tpu.memory_space<vmem_shared>> -> memref<128x128xf32, #tpu.memory_space<vmem_shared>>
      %dma_wait3A_202 = arith.constant 0 : i32
      %dma_wait3A_203 = tpu.memref_slice %arg14[%add3A_12, %dma_wait3A_202] : memref<10240x128xf32, #tpu.memory_space<vmem_shared>> -> memref<128x128xf32, #tpu.memory_space<vmem_shared>>
      tpu.wait_dma2 semaphore(%run_scoped3A : memref<!tpu.dma_semaphore, #tpu.memory_space<semaphore_mem>>) src(%arg6 : memref<128x128xf32, #tpu.memory_space<vmem>>) dst(%dma_wait3A_203 : memref<128x128xf32, #tpu.memory_space<vmem_shared>>)
      tpu.yield
    }) : () -> ()
    %mul3A_13 = arith.constant 640 : i32
    %mul3A_14 = arith.muli %arg1, %mul3A_13 : i32
    %add3A_15 = arith.constant 128 : i32
    %add3A_16 = arith.addi %mul3A_14, %add3A_15 : i32
    "tpu.region"() ({
      %run_scoped3A = tpu.sem_alloc : memref<!tpu.dma_semaphore, #tpu.memory_space<semaphore_mem>>
      %dma_start3A_196 = arith.constant 0 : i32
      %dma_start3A_197 = tpu.memref_slice %arg14[%add3A_16, %dma_start3A_196] : memref<10240x128xf32, #tpu.memory_space<vmem_shared>> -> memref<128x128xf32, #tpu.memory_space<vmem_shared>>
      %dma_start3A_198 = arith.constant 0 : i32
      %dma_start3A_199 = tpu.memref_slice %arg14[%add3A_16, %dma_start3A_198] : memref<10240x128xf32, #tpu.memory_space<vmem_shared>> -> memref<128x128xf32, #tpu.memory_space<vmem_shared>>
      tpu.enqueue_dma source(%arg6 : memref<128x128xf32, #tpu.memory_space<vmem>>) target(%dma_start3A_199 : memref<128x128xf32, #tpu.memory_space<vmem_shared>>) target_semaphore(%run_scoped3A : memref<!tpu.dma_semaphore, #tpu.memory_space<semaphore_mem>>)
      %dma_wait3A_200 = arith.constant 0 : i32
      %dma_wait3A_201 = tpu.memref_slice %arg14[%add3A_16, %dma_wait3A_200] : memref<10240x128xf32, #tpu.memory_space<vmem_shared>> -> memref<128x128xf32, #tpu.memory_space<vmem_shared>>
      %dma_wait3A_202 = arith.constant 0 : i32
      %dma_wait3A_203 = tpu.memref_slice %arg14[%add3A_16, %dma_wait3A_202] : memref<10240x128xf32, #tpu.memory_space<vmem_shared>> -> memref<128x128xf32, #tpu.memory_space<vmem_shared>>
      tpu.wait_dma2 semaphore(%run_scoped3A : memref<!tpu.dma_semaphore, #tpu.memory_space<semaphore_mem>>) src(%arg6 : memref<128x128xf32, #tpu.memory_space<vmem>>) dst(%dma_wait3A_203 : memref<128x128xf32, #tpu.memory_space<vmem_shared>>)
      tpu.yield
    }) : () -> ()
    %mul3A_17 = arith.constant 640 : i32
    %mul3A_18 = arith.muli %arg1, %mul3A_17 : i32
    %add3A_19 = arith.constant 256 : i32
    %add3A_20 = arith.addi %mul3A_18, %add3A_19 : i32
    "tpu.region"() ({
      %run_scoped3A = tpu.sem_alloc : memref<!tpu.dma_semaphore, #tpu.memory_space<semaphore_mem>>
      %dma_start3A_196 = arith.constant 0 : i32
      %dma_start3A_197 = tpu.memref_slice %arg14[%add3A_20, %dma_start3A_196] : memref<10240x128xf32, #tpu.memory_space<vmem_shared>> -> memref<128x128xf32, #tpu.memory_space<vmem_shared>>
      %dma_start3A_198 = arith.constant 0 : i32
      %dma_start3A_199 = tpu.memref_slice %arg14[%add3A_20, %dma_start3A_198] : memref<10240x128xf32, #tpu.memory_space<vmem_shared>> -> memref<128x128xf32, #tpu.memory_space<vmem_shared>>
      tpu.enqueue_dma source(%arg6 : memref<128x128xf32, #tpu.memory_space<vmem>>) target(%dma_start3A_199 : memref<128x128xf32, #tpu.memory_space<vmem_shared>>) target_semaphore(%run_scoped3A : memref<!tpu.dma_semaphore, #tpu.memory_space<semaphore_mem>>)
      %dma_wait3A_200 = arith.constant 0 : i32
      %dma_wait3A_201 = tpu.memref_slice %arg14[%add3A_20, %dma_wait3A_200] : memref<10240x128xf32, #tpu.memory_space<vmem_shared>> -> memref<128x128xf32, #tpu.memory_space<vmem_shared>>
      %dma_wait3A_202 = arith.constant 0 : i32
      %dma_wait3A_203 = tpu.memref_slice %arg14[%add3A_20, %dma_wait3A_202] : memref<10240x128xf32, #tpu.memory_space<vmem_shared>> -> memref<128x128xf32, #tpu.memory_space<vmem_shared>>
      tpu.wait_dma2 semaphore(%run_scoped3A : memref<!tpu.dma_semaphore, #tpu.memory_space<semaphore_mem>>) src(%arg6 : memref<128x128xf32, #tpu.memory_space<vmem>>) dst(%dma_wait3A_203 : memref<128x128xf32, #tpu.memory_space<vmem_shared>>)
      tpu.yield
    }) : () -> ()
    %mul3A_21 = arith.constant 640 : i32
    %mul3A_22 = arith.muli %arg1, %mul3A_21 : i32
    %add3A_23 = arith.constant 384 : i32
    %add3A_24 = arith.addi %mul3A_22, %add3A_23 : i32
    "tpu.region"() ({
      %run_scoped3A = tpu.sem_alloc : memref<!tpu.dma_semaphore, #tpu.memory_space<semaphore_mem>>
      %dma_start3A_196 = arith.constant 0 : i32
      %dma_start3A_197 = tpu.memref_slice %arg14[%add3A_24, %dma_start3A_196] : memref<10240x128xf32, #tpu.memory_space<vmem_shared>> -> memref<128x128xf32, #tpu.memory_space<vmem_shared>>
      %dma_start3A_198 = arith.constant 0 : i32
      %dma_start3A_199 = tpu.memref_slice %arg14[%add3A_24, %dma_start3A_198] : memref<10240x128xf32, #tpu.memory_space<vmem_shared>> -> memref<128x128xf32, #tpu.memory_space<vmem_shared>>
      tpu.enqueue_dma source(%arg6 : memref<128x128xf32, #tpu.memory_space<vmem>>) target(%dma_start3A_199 : memref<128x128xf32, #tpu.memory_space<vmem_shared>>) target_semaphore(%run_scoped3A : memref<!tpu.dma_semaphore, #tpu.memory_space<semaphore_mem>>)
      %dma_wait3A_200 = arith.constant 0 : i32
      %dma_wait3A_201 = tpu.memref_slice %arg14[%add3A_24, %dma_wait3A_200] : memref<10240x128xf32, #tpu.memory_space<vmem_shared>> -> memref<128x128xf32, #tpu.memory_space<vmem_shared>>
      %dma_wait3A_202 = arith.constant 0 : i32
      %dma_wait3A_203 = tpu.memref_slice %arg14[%add3A_24, %dma_wait3A_202] : memref<10240x128xf32, #tpu.memory_space<vmem_shared>> -> memref<128x128xf32, #tpu.memory_space<vmem_shared>>
      tpu.wait_dma2 semaphore(%run_scoped3A : memref<!tpu.dma_semaphore, #tpu.memory_space<semaphore_mem>>) src(%arg6 : memref<128x128xf32, #tpu.memory_space<vmem>>) dst(%dma_wait3A_203 : memref<128x128xf32, #tpu.memory_space<vmem_shared>>)
      tpu.yield
    }) : () -> ()
    %mul3A_25 = arith.constant 640 : i32
    %mul3A_26 = arith.muli %arg1, %mul3A_25 : i32
    %add3A_27 = arith.constant 512 : i32
    %add3A_28 = arith.addi %mul3A_26, %add3A_27 : i32
    "tpu.region"() ({
      %run_scoped3A = tpu.sem_alloc : memref<!tpu.dma_semaphore, #tpu.memory_space<semaphore_mem>>
      %dma_start3A_196 = arith.constant 0 : i32
      %dma_start3A_197 = tpu.memref_slice %arg14[%add3A_28, %dma_start3A_196] : memref<10240x128xf32, #tpu.memory_space<vmem_shared>> -> memref<128x128xf32, #tpu.memory_space<vmem_shared>>
      %dma_start3A_198 = arith.constant 0 : i32
      %dma_start3A_199 = tpu.memref_slice %arg14[%add3A_28, %dma_start3A_198] : memref<10240x128xf32, #tpu.memory_space<vmem_shared>> -> memref<128x128xf32, #tpu.memory_space<vmem_shared>>
      tpu.enqueue_dma source(%arg6 : memref<128x128xf32, #tpu.memory_space<vmem>>) target(%dma_start3A_199 : memref<128x128xf32, #tpu.memory_space<vmem_shared>>) target_semaphore(%run_scoped3A : memref<!tpu.dma_semaphore, #tpu.memory_space<semaphore_mem>>)
      %dma_wait3A_200 = arith.constant 0 : i32
      %dma_wait3A_201 = tpu.memref_slice %arg14[%add3A_28, %dma_wait3A_200] : memref<10240x128xf32, #tpu.memory_space<vmem_shared>> -> memref<128x128xf32, #tpu.memory_space<vmem_shared>>
      %dma_wait3A_202 = arith.constant 0 : i32
      %dma_wait3A_203 = tpu.memref_slice %arg14[%add3A_28, %dma_wait3A_202] : memref<10240x128xf32, #tpu.memory_space<vmem_shared>> -> memref<128x128xf32, #tpu.memory_space<vmem_shared>>
      tpu.wait_dma2 semaphore(%run_scoped3A : memref<!tpu.dma_semaphore, #tpu.memory_space<semaphore_mem>>) src(%arg6 : memref<128x128xf32, #tpu.memory_space<vmem>>) dst(%dma_wait3A_203 : memref<128x128xf32, #tpu.memory_space<vmem_shared>>)
      tpu.yield
    }) : () -> ()
    %barrier3A = arith.constant 0 : index
    tpu.barrier barrier_id(%barrier3A)
    %add3A_29 = arith.constant 0 : i32
    %add3A_30 = arith.addi %mul3A_0, %add3A_29 : i32
    "tpu.region"() ({
      %run_scoped3A = tpu.sem_alloc : memref<!tpu.dma_semaphore, #tpu.memory_space<semaphore_mem>>
      %dma_start3A_196 = tpu.memref_slice %arg3[%add3A_30] : memref<323584xi32, #tpu.memory_space<hbm>> -> memref<128xi32, #tpu.memory_space<hbm>>
      %dma_start3A_197 = tpu.memref_slice %arg3[%add3A_30] : memref<323584xi32, #tpu.memory_space<hbm>> -> memref<128xi32, #tpu.memory_space<hbm>>
      tpu.enqueue_dma source(%dma_start3A_197 : memref<128xi32, #tpu.memory_space<hbm>>) target(%arg8 : memref<128xi32, #tpu.memory_space<vmem>>) target_semaphore(%run_scoped3A : memref<!tpu.dma_semaphore, #tpu.memory_space<semaphore_mem>>)
      %dma_wait3A_198 = tpu.memref_slice %arg3[%add3A_30] : memref<323584xi32, #tpu.memory_space<hbm>> -> memref<128xi32, #tpu.memory_space<hbm>>
      %dma_wait3A_199 = tpu.memref_slice %arg3[%add3A_30] : memref<323584xi32, #tpu.memory_space<hbm>> -> memref<128xi32, #tpu.memory_space<hbm>>
      tpu.wait_dma2 semaphore(%run_scoped3A : memref<!tpu.dma_semaphore, #tpu.memory_space<semaphore_mem>>) src(%dma_wait3A_199 : memref<128xi32, #tpu.memory_space<hbm>>) dst(%arg8 : memref<128xi32, #tpu.memory_space<vmem>>)
      tpu.yield
    }) : () -> ()
    %add3A_31 = arith.constant 0 : i32
    %add3A_32 = arith.addi %mul3A_0, %add3A_31 : i32
    "tpu.region"() ({
      %run_scoped3A = tpu.sem_alloc : memref<!tpu.dma_semaphore, #tpu.memory_space<semaphore_mem>>
      %dma_start3A_196 = tpu.memref_slice %arg4[%add3A_32] : memref<323584xi32, #tpu.memory_space<hbm>> -> memref<128xi32, #tpu.memory_space<hbm>>
      %dma_start3A_197 = tpu.memref_slice %arg4[%add3A_32] : memref<323584xi32, #tpu.memory_space<hbm>> -> memref<128xi32, #tpu.memory_space<hbm>>
      tpu.enqueue_dma source(%dma_start3A_197 : memref<128xi32, #tpu.memory_space<hbm>>) target(%arg10 : memref<128xi32, #tpu.memory_space<vmem>>) target_semaphore(%run_scoped3A : memref<!tpu.dma_semaphore, #tpu.memory_space<semaphore_mem>>)
      %dma_wait3A_198 = tpu.memref_slice %arg4[%add3A_32] : memref<323584xi32, #tpu.memory_space<hbm>> -> memref<128xi32, #tpu.memory_space<hbm>>
      %dma_wait3A_199 = tpu.memref_slice %arg4[%add3A_32] : memref<323584xi32, #tpu.memory_space<hbm>> -> memref<128xi32, #tpu.memory_space<hbm>>
      tpu.wait_dma2 semaphore(%run_scoped3A : memref<!tpu.dma_semaphore, #tpu.memory_space<semaphore_mem>>) src(%dma_wait3A_199 : memref<128xi32, #tpu.memory_space<hbm>>) dst(%arg10 : memref<128xi32, #tpu.memory_space<vmem>>)
      tpu.yield
    }) : () -> ()
    %get3A = arith.constant 0 : index
    %get3A_33 = tpu.vector_load %arg8[%get3A] {strides = array<i32>} : memref<128xi32, #tpu.memory_space<vmem>>, vector<16xi32>,
    %get3A_34 = vector.shape_cast %get3A_33 : vector<16xi32> to vector<16xi32>
    %add3A_35 = arith.addi %get3A_34, %broadcast_in_dim3A : vector<16xi32>
    %swap3A = arith.constant 0 : index
    %swap3A_36 = tpu.vector_load %arg8[%swap3A] {strides = array<i32>} : memref<128xi32, #tpu.memory_space<vmem>>, vector<16xi32>,
    %swap3A_37 = vector.shape_cast %swap3A_36 : vector<16xi32> to vector<16xi32>
    %swap3A_38 = vector.shape_cast %add3A_35 : vector<16xi32> to vector<16xi32>
    tpu.vector_store %arg8[%swap3A], %swap3A_38 {strides = array<i32>} : memref<128xi32, #tpu.memory_space<vmem>>, vector<16xi32>,
    %get3A_39 = arith.constant 16 : index
    %get3A_40 = tpu.vector_load %arg8[%get3A_39] {strides = array<i32>} : memref<128xi32, #tpu.memory_space<vmem>>, vector<16xi32>,
    %get3A_41 = vector.shape_cast %get3A_40 : vector<16xi32> to vector<16xi32>
    %add3A_42 = arith.addi %get3A_41, %broadcast_in_dim3A : vector<16xi32>
    %swap3A_43 = arith.constant 16 : index
    %swap3A_44 = tpu.vector_load %arg8[%swap3A_43] {strides = array<i32>} : memref<128xi32, #tpu.memory_space<vmem>>, vector<16xi32>,
    %swap3A_45 = vector.shape_cast %swap3A_44 : vector<16xi32> to vector<16xi32>
    %swap3A_46 = vector.shape_cast %add3A_42 : vector<16xi32> to vector<16xi32>
    tpu.vector_store %arg8[%swap3A_43], %swap3A_46 {strides = array<i32>} : memref<128xi32, #tpu.memory_space<vmem>>, vector<16xi32>,
    %get3A_47 = arith.constant 32 : index
    %get3A_48 = tpu.vector_load %arg8[%get3A_47] {strides = array<i32>} : memref<128xi32, #tpu.memory_space<vmem>>, vector<16xi32>,
    %get3A_49 = vector.shape_cast %get3A_48 : vector<16xi32> to vector<16xi32>
    %add3A_50 = arith.addi %get3A_49, %broadcast_in_dim3A : vector<16xi32>
    %swap3A_51 = arith.constant 32 : index
    %swap3A_52 = tpu.vector_load %arg8[%swap3A_51] {strides = array<i32>} : memref<128xi32, #tpu.memory_space<vmem>>, vector<16xi32>,
    %swap3A_53 = vector.shape_cast %swap3A_52 : vector<16xi32> to vector<16xi32>
    %swap3A_54 = vector.shape_cast %add3A_50 : vector<16xi32> to vector<16xi32>
    tpu.vector_store %arg8[%swap3A_51], %swap3A_54 {strides = array<i32>} : memref<128xi32, #tpu.memory_space<vmem>>, vector<16xi32>,
    %get3A_55 = arith.constant 48 : index
    %get3A_56 = tpu.vector_load %arg8[%get3A_55] {strides = array<i32>} : memref<128xi32, #tpu.memory_space<vmem>>, vector<16xi32>,
    %get3A_57 = vector.shape_cast %get3A_56 : vector<16xi32> to vector<16xi32>
    %add3A_58 = arith.addi %get3A_57, %broadcast_in_dim3A : vector<16xi32>
    %swap3A_59 = arith.constant 48 : index
    %swap3A_60 = tpu.vector_load %arg8[%swap3A_59] {strides = array<i32>} : memref<128xi32, #tpu.memory_space<vmem>>, vector<16xi32>,
    %swap3A_61 = vector.shape_cast %swap3A_60 : vector<16xi32> to vector<16xi32>
    %swap3A_62 = vector.shape_cast %add3A_58 : vector<16xi32> to vector<16xi32>
    tpu.vector_store %arg8[%swap3A_59], %swap3A_62 {strides = array<i32>} : memref<128xi32, #tpu.memory_space<vmem>>, vector<16xi32>,
    %get3A_63 = arith.constant 64 : index
    %get3A_64 = tpu.vector_load %arg8[%get3A_63] {strides = array<i32>} : memref<128xi32, #tpu.memory_space<vmem>>, vector<16xi32>,
    %get3A_65 = vector.shape_cast %get3A_64 : vector<16xi32> to vector<16xi32>
    %add3A_66 = arith.addi %get3A_65, %broadcast_in_dim3A : vector<16xi32>
    %swap3A_67 = arith.constant 64 : index
    %swap3A_68 = tpu.vector_load %arg8[%swap3A_67] {strides = array<i32>} : memref<128xi32, #tpu.memory_space<vmem>>, vector<16xi32>,
    %swap3A_69 = vector.shape_cast %swap3A_68 : vector<16xi32> to vector<16xi32>
    %swap3A_70 = vector.shape_cast %add3A_66 : vector<16xi32> to vector<16xi32>
    tpu.vector_store %arg8[%swap3A_67], %swap3A_70 {strides = array<i32>} : memref<128xi32, #tpu.memory_space<vmem>>, vector<16xi32>,
    %get3A_71 = arith.constant 80 : index
    %get3A_72 = tpu.vector_load %arg8[%get3A_71] {strides = array<i32>} : memref<128xi32, #tpu.memory_space<vmem>>, vector<16xi32>,
    %get3A_73 = vector.shape_cast %get3A_72 : vector<16xi32> to vector<16xi32>
    %add3A_74 = arith.addi %get3A_73, %broadcast_in_dim3A : vector<16xi32>
    %swap3A_75 = arith.constant 80 : index
    %swap3A_76 = tpu.vector_load %arg8[%swap3A_75] {strides = array<i32>} : memref<128xi32, #tpu.memory_space<vmem>>, vector<16xi32>,
    %swap3A_77 = vector.shape_cast %swap3A_76 : vector<16xi32> to vector<16xi32>
    %swap3A_78 = vector.shape_cast %add3A_74 : vector<16xi32> to vector<16xi32>
    tpu.vector_store %arg8[%swap3A_75], %swap3A_78 {strides = array<i32>} : memref<128xi32, #tpu.memory_space<vmem>>, vector<16xi32>,
    %get3A_79 = arith.constant 96 : index
    %get3A_80 = tpu.vector_load %arg8[%get3A_79] {strides = array<i32>} : memref<128xi32, #tpu.memory_space<vmem>>, vector<16xi32>,
    %get3A_81 = vector.shape_cast %get3A_80 : vector<16xi32> to vector<16xi32>
    %add3A_82 = arith.addi %get3A_81, %broadcast_in_dim3A : vector<16xi32>
    %swap3A_83 = arith.constant 96 : index
    %swap3A_84 = tpu.vector_load %arg8[%swap3A_83] {strides = array<i32>} : memref<128xi32, #tpu.memory_space<vmem>>, vector<16xi32>,
    %swap3A_85 = vector.shape_cast %swap3A_84 : vector<16xi32> to vector<16xi32>
    %swap3A_86 = vector.shape_cast %add3A_82 : vector<16xi32> to vector<16xi32>
    tpu.vector_store %arg8[%swap3A_83], %swap3A_86 {strides = array<i32>} : memref<128xi32, #tpu.memory_space<vmem>>, vector<16xi32>,
    %get3A_87 = arith.constant 112 : index
    %get3A_88 = tpu.vector_load %arg8[%get3A_87] {strides = array<i32>} : memref<128xi32, #tpu.memory_space<vmem>>, vector<16xi32>,
    %get3A_89 = vector.shape_cast %get3A_88 : vector<16xi32> to vector<16xi32>
    %add3A_90 = arith.addi %get3A_89, %broadcast_in_dim3A : vector<16xi32>
    %swap3A_91 = arith.constant 112 : index
    %swap3A_92 = tpu.vector_load %arg8[%swap3A_91] {strides = array<i32>} : memref<128xi32, #tpu.memory_space<vmem>>, vector<16xi32>,
    %swap3A_93 = vector.shape_cast %swap3A_92 : vector<16xi32> to vector<16xi32>
    %swap3A_94 = vector.shape_cast %add3A_90 : vector<16xi32> to vector<16xi32>
    tpu.vector_store %arg8[%swap3A_91], %swap3A_94 {strides = array<i32>} : memref<128xi32, #tpu.memory_space<vmem>>, vector<16xi32>,
    %dma_start3A = arith.constant 0 : i32
    %dma_start3A_95 = arith.constant 0 : i32
    %dma_start3A_96 = tpu.memref_slice %arg2[%dma_start3A, %dma_start3A_95] : memref<20480x128xf32, #tpu.memory_space<hbm>> -> memref<20480x128xf32, #tpu.memory_space<hbm>>
    tpu.enqueue_indirect_dma source(%dma_start3A_96 : memref<20480x128xf32, #tpu.memory_space<hbm>>) target(%arg6 : memref<128x128xf32, #tpu.memory_space<vmem>>) offsets(%arg8 : memref<128xi32, #tpu.memory_space<vmem>>) semaphore(%arg15 : memref<!tpu.dma_semaphore, #tpu.memory_space<semaphore_mem>>)
    %add3A_97 = arith.constant 128 : i32
    %add3A_98 = arith.addi %mul3A_0, %add3A_97 : i32
    "tpu.region"() ({
      %run_scoped3A = tpu.sem_alloc : memref<!tpu.dma_semaphore, #tpu.memory_space<semaphore_mem>>
      %dma_start3A_196 = tpu.memref_slice %arg3[%add3A_98] : memref<323584xi32, #tpu.memory_space<hbm>> -> memref<128xi32, #tpu.memory_space<hbm>>
      %dma_start3A_197 = tpu.memref_slice %arg3[%add3A_98] : memref<323584xi32, #tpu.memory_space<hbm>> -> memref<128xi32, #tpu.memory_space<hbm>>
      tpu.enqueue_dma source(%dma_start3A_197 : memref<128xi32, #tpu.memory_space<hbm>>) target(%arg9 : memref<128xi32, #tpu.memory_space<vmem>>) target_semaphore(%run_scoped3A : memref<!tpu.dma_semaphore, #tpu.memory_space<semaphore_mem>>)
      %dma_wait3A_198 = tpu.memref_slice %arg3[%add3A_98] : memref<323584xi32, #tpu.memory_space<hbm>> -> memref<128xi32, #tpu.memory_space<hbm>>
      %dma_wait3A_199 = tpu.memref_slice %arg3[%add3A_98] : memref<323584xi32, #tpu.memory_space<hbm>> -> memref<128xi32, #tpu.memory_space<hbm>>
      tpu.wait_dma2 semaphore(%run_scoped3A : memref<!tpu.dma_semaphore, #tpu.memory_space<semaphore_mem>>) src(%dma_wait3A_199 : memref<128xi32, #tpu.memory_space<hbm>>) dst(%arg9 : memref<128xi32, #tpu.memory_space<vmem>>)
      tpu.yield
    }) : () -> ()
    %add3A_99 = arith.constant 128 : i32
    %add3A_100 = arith.addi %mul3A_0, %add3A_99 : i32
    "tpu.region"() ({
      %run_scoped3A = tpu.sem_alloc : memref<!tpu.dma_semaphore, #tpu.memory_space<semaphore_mem>>
      %dma_start3A_196 = tpu.memref_slice %arg4[%add3A_100] : memref<323584xi32, #tpu.memory_space<hbm>> -> memref<128xi32, #tpu.memory_space<hbm>>
      %dma_start3A_197 = tpu.memref_slice %arg4[%add3A_100] : memref<323584xi32, #tpu.memory_space<hbm>> -> memref<128xi32, #tpu.memory_space<hbm>>
      tpu.enqueue_dma source(%dma_start3A_197 : memref<128xi32, #tpu.memory_space<hbm>>) target(%arg12 : memref<128xi32, #tpu.memory_space<vmem>>) target_semaphore(%run_scoped3A : memref<!tpu.dma_semaphore, #tpu.memory_space<semaphore_mem>>)
      %dma_wait3A_198 = tpu.memref_slice %arg4[%add3A_100] : memref<323584xi32, #tpu.memory_space<hbm>> -> memref<128xi32, #tpu.memory_space<hbm>>
      %dma_wait3A_199 = tpu.memref_slice %arg4[%add3A_100] : memref<323584xi32, #tpu.memory_space<hbm>> -> memref<128xi32, #tpu.memory_space<hbm>>
      tpu.wait_dma2 semaphore(%run_scoped3A : memref<!tpu.dma_semaphore, #tpu.memory_space<semaphore_mem>>) src(%dma_wait3A_199 : memref<128xi32, #tpu.memory_space<hbm>>) dst(%arg12 : memref<128xi32, #tpu.memory_space<vmem>>)
      tpu.yield
    }) : () -> ()
    %get3A_101 = arith.constant 0 : index
    %get3A_102 = tpu.vector_load %arg9[%get3A_101] {strides = array<i32>} : memref<128xi32, #tpu.memory_space<vmem>>, vector<16xi32>,
    %get3A_103 = vector.shape_cast %get3A_102 : vector<16xi32> to vector<16xi32>
    %add3A_104 = arith.addi %get3A_103, %broadcast_in_dim3A : vector<16xi32>
    %swap3A_105 = arith.constant 0 : index
    %swap3A_106 = tpu.vector_load %arg9[%swap3A_105] {strides = array<i32>} : memref<128xi32, #tpu.memory_space<vmem>>, vector<16xi32>,
    %swap3A_107 = vector.shape_cast %swap3A_106 : vector<16xi32> to vector<16xi32>
    %swap3A_108 = vector.shape_cast %add3A_104 : vector<16xi32> to vector<16xi32>
    tpu.vector_store %arg9[%swap3A_105], %swap3A_108 {strides = array<i32>} : memref<128xi32, #tpu.memory_space<vmem>>, vector<16xi32>,
    %get3A_109 = arith.constant 16 : index
    %get3A_110 = tpu.vector_load %arg9[%get3A_109] {strides = array<i32>} : memref<128xi32, #tpu.memory_space<vmem>>, vector<16xi32>,
    %get3A_111 = vector.shape_cast %get3A_110 : vector<16xi32> to vector<16xi32>
    %add3A_112 = arith.addi %get3A_111, %broadcast_in_dim3A : vector<16xi32>
    %swap3A_113 = arith.constant 16 : index
    %swap3A_114 = tpu.vector_load %arg9[%swap3A_113] {strides = array<i32>} : memref<128xi32, #tpu.memory_space<vmem>>, vector<16xi32>,
    %swap3A_115 = vector.shape_cast %swap3A_114 : vector<16xi32> to vector<16xi32>
    %swap3A_116 = vector.shape_cast %add3A_112 : vector<16xi32> to vector<16xi32>
    tpu.vector_store %arg9[%swap3A_113], %swap3A_116 {strides = array<i32>} : memref<128xi32, #tpu.memory_space<vmem>>, vector<16xi32>,
    %get3A_117 = arith.constant 32 : index
    %get3A_118 = tpu.vector_load %arg9[%get3A_117] {strides = array<i32>} : memref<128xi32, #tpu.memory_space<vmem>>, vector<16xi32>,
    %get3A_119 = vector.shape_cast %get3A_118 : vector<16xi32> to vector<16xi32>
    %add3A_120 = arith.addi %get3A_119, %broadcast_in_dim3A : vector<16xi32>
    %swap3A_121 = arith.constant 32 : index
    %swap3A_122 = tpu.vector_load %arg9[%swap3A_121] {strides = array<i32>} : memref<128xi32, #tpu.memory_space<vmem>>, vector<16xi32>,
    %swap3A_123 = vector.shape_cast %swap3A_122 : vector<16xi32> to vector<16xi32>
    %swap3A_124 = vector.shape_cast %add3A_120 : vector<16xi32> to vector<16xi32>
    tpu.vector_store %arg9[%swap3A_121], %swap3A_124 {strides = array<i32>} : memref<128xi32, #tpu.memory_space<vmem>>, vector<16xi32>,
    %get3A_125 = arith.constant 48 : index
    %get3A_126 = tpu.vector_load %arg9[%get3A_125] {strides = array<i32>} : memref<128xi32, #tpu.memory_space<vmem>>, vector<16xi32>,
    %get3A_127 = vector.shape_cast %get3A_126 : vector<16xi32> to vector<16xi32>
    %add3A_128 = arith.addi %get3A_127, %broadcast_in_dim3A : vector<16xi32>
    %swap3A_129 = arith.constant 48 : index
    %swap3A_130 = tpu.vector_load %arg9[%swap3A_129] {strides = array<i32>} : memref<128xi32, #tpu.memory_space<vmem>>, vector<16xi32>,
    %swap3A_131 = vector.shape_cast %swap3A_130 : vector<16xi32> to vector<16xi32>
    %swap3A_132 = vector.shape_cast %add3A_128 : vector<16xi32> to vector<16xi32>
    tpu.vector_store %arg9[%swap3A_129], %swap3A_132 {strides = array<i32>} : memref<128xi32, #tpu.memory_space<vmem>>, vector<16xi32>,
    %get3A_133 = arith.constant 64 : index
    %get3A_134 = tpu.vector_load %arg9[%get3A_133] {strides = array<i32>} : memref<128xi32, #tpu.memory_space<vmem>>, vector<16xi32>,
    %get3A_135 = vector.shape_cast %get3A_134 : vector<16xi32> to vector<16xi32>
    %add3A_136 = arith.addi %get3A_135, %broadcast_in_dim3A : vector<16xi32>
    %swap3A_137 = arith.constant 64 : index
    %swap3A_138 = tpu.vector_load %arg9[%swap3A_137] {strides = array<i32>} : memref<128xi32, #tpu.memory_space<vmem>>, vector<16xi32>,
    %swap3A_139 = vector.shape_cast %swap3A_138 : vector<16xi32> to vector<16xi32>
    %swap3A_140 = vector.shape_cast %add3A_136 : vector<16xi32> to vector<16xi32>
    tpu.vector_store %arg9[%swap3A_137], %swap3A_140 {strides = array<i32>} : memref<128xi32, #tpu.memory_space<vmem>>, vector<16xi32>,
    %get3A_141 = arith.constant 80 : index
    %get3A_142 = tpu.vector_load %arg9[%get3A_141] {strides = array<i32>} : memref<128xi32, #tpu.memory_space<vmem>>, vector<16xi32>,
    %get3A_143 = vector.shape_cast %get3A_142 : vector<16xi32> to vector<16xi32>
    %add3A_144 = arith.addi %get3A_143, %broadcast_in_dim3A : vector<16xi32>
    %swap3A_145 = arith.constant 80 : index
    %swap3A_146 = tpu.vector_load %arg9[%swap3A_145] {strides = array<i32>} : memref<128xi32, #tpu.memory_space<vmem>>, vector<16xi32>,
    %swap3A_147 = vector.shape_cast %swap3A_146 : vector<16xi32> to vector<16xi32>
    %swap3A_148 = vector.shape_cast %add3A_144 : vector<16xi32> to vector<16xi32>
    tpu.vector_store %arg9[%swap3A_145], %swap3A_148 {strides = array<i32>} : memref<128xi32, #tpu.memory_space<vmem>>, vector<16xi32>,
    %get3A_149 = arith.constant 96 : index
    %get3A_150 = tpu.vector_load %arg9[%get3A_149] {strides = array<i32>} : memref<128xi32, #tpu.memory_space<vmem>>, vector<16xi32>,
    %get3A_151 = vector.shape_cast %get3A_150 : vector<16xi32> to vector<16xi32>
    %add3A_152 = arith.addi %get3A_151, %broadcast_in_dim3A : vector<16xi32>
    %swap3A_153 = arith.constant 96 : index
    %swap3A_154 = tpu.vector_load %arg9[%swap3A_153] {strides = array<i32>} : memref<128xi32, #tpu.memory_space<vmem>>, vector<16xi32>,
    %swap3A_155 = vector.shape_cast %swap3A_154 : vector<16xi32> to vector<16xi32>
    %swap3A_156 = vector.shape_cast %add3A_152 : vector<16xi32> to vector<16xi32>
    tpu.vector_store %arg9[%swap3A_153], %swap3A_156 {strides = array<i32>} : memref<128xi32, #tpu.memory_space<vmem>>, vector<16xi32>,
    %get3A_157 = arith.constant 112 : index
    %get3A_158 = tpu.vector_load %arg9[%get3A_157] {strides = array<i32>} : memref<128xi32, #tpu.memory_space<vmem>>, vector<16xi32>,
    %get3A_159 = vector.shape_cast %get3A_158 : vector<16xi32> to vector<16xi32>
    %add3A_160 = arith.addi %get3A_159, %broadcast_in_dim3A : vector<16xi32>
    %swap3A_161 = arith.constant 112 : index
    %swap3A_162 = tpu.vector_load %arg9[%swap3A_161] {strides = array<i32>} : memref<128xi32, #tpu.memory_space<vmem>>, vector<16xi32>,
    %swap3A_163 = vector.shape_cast %swap3A_162 : vector<16xi32> to vector<16xi32>
    %swap3A_164 = vector.shape_cast %add3A_160 : vector<16xi32> to vector<16xi32>
    tpu.vector_store %arg9[%swap3A_161], %swap3A_164 {strides = array<i32>} : memref<128xi32, #tpu.memory_space<vmem>>, vector<16xi32>,
    %dma_start3A_165 = arith.constant 0 : i32
    %dma_start3A_166 = arith.constant 0 : i32
    %dma_start3A_167 = tpu.memref_slice %arg2[%dma_start3A_165, %dma_start3A_166] : memref<20480x128xf32, #tpu.memory_space<hbm>> -> memref<20480x128xf32, #tpu.memory_space<hbm>>
    tpu.enqueue_indirect_dma source(%dma_start3A_167 : memref<20480x128xf32, #tpu.memory_space<hbm>>) target(%arg7 : memref<128x128xf32, #tpu.memory_space<vmem>>) offsets(%arg9 : memref<128xi32, #tpu.memory_space<vmem>>) semaphore(%arg16 : memref<!tpu.dma_semaphore, #tpu.memory_space<semaphore_mem>>)
    %scan3A_168 = arith.constant 0 : i32
    %scan3A_169 = arith.constant 0 : i32
    %scan3A_170 = arith.constant 39 : i32
    %scan3A_171 = arith.addi %scan3A_169, %scan3A_170 : i32
    %scan3A_172 = arith.constant 1 : i32
    scf.for %scan3A_196 = %scan3A_169 to %scan3A_171 step %scan3A_172  : i32 {
      %mul3A_197 = arith.constant 2 : i32
      %mul3A_198 = arith.muli %scan3A_196, %mul3A_197 : i32
      %add3A_199 = arith.constant 0 : i32
      %add3A_200 = arith.addi %mul3A_198, %add3A_199 : i32
      %mul3A_201 = arith.constant 2 : i32
      %mul3A_202 = arith.muli %add3A_200, %mul3A_201 : i32
      %add3A_203 = arith.constant 0 : i32
      %add3A_204 = arith.addi %mul3A_202, %add3A_203 : i32
      %dma_wait3A_205 = arith.constant 0 : i32
      %dma_wait3A_206 = arith.constant 0 : i32
      %dma_wait3A_207 = tpu.memref_slice %arg2[%dma_wait3A_205, %dma_wait3A_206] : memref<20480x128xf32, #tpu.memory_space<hbm>> -> memref<20480x128xf32, #tpu.memory_space<hbm>>
      tpu.wait_indirect_dma semaphore(%arg15 : memref<!tpu.dma_semaphore, #tpu.memory_space<semaphore_mem>>) src(%dma_wait3A_207 : memref<20480x128xf32, #tpu.memory_space<hbm>>) dst(%arg6 : memref<128x128xf32, #tpu.memory_space<vmem>>)
      %dma_start3A_208 = arith.constant 0 : i32
      %dma_start3A_209 = arith.constant 0 : i32
      %dma_start3A_210 = tpu.memref_slice %arg14[%dma_start3A_208, %dma_start3A_209] : memref<10240x128xf32, #tpu.memory_space<vmem_shared>> -> memref<10240x128xf32, #tpu.memory_space<vmem_shared>>
      tpu.enqueue_indirect_dma source(%arg6 : memref<128x128xf32, #tpu.memory_space<vmem>>) target(%dma_start3A_210 : memref<10240x128xf32, #tpu.memory_space<vmem_shared>>) offsets(%arg10 : memref<128xi32, #tpu.memory_space<vmem>>) semaphore(%arg15 : memref<!tpu.dma_semaphore, #tpu.memory_space<semaphore_mem>>) {add = true}
      %add3A_211 = arith.constant 2 : i32
      %add3A_212 = arith.addi %add3A_204, %add3A_211 : i32
      %mul3A_213 = arith.constant 128 : i32
      %mul3A_214 = arith.muli %add3A_212, %mul3A_213 : i32
      %add3A_215 = arith.addi %mul3A_0, %mul3A_214 : i32
      "tpu.region"() ({
        %run_scoped3A = tpu.sem_alloc : memref<!tpu.dma_semaphore, #tpu.memory_space<semaphore_mem>>
        %dma_start3A_565 = tpu.memref_slice %arg3[%add3A_215] : memref<323584xi32, #tpu.memory_space<hbm>> -> memref<128xi32, #tpu.memory_space<hbm>>
        %dma_start3A_566 = tpu.memref_slice %arg3[%add3A_215] : memref<323584xi32, #tpu.memory_space<hbm>> -> memref<128xi32, #tpu.memory_space<hbm>>
        tpu.enqueue_dma source(%dma_start3A_566 : memref<128xi32, #tpu.memory_space<hbm>>) target(%arg8 : memref<128xi32, #tpu.memory_space<vmem>>) target_semaphore(%run_scoped3A : memref<!tpu.dma_semaphore, #tpu.memory_space<semaphore_mem>>)
        %dma_wait3A_567 = tpu.memref_slice %arg3[%add3A_215] : memref<323584xi32, #tpu.memory_space<hbm>> -> memref<128xi32, #tpu.memory_space<hbm>>
        %dma_wait3A_568 = tpu.memref_slice %arg3[%add3A_215] : memref<323584xi32, #tpu.memory_space<hbm>> -> memref<128xi32, #tpu.memory_space<hbm>>
        tpu.wait_dma2 semaphore(%run_scoped3A : memref<!tpu.dma_semaphore, #tpu.memory_space<semaphore_mem>>) src(%dma_wait3A_568 : memref<128xi32, #tpu.memory_space<hbm>>) dst(%arg8 : memref<128xi32, #tpu.memory_space<vmem>>)
        tpu.yield
      }) : () -> ()
      %get3A_216 = arith.constant 0 : index
      %get3A_217 = tpu.vector_load %arg8[%get3A_216] {strides = array<i32>} : memref<128xi32, #tpu.memory_space<vmem>>, vector<16xi32>,
      %get3A_218 = vector.shape_cast %get3A_217 : vector<16xi32> to vector<16xi32>
      %add3A_219 = arith.addi %get3A_218, %broadcast_in_dim3A : vector<16xi32>
      %swap3A_220 = arith.constant 0 : index
      %swap3A_221 = tpu.vector_load %arg8[%swap3A_220] {strides = array<i32>} : memref<128xi32, #tpu.memory_space<vmem>>, vector<16xi32>,
      %swap3A_222 = vector.shape_cast %swap3A_221 : vector<16xi32> to vector<16xi32>
      %swap3A_223 = vector.shape_cast %add3A_219 : vector<16xi32> to vector<16xi32>
      tpu.vector_store %arg8[%swap3A_220], %swap3A_223 {strides = array<i32>} : memref<128xi32, #tpu.memory_space<vmem>>, vector<16xi32>,
      %get3A_224 = arith.constant 16 : index
      %get3A_225 = tpu.vector_load %arg8[%get3A_224] {strides = array<i32>} : memref<128xi32, #tpu.memory_space<vmem>>, vector<16xi32>,
      %get3A_226 = vector.shape_cast %get3A_225 : vector<16xi32> to vector<16xi32>
      %add3A_227 = arith.addi %get3A_226, %broadcast_in_dim3A : vector<16xi32>
      %swap3A_228 = arith.constant 16 : index
      %swap3A_229 = tpu.vector_load %arg8[%swap3A_228] {strides = array<i32>} : memref<128xi32, #tpu.memory_space<vmem>>, vector<16xi32>,
      %swap3A_230 = vector.shape_cast %swap3A_229 : vector<16xi32> to vector<16xi32>
      %swap3A_231 = vector.shape_cast %add3A_227 : vector<16xi32> to vector<16xi32>
      tpu.vector_store %arg8[%swap3A_228], %swap3A_231 {strides = array<i32>} : memref<128xi32, #tpu.memory_space<vmem>>, vector<16xi32>,
      %get3A_232 = arith.constant 32 : index
      %get3A_233 = tpu.vector_load %arg8[%get3A_232] {strides = array<i32>} : memref<128xi32, #tpu.memory_space<vmem>>, vector<16xi32>,
      %get3A_234 = vector.shape_cast %get3A_233 : vector<16xi32> to vector<16xi32>
      %add3A_235 = arith.addi %get3A_234, %broadcast_in_dim3A : vector<16xi32>
      %swap3A_236 = arith.constant 32 : index
      %swap3A_237 = tpu.vector_load %arg8[%swap3A_236] {strides = array<i32>} : memref<128xi32, #tpu.memory_space<vmem>>, vector<16xi32>,
      %swap3A_238 = vector.shape_cast %swap3A_237 : vector<16xi32> to vector<16xi32>
      %swap3A_239 = vector.shape_cast %add3A_235 : vector<16xi32> to vector<16xi32>
      tpu.vector_store %arg8[%swap3A_236], %swap3A_239 {strides = array<i32>} : memref<128xi32, #tpu.memory_space<vmem>>, vector<16xi32>,
      %get3A_240 = arith.constant 48 : index
      %get3A_241 = tpu.vector_load %arg8[%get3A_240] {strides = array<i32>} : memref<128xi32, #tpu.memory_space<vmem>>, vector<16xi32>,
      %get3A_242 = vector.shape_cast %get3A_241 : vector<16xi32> to vector<16xi32>
      %add3A_243 = arith.addi %get3A_242, %broadcast_in_dim3A : vector<16xi32>
      %swap3A_244 = arith.constant 48 : index
      %swap3A_245 = tpu.vector_load %arg8[%swap3A_244] {strides = array<i32>} : memref<128xi32, #tpu.memory_space<vmem>>, vector<16xi32>,
      %swap3A_246 = vector.shape_cast %swap3A_245 : vector<16xi32> to vector<16xi32>
      %swap3A_247 = vector.shape_cast %add3A_243 : vector<16xi32> to vector<16xi32>
      tpu.vector_store %arg8[%swap3A_244], %swap3A_247 {strides = array<i32>} : memref<128xi32, #tpu.memory_space<vmem>>, vector<16xi32>,
      %get3A_248 = arith.constant 64 : index
      %get3A_249 = tpu.vector_load %arg8[%get3A_248] {strides = array<i32>} : memref<128xi32, #tpu.memory_space<vmem>>, vector<16xi32>,
      %get3A_250 = vector.shape_cast %get3A_249 : vector<16xi32> to vector<16xi32>
      %add3A_251 = arith.addi %get3A_250, %broadcast_in_dim3A : vector<16xi32>
      %swap3A_252 = arith.constant 64 : index
      %swap3A_253 = tpu.vector_load %arg8[%swap3A_252] {strides = array<i32>} : memref<128xi32, #tpu.memory_space<vmem>>, vector<16xi32>,
      %swap3A_254 = vector.shape_cast %swap3A_253 : vector<16xi32> to vector<16xi32>
      %swap3A_255 = vector.shape_cast %add3A_251 : vector<16xi32> to vector<16xi32>
      tpu.vector_store %arg8[%swap3A_252], %swap3A_255 {strides = array<i32>} : memref<128xi32, #tpu.memory_space<vmem>>, vector<16xi32>,
      %get3A_256 = arith.constant 80 : index
      %get3A_257 = tpu.vector_load %arg8[%get3A_256] {strides = array<i32>} : memref<128xi32, #tpu.memory_space<vmem>>, vector<16xi32>,
      %get3A_258 = vector.shape_cast %get3A_257 : vector<16xi32> to vector<16xi32>
      %add3A_259 = arith.addi %get3A_258, %broadcast_in_dim3A : vector<16xi32>
      %swap3A_260 = arith.constant 80 : index
      %swap3A_261 = tpu.vector_load %arg8[%swap3A_260] {strides = array<i32>} : memref<128xi32, #tpu.memory_space<vmem>>, vector<16xi32>,
      %swap3A_262 = vector.shape_cast %swap3A_261 : vector<16xi32> to vector<16xi32>
      %swap3A_263 = vector.shape_cast %add3A_259 : vector<16xi32> to vector<16xi32>
      tpu.vector_store %arg8[%swap3A_260], %swap3A_263 {strides = array<i32>} : memref<128xi32, #tpu.memory_space<vmem>>, vector<16xi32>,
      %get3A_264 = arith.constant 96 : index
      %get3A_265 = tpu.vector_load %arg8[%get3A_264] {strides = array<i32>} : memref<128xi32, #tpu.memory_space<vmem>>, vector<16xi32>,
      %get3A_266 = vector.shape_cast %get3A_265 : vector<16xi32> to vector<16xi32>
      %add3A_267 = arith.addi %get3A_266, %broadcast_in_dim3A : vector<16xi32>
      %swap3A_268 = arith.constant 96 : index
      %swap3A_269 = tpu.vector_load %arg8[%swap3A_268] {strides = array<i32>} : memref<128xi32, #tpu.memory_space<vmem>>, vector<16xi32>,
      %swap3A_270 = vector.shape_cast %swap3A_269 : vector<16xi32> to vector<16xi32>
      %swap3A_271 = vector.shape_cast %add3A_267 : vector<16xi32> to vector<16xi32>
      tpu.vector_store %arg8[%swap3A_268], %swap3A_271 {strides = array<i32>} : memref<128xi32, #tpu.memory_space<vmem>>, vector<16xi32>,
      %get3A_272 = arith.constant 112 : index
      %get3A_273 = tpu.vector_load %arg8[%get3A_272] {strides = array<i32>} : memref<128xi32, #tpu.memory_space<vmem>>, vector<16xi32>,
      %get3A_274 = vector.shape_cast %get3A_273 : vector<16xi32> to vector<16xi32>
      %add3A_275 = arith.addi %get3A_274, %broadcast_in_dim3A : vector<16xi32>
      %swap3A_276 = arith.constant 112 : index
      %swap3A_277 = tpu.vector_load %arg8[%swap3A_276] {strides = array<i32>} : memref<128xi32, #tpu.memory_space<vmem>>, vector<16xi32>,
      %swap3A_278 = vector.shape_cast %swap3A_277 : vector<16xi32> to vector<16xi32>
      %swap3A_279 = vector.shape_cast %add3A_275 : vector<16xi32> to vector<16xi32>
      tpu.vector_store %arg8[%swap3A_276], %swap3A_279 {strides = array<i32>} : memref<128xi32, #tpu.memory_space<vmem>>, vector<16xi32>,
      %add3A_280 = arith.constant 2 : i32
      %add3A_281 = arith.addi %add3A_204, %add3A_280 : i32
      %mul3A_282 = arith.constant 128 : i32
      %mul3A_283 = arith.muli %add3A_281, %mul3A_282 : i32
      %add3A_284 = arith.addi %mul3A_0, %mul3A_283 : i32
      "tpu.region"() ({
        %run_scoped3A = tpu.sem_alloc : memref<!tpu.dma_semaphore, #tpu.memory_space<semaphore_mem>>
        %dma_start3A_565 = tpu.memref_slice %arg4[%add3A_284] : memref<323584xi32, #tpu.memory_space<hbm>> -> memref<128xi32, #tpu.memory_space<hbm>>
        %dma_start3A_566 = tpu.memref_slice %arg4[%add3A_284] : memref<323584xi32, #tpu.memory_space<hbm>> -> memref<128xi32, #tpu.memory_space<hbm>>
        tpu.enqueue_dma source(%dma_start3A_566 : memref<128xi32, #tpu.memory_space<hbm>>) target(%arg11 : memref<128xi32, #tpu.memory_space<vmem>>) target_semaphore(%run_scoped3A : memref<!tpu.dma_semaphore, #tpu.memory_space<semaphore_mem>>)
        %dma_wait3A_567 = tpu.memref_slice %arg4[%add3A_284] : memref<323584xi32, #tpu.memory_space<hbm>> -> memref<128xi32, #tpu.memory_space<hbm>>
        %dma_wait3A_568 = tpu.memref_slice %arg4[%add3A_284] : memref<323584xi32, #tpu.memory_space<hbm>> -> memref<128xi32, #tpu.memory_space<hbm>>
        tpu.wait_dma2 semaphore(%run_scoped3A : memref<!tpu.dma_semaphore, #tpu.memory_space<semaphore_mem>>) src(%dma_wait3A_568 : memref<128xi32, #tpu.memory_space<hbm>>) dst(%arg11 : memref<128xi32, #tpu.memory_space<vmem>>)
        tpu.yield
      }) : () -> ()
      %dma_wait3A_285 = arith.constant 0 : i32
      %dma_wait3A_286 = arith.constant 0 : i32
      %dma_wait3A_287 = tpu.memref_slice %arg14[%dma_wait3A_285, %dma_wait3A_286] : memref<10240x128xf32, #tpu.memory_space<vmem_shared>> -> memref<10240x128xf32, #tpu.memory_space<vmem_shared>>
      tpu.wait_indirect_dma semaphore(%arg15 : memref<!tpu.dma_semaphore, #tpu.memory_space<semaphore_mem>>) src(%arg6 : memref<128x128xf32, #tpu.memory_space<vmem>>) dst(%dma_wait3A_287 : memref<10240x128xf32, #tpu.memory_space<vmem_shared>>)
      %dma_start3A_288 = arith.constant 0 : i32
      %dma_start3A_289 = arith.constant 0 : i32
      %dma_start3A_290 = tpu.memref_slice %arg2[%dma_start3A_288, %dma_start3A_289] : memref<20480x128xf32, #tpu.memory_space<hbm>> -> memref<20480x128xf32, #tpu.memory_space<hbm>>
      tpu.enqueue_indirect_dma source(%dma_start3A_290 : memref<20480x128xf32, #tpu.memory_space<hbm>>) target(%arg6 : memref<128x128xf32, #tpu.memory_space<vmem>>) offsets(%arg8 : memref<128xi32, #tpu.memory_space<vmem>>) semaphore(%arg15 : memref<!tpu.dma_semaphore, #tpu.memory_space<semaphore_mem>>)
      %mul3A_291 = arith.constant 2 : i32
      %mul3A_292 = arith.muli %add3A_200, %mul3A_291 : i32
      %add3A_293 = arith.constant 1 : i32
      %add3A_294 = arith.addi %mul3A_292, %add3A_293 : i32
      %dma_wait3A_295 = arith.constant 0 : i32
      %dma_wait3A_296 = arith.constant 0 : i32
      %dma_wait3A_297 = tpu.memref_slice %arg2[%dma_wait3A_295, %dma_wait3A_296] : memref<20480x128xf32, #tpu.memory_space<hbm>> -> memref<20480x128xf32, #tpu.memory_space<hbm>>
      tpu.wait_indirect_dma semaphore(%arg16 : memref<!tpu.dma_semaphore, #tpu.memory_space<semaphore_mem>>) src(%dma_wait3A_297 : memref<20480x128xf32, #tpu.memory_space<hbm>>) dst(%arg7 : memref<128x128xf32, #tpu.memory_space<vmem>>)
      %dma_start3A_298 = arith.constant 0 : i32
      %dma_start3A_299 = arith.constant 0 : i32
      %dma_start3A_300 = tpu.memref_slice %arg14[%dma_start3A_298, %dma_start3A_299] : memref<10240x128xf32, #tpu.memory_space<vmem_shared>> -> memref<10240x128xf32, #tpu.memory_space<vmem_shared>>
      tpu.enqueue_indirect_dma source(%arg7 : memref<128x128xf32, #tpu.memory_space<vmem>>) target(%dma_start3A_300 : memref<10240x128xf32, #tpu.memory_space<vmem_shared>>) offsets(%arg12 : memref<128xi32, #tpu.memory_space<vmem>>) semaphore(%arg16 : memref<!tpu.dma_semaphore, #tpu.memory_space<semaphore_mem>>) {add = true}
      %add3A_301 = arith.constant 2 : i32
      %add3A_302 = arith.addi %add3A_294, %add3A_301 : i32
      %mul3A_303 = arith.constant 128 : i32
      %mul3A_304 = arith.muli %add3A_302, %mul3A_303 : i32
      %add3A_305 = arith.addi %mul3A_0, %mul3A_304 : i32
      "tpu.region"() ({
        %run_scoped3A = tpu.sem_alloc : memref<!tpu.dma_semaphore, #tpu.memory_space<semaphore_mem>>
        %dma_start3A_565 = tpu.memref_slice %arg3[%add3A_305] : memref<323584xi32, #tpu.memory_space<hbm>> -> memref<128xi32, #tpu.memory_space<hbm>>
        %dma_start3A_566 = tpu.memref_slice %arg3[%add3A_305] : memref<323584xi32, #tpu.memory_space<hbm>> -> memref<128xi32, #tpu.memory_space<hbm>>
        tpu.enqueue_dma source(%dma_start3A_566 : memref<128xi32, #tpu.memory_space<hbm>>) target(%arg9 : memref<128xi32, #tpu.memory_space<vmem>>) target_semaphore(%run_scoped3A : memref<!tpu.dma_semaphore, #tpu.memory_space<semaphore_mem>>)
        %dma_wait3A_567 = tpu.memref_slice %arg3[%add3A_305] : memref<323584xi32, #tpu.memory_space<hbm>> -> memref<128xi32, #tpu.memory_space<hbm>>
        %dma_wait3A_568 = tpu.memref_slice %arg3[%add3A_305] : memref<323584xi32, #tpu.memory_space<hbm>> -> memref<128xi32, #tpu.memory_space<hbm>>
        tpu.wait_dma2 semaphore(%run_scoped3A : memref<!tpu.dma_semaphore, #tpu.memory_space<semaphore_mem>>) src(%dma_wait3A_568 : memref<128xi32, #tpu.memory_space<hbm>>) dst(%arg9 : memref<128xi32, #tpu.memory_space<vmem>>)
        tpu.yield
      }) : () -> ()
      %get3A_306 = arith.constant 0 : index
      %get3A_307 = tpu.vector_load %arg9[%get3A_306] {strides = array<i32>} : memref<128xi32, #tpu.memory_space<vmem>>, vector<16xi32>,
      %get3A_308 = vector.shape_cast %get3A_307 : vector<16xi32> to vector<16xi32>
      %add3A_309 = arith.addi %get3A_308, %broadcast_in_dim3A : vector<16xi32>
      %swap3A_310 = arith.constant 0 : index
      %swap3A_311 = tpu.vector_load %arg9[%swap3A_310] {strides = array<i32>} : memref<128xi32, #tpu.memory_space<vmem>>, vector<16xi32>,
      %swap3A_312 = vector.shape_cast %swap3A_311 : vector<16xi32> to vector<16xi32>
      %swap3A_313 = vector.shape_cast %add3A_309 : vector<16xi32> to vector<16xi32>
      tpu.vector_store %arg9[%swap3A_310], %swap3A_313 {strides = array<i32>} : memref<128xi32, #tpu.memory_space<vmem>>, vector<16xi32>,
      %get3A_314 = arith.constant 16 : index
      %get3A_315 = tpu.vector_load %arg9[%get3A_314] {strides = array<i32>} : memref<128xi32, #tpu.memory_space<vmem>>, vector<16xi32>,
      %get3A_316 = vector.shape_cast %get3A_315 : vector<16xi32> to vector<16xi32>
      %add3A_317 = arith.addi %get3A_316, %broadcast_in_dim3A : vector<16xi32>
      %swap3A_318 = arith.constant 16 : index
      %swap3A_319 = tpu.vector_load %arg9[%swap3A_318] {strides = array<i32>} : memref<128xi32, #tpu.memory_space<vmem>>, vector<16xi32>,
      %swap3A_320 = vector.shape_cast %swap3A_319 : vector<16xi32> to vector<16xi32>
      %swap3A_321 = vector.shape_cast %add3A_317 : vector<16xi32> to vector<16xi32>
      tpu.vector_store %arg9[%swap3A_318], %swap3A_321 {strides = array<i32>} : memref<128xi32, #tpu.memory_space<vmem>>, vector<16xi32>,
      %get3A_322 = arith.constant 32 : index
      %get3A_323 = tpu.vector_load %arg9[%get3A_322] {strides = array<i32>} : memref<128xi32, #tpu.memory_space<vmem>>, vector<16xi32>,
      %get3A_324 = vector.shape_cast %get3A_323 : vector<16xi32> to vector<16xi32>
      %add3A_325 = arith.addi %get3A_324, %broadcast_in_dim3A : vector<16xi32>
      %swap3A_326 = arith.constant 32 : index
      %swap3A_327 = tpu.vector_load %arg9[%swap3A_326] {strides = array<i32>} : memref<128xi32, #tpu.memory_space<vmem>>, vector<16xi32>,
      %swap3A_328 = vector.shape_cast %swap3A_327 : vector<16xi32> to vector<16xi32>
      %swap3A_329 = vector.shape_cast %add3A_325 : vector<16xi32> to vector<16xi32>
      tpu.vector_store %arg9[%swap3A_326], %swap3A_329 {strides = array<i32>} : memref<128xi32, #tpu.memory_space<vmem>>, vector<16xi32>,
      %get3A_330 = arith.constant 48 : index
      %get3A_331 = tpu.vector_load %arg9[%get3A_330] {strides = array<i32>} : memref<128xi32, #tpu.memory_space<vmem>>, vector<16xi32>,
      %get3A_332 = vector.shape_cast %get3A_331 : vector<16xi32> to vector<16xi32>
      %add3A_333 = arith.addi %get3A_332, %broadcast_in_dim3A : vector<16xi32>
      %swap3A_334 = arith.constant 48 : index
      %swap3A_335 = tpu.vector_load %arg9[%swap3A_334] {strides = array<i32>} : memref<128xi32, #tpu.memory_space<vmem>>, vector<16xi32>,
      %swap3A_336 = vector.shape_cast %swap3A_335 : vector<16xi32> to vector<16xi32>
      %swap3A_337 = vector.shape_cast %add3A_333 : vector<16xi32> to vector<16xi32>
      tpu.vector_store %arg9[%swap3A_334], %swap3A_337 {strides = array<i32>} : memref<128xi32, #tpu.memory_space<vmem>>, vector<16xi32>,
      %get3A_338 = arith.constant 64 : index
      %get3A_339 = tpu.vector_load %arg9[%get3A_338] {strides = array<i32>} : memref<128xi32, #tpu.memory_space<vmem>>, vector<16xi32>,
      %get3A_340 = vector.shape_cast %get3A_339 : vector<16xi32> to vector<16xi32>
      %add3A_341 = arith.addi %get3A_340, %broadcast_in_dim3A : vector<16xi32>
      %swap3A_342 = arith.constant 64 : index
      %swap3A_343 = tpu.vector_load %arg9[%swap3A_342] {strides = array<i32>} : memref<128xi32, #tpu.memory_space<vmem>>, vector<16xi32>,
      %swap3A_344 = vector.shape_cast %swap3A_343 : vector<16xi32> to vector<16xi32>
      %swap3A_345 = vector.shape_cast %add3A_341 : vector<16xi32> to vector<16xi32>
      tpu.vector_store %arg9[%swap3A_342], %swap3A_345 {strides = array<i32>} : memref<128xi32, #tpu.memory_space<vmem>>, vector<16xi32>,
      %get3A_346 = arith.constant 80 : index
      %get3A_347 = tpu.vector_load %arg9[%get3A_346] {strides = array<i32>} : memref<128xi32, #tpu.memory_space<vmem>>, vector<16xi32>,
      %get3A_348 = vector.shape_cast %get3A_347 : vector<16xi32> to vector<16xi32>
      %add3A_349 = arith.addi %get3A_348, %broadcast_in_dim3A : vector<16xi32>
      %swap3A_350 = arith.constant 80 : index
      %swap3A_351 = tpu.vector_load %arg9[%swap3A_350] {strides = array<i32>} : memref<128xi32, #tpu.memory_space<vmem>>, vector<16xi32>,
      %swap3A_352 = vector.shape_cast %swap3A_351 : vector<16xi32> to vector<16xi32>
      %swap3A_353 = vector.shape_cast %add3A_349 : vector<16xi32> to vector<16xi32>
      tpu.vector_store %arg9[%swap3A_350], %swap3A_353 {strides = array<i32>} : memref<128xi32, #tpu.memory_space<vmem>>, vector<16xi32>,
      %get3A_354 = arith.constant 96 : index
      %get3A_355 = tpu.vector_load %arg9[%get3A_354] {strides = array<i32>} : memref<128xi32, #tpu.memory_space<vmem>>, vector<16xi32>,
      %get3A_356 = vector.shape_cast %get3A_355 : vector<16xi32> to vector<16xi32>
      %add3A_357 = arith.addi %get3A_356, %broadcast_in_dim3A : vector<16xi32>
      %swap3A_358 = arith.constant 96 : index
      %swap3A_359 = tpu.vector_load %arg9[%swap3A_358] {strides = array<i32>} : memref<128xi32, #tpu.memory_space<vmem>>, vector<16xi32>,
      %swap3A_360 = vector.shape_cast %swap3A_359 : vector<16xi32> to vector<16xi32>
      %swap3A_361 = vector.shape_cast %add3A_357 : vector<16xi32> to vector<16xi32>
      tpu.vector_store %arg9[%swap3A_358], %swap3A_361 {strides = array<i32>} : memref<128xi32, #tpu.memory_space<vmem>>, vector<16xi32>,
      %get3A_362 = arith.constant 112 : index
      %get3A_363 = tpu.vector_load %arg9[%get3A_362] {strides = array<i32>} : memref<128xi32, #tpu.memory_space<vmem>>, vector<16xi32>,
      %get3A_364 = vector.shape_cast %get3A_363 : vector<16xi32> to vector<16xi32>
      %add3A_365 = arith.addi %get3A_364, %broadcast_in_dim3A : vector<16xi32>
      %swap3A_366 = arith.constant 112 : index
      %swap3A_367 = tpu.vector_load %arg9[%swap3A_366] {strides = array<i32>} : memref<128xi32, #tpu.memory_space<vmem>>, vector<16xi32>,
      %swap3A_368 = vector.shape_cast %swap3A_367 : vector<16xi32> to vector<16xi32>
      %swap3A_369 = vector.shape_cast %add3A_365 : vector<16xi32> to vector<16xi32>
      tpu.vector_store %arg9[%swap3A_366], %swap3A_369 {strides = array<i32>} : memref<128xi32, #tpu.memory_space<vmem>>, vector<16xi32>,
      %add3A_370 = arith.constant 2 : i32
      %add3A_371 = arith.addi %add3A_294, %add3A_370 : i32
      %mul3A_372 = arith.constant 128 : i32
      %mul3A_373 = arith.muli %add3A_371, %mul3A_372 : i32
      %add3A_374 = arith.addi %mul3A_0, %mul3A_373 : i32
      "tpu.region"() ({
        %run_scoped3A = tpu.sem_alloc : memref<!tpu.dma_semaphore, #tpu.memory_space<semaphore_mem>>
        %dma_start3A_565 = tpu.memref_slice %arg4[%add3A_374] : memref<323584xi32, #tpu.memory_space<hbm>> -> memref<128xi32, #tpu.memory_space<hbm>>
        %dma_start3A_566 = tpu.memref_slice %arg4[%add3A_374] : memref<323584xi32, #tpu.memory_space<hbm>> -> memref<128xi32, #tpu.memory_space<hbm>>
        tpu.enqueue_dma source(%dma_start3A_566 : memref<128xi32, #tpu.memory_space<hbm>>) target(%arg13 : memref<128xi32, #tpu.memory_space<vmem>>) target_semaphore(%run_scoped3A : memref<!tpu.dma_semaphore, #tpu.memory_space<semaphore_mem>>)
        %dma_wait3A_567 = tpu.memref_slice %arg4[%add3A_374] : memref<323584xi32, #tpu.memory_space<hbm>> -> memref<128xi32, #tpu.memory_space<hbm>>
        %dma_wait3A_568 = tpu.memref_slice %arg4[%add3A_374] : memref<323584xi32, #tpu.memory_space<hbm>> -> memref<128xi32, #tpu.memory_space<hbm>>
        tpu.wait_dma2 semaphore(%run_scoped3A : memref<!tpu.dma_semaphore, #tpu.memory_space<semaphore_mem>>) src(%dma_wait3A_568 : memref<128xi32, #tpu.memory_space<hbm>>) dst(%arg13 : memref<128xi32, #tpu.memory_space<vmem>>)
        tpu.yield
      }) : () -> ()
      %dma_wait3A_375 = arith.constant 0 : i32
      %dma_wait3A_376 = arith.constant 0 : i32
      %dma_wait3A_377 = tpu.memref_slice %arg14[%dma_wait3A_375, %dma_wait3A_376] : memref<10240x128xf32, #tpu.memory_space<vmem_shared>> -> memref<10240x128xf32, #tpu.memory_space<vmem_shared>>
      tpu.wait_indirect_dma semaphore(%arg16 : memref<!tpu.dma_semaphore, #tpu.memory_space<semaphore_mem>>) src(%arg7 : memref<128x128xf32, #tpu.memory_space<vmem>>) dst(%dma_wait3A_377 : memref<10240x128xf32, #tpu.memory_space<vmem_shared>>)
      %dma_start3A_378 = arith.constant 0 : i32
      %dma_start3A_379 = arith.constant 0 : i32
      %dma_start3A_380 = tpu.memref_slice %arg2[%dma_start3A_378, %dma_start3A_379] : memref<20480x128xf32, #tpu.memory_space<hbm>> -> memref<20480x128xf32, #tpu.memory_space<hbm>>
      tpu.enqueue_indirect_dma source(%dma_start3A_380 : memref<20480x128xf32, #tpu.memory_space<hbm>>) target(%arg7 : memref<128x128xf32, #tpu.memory_space<vmem>>) offsets(%arg9 : memref<128xi32, #tpu.memory_space<vmem>>) semaphore(%arg16 : memref<!tpu.dma_semaphore, #tpu.memory_space<semaphore_mem>>)
      %mul3A_381 = arith.constant 2 : i32
      %mul3A_382 = arith.muli %scan3A_196, %mul3A_381 : i32
      %add3A_383 = arith.constant 1 : i32
      %add3A_384 = arith.addi %mul3A_382, %add3A_383 : i32
      %mul3A_385 = arith.constant 2 : i32
      %mul3A_386 = arith.muli %add3A_384, %mul3A_385 : i32
      %add3A_387 = arith.constant 0 : i32
      %add3A_388 = arith.addi %mul3A_386, %add3A_387 : i32
      %dma_wait3A_389 = arith.constant 0 : i32
      %dma_wait3A_390 = arith.constant 0 : i32
      %dma_wait3A_391 = tpu.memref_slice %arg2[%dma_wait3A_389, %dma_wait3A_390] : memref<20480x128xf32, #tpu.memory_space<hbm>> -> memref<20480x128xf32, #tpu.memory_space<hbm>>
      tpu.wait_indirect_dma semaphore(%arg15 : memref<!tpu.dma_semaphore, #tpu.memory_space<semaphore_mem>>) src(%dma_wait3A_391 : memref<20480x128xf32, #tpu.memory_space<hbm>>) dst(%arg6 : memref<128x128xf32, #tpu.memory_space<vmem>>)
      %dma_start3A_392 = arith.constant 0 : i32
      %dma_start3A_393 = arith.constant 0 : i32
      %dma_start3A_394 = tpu.memref_slice %arg14[%dma_start3A_392, %dma_start3A_393] : memref<10240x128xf32, #tpu.memory_space<vmem_shared>> -> memref<10240x128xf32, #tpu.memory_space<vmem_shared>>
      tpu.enqueue_indirect_dma source(%arg6 : memref<128x128xf32, #tpu.memory_space<vmem>>) target(%dma_start3A_394 : memref<10240x128xf32, #tpu.memory_space<vmem_shared>>) offsets(%arg11 : memref<128xi32, #tpu.memory_space<vmem>>) semaphore(%arg15 : memref<!tpu.dma_semaphore, #tpu.memory_space<semaphore_mem>>) {add = true}
      %add3A_395 = arith.constant 2 : i32
      %add3A_396 = arith.addi %add3A_388, %add3A_395 : i32
      %mul3A_397 = arith.constant 128 : i32
      %mul3A_398 = arith.muli %add3A_396, %mul3A_397 : i32
      %add3A_399 = arith.addi %mul3A_0, %mul3A_398 : i32
      "tpu.region"() ({
        %run_scoped3A = tpu.sem_alloc : memref<!tpu.dma_semaphore, #tpu.memory_space<semaphore_mem>>
        %dma_start3A_565 = tpu.memref_slice %arg3[%add3A_399] : memref<323584xi32, #tpu.memory_space<hbm>> -> memref<128xi32, #tpu.memory_space<hbm>>
        %dma_start3A_566 = tpu.memref_slice %arg3[%add3A_399] : memref<323584xi32, #tpu.memory_space<hbm>> -> memref<128xi32, #tpu.memory_space<hbm>>
        tpu.enqueue_dma source(%dma_start3A_566 : memref<128xi32, #tpu.memory_space<hbm>>) target(%arg8 : memref<128xi32, #tpu.memory_space<vmem>>) target_semaphore(%run_scoped3A : memref<!tpu.dma_semaphore, #tpu.memory_space<semaphore_mem>>)
        %dma_wait3A_567 = tpu.memref_slice %arg3[%add3A_399] : memref<323584xi32, #tpu.memory_space<hbm>> -> memref<128xi32, #tpu.memory_space<hbm>>
        %dma_wait3A_568 = tpu.memref_slice %arg3[%add3A_399] : memref<323584xi32, #tpu.memory_space<hbm>> -> memref<128xi32, #tpu.memory_space<hbm>>
        tpu.wait_dma2 semaphore(%run_scoped3A : memref<!tpu.dma_semaphore, #tpu.memory_space<semaphore_mem>>) src(%dma_wait3A_568 : memref<128xi32, #tpu.memory_space<hbm>>) dst(%arg8 : memref<128xi32, #tpu.memory_space<vmem>>)
        tpu.yield
      }) : () -> ()
      %get3A_400 = arith.constant 0 : index
      %get3A_401 = tpu.vector_load %arg8[%get3A_400] {strides = array<i32>} : memref<128xi32, #tpu.memory_space<vmem>>, vector<16xi32>,
      %get3A_402 = vector.shape_cast %get3A_401 : vector<16xi32> to vector<16xi32>
      %add3A_403 = arith.addi %get3A_402, %broadcast_in_dim3A : vector<16xi32>
      %swap3A_404 = arith.constant 0 : index
      %swap3A_405 = tpu.vector_load %arg8[%swap3A_404] {strides = array<i32>} : memref<128xi32, #tpu.memory_space<vmem>>, vector<16xi32>,
      %swap3A_406 = vector.shape_cast %swap3A_405 : vector<16xi32> to vector<16xi32>
      %swap3A_407 = vector.shape_cast %add3A_403 : vector<16xi32> to vector<16xi32>
      tpu.vector_store %arg8[%swap3A_404], %swap3A_407 {strides = array<i32>} : memref<128xi32, #tpu.memory_space<vmem>>, vector<16xi32>,
      %get3A_408 = arith.constant 16 : index
      %get3A_409 = tpu.vector_load %arg8[%get3A_408] {strides = array<i32>} : memref<128xi32, #tpu.memory_space<vmem>>, vector<16xi32>,
      %get3A_410 = vector.shape_cast %get3A_409 : vector<16xi32> to vector<16xi32>
      %add3A_411 = arith.addi %get3A_410, %broadcast_in_dim3A : vector<16xi32>
      %swap3A_412 = arith.constant 16 : index
      %swap3A_413 = tpu.vector_load %arg8[%swap3A_412] {strides = array<i32>} : memref<128xi32, #tpu.memory_space<vmem>>, vector<16xi32>,
      %swap3A_414 = vector.shape_cast %swap3A_413 : vector<16xi32> to vector<16xi32>
      %swap3A_415 = vector.shape_cast %add3A_411 : vector<16xi32> to vector<16xi32>
      tpu.vector_store %arg8[%swap3A_412], %swap3A_415 {strides = array<i32>} : memref<128xi32, #tpu.memory_space<vmem>>, vector<16xi32>,
      %get3A_416 = arith.constant 32 : index
      %get3A_417 = tpu.vector_load %arg8[%get3A_416] {strides = array<i32>} : memref<128xi32, #tpu.memory_space<vmem>>, vector<16xi32>,
      %get3A_418 = vector.shape_cast %get3A_417 : vector<16xi32> to vector<16xi32>
      %add3A_419 = arith.addi %get3A_418, %broadcast_in_dim3A : vector<16xi32>
      %swap3A_420 = arith.constant 32 : index
      %swap3A_421 = tpu.vector_load %arg8[%swap3A_420] {strides = array<i32>} : memref<128xi32, #tpu.memory_space<vmem>>, vector<16xi32>,
      %swap3A_422 = vector.shape_cast %swap3A_421 : vector<16xi32> to vector<16xi32>
      %swap3A_423 = vector.shape_cast %add3A_419 : vector<16xi32> to vector<16xi32>
      tpu.vector_store %arg8[%swap3A_420], %swap3A_423 {strides = array<i32>} : memref<128xi32, #tpu.memory_space<vmem>>, vector<16xi32>,
      %get3A_424 = arith.constant 48 : index
      %get3A_425 = tpu.vector_load %arg8[%get3A_424] {strides = array<i32>} : memref<128xi32, #tpu.memory_space<vmem>>, vector<16xi32>,
      %get3A_426 = vector.shape_cast %get3A_425 : vector<16xi32> to vector<16xi32>
      %add3A_427 = arith.addi %get3A_426, %broadcast_in_dim3A : vector<16xi32>
      %swap3A_428 = arith.constant 48 : index
      %swap3A_429 = tpu.vector_load %arg8[%swap3A_428] {strides = array<i32>} : memref<128xi32, #tpu.memory_space<vmem>>, vector<16xi32>,
      %swap3A_430 = vector.shape_cast %swap3A_429 : vector<16xi32> to vector<16xi32>
      %swap3A_431 = vector.shape_cast %add3A_427 : vector<16xi32> to vector<16xi32>
      tpu.vector_store %arg8[%swap3A_428], %swap3A_431 {strides = array<i32>} : memref<128xi32, #tpu.memory_space<vmem>>, vector<16xi32>,
      %get3A_432 = arith.constant 64 : index
      %get3A_433 = tpu.vector_load %arg8[%get3A_432] {strides = array<i32>} : memref<128xi32, #tpu.memory_space<vmem>>, vector<16xi32>,
      %get3A_434 = vector.shape_cast %get3A_433 : vector<16xi32> to vector<16xi32>
      %add3A_435 = arith.addi %get3A_434, %broadcast_in_dim3A : vector<16xi32>
      %swap3A_436 = arith.constant 64 : index
      %swap3A_437 = tpu.vector_load %arg8[%swap3A_436] {strides = array<i32>} : memref<128xi32, #tpu.memory_space<vmem>>, vector<16xi32>,
      %swap3A_438 = vector.shape_cast %swap3A_437 : vector<16xi32> to vector<16xi32>
      %swap3A_439 = vector.shape_cast %add3A_435 : vector<16xi32> to vector<16xi32>
      tpu.vector_store %arg8[%swap3A_436], %swap3A_439 {strides = array<i32>} : memref<128xi32, #tpu.memory_space<vmem>>, vector<16xi32>,
      %get3A_440 = arith.constant 80 : index
      %get3A_441 = tpu.vector_load %arg8[%get3A_440] {strides = array<i32>} : memref<128xi32, #tpu.memory_space<vmem>>, vector<16xi32>,
      %get3A_442 = vector.shape_cast %get3A_441 : vector<16xi32> to vector<16xi32>
      %add3A_443 = arith.addi %get3A_442, %broadcast_in_dim3A : vector<16xi32>
      %swap3A_444 = arith.constant 80 : index
      %swap3A_445 = tpu.vector_load %arg8[%swap3A_444] {strides = array<i32>} : memref<128xi32, #tpu.memory_space<vmem>>, vector<16xi32>,
      %swap3A_446 = vector.shape_cast %swap3A_445 : vector<16xi32> to vector<16xi32>
      %swap3A_447 = vector.shape_cast %add3A_443 : vector<16xi32> to vector<16xi32>
      tpu.vector_store %arg8[%swap3A_444], %swap3A_447 {strides = array<i32>} : memref<128xi32, #tpu.memory_space<vmem>>, vector<16xi32>,
      %get3A_448 = arith.constant 96 : index
      %get3A_449 = tpu.vector_load %arg8[%get3A_448] {strides = array<i32>} : memref<128xi32, #tpu.memory_space<vmem>>, vector<16xi32>,
      %get3A_450 = vector.shape_cast %get3A_449 : vector<16xi32> to vector<16xi32>
      %add3A_451 = arith.addi %get3A_450, %broadcast_in_dim3A : vector<16xi32>
      %swap3A_452 = arith.constant 96 : index
      %swap3A_453 = tpu.vector_load %arg8[%swap3A_452] {strides = array<i32>} : memref<128xi32, #tpu.memory_space<vmem>>, vector<16xi32>,
      %swap3A_454 = vector.shape_cast %swap3A_453 : vector<16xi32> to vector<16xi32>
      %swap3A_455 = vector.shape_cast %add3A_451 : vector<16xi32> to vector<16xi32>
      tpu.vector_store %arg8[%swap3A_452], %swap3A_455 {strides = array<i32>} : memref<128xi32, #tpu.memory_space<vmem>>, vector<16xi32>,
      %get3A_456 = arith.constant 112 : index
      %get3A_457 = tpu.vector_load %arg8[%get3A_456] {strides = array<i32>} : memref<128xi32, #tpu.memory_space<vmem>>, vector<16xi32>,
      %get3A_458 = vector.shape_cast %get3A_457 : vector<16xi32> to vector<16xi32>
      %add3A_459 = arith.addi %get3A_458, %broadcast_in_dim3A : vector<16xi32>
      %swap3A_460 = arith.constant 112 : index
      %swap3A_461 = tpu.vector_load %arg8[%swap3A_460] {strides = array<i32>} : memref<128xi32, #tpu.memory_space<vmem>>, vector<16xi32>,
      %swap3A_462 = vector.shape_cast %swap3A_461 : vector<16xi32> to vector<16xi32>
      %swap3A_463 = vector.shape_cast %add3A_459 : vector<16xi32> to vector<16xi32>
      tpu.vector_store %arg8[%swap3A_460], %swap3A_463 {strides = array<i32>} : memref<128xi32, #tpu.memory_space<vmem>>, vector<16xi32>,
      %add3A_464 = arith.constant 2 : i32
      %add3A_465 = arith.addi %add3A_388, %add3A_464 : i32
      %mul3A_466 = arith.constant 128 : i32
      %mul3A_467 = arith.muli %add3A_465, %mul3A_466 : i32
      %add3A_468 = arith.addi %mul3A_0, %mul3A_467 : i32
      "tpu.region"() ({
        %run_scoped3A = tpu.sem_alloc : memref<!tpu.dma_semaphore, #tpu.memory_space<semaphore_mem>>
        %dma_start3A_565 = tpu.memref_slice %arg4[%add3A_468] : memref<323584xi32, #tpu.memory_space<hbm>> -> memref<128xi32, #tpu.memory_space<hbm>>
        %dma_start3A_566 = tpu.memref_slice %arg4[%add3A_468] : memref<323584xi32, #tpu.memory_space<hbm>> -> memref<128xi32, #tpu.memory_space<hbm>>
        tpu.enqueue_dma source(%dma_start3A_566 : memref<128xi32, #tpu.memory_space<hbm>>) target(%arg10 : memref<128xi32, #tpu.memory_space<vmem>>) target_semaphore(%run_scoped3A : memref<!tpu.dma_semaphore, #tpu.memory_space<semaphore_mem>>)
        %dma_wait3A_567 = tpu.memref_slice %arg4[%add3A_468] : memref<323584xi32, #tpu.memory_space<hbm>> -> memref<128xi32, #tpu.memory_space<hbm>>
        %dma_wait3A_568 = tpu.memref_slice %arg4[%add3A_468] : memref<323584xi32, #tpu.memory_space<hbm>> -> memref<128xi32, #tpu.memory_space<hbm>>
        tpu.wait_dma2 semaphore(%run_scoped3A : memref<!tpu.dma_semaphore, #tpu.memory_space<semaphore_mem>>) src(%dma_wait3A_568 : memref<128xi32, #tpu.memory_space<hbm>>) dst(%arg10 : memref<128xi32, #tpu.memory_space<vmem>>)
        tpu.yield
      }) : () -> ()
      %dma_wait3A_469 = arith.constant 0 : i32
      %dma_wait3A_470 = arith.constant 0 : i32
      %dma_wait3A_471 = tpu.memref_slice %arg14[%dma_wait3A_469, %dma_wait3A_470] : memref<10240x128xf32, #tpu.memory_space<vmem_shared>> -> memref<10240x128xf32, #tpu.memory_space<vmem_shared>>
      tpu.wait_indirect_dma semaphore(%arg15 : memref<!tpu.dma_semaphore, #tpu.memory_space<semaphore_mem>>) src(%arg6 : memref<128x128xf32, #tpu.memory_space<vmem>>) dst(%dma_wait3A_471 : memref<10240x128xf32, #tpu.memory_space<vmem_shared>>)
      %dma_start3A_472 = arith.constant 0 : i32
      %dma_start3A_473 = arith.constant 0 : i32
      %dma_start3A_474 = tpu.memref_slice %arg2[%dma_start3A_472, %dma_start3A_473] : memref<20480x128xf32, #tpu.memory_space<hbm>> -> memref<20480x128xf32, #tpu.memory_space<hbm>>
      tpu.enqueue_indirect_dma source(%dma_start3A_474 : memref<20480x128xf32, #tpu.memory_space<hbm>>) target(%arg6 : memref<128x128xf32, #tpu.memory_space<vmem>>) offsets(%arg8 : memref<128xi32, #tpu.memory_space<vmem>>) semaphore(%arg15 : memref<!tpu.dma_semaphore, #tpu.memory_space<semaphore_mem>>)
      %mul3A_475 = arith.constant 2 : i32
      %mul3A_476 = arith.muli %add3A_384, %mul3A_475 : i32
      %add3A_477 = arith.constant 1 : i32
      %add3A_478 = arith.addi %mul3A_476, %add3A_477 : i32
      %dma_wait3A_479 = arith.constant 0 : i32
      %dma_wait3A_480 = arith.constant 0 : i32
      %dma_wait3A_481 = tpu.memref_slice %arg2[%dma_wait3A_479, %dma_wait3A_480] : memref<20480x128xf32, #tpu.memory_space<hbm>> -> memref<20480x128xf32, #tpu.memory_space<hbm>>
      tpu.wait_indirect_dma semaphore(%arg16 : memref<!tpu.dma_semaphore, #tpu.memory_space<semaphore_mem>>) src(%dma_wait3A_481 : memref<20480x128xf32, #tpu.memory_space<hbm>>) dst(%arg7 : memref<128x128xf32, #tpu.memory_space<vmem>>)
      %dma_start3A_482 = arith.constant 0 : i32
      %dma_start3A_483 = arith.constant 0 : i32
      %dma_start3A_484 = tpu.memref_slice %arg14[%dma_start3A_482, %dma_start3A_483] : memref<10240x128xf32, #tpu.memory_space<vmem_shared>> -> memref<10240x128xf32, #tpu.memory_space<vmem_shared>>
      tpu.enqueue_indirect_dma source(%arg7 : memref<128x128xf32, #tpu.memory_space<vmem>>) target(%dma_start3A_484 : memref<10240x128xf32, #tpu.memory_space<vmem_shared>>) offsets(%arg13 : memref<128xi32, #tpu.memory_space<vmem>>) semaphore(%arg16 : memref<!tpu.dma_semaphore, #tpu.memory_space<semaphore_mem>>) {add = true}
      %add3A_485 = arith.constant 2 : i32
      %add3A_486 = arith.addi %add3A_478, %add3A_485 : i32
      %mul3A_487 = arith.constant 128 : i32
      %mul3A_488 = arith.muli %add3A_486, %mul3A_487 : i32
      %add3A_489 = arith.addi %mul3A_0, %mul3A_488 : i32
      "tpu.region"() ({
        %run_scoped3A = tpu.sem_alloc : memref<!tpu.dma_semaphore, #tpu.memory_space<semaphore_mem>>
        %dma_start3A_565 = tpu.memref_slice %arg3[%add3A_489] : memref<323584xi32, #tpu.memory_space<hbm>> -> memref<128xi32, #tpu.memory_space<hbm>>
        %dma_start3A_566 = tpu.memref_slice %arg3[%add3A_489] : memref<323584xi32, #tpu.memory_space<hbm>> -> memref<128xi32, #tpu.memory_space<hbm>>
        tpu.enqueue_dma source(%dma_start3A_566 : memref<128xi32, #tpu.memory_space<hbm>>) target(%arg9 : memref<128xi32, #tpu.memory_space<vmem>>) target_semaphore(%run_scoped3A : memref<!tpu.dma_semaphore, #tpu.memory_space<semaphore_mem>>)
        %dma_wait3A_567 = tpu.memref_slice %arg3[%add3A_489] : memref<323584xi32, #tpu.memory_space<hbm>> -> memref<128xi32, #tpu.memory_space<hbm>>
        %dma_wait3A_568 = tpu.memref_slice %arg3[%add3A_489] : memref<323584xi32, #tpu.memory_space<hbm>> -> memref<128xi32, #tpu.memory_space<hbm>>
        tpu.wait_dma2 semaphore(%run_scoped3A : memref<!tpu.dma_semaphore, #tpu.memory_space<semaphore_mem>>) src(%dma_wait3A_568 : memref<128xi32, #tpu.memory_space<hbm>>) dst(%arg9 : memref<128xi32, #tpu.memory_space<vmem>>)
        tpu.yield
      }) : () -> ()
      %get3A_490 = arith.constant 0 : index
      %get3A_491 = tpu.vector_load %arg9[%get3A_490] {strides = array<i32>} : memref<128xi32, #tpu.memory_space<vmem>>, vector<16xi32>,
      %get3A_492 = vector.shape_cast %get3A_491 : vector<16xi32> to vector<16xi32>
      %add3A_493 = arith.addi %get3A_492, %broadcast_in_dim3A : vector<16xi32>
      %swap3A_494 = arith.constant 0 : index
      %swap3A_495 = tpu.vector_load %arg9[%swap3A_494] {strides = array<i32>} : memref<128xi32, #tpu.memory_space<vmem>>, vector<16xi32>,
      %swap3A_496 = vector.shape_cast %swap3A_495 : vector<16xi32> to vector<16xi32>
      %swap3A_497 = vector.shape_cast %add3A_493 : vector<16xi32> to vector<16xi32>
      tpu.vector_store %arg9[%swap3A_494], %swap3A_497 {strides = array<i32>} : memref<128xi32, #tpu.memory_space<vmem>>, vector<16xi32>,
      %get3A_498 = arith.constant 16 : index
      %get3A_499 = tpu.vector_load %arg9[%get3A_498] {strides = array<i32>} : memref<128xi32, #tpu.memory_space<vmem>>, vector<16xi32>,
      %get3A_500 = vector.shape_cast %get3A_499 : vector<16xi32> to vector<16xi32>
      %add3A_501 = arith.addi %get3A_500, %broadcast_in_dim3A : vector<16xi32>
      %swap3A_502 = arith.constant 16 : index
      %swap3A_503 = tpu.vector_load %arg9[%swap3A_502] {strides = array<i32>} : memref<128xi32, #tpu.memory_space<vmem>>, vector<16xi32>,
      %swap3A_504 = vector.shape_cast %swap3A_503 : vector<16xi32> to vector<16xi32>
      %swap3A_505 = vector.shape_cast %add3A_501 : vector<16xi32> to vector<16xi32>
      tpu.vector_store %arg9[%swap3A_502], %swap3A_505 {strides = array<i32>} : memref<128xi32, #tpu.memory_space<vmem>>, vector<16xi32>,
      %get3A_506 = arith.constant 32 : index
      %get3A_507 = tpu.vector_load %arg9[%get3A_506] {strides = array<i32>} : memref<128xi32, #tpu.memory_space<vmem>>, vector<16xi32>,
      %get3A_508 = vector.shape_cast %get3A_507 : vector<16xi32> to vector<16xi32>
      %add3A_509 = arith.addi %get3A_508, %broadcast_in_dim3A : vector<16xi32>
      %swap3A_510 = arith.constant 32 : index
      %swap3A_511 = tpu.vector_load %arg9[%swap3A_510] {strides = array<i32>} : memref<128xi32, #tpu.memory_space<vmem>>, vector<16xi32>,
      %swap3A_512 = vector.shape_cast %swap3A_511 : vector<16xi32> to vector<16xi32>
      %swap3A_513 = vector.shape_cast %add3A_509 : vector<16xi32> to vector<16xi32>
      tpu.vector_store %arg9[%swap3A_510], %swap3A_513 {strides = array<i32>} : memref<128xi32, #tpu.memory_space<vmem>>, vector<16xi32>,
      %get3A_514 = arith.constant 48 : index
      %get3A_515 = tpu.vector_load %arg9[%get3A_514] {strides = array<i32>} : memref<128xi32, #tpu.memory_space<vmem>>, vector<16xi32>,
      %get3A_516 = vector.shape_cast %get3A_515 : vector<16xi32> to vector<16xi32>
      %add3A_517 = arith.addi %get3A_516, %broadcast_in_dim3A : vector<16xi32>
      %swap3A_518 = arith.constant 48 : index
      %swap3A_519 = tpu.vector_load %arg9[%swap3A_518] {strides = array<i32>} : memref<128xi32, #tpu.memory_space<vmem>>, vector<16xi32>,
      %swap3A_520 = vector.shape_cast %swap3A_519 : vector<16xi32> to vector<16xi32>
      %swap3A_521 = vector.shape_cast %add3A_517 : vector<16xi32> to vector<16xi32>
      tpu.vector_store %arg9[%swap3A_518], %swap3A_521 {strides = array<i32>} : memref<128xi32, #tpu.memory_space<vmem>>, vector<16xi32>,
      %get3A_522 = arith.constant 64 : index
      %get3A_523 = tpu.vector_load %arg9[%get3A_522] {strides = array<i32>} : memref<128xi32, #tpu.memory_space<vmem>>, vector<16xi32>,
      %get3A_524 = vector.shape_cast %get3A_523 : vector<16xi32> to vector<16xi32>
      %add3A_525 = arith.addi %get3A_524, %broadcast_in_dim3A : vector<16xi32>
      %swap3A_526 = arith.constant 64 : index
      %swap3A_527 = tpu.vector_load %arg9[%swap3A_526] {strides = array<i32>} : memref<128xi32, #tpu.memory_space<vmem>>, vector<16xi32>,
      %swap3A_528 = vector.shape_cast %swap3A_527 : vector<16xi32> to vector<16xi32>
      %swap3A_529 = vector.shape_cast %add3A_525 : vector<16xi32> to vector<16xi32>
      tpu.vector_store %arg9[%swap3A_526], %swap3A_529 {strides = array<i32>} : memref<128xi32, #tpu.memory_space<vmem>>, vector<16xi32>,
      %get3A_530 = arith.constant 80 : index
      %get3A_531 = tpu.vector_load %arg9[%get3A_530] {strides = array<i32>} : memref<128xi32, #tpu.memory_space<vmem>>, vector<16xi32>,
      %get3A_532 = vector.shape_cast %get3A_531 : vector<16xi32> to vector<16xi32>
      %add3A_533 = arith.addi %get3A_532, %broadcast_in_dim3A : vector<16xi32>
      %swap3A_534 = arith.constant 80 : index
      %swap3A_535 = tpu.vector_load %arg9[%swap3A_534] {strides = array<i32>} : memref<128xi32, #tpu.memory_space<vmem>>, vector<16xi32>,
      %swap3A_536 = vector.shape_cast %swap3A_535 : vector<16xi32> to vector<16xi32>
      %swap3A_537 = vector.shape_cast %add3A_533 : vector<16xi32> to vector<16xi32>
      tpu.vector_store %arg9[%swap3A_534], %swap3A_537 {strides = array<i32>} : memref<128xi32, #tpu.memory_space<vmem>>, vector<16xi32>,
      %get3A_538 = arith.constant 96 : index
      %get3A_539 = tpu.vector_load %arg9[%get3A_538] {strides = array<i32>} : memref<128xi32, #tpu.memory_space<vmem>>, vector<16xi32>,
      %get3A_540 = vector.shape_cast %get3A_539 : vector<16xi32> to vector<16xi32>
      %add3A_541 = arith.addi %get3A_540, %broadcast_in_dim3A : vector<16xi32>
      %swap3A_542 = arith.constant 96 : index
      %swap3A_543 = tpu.vector_load %arg9[%swap3A_542] {strides = array<i32>} : memref<128xi32, #tpu.memory_space<vmem>>, vector<16xi32>,
      %swap3A_544 = vector.shape_cast %swap3A_543 : vector<16xi32> to vector<16xi32>
      %swap3A_545 = vector.shape_cast %add3A_541 : vector<16xi32> to vector<16xi32>
      tpu.vector_store %arg9[%swap3A_542], %swap3A_545 {strides = array<i32>} : memref<128xi32, #tpu.memory_space<vmem>>, vector<16xi32>,
      %get3A_546 = arith.constant 112 : index
      %get3A_547 = tpu.vector_load %arg9[%get3A_546] {strides = array<i32>} : memref<128xi32, #tpu.memory_space<vmem>>, vector<16xi32>,
      %get3A_548 = vector.shape_cast %get3A_547 : vector<16xi32> to vector<16xi32>
      %add3A_549 = arith.addi %get3A_548, %broadcast_in_dim3A : vector<16xi32>
      %swap3A_550 = arith.constant 112 : index
      %swap3A_551 = tpu.vector_load %arg9[%swap3A_550] {strides = array<i32>} : memref<128xi32, #tpu.memory_space<vmem>>, vector<16xi32>,
      %swap3A_552 = vector.shape_cast %swap3A_551 : vector<16xi32> to vector<16xi32>
      %swap3A_553 = vector.shape_cast %add3A_549 : vector<16xi32> to vector<16xi32>
      tpu.vector_store %arg9[%swap3A_550], %swap3A_553 {strides = array<i32>} : memref<128xi32, #tpu.memory_space<vmem>>, vector<16xi32>,
      %add3A_554 = arith.constant 2 : i32
      %add3A_555 = arith.addi %add3A_478, %add3A_554 : i32
      %mul3A_556 = arith.constant 128 : i32
      %mul3A_557 = arith.muli %add3A_555, %mul3A_556 : i32
      %add3A_558 = arith.addi %mul3A_0, %mul3A_557 : i32
      "tpu.region"() ({
        %run_scoped3A = tpu.sem_alloc : memref<!tpu.dma_semaphore, #tpu.memory_space<semaphore_mem>>
        %dma_start3A_565 = tpu.memref_slice %arg4[%add3A_558] : memref<323584xi32, #tpu.memory_space<hbm>> -> memref<128xi32, #tpu.memory_space<hbm>>
        %dma_start3A_566 = tpu.memref_slice %arg4[%add3A_558] : memref<323584xi32, #tpu.memory_space<hbm>> -> memref<128xi32, #tpu.memory_space<hbm>>
        tpu.enqueue_dma source(%dma_start3A_566 : memref<128xi32, #tpu.memory_space<hbm>>) target(%arg12 : memref<128xi32, #tpu.memory_space<vmem>>) target_semaphore(%run_scoped3A : memref<!tpu.dma_semaphore, #tpu.memory_space<semaphore_mem>>)
        %dma_wait3A_567 = tpu.memref_slice %arg4[%add3A_558] : memref<323584xi32, #tpu.memory_space<hbm>> -> memref<128xi32, #tpu.memory_space<hbm>>
        %dma_wait3A_568 = tpu.memref_slice %arg4[%add3A_558] : memref<323584xi32, #tpu.memory_space<hbm>> -> memref<128xi32, #tpu.memory_space<hbm>>
        tpu.wait_dma2 semaphore(%run_scoped3A : memref<!tpu.dma_semaphore, #tpu.memory_space<semaphore_mem>>) src(%dma_wait3A_568 : memref<128xi32, #tpu.memory_space<hbm>>) dst(%arg12 : memref<128xi32, #tpu.memory_space<vmem>>)
        tpu.yield
      }) : () -> ()
      %dma_wait3A_559 = arith.constant 0 : i32
      %dma_wait3A_560 = arith.constant 0 : i32
      %dma_wait3A_561 = tpu.memref_slice %arg14[%dma_wait3A_559, %dma_wait3A_560] : memref<10240x128xf32, #tpu.memory_space<vmem_shared>> -> memref<10240x128xf32, #tpu.memory_space<vmem_shared>>
      tpu.wait_indirect_dma semaphore(%arg16 : memref<!tpu.dma_semaphore, #tpu.memory_space<semaphore_mem>>) src(%arg7 : memref<128x128xf32, #tpu.memory_space<vmem>>) dst(%dma_wait3A_561 : memref<10240x128xf32, #tpu.memory_space<vmem_shared>>)
      %dma_start3A_562 = arith.constant 0 : i32
      %dma_start3A_563 = arith.constant 0 : i32
      %dma_start3A_564 = tpu.memref_slice %arg2[%dma_start3A_562, %dma_start3A_563] : memref<20480x128xf32, #tpu.memory_space<hbm>> -> memref<20480x128xf32, #tpu.memory_space<hbm>>
      tpu.enqueue_indirect_dma source(%dma_start3A_564 : memref<20480x128xf32, #tpu.memory_space<hbm>>) target(%arg7 : memref<128x128xf32, #tpu.memory_space<vmem>>) offsets(%arg9 : memref<128xi32, #tpu.memory_space<vmem>>) semaphore(%arg16 : memref<!tpu.dma_semaphore, #tpu.memory_space<semaphore_mem>>)
    }
    %scan3A_173 = arith.constant 39 : i32
    %dma_wait3A = arith.constant 0 : i32
    %dma_wait3A_174 = arith.constant 0 : i32
    %dma_wait3A_175 = tpu.memref_slice %arg2[%dma_wait3A, %dma_wait3A_174] : memref<20480x128xf32, #tpu.memory_space<hbm>> -> memref<20480x128xf32, #tpu.memory_space<hbm>>
    tpu.wait_indirect_dma semaphore(%arg15 : memref<!tpu.dma_semaphore, #tpu.memory_space<semaphore_mem>>) src(%dma_wait3A_175 : memref<20480x128xf32, #tpu.memory_space<hbm>>) dst(%arg6 : memref<128x128xf32, #tpu.memory_space<vmem>>)
    %dma_start3A_176 = arith.constant 0 : i32
    %dma_start3A_177 = arith.constant 0 : i32
    %dma_start3A_178 = tpu.memref_slice %arg14[%dma_start3A_176, %dma_start3A_177] : memref<10240x128xf32, #tpu.memory_space<vmem_shared>> -> memref<10240x128xf32, #tpu.memory_space<vmem_shared>>
    tpu.enqueue_indirect_dma source(%arg6 : memref<128x128xf32, #tpu.memory_space<vmem>>) target(%dma_start3A_178 : memref<10240x128xf32, #tpu.memory_space<vmem_shared>>) offsets(%arg10 : memref<128xi32, #tpu.memory_space<vmem>>) semaphore(%arg15 : memref<!tpu.dma_semaphore, #tpu.memory_space<semaphore_mem>>) {add = true}
    %dma_wait3A_179 = arith.constant 0 : i32
    %dma_wait3A_180 = arith.constant 0 : i32
    %dma_wait3A_181 = tpu.memref_slice %arg14[%dma_wait3A_179, %dma_wait3A_180] : memref<10240x128xf32, #tpu.memory_space<vmem_shared>> -> memref<10240x128xf32, #tpu.memory_space<vmem_shared>>
    tpu.wait_indirect_dma semaphore(%arg15 : memref<!tpu.dma_semaphore, #tpu.memory_space<semaphore_mem>>) src(%arg6 : memref<128x128xf32, #tpu.memory_space<vmem>>) dst(%dma_wait3A_181 : memref<10240x128xf32, #tpu.memory_space<vmem_shared>>)
    %dma_wait3A_182 = arith.constant 0 : i32
    %dma_wait3A_183 = arith.constant 0 : i32
    %dma_wait3A_184 = tpu.memref_slice %arg2[%dma_wait3A_182, %dma_wait3A_183] : memref<20480x128xf32, #tpu.memory_space<hbm>> -> memref<20480x128xf32, #tpu.memory_space<hbm>>
    tpu.wait_indirect_dma semaphore(%arg16 : memref<!tpu.dma_semaphore, #tpu.memory_space<semaphore_mem>>) src(%dma_wait3A_184 : memref<20480x128xf32, #tpu.memory_space<hbm>>) dst(%arg7 : memref<128x128xf32, #tpu.memory_space<vmem>>)
    %dma_start3A_185 = arith.constant 0 : i32
    %dma_start3A_186 = arith.constant 0 : i32
    %dma_start3A_187 = tpu.memref_slice %arg14[%dma_start3A_185, %dma_start3A_186] : memref<10240x128xf32, #tpu.memory_space<vmem_shared>> -> memref<10240x128xf32, #tpu.memory_space<vmem_shared>>
    tpu.enqueue_indirect_dma source(%arg7 : memref<128x128xf32, #tpu.memory_space<vmem>>) target(%dma_start3A_187 : memref<10240x128xf32, #tpu.memory_space<vmem_shared>>) offsets(%arg12 : memref<128xi32, #tpu.memory_space<vmem>>) semaphore(%arg16 : memref<!tpu.dma_semaphore, #tpu.memory_space<semaphore_mem>>) {add = true}
    %dma_wait3A_188 = arith.constant 0 : i32
    %dma_wait3A_189 = arith.constant 0 : i32
    %dma_wait3A_190 = tpu.memref_slice %arg14[%dma_wait3A_188, %dma_wait3A_189] : memref<10240x128xf32, #tpu.memory_space<vmem_shared>> -> memref<10240x128xf32, #tpu.memory_space<vmem_shared>>
    tpu.wait_indirect_dma semaphore(%arg16 : memref<!tpu.dma_semaphore, #tpu.memory_space<semaphore_mem>>) src(%arg7 : memref<128x128xf32, #tpu.memory_space<vmem>>) dst(%dma_wait3A_190 : memref<10240x128xf32, #tpu.memory_space<vmem_shared>>)
    %barrier3A_191 = arith.constant 0 : index
    tpu.barrier barrier_id(%barrier3A_191)
    %mul3A_192 = arith.constant 640 : i32
    %mul3A_193 = arith.muli %arg1, %mul3A_192 : i32
    %mul3A_194 = arith.constant 640 : i32
    %mul3A_195 = arith.muli %arg1, %mul3A_194 : i32
    "tpu.region"() ({
      %run_scoped3A = tpu.sem_alloc : memref<!tpu.dma_semaphore, #tpu.memory_space<semaphore_mem>>
      %dma_start3A_196 = arith.constant 0 : i32
      %dma_start3A_197 = tpu.memref_slice %arg5[%arg0, %mul3A_195, %dma_start3A_196] : memref<2x10240x128xf32, #tpu.memory_space<hbm>> -> memref<1x640x128xf32, #tpu.memory_space<hbm>>
      %dma_start3A_198 = tpu.memref_squeeze %dma_start3A_197 : memref<1x640x128xf32, #tpu.memory_space<hbm>> -> memref<640x128xf32, #tpu.memory_space<hbm>>
      %dma_start3A_199 = arith.constant 0 : i32
      %dma_start3A_200 = tpu.memref_slice %arg14[%mul3A_193, %dma_start3A_199] : memref<10240x128xf32, #tpu.memory_space<vmem_shared>> -> memref<640x128xf32, #tpu.memory_space<vmem_shared>>
      tpu.enqueue_dma source(%dma_start3A_200 : memref<640x128xf32, #tpu.memory_space<vmem_shared>>) target(%dma_start3A_198 : memref<640x128xf32, #tpu.memory_space<hbm>>) target_semaphore(%run_scoped3A : memref<!tpu.dma_semaphore, #tpu.memory_space<semaphore_mem>>)
      %dma_wait3A_201 = arith.constant 0 : i32
      %dma_wait3A_202 = tpu.memref_slice %arg5[%arg0, %mul3A_195, %dma_wait3A_201] : memref<2x10240x128xf32, #tpu.memory_space<hbm>> -> memref<1x640x128xf32, #tpu.memory_space<hbm>>
      %dma_wait3A_203 = tpu.memref_squeeze %dma_wait3A_202 : memref<1x640x128xf32, #tpu.memory_space<hbm>> -> memref<640x128xf32, #tpu.memory_space<hbm>>
      %dma_wait3A_204 = arith.constant 0 : i32
      %dma_wait3A_205 = tpu.memref_slice %arg14[%mul3A_193, %dma_wait3A_204] : memref<10240x128xf32, #tpu.memory_space<vmem_shared>> -> memref<640x128xf32, #tpu.memory_space<vmem_shared>>
      tpu.wait_dma2 semaphore(%run_scoped3A : memref<!tpu.dma_semaphore, #tpu.memory_space<semaphore_mem>>) src(%dma_wait3A_205 : memref<640x128xf32, #tpu.memory_space<vmem_shared>>) dst(%dma_wait3A_203 : memref<640x128xf32, #tpu.memory_space<hbm>>)
      tpu.yield
    }) : () -> ()
    return
  }
}

#map = affine_map<(d0, d1) -> (0)>
#map1 = affine_map<(d0, d1) -> (0, 0)>
module attributes {stable_mosaic.version = 14 : i64} {
  func.func @_deg_body(%arg0: i32, %arg1: i32, %arg2: memref<323584xi32, #tpu.memory_space<hbm>>, %arg3: memref<2x10240xf32, #tpu.memory_space<hbm>>, %arg4: memref<10112xi32, #tpu.memory_space<vmem>>, %arg5: memref<10240xf32, #tpu.memory_space<vmem>>, %arg6: memref<16x640xf32, #tpu.memory_space<vmem>>, %arg7: memref<640xf32, #tpu.memory_space<vmem>>, %arg8: memref<16x10240xf32, #tpu.memory_space<vmem_shared>>) attributes {dimension_semantics = [#tpu.dimension_semantics<core_parallel>, #tpu.dimension_semantics<subcore_parallel>], iteration_bounds = array<i64: 2, 16>, scalar_prefetch = 0 : i64, scratch_operands = 5 : i64, tpu.core_type = #tpu.core_type<sc_vector_subcore>, window_params = [{transform_indices = #map}, {transform_indices = #map1}]} {
    %mul3A = arith.constant 2 : i32
    %mul3A_0 = arith.muli %arg1, %mul3A : i32
    %add3A = arith.addi %mul3A_0, %arg0 : i32
    %mul3A_1 = arith.constant 10112 : i32
    %mul3A_2 = arith.muli %add3A, %mul3A_1 : i32
    "tpu.region"() ({
      %run_scoped3A = tpu.sem_alloc : memref<!tpu.dma_semaphore, #tpu.memory_space<semaphore_mem>>
      %dma_start3A = tpu.memref_slice %arg2[%mul3A_2] : memref<323584xi32, #tpu.memory_space<hbm>> -> memref<10112xi32, #tpu.memory_space<hbm>>
      %dma_start3A_27 = tpu.memref_slice %arg2[%mul3A_2] : memref<323584xi32, #tpu.memory_space<hbm>> -> memref<10112xi32, #tpu.memory_space<hbm>>
      tpu.enqueue_dma source(%dma_start3A_27 : memref<10112xi32, #tpu.memory_space<hbm>>) target(%arg4 : memref<10112xi32, #tpu.memory_space<vmem>>) target_semaphore(%run_scoped3A : memref<!tpu.dma_semaphore, #tpu.memory_space<semaphore_mem>>)
      %dma_wait3A = tpu.memref_slice %arg2[%mul3A_2] : memref<323584xi32, #tpu.memory_space<hbm>> -> memref<10112xi32, #tpu.memory_space<hbm>>
      %dma_wait3A_28 = tpu.memref_slice %arg2[%mul3A_2] : memref<323584xi32, #tpu.memory_space<hbm>> -> memref<10112xi32, #tpu.memory_space<hbm>>
      tpu.wait_dma2 semaphore(%run_scoped3A : memref<!tpu.dma_semaphore, #tpu.memory_space<semaphore_mem>>) src(%dma_wait3A_28 : memref<10112xi32, #tpu.memory_space<hbm>>) dst(%arg4 : memref<10112xi32, #tpu.memory_space<vmem>>)
      tpu.yield
    }) : () -> ()
    %broadcast_in_dim3A = arith.constant 0.000000e+00 : f32
    %broadcast_in_dim3A_3 = vector.broadcast %broadcast_in_dim3A : f32 to vector<16xf32>
    %broadcast_in_dim3A_4 = arith.constant 1.000000e+00 : f32
    %broadcast_in_dim3A_5 = vector.broadcast %broadcast_in_dim3A_4 : f32 to vector<16xf32>
    %scan3A = arith.constant 0 : i32
    %scan3A_6 = arith.constant 0 : i32
    %scan3A_7 = arith.constant 640 : i32
    %scan3A_8 = arith.addi %scan3A_6, %scan3A_7 : i32
    %scan3A_9 = arith.constant 1 : i32
    scf.for %scan3A_27 = %scan3A_6 to %scan3A_8 step %scan3A_9  : i32 {
      %mul3A_28 = arith.constant 16 : i32
      %mul3A_29 = arith.muli %scan3A_27, %mul3A_28 : i32
      %swap3A = arith.index_cast %mul3A_29 : i32 to index
      %swap3A_30 = tpu.vector_load %arg5[%swap3A] {strides = array<i32>} : memref<10240xf32, #tpu.memory_space<vmem>>, vector<16xf32>,
      tpu.vector_store %arg5[%swap3A], %broadcast_in_dim3A_3 {strides = array<i32>} : memref<10240xf32, #tpu.memory_space<vmem>>, vector<16xf32>,
    }
    %scan3A_10 = arith.constant 640 : i32
    %scan3A_11 = arith.constant 0 : i32
    %scan3A_12 = arith.constant 0 : i32
    %scan3A_13 = arith.constant 632 : i32
    %scan3A_14 = arith.addi %scan3A_12, %scan3A_13 : i32
    %scan3A_15 = arith.constant 1 : i32
    scf.for %scan3A_27 = %scan3A_12 to %scan3A_14 step %scan3A_15  : i32 {
      %mul3A_28 = arith.constant 16 : i32
      %mul3A_29 = arith.muli %scan3A_27, %mul3A_28 : i32
      %get3A = arith.index_cast %mul3A_29 : i32 to index
      %get3A_30 = tpu.vector_load %arg4[%get3A] {strides = array<i32>} : memref<10112xi32, #tpu.memory_space<vmem>>, vector<16xi32>,
      tpu.vector_store_idx %arg5[%get3A_30], %broadcast_in_dim3A_5 {add = true} : memref<10240xf32, #tpu.memory_space<vmem>>[vector<16xi32>], vector<16xf32>,
    }
    %scan3A_16 = arith.constant 632 : i32
    "tpu.region"() ({
      %run_scoped3A = tpu.sem_alloc : memref<!tpu.dma_semaphore, #tpu.memory_space<semaphore_mem>>
      %dma_start3A = arith.constant 0 : i32
      %dma_start3A_27 = tpu.memref_slice %arg8[%arg1, %dma_start3A] : memref<16x10240xf32, #tpu.memory_space<vmem_shared>> -> memref<1x10240xf32, #tpu.memory_space<vmem_shared>>
      %dma_start3A_28 = tpu.memref_squeeze %dma_start3A_27 : memref<1x10240xf32, #tpu.memory_space<vmem_shared>> -> memref<10240xf32, #tpu.memory_space<vmem_shared>>
      %dma_start3A_29 = arith.constant 0 : i32
      %dma_start3A_30 = tpu.memref_slice %arg8[%arg1, %dma_start3A_29] : memref<16x10240xf32, #tpu.memory_space<vmem_shared>> -> memref<1x10240xf32, #tpu.memory_space<vmem_shared>>
      %dma_start3A_31 = tpu.memref_squeeze %dma_start3A_30 : memref<1x10240xf32, #tpu.memory_space<vmem_shared>> -> memref<10240xf32, #tpu.memory_space<vmem_shared>>
      tpu.enqueue_dma source(%arg5 : memref<10240xf32, #tpu.memory_space<vmem>>) target(%dma_start3A_31 : memref<10240xf32, #tpu.memory_space<vmem_shared>>) target_semaphore(%run_scoped3A : memref<!tpu.dma_semaphore, #tpu.memory_space<semaphore_mem>>)
      %dma_wait3A = arith.constant 0 : i32
      %dma_wait3A_32 = tpu.memref_slice %arg8[%arg1, %dma_wait3A] : memref<16x10240xf32, #tpu.memory_space<vmem_shared>> -> memref<1x10240xf32, #tpu.memory_space<vmem_shared>>
      %dma_wait3A_33 = tpu.memref_squeeze %dma_wait3A_32 : memref<1x10240xf32, #tpu.memory_space<vmem_shared>> -> memref<10240xf32, #tpu.memory_space<vmem_shared>>
      %dma_wait3A_34 = arith.constant 0 : i32
      %dma_wait3A_35 = tpu.memref_slice %arg8[%arg1, %dma_wait3A_34] : memref<16x10240xf32, #tpu.memory_space<vmem_shared>> -> memref<1x10240xf32, #tpu.memory_space<vmem_shared>>
      %dma_wait3A_36 = tpu.memref_squeeze %dma_wait3A_35 : memref<1x10240xf32, #tpu.memory_space<vmem_shared>> -> memref<10240xf32, #tpu.memory_space<vmem_shared>>
      tpu.wait_dma2 semaphore(%run_scoped3A : memref<!tpu.dma_semaphore, #tpu.memory_space<semaphore_mem>>) src(%arg5 : memref<10240xf32, #tpu.memory_space<vmem>>) dst(%dma_wait3A_36 : memref<10240xf32, #tpu.memory_space<vmem_shared>>)
      tpu.yield
    }) : () -> ()
    %barrier3A = arith.constant 0 : index
    tpu.barrier barrier_id(%barrier3A)
    %mul3A_17 = arith.constant 640 : i32
    %mul3A_18 = arith.muli %arg1, %mul3A_17 : i32
    "tpu.region"() ({
      %run_scoped3A = tpu.sem_alloc : memref<!tpu.dma_semaphore, #tpu.memory_space<semaphore_mem>>
      %dma_start3A = arith.constant 0 : i32
      %dma_start3A_27 = tpu.memref_slice %arg8[%dma_start3A, %mul3A_18] : memref<16x10240xf32, #tpu.memory_space<vmem_shared>> -> memref<16x640xf32, #tpu.memory_space<vmem_shared>>
      %dma_start3A_28 = arith.constant 0 : i32
      %dma_start3A_29 = tpu.memref_slice %arg8[%dma_start3A_28, %mul3A_18] : memref<16x10240xf32, #tpu.memory_space<vmem_shared>> -> memref<16x640xf32, #tpu.memory_space<vmem_shared>>
      tpu.enqueue_dma source(%dma_start3A_29 : memref<16x640xf32, #tpu.memory_space<vmem_shared>>) target(%arg6 : memref<16x640xf32, #tpu.memory_space<vmem>>) target_semaphore(%run_scoped3A : memref<!tpu.dma_semaphore, #tpu.memory_space<semaphore_mem>>)
      %dma_wait3A = arith.constant 0 : i32
      %dma_wait3A_30 = tpu.memref_slice %arg8[%dma_wait3A, %mul3A_18] : memref<16x10240xf32, #tpu.memory_space<vmem_shared>> -> memref<16x640xf32, #tpu.memory_space<vmem_shared>>
      %dma_wait3A_31 = arith.constant 0 : i32
      %dma_wait3A_32 = tpu.memref_slice %arg8[%dma_wait3A_31, %mul3A_18] : memref<16x10240xf32, #tpu.memory_space<vmem_shared>> -> memref<16x640xf32, #tpu.memory_space<vmem_shared>>
      tpu.wait_dma2 semaphore(%run_scoped3A : memref<!tpu.dma_semaphore, #tpu.memory_space<semaphore_mem>>) src(%dma_wait3A_32 : memref<16x640xf32, #tpu.memory_space<vmem_shared>>) dst(%arg6 : memref<16x640xf32, #tpu.memory_space<vmem>>)
      tpu.yield
    }) : () -> ()
    %scan3A_19 = arith.constant 0 : i32
    %scan3A_20 = arith.constant 0 : i32
    %scan3A_21 = arith.constant 40 : i32
    %scan3A_22 = arith.addi %scan3A_20, %scan3A_21 : i32
    %scan3A_23 = arith.constant 1 : i32
    scf.for %scan3A_27 = %scan3A_20 to %scan3A_22 step %scan3A_23  : i32 {
      %mul3A_28 = arith.constant 16 : i32
      %mul3A_29 = arith.muli %scan3A_27, %mul3A_28 : i32
      %get3A = arith.constant 0 : i32
      %get3A_30 = arith.index_cast %get3A : i32 to index
      %get3A_31 = arith.index_cast %mul3A_29 : i32 to index
      %get3A_32 = tpu.vector_load %arg6[%get3A_30, %get3A_31] {strides = array<i32>} : memref<16x640xf32, #tpu.memory_space<vmem>>, vector<16xf32>,
      %mul3A_33 = arith.constant 16 : i32
      %mul3A_34 = arith.muli %scan3A_27, %mul3A_33 : i32
      %get3A_35 = arith.constant 1 : i32
      %get3A_36 = arith.index_cast %get3A_35 : i32 to index
      %get3A_37 = arith.index_cast %mul3A_34 : i32 to index
      %get3A_38 = tpu.vector_load %arg6[%get3A_36, %get3A_37] {strides = array<i32>} : memref<16x640xf32, #tpu.memory_space<vmem>>, vector<16xf32>,
      %add3A_39 = arith.addf %get3A_32, %get3A_38 : vector<16xf32>
      %mul3A_40 = arith.constant 16 : i32
      %mul3A_41 = arith.muli %scan3A_27, %mul3A_40 : i32
      %get3A_42 = arith.constant 2 : i32
      %get3A_43 = arith.index_cast %get3A_42 : i32 to index
      %get3A_44 = arith.index_cast %mul3A_41 : i32 to index
      %get3A_45 = tpu.vector_load %arg6[%get3A_43, %get3A_44] {strides = array<i32>} : memref<16x640xf32, #tpu.memory_space<vmem>>, vector<16xf32>,
      %add3A_46 = arith.addf %add3A_39, %get3A_45 : vector<16xf32>
      %mul3A_47 = arith.constant 16 : i32
      %mul3A_48 = arith.muli %scan3A_27, %mul3A_47 : i32
      %get3A_49 = arith.constant 3 : i32
      %get3A_50 = arith.index_cast %get3A_49 : i32 to index
      %get3A_51 = arith.index_cast %mul3A_48 : i32 to index
      %get3A_52 = tpu.vector_load %arg6[%get3A_50, %get3A_51] {strides = array<i32>} : memref<16x640xf32, #tpu.memory_space<vmem>>, vector<16xf32>,
      %add3A_53 = arith.addf %add3A_46, %get3A_52 : vector<16xf32>
      %mul3A_54 = arith.constant 16 : i32
      %mul3A_55 = arith.muli %scan3A_27, %mul3A_54 : i32
      %get3A_56 = arith.constant 4 : i32
      %get3A_57 = arith.index_cast %get3A_56 : i32 to index
      %get3A_58 = arith.index_cast %mul3A_55 : i32 to index
      %get3A_59 = tpu.vector_load %arg6[%get3A_57, %get3A_58] {strides = array<i32>} : memref<16x640xf32, #tpu.memory_space<vmem>>, vector<16xf32>,
      %add3A_60 = arith.addf %add3A_53, %get3A_59 : vector<16xf32>
      %mul3A_61 = arith.constant 16 : i32
      %mul3A_62 = arith.muli %scan3A_27, %mul3A_61 : i32
      %get3A_63 = arith.constant 5 : i32
      %get3A_64 = arith.index_cast %get3A_63 : i32 to index
      %get3A_65 = arith.index_cast %mul3A_62 : i32 to index
      %get3A_66 = tpu.vector_load %arg6[%get3A_64, %get3A_65] {strides = array<i32>} : memref<16x640xf32, #tpu.memory_space<vmem>>, vector<16xf32>,
      %add3A_67 = arith.addf %add3A_60, %get3A_66 : vector<16xf32>
      %mul3A_68 = arith.constant 16 : i32
      %mul3A_69 = arith.muli %scan3A_27, %mul3A_68 : i32
      %get3A_70 = arith.constant 6 : i32
      %get3A_71 = arith.index_cast %get3A_70 : i32 to index
      %get3A_72 = arith.index_cast %mul3A_69 : i32 to index
      %get3A_73 = tpu.vector_load %arg6[%get3A_71, %get3A_72] {strides = array<i32>} : memref<16x640xf32, #tpu.memory_space<vmem>>, vector<16xf32>,
      %add3A_74 = arith.addf %add3A_67, %get3A_73 : vector<16xf32>
      %mul3A_75 = arith.constant 16 : i32
      %mul3A_76 = arith.muli %scan3A_27, %mul3A_75 : i32
      %get3A_77 = arith.constant 7 : i32
      %get3A_78 = arith.index_cast %get3A_77 : i32 to index
      %get3A_79 = arith.index_cast %mul3A_76 : i32 to index
      %get3A_80 = tpu.vector_load %arg6[%get3A_78, %get3A_79] {strides = array<i32>} : memref<16x640xf32, #tpu.memory_space<vmem>>, vector<16xf32>,
      %add3A_81 = arith.addf %add3A_74, %get3A_80 : vector<16xf32>
      %mul3A_82 = arith.constant 16 : i32
      %mul3A_83 = arith.muli %scan3A_27, %mul3A_82 : i32
      %get3A_84 = arith.constant 8 : i32
      %get3A_85 = arith.index_cast %get3A_84 : i32 to index
      %get3A_86 = arith.index_cast %mul3A_83 : i32 to index
      %get3A_87 = tpu.vector_load %arg6[%get3A_85, %get3A_86] {strides = array<i32>} : memref<16x640xf32, #tpu.memory_space<vmem>>, vector<16xf32>,
      %add3A_88 = arith.addf %add3A_81, %get3A_87 : vector<16xf32>
      %mul3A_89 = arith.constant 16 : i32
      %mul3A_90 = arith.muli %scan3A_27, %mul3A_89 : i32
      %get3A_91 = arith.constant 9 : i32
      %get3A_92 = arith.index_cast %get3A_91 : i32 to index
      %get3A_93 = arith.index_cast %mul3A_90 : i32 to index
      %get3A_94 = tpu.vector_load %arg6[%get3A_92, %get3A_93] {strides = array<i32>} : memref<16x640xf32, #tpu.memory_space<vmem>>, vector<16xf32>,
      %add3A_95 = arith.addf %add3A_88, %get3A_94 : vector<16xf32>
      %mul3A_96 = arith.constant 16 : i32
      %mul3A_97 = arith.muli %scan3A_27, %mul3A_96 : i32
      %get3A_98 = arith.constant 10 : i32
      %get3A_99 = arith.index_cast %get3A_98 : i32 to index
      %get3A_100 = arith.index_cast %mul3A_97 : i32 to index
      %get3A_101 = tpu.vector_load %arg6[%get3A_99, %get3A_100] {strides = array<i32>} : memref<16x640xf32, #tpu.memory_space<vmem>>, vector<16xf32>,
      %add3A_102 = arith.addf %add3A_95, %get3A_101 : vector<16xf32>
      %mul3A_103 = arith.constant 16 : i32
      %mul3A_104 = arith.muli %scan3A_27, %mul3A_103 : i32
      %get3A_105 = arith.constant 11 : i32
      %get3A_106 = arith.index_cast %get3A_105 : i32 to index
      %get3A_107 = arith.index_cast %mul3A_104 : i32 to index
      %get3A_108 = tpu.vector_load %arg6[%get3A_106, %get3A_107] {strides = array<i32>} : memref<16x640xf32, #tpu.memory_space<vmem>>, vector<16xf32>,
      %add3A_109 = arith.addf %add3A_102, %get3A_108 : vector<16xf32>
      %mul3A_110 = arith.constant 16 : i32
      %mul3A_111 = arith.muli %scan3A_27, %mul3A_110 : i32
      %get3A_112 = arith.constant 12 : i32
      %get3A_113 = arith.index_cast %get3A_112 : i32 to index
      %get3A_114 = arith.index_cast %mul3A_111 : i32 to index
      %get3A_115 = tpu.vector_load %arg6[%get3A_113, %get3A_114] {strides = array<i32>} : memref<16x640xf32, #tpu.memory_space<vmem>>, vector<16xf32>,
      %add3A_116 = arith.addf %add3A_109, %get3A_115 : vector<16xf32>
      %mul3A_117 = arith.constant 16 : i32
      %mul3A_118 = arith.muli %scan3A_27, %mul3A_117 : i32
      %get3A_119 = arith.constant 13 : i32
      %get3A_120 = arith.index_cast %get3A_119 : i32 to index
      %get3A_121 = arith.index_cast %mul3A_118 : i32 to index
      %get3A_122 = tpu.vector_load %arg6[%get3A_120, %get3A_121] {strides = array<i32>} : memref<16x640xf32, #tpu.memory_space<vmem>>, vector<16xf32>,
      %add3A_123 = arith.addf %add3A_116, %get3A_122 : vector<16xf32>
      %mul3A_124 = arith.constant 16 : i32
      %mul3A_125 = arith.muli %scan3A_27, %mul3A_124 : i32
      %get3A_126 = arith.constant 14 : i32
      %get3A_127 = arith.index_cast %get3A_126 : i32 to index
      %get3A_128 = arith.index_cast %mul3A_125 : i32 to index
      %get3A_129 = tpu.vector_load %arg6[%get3A_127, %get3A_128] {strides = array<i32>} : memref<16x640xf32, #tpu.memory_space<vmem>>, vector<16xf32>,
      %add3A_130 = arith.addf %add3A_123, %get3A_129 : vector<16xf32>
      %mul3A_131 = arith.constant 16 : i32
      %mul3A_132 = arith.muli %scan3A_27, %mul3A_131 : i32
      %get3A_133 = arith.constant 15 : i32
      %get3A_134 = arith.index_cast %get3A_133 : i32 to index
      %get3A_135 = arith.index_cast %mul3A_132 : i32 to index
      %get3A_136 = tpu.vector_load %arg6[%get3A_134, %get3A_135] {strides = array<i32>} : memref<16x640xf32, #tpu.memory_space<vmem>>, vector<16xf32>,
      %add3A_137 = arith.addf %add3A_130, %get3A_136 : vector<16xf32>
      %mul3A_138 = arith.constant 16 : i32
      %mul3A_139 = arith.muli %scan3A_27, %mul3A_138 : i32
      %swap3A = arith.index_cast %mul3A_139 : i32 to index
      %swap3A_140 = tpu.vector_load %arg7[%swap3A] {strides = array<i32>} : memref<640xf32, #tpu.memory_space<vmem>>, vector<16xf32>,
      tpu.vector_store %arg7[%swap3A], %add3A_137 {strides = array<i32>} : memref<640xf32, #tpu.memory_space<vmem>>, vector<16xf32>,
    }
    %scan3A_24 = arith.constant 40 : i32
    %mul3A_25 = arith.constant 640 : i32
    %mul3A_26 = arith.muli %arg1, %mul3A_25 : i32
    "tpu.region"() ({
      %run_scoped3A = tpu.sem_alloc : memref<!tpu.dma_semaphore, #tpu.memory_space<semaphore_mem>>
      %dma_start3A = tpu.memref_slice %arg3[%arg0, %mul3A_26] : memref<2x10240xf32, #tpu.memory_space<hbm>> -> memref<1x640xf32, #tpu.memory_space<hbm>>
      %dma_start3A_27 = tpu.memref_squeeze %dma_start3A : memref<1x640xf32, #tpu.memory_space<hbm>> -> memref<640xf32, #tpu.memory_space<hbm>>
      %dma_start3A_28 = tpu.memref_slice %arg3[%arg0, %mul3A_26] : memref<2x10240xf32, #tpu.memory_space<hbm>> -> memref<1x640xf32, #tpu.memory_space<hbm>>
      %dma_start3A_29 = tpu.memref_squeeze %dma_start3A_28 : memref<1x640xf32, #tpu.memory_space<hbm>> -> memref<640xf32, #tpu.memory_space<hbm>>
      tpu.enqueue_dma source(%arg7 : memref<640xf32, #tpu.memory_space<vmem>>) target(%dma_start3A_29 : memref<640xf32, #tpu.memory_space<hbm>>) target_semaphore(%run_scoped3A : memref<!tpu.dma_semaphore, #tpu.memory_space<semaphore_mem>>)
      %dma_wait3A = tpu.memref_slice %arg3[%arg0, %mul3A_26] : memref<2x10240xf32, #tpu.memory_space<hbm>> -> memref<1x640xf32, #tpu.memory_space<hbm>>
      %dma_wait3A_30 = tpu.memref_squeeze %dma_wait3A : memref<1x640xf32, #tpu.memory_space<hbm>> -> memref<640xf32, #tpu.memory_space<hbm>>
      %dma_wait3A_31 = tpu.memref_slice %arg3[%arg0, %mul3A_26] : memref<2x10240xf32, #tpu.memory_space<hbm>> -> memref<1x640xf32, #tpu.memory_space<hbm>>
      %dma_wait3A_32 = tpu.memref_squeeze %dma_wait3A_31 : memref<1x640xf32, #tpu.memory_space<hbm>> -> memref<640xf32, #tpu.memory_space<hbm>>
      tpu.wait_dma2 semaphore(%run_scoped3A : memref<!tpu.dma_semaphore, #tpu.memory_space<semaphore_mem>>) src(%arg7 : memref<640xf32, #tpu.memory_space<vmem>>) dst(%dma_wait3A_32 : memref<640xf32, #tpu.memory_space<hbm>>)
      tpu.yield
    }) : () -> ()
    return
  }
}

#map = affine_map<(d0, d1) -> (0, 0)>
#map1 = affine_map<(d0, d1) -> (0)>
#map2 = affine_map<(d0, d1) -> (0, 0, 0)>
module attributes {stable_mosaic.version = 14 : i64} {
  func.func @_agg_body(%arg0: i32, %arg1: i32, %arg2: memref<20480x128xf32, #tpu.memory_space<hbm>>, %arg3: memref<323584xi32, #tpu.memory_space<hbm>>, %arg4: memref<323584xi32, #tpu.memory_space<hbm>>, %arg5: memref<2x10240x128xf32, #tpu.memory_space<hbm>>, %arg6: memref<128x128xf32, #tpu.memory_space<vmem>>, %arg7: memref<128x128xf32, #tpu.memory_space<vmem>>, %arg8: memref<128xi32, #tpu.memory_space<vmem>>, %arg9: memref<128xi32, #tpu.memory_space<vmem>>, %arg10: memref<128xi32, #tpu.memory_space<vmem>>, %arg11: memref<128xi32, #tpu.memory_space<vmem>>, %arg12: memref<128xi32, #tpu.memory_space<vmem>>, %arg13: memref<128xi32, #tpu.memory_space<vmem>>, %arg14: memref<10240x128xf32, #tpu.memory_space<vmem_shared>>, %arg15: memref<!tpu.dma_semaphore, #tpu.memory_space<semaphore_mem>>, %arg16: memref<!tpu.dma_semaphore, #tpu.memory_space<semaphore_mem>>) attributes {dimension_semantics = [#tpu.dimension_semantics<core_parallel>, #tpu.dimension_semantics<subcore_parallel>], iteration_bounds = array<i64: 2, 16>, scalar_prefetch = 0 : i64, scratch_operands = 11 : i64, tpu.core_type = #tpu.core_type<sc_vector_subcore>, window_params = [{transform_indices = #map}, {transform_indices = #map1}, {transform_indices = #map1}, {transform_indices = #map2}]} {
    %mul3A = arith.constant 20224 : i32
    %mul3A_0 = arith.muli %arg1, %mul3A : i32
    %mul3A_1 = arith.constant 10240 : i32
    %mul3A_2 = arith.muli %arg0, %mul3A_1 : i32
    %broadcast_in_dim3A = vector.broadcast %mul3A_2 : i32 to vector<16xi32>
    %broadcast_in_dim3A_3 = arith.constant 0.000000e+00 : f32
    %broadcast_in_dim3A_4 = vector.broadcast %broadcast_in_dim3A_3 : f32 to vector<16xf32>
    %scan3A = arith.constant 0 : i32
    %scan3A_5 = arith.constant 0 : i32
    %scan3A_6 = arith.constant 128 : i32
    %scan3A_7 = arith.addi %scan3A_5, %scan3A_6 : i32
    %scan3A_8 = arith.constant 1 : i32
    scf.for %scan3A_196 = %scan3A_5 to %scan3A_7 step %scan3A_8  : i32 {
      %swap3A_197 = arith.index_cast %scan3A_196 : i32 to index
      %swap3A_198 = arith.constant 0 : index
      %swap3A_199 = tpu.vector_load %arg6[%swap3A_197, %swap3A_198] {strides = array<i32>} : memref<128x128xf32, #tpu.memory_space<vmem>>, vector<1x16xf32>,
      %swap3A_200 = vector.shape_cast %swap3A_199 : vector<1x16xf32> to vector<16xf32>
      %swap3A_201 = vector.shape_cast %broadcast_in_dim3A_4 : vector<16xf32> to vector<1x16xf32>
      tpu.vector_store %arg6[%swap3A_197, %swap3A_198], %swap3A_201 {strides = array<i32>} : memref<128x128xf32, #tpu.memory_space<vmem>>, vector<1x16xf32>,
      %swap3A_202 = arith.index_cast %scan3A_196 : i32 to index
      %swap3A_203 = arith.constant 16 : index
      %swap3A_204 = tpu.vector_load %arg6[%swap3A_202, %swap3A_203] {strides = array<i32>} : memref<128x128xf32, #tpu.memory_space<vmem>>, vector<1x16xf32>,
      %swap3A_205 = vector.shape_cast %swap3A_204 : vector<1x16xf32> to vector<16xf32>
      %swap3A_206 = vector.shape_cast %broadcast_in_dim3A_4 : vector<16xf32> to vector<1x16xf32>
      tpu.vector_store %arg6[%swap3A_202, %swap3A_203], %swap3A_206 {strides = array<i32>} : memref<128x128xf32, #tpu.memory_space<vmem>>, vector<1x16xf32>,
      %swap3A_207 = arith.index_cast %scan3A_196 : i32 to index
      %swap3A_208 = arith.constant 32 : index
      %swap3A_209 = tpu.vector_load %arg6[%swap3A_207, %swap3A_208] {strides = array<i32>} : memref<128x128xf32, #tpu.memory_space<vmem>>, vector<1x16xf32>,
      %swap3A_210 = vector.shape_cast %swap3A_209 : vector<1x16xf32> to vector<16xf32>
      %swap3A_211 = vector.shape_cast %broadcast_in_dim3A_4 : vector<16xf32> to vector<1x16xf32>
      tpu.vector_store %arg6[%swap3A_207, %swap3A_208], %swap3A_211 {strides = array<i32>} : memref<128x128xf32, #tpu.memory_space<vmem>>, vector<1x16xf32>,
      %swap3A_212 = arith.index_cast %scan3A_196 : i32 to index
      %swap3A_213 = arith.constant 48 : index
      %swap3A_214 = tpu.vector_load %arg6[%swap3A_212, %swap3A_213] {strides = array<i32>} : memref<128x128xf32, #tpu.memory_space<vmem>>, vector<1x16xf32>,
      %swap3A_215 = vector.shape_cast %swap3A_214 : vector<1x16xf32> to vector<16xf32>
      %swap3A_216 = vector.shape_cast %broadcast_in_dim3A_4 : vector<16xf32> to vector<1x16xf32>
      tpu.vector_store %arg6[%swap3A_212, %swap3A_213], %swap3A_216 {strides = array<i32>} : memref<128x128xf32, #tpu.memory_space<vmem>>, vector<1x16xf32>,
      %swap3A_217 = arith.index_cast %scan3A_196 : i32 to index
      %swap3A_218 = arith.constant 64 : index
      %swap3A_219 = tpu.vector_load %arg6[%swap3A_217, %swap3A_218] {strides = array<i32>} : memref<128x128xf32, #tpu.memory_space<vmem>>, vector<1x16xf32>,
      %swap3A_220 = vector.shape_cast %swap3A_219 : vector<1x16xf32> to vector<16xf32>
      %swap3A_221 = vector.shape_cast %broadcast_in_dim3A_4 : vector<16xf32> to vector<1x16xf32>
      tpu.vector_store %arg6[%swap3A_217, %swap3A_218], %swap3A_221 {strides = array<i32>} : memref<128x128xf32, #tpu.memory_space<vmem>>, vector<1x16xf32>,
      %swap3A_222 = arith.index_cast %scan3A_196 : i32 to index
      %swap3A_223 = arith.constant 80 : index
      %swap3A_224 = tpu.vector_load %arg6[%swap3A_222, %swap3A_223] {strides = array<i32>} : memref<128x128xf32, #tpu.memory_space<vmem>>, vector<1x16xf32>,
      %swap3A_225 = vector.shape_cast %swap3A_224 : vector<1x16xf32> to vector<16xf32>
      %swap3A_226 = vector.shape_cast %broadcast_in_dim3A_4 : vector<16xf32> to vector<1x16xf32>
      tpu.vector_store %arg6[%swap3A_222, %swap3A_223], %swap3A_226 {strides = array<i32>} : memref<128x128xf32, #tpu.memory_space<vmem>>, vector<1x16xf32>,
      %swap3A_227 = arith.index_cast %scan3A_196 : i32 to index
      %swap3A_228 = arith.constant 96 : index
      %swap3A_229 = tpu.vector_load %arg6[%swap3A_227, %swap3A_228] {strides = array<i32>} : memref<128x128xf32, #tpu.memory_space<vmem>>, vector<1x16xf32>,
      %swap3A_230 = vector.shape_cast %swap3A_229 : vector<1x16xf32> to vector<16xf32>
      %swap3A_231 = vector.shape_cast %broadcast_in_dim3A_4 : vector<16xf32> to vector<1x16xf32>
      tpu.vector_store %arg6[%swap3A_227, %swap3A_228], %swap3A_231 {strides = array<i32>} : memref<128x128xf32, #tpu.memory_space<vmem>>, vector<1x16xf32>,
      %swap3A_232 = arith.index_cast %scan3A_196 : i32 to index
      %swap3A_233 = arith.constant 112 : index
      %swap3A_234 = tpu.vector_load %arg6[%swap3A_232, %swap3A_233] {strides = array<i32>} : memref<128x128xf32, #tpu.memory_space<vmem>>, vector<1x16xf32>,
      %swap3A_235 = vector.shape_cast %swap3A_234 : vector<1x16xf32> to vector<16xf32>
      %swap3A_236 = vector.shape_cast %broadcast_in_dim3A_4 : vector<16xf32> to vector<1x16xf32>
      tpu.vector_store %arg6[%swap3A_232, %swap3A_233], %swap3A_236 {strides = array<i32>} : memref<128x128xf32, #tpu.memory_space<vmem>>, vector<1x16xf32>,
    }
    %scan3A_9 = arith.constant 128 : i32
    %mul3A_10 = arith.constant 640 : i32
    %mul3A_11 = arith.muli %arg1, %mul3A_10 : i32
    %add3A = arith.constant 0 : i32
    %add3A_12 = arith.addi %mul3A_11, %add3A : i32
    "tpu.region"() ({
      %run_scoped3A = tpu.sem_alloc : memref<!tpu.dma_semaphore, #tpu.memory_space<semaphore_mem>>
      %dma_start3A_196 = arith.constant 0 : i32
      %dma_start3A_197 = tpu.memref_slice %arg14[%add3A_12, %dma_start3A_196] : memref<10240x128xf32, #tpu.memory_space<vmem_shared>> -> memref<128x128xf32, #tpu.memory_space<vmem_shared>>
      %dma_start3A_198 = arith.constant 0 : i32
      %dma_start3A_199 = tpu.memref_slice %arg14[%add3A_12, %dma_start3A_198] : memref<10240x128xf32, #tpu.memory_space<vmem_shared>> -> memref<128x128xf32, #tpu.memory_space<vmem_shared>>
      tpu.enqueue_dma source(%arg6 : memref<128x128xf32, #tpu.memory_space<vmem>>) target(%dma_start3A_199 : memref<128x128xf32, #tpu.memory_space<vmem_shared>>) target_semaphore(%run_scoped3A : memref<!tpu.dma_semaphore, #tpu.memory_space<semaphore_mem>>)
      %dma_wait3A_200 = arith.constant 0 : i32
      %dma_wait3A_201 = tpu.memref_slice %arg14[%add3A_12, %dma_wait3A_200] : memref<10240x128xf32, #tpu.memory_space<vmem_shared>> -> memref<128x128xf32, #tpu.memory_space<vmem_shared>>
      %dma_wait3A_202 = arith.constant 0 : i32
      %dma_wait3A_203 = tpu.memref_slice %arg14[%add3A_12, %dma_wait3A_202] : memref<10240x128xf32, #tpu.memory_space<vmem_shared>> -> memref<128x128xf32, #tpu.memory_space<vmem_shared>>
      tpu.wait_dma2 semaphore(%run_scoped3A : memref<!tpu.dma_semaphore, #tpu.memory_space<semaphore_mem>>) src(%arg6 : memref<128x128xf32, #tpu.memory_space<vmem>>) dst(%dma_wait3A_203 : memref<128x128xf32, #tpu.memory_space<vmem_shared>>)
      tpu.yield
    }) : () -> ()
    %mul3A_13 = arith.constant 640 : i32
    %mul3A_14 = arith.muli %arg1, %mul3A_13 : i32
    %add3A_15 = arith.constant 128 : i32
    %add3A_16 = arith.addi %mul3A_14, %add3A_15 : i32
    "tpu.region"() ({
      %run_scoped3A = tpu.sem_alloc : memref<!tpu.dma_semaphore, #tpu.memory_space<semaphore_mem>>
      %dma_start3A_196 = arith.constant 0 : i32
      %dma_start3A_197 = tpu.memref_slice %arg14[%add3A_16, %dma_start3A_196] : memref<10240x128xf32, #tpu.memory_space<vmem_shared>> -> memref<128x128xf32, #tpu.memory_space<vmem_shared>>
      %dma_start3A_198 = arith.constant 0 : i32
      %dma_start3A_199 = tpu.memref_slice %arg14[%add3A_16, %dma_start3A_198] : memref<10240x128xf32, #tpu.memory_space<vmem_shared>> -> memref<128x128xf32, #tpu.memory_space<vmem_shared>>
      tpu.enqueue_dma source(%arg6 : memref<128x128xf32, #tpu.memory_space<vmem>>) target(%dma_start3A_199 : memref<128x128xf32, #tpu.memory_space<vmem_shared>>) target_semaphore(%run_scoped3A : memref<!tpu.dma_semaphore, #tpu.memory_space<semaphore_mem>>)
      %dma_wait3A_200 = arith.constant 0 : i32
      %dma_wait3A_201 = tpu.memref_slice %arg14[%add3A_16, %dma_wait3A_200] : memref<10240x128xf32, #tpu.memory_space<vmem_shared>> -> memref<128x128xf32, #tpu.memory_space<vmem_shared>>
      %dma_wait3A_202 = arith.constant 0 : i32
      %dma_wait3A_203 = tpu.memref_slice %arg14[%add3A_16, %dma_wait3A_202] : memref<10240x128xf32, #tpu.memory_space<vmem_shared>> -> memref<128x128xf32, #tpu.memory_space<vmem_shared>>
      tpu.wait_dma2 semaphore(%run_scoped3A : memref<!tpu.dma_semaphore, #tpu.memory_space<semaphore_mem>>) src(%arg6 : memref<128x128xf32, #tpu.memory_space<vmem>>) dst(%dma_wait3A_203 : memref<128x128xf32, #tpu.memory_space<vmem_shared>>)
      tpu.yield
    }) : () -> ()
    %mul3A_17 = arith.constant 640 : i32
    %mul3A_18 = arith.muli %arg1, %mul3A_17 : i32
    %add3A_19 = arith.constant 256 : i32
    %add3A_20 = arith.addi %mul3A_18, %add3A_19 : i32
    "tpu.region"() ({
      %run_scoped3A = tpu.sem_alloc : memref<!tpu.dma_semaphore, #tpu.memory_space<semaphore_mem>>
      %dma_start3A_196 = arith.constant 0 : i32
      %dma_start3A_197 = tpu.memref_slice %arg14[%add3A_20, %dma_start3A_196] : memref<10240x128xf32, #tpu.memory_space<vmem_shared>> -> memref<128x128xf32, #tpu.memory_space<vmem_shared>>
      %dma_start3A_198 = arith.constant 0 : i32
      %dma_start3A_199 = tpu.memref_slice %arg14[%add3A_20, %dma_start3A_198] : memref<10240x128xf32, #tpu.memory_space<vmem_shared>> -> memref<128x128xf32, #tpu.memory_space<vmem_shared>>
      tpu.enqueue_dma source(%arg6 : memref<128x128xf32, #tpu.memory_space<vmem>>) target(%dma_start3A_199 : memref<128x128xf32, #tpu.memory_space<vmem_shared>>) target_semaphore(%run_scoped3A : memref<!tpu.dma_semaphore, #tpu.memory_space<semaphore_mem>>)
      %dma_wait3A_200 = arith.constant 0 : i32
      %dma_wait3A_201 = tpu.memref_slice %arg14[%add3A_20, %dma_wait3A_200] : memref<10240x128xf32, #tpu.memory_space<vmem_shared>> -> memref<128x128xf32, #tpu.memory_space<vmem_shared>>
      %dma_wait3A_202 = arith.constant 0 : i32
      %dma_wait3A_203 = tpu.memref_slice %arg14[%add3A_20, %dma_wait3A_202] : memref<10240x128xf32, #tpu.memory_space<vmem_shared>> -> memref<128x128xf32, #tpu.memory_space<vmem_shared>>
      tpu.wait_dma2 semaphore(%run_scoped3A : memref<!tpu.dma_semaphore, #tpu.memory_space<semaphore_mem>>) src(%arg6 : memref<128x128xf32, #tpu.memory_space<vmem>>) dst(%dma_wait3A_203 : memref<128x128xf32, #tpu.memory_space<vmem_shared>>)
      tpu.yield
    }) : () -> ()
    %mul3A_21 = arith.constant 640 : i32
    %mul3A_22 = arith.muli %arg1, %mul3A_21 : i32
    %add3A_23 = arith.constant 384 : i32
    %add3A_24 = arith.addi %mul3A_22, %add3A_23 : i32
    "tpu.region"() ({
      %run_scoped3A = tpu.sem_alloc : memref<!tpu.dma_semaphore, #tpu.memory_space<semaphore_mem>>
      %dma_start3A_196 = arith.constant 0 : i32
      %dma_start3A_197 = tpu.memref_slice %arg14[%add3A_24, %dma_start3A_196] : memref<10240x128xf32, #tpu.memory_space<vmem_shared>> -> memref<128x128xf32, #tpu.memory_space<vmem_shared>>
      %dma_start3A_198 = arith.constant 0 : i32
      %dma_start3A_199 = tpu.memref_slice %arg14[%add3A_24, %dma_start3A_198] : memref<10240x128xf32, #tpu.memory_space<vmem_shared>> -> memref<128x128xf32, #tpu.memory_space<vmem_shared>>
      tpu.enqueue_dma source(%arg6 : memref<128x128xf32, #tpu.memory_space<vmem>>) target(%dma_start3A_199 : memref<128x128xf32, #tpu.memory_space<vmem_shared>>) target_semaphore(%run_scoped3A : memref<!tpu.dma_semaphore, #tpu.memory_space<semaphore_mem>>)
      %dma_wait3A_200 = arith.constant 0 : i32
      %dma_wait3A_201 = tpu.memref_slice %arg14[%add3A_24, %dma_wait3A_200] : memref<10240x128xf32, #tpu.memory_space<vmem_shared>> -> memref<128x128xf32, #tpu.memory_space<vmem_shared>>
      %dma_wait3A_202 = arith.constant 0 : i32
      %dma_wait3A_203 = tpu.memref_slice %arg14[%add3A_24, %dma_wait3A_202] : memref<10240x128xf32, #tpu.memory_space<vmem_shared>> -> memref<128x128xf32, #tpu.memory_space<vmem_shared>>
      tpu.wait_dma2 semaphore(%run_scoped3A : memref<!tpu.dma_semaphore, #tpu.memory_space<semaphore_mem>>) src(%arg6 : memref<128x128xf32, #tpu.memory_space<vmem>>) dst(%dma_wait3A_203 : memref<128x128xf32, #tpu.memory_space<vmem_shared>>)
      tpu.yield
    }) : () -> ()
    %mul3A_25 = arith.constant 640 : i32
    %mul3A_26 = arith.muli %arg1, %mul3A_25 : i32
    %add3A_27 = arith.constant 512 : i32
    %add3A_28 = arith.addi %mul3A_26, %add3A_27 : i32
    "tpu.region"() ({
      %run_scoped3A = tpu.sem_alloc : memref<!tpu.dma_semaphore, #tpu.memory_space<semaphore_mem>>
      %dma_start3A_196 = arith.constant 0 : i32
      %dma_start3A_197 = tpu.memref_slice %arg14[%add3A_28, %dma_start3A_196] : memref<10240x128xf32, #tpu.memory_space<vmem_shared>> -> memref<128x128xf32, #tpu.memory_space<vmem_shared>>
      %dma_start3A_198 = arith.constant 0 : i32
      %dma_start3A_199 = tpu.memref_slice %arg14[%add3A_28, %dma_start3A_198] : memref<10240x128xf32, #tpu.memory_space<vmem_shared>> -> memref<128x128xf32, #tpu.memory_space<vmem_shared>>
      tpu.enqueue_dma source(%arg6 : memref<128x128xf32, #tpu.memory_space<vmem>>) target(%dma_start3A_199 : memref<128x128xf32, #tpu.memory_space<vmem_shared>>) target_semaphore(%run_scoped3A : memref<!tpu.dma_semaphore, #tpu.memory_space<semaphore_mem>>)
      %dma_wait3A_200 = arith.constant 0 : i32
      %dma_wait3A_201 = tpu.memref_slice %arg14[%add3A_28, %dma_wait3A_200] : memref<10240x128xf32, #tpu.memory_space<vmem_shared>> -> memref<128x128xf32, #tpu.memory_space<vmem_shared>>
      %dma_wait3A_202 = arith.constant 0 : i32
      %dma_wait3A_203 = tpu.memref_slice %arg14[%add3A_28, %dma_wait3A_202] : memref<10240x128xf32, #tpu.memory_space<vmem_shared>> -> memref<128x128xf32, #tpu.memory_space<vmem_shared>>
      tpu.wait_dma2 semaphore(%run_scoped3A : memref<!tpu.dma_semaphore, #tpu.memory_space<semaphore_mem>>) src(%arg6 : memref<128x128xf32, #tpu.memory_space<vmem>>) dst(%dma_wait3A_203 : memref<128x128xf32, #tpu.memory_space<vmem_shared>>)
      tpu.yield
    }) : () -> ()
    %barrier3A = arith.constant 0 : index
    tpu.barrier barrier_id(%barrier3A)
    %add3A_29 = arith.constant 0 : i32
    %add3A_30 = arith.addi %mul3A_0, %add3A_29 : i32
    "tpu.region"() ({
      %run_scoped3A = tpu.sem_alloc : memref<!tpu.dma_semaphore, #tpu.memory_space<semaphore_mem>>
      %dma_start3A_196 = tpu.memref_slice %arg3[%add3A_30] : memref<323584xi32, #tpu.memory_space<hbm>> -> memref<128xi32, #tpu.memory_space<hbm>>
      %dma_start3A_197 = tpu.memref_slice %arg3[%add3A_30] : memref<323584xi32, #tpu.memory_space<hbm>> -> memref<128xi32, #tpu.memory_space<hbm>>
      tpu.enqueue_dma source(%dma_start3A_197 : memref<128xi32, #tpu.memory_space<hbm>>) target(%arg8 : memref<128xi32, #tpu.memory_space<vmem>>) target_semaphore(%run_scoped3A : memref<!tpu.dma_semaphore, #tpu.memory_space<semaphore_mem>>)
      %dma_wait3A_198 = tpu.memref_slice %arg3[%add3A_30] : memref<323584xi32, #tpu.memory_space<hbm>> -> memref<128xi32, #tpu.memory_space<hbm>>
      %dma_wait3A_199 = tpu.memref_slice %arg3[%add3A_30] : memref<323584xi32, #tpu.memory_space<hbm>> -> memref<128xi32, #tpu.memory_space<hbm>>
      tpu.wait_dma2 semaphore(%run_scoped3A : memref<!tpu.dma_semaphore, #tpu.memory_space<semaphore_mem>>) src(%dma_wait3A_199 : memref<128xi32, #tpu.memory_space<hbm>>) dst(%arg8 : memref<128xi32, #tpu.memory_space<vmem>>)
      tpu.yield
    }) : () -> ()
    %add3A_31 = arith.constant 0 : i32
    %add3A_32 = arith.addi %mul3A_0, %add3A_31 : i32
    "tpu.region"() ({
      %run_scoped3A = tpu.sem_alloc : memref<!tpu.dma_semaphore, #tpu.memory_space<semaphore_mem>>
      %dma_start3A_196 = tpu.memref_slice %arg4[%add3A_32] : memref<323584xi32, #tpu.memory_space<hbm>> -> memref<128xi32, #tpu.memory_space<hbm>>
      %dma_start3A_197 = tpu.memref_slice %arg4[%add3A_32] : memref<323584xi32, #tpu.memory_space<hbm>> -> memref<128xi32, #tpu.memory_space<hbm>>
      tpu.enqueue_dma source(%dma_start3A_197 : memref<128xi32, #tpu.memory_space<hbm>>) target(%arg10 : memref<128xi32, #tpu.memory_space<vmem>>) target_semaphore(%run_scoped3A : memref<!tpu.dma_semaphore, #tpu.memory_space<semaphore_mem>>)
      %dma_wait3A_198 = tpu.memref_slice %arg4[%add3A_32] : memref<323584xi32, #tpu.memory_space<hbm>> -> memref<128xi32, #tpu.memory_space<hbm>>
      %dma_wait3A_199 = tpu.memref_slice %arg4[%add3A_32] : memref<323584xi32, #tpu.memory_space<hbm>> -> memref<128xi32, #tpu.memory_space<hbm>>
      tpu.wait_dma2 semaphore(%run_scoped3A : memref<!tpu.dma_semaphore, #tpu.memory_space<semaphore_mem>>) src(%dma_wait3A_199 : memref<128xi32, #tpu.memory_space<hbm>>) dst(%arg10 : memref<128xi32, #tpu.memory_space<vmem>>)
      tpu.yield
    }) : () -> ()
    %get3A = arith.constant 0 : index
    %get3A_33 = tpu.vector_load %arg8[%get3A] {strides = array<i32>} : memref<128xi32, #tpu.memory_space<vmem>>, vector<16xi32>,
    %get3A_34 = vector.shape_cast %get3A_33 : vector<16xi32> to vector<16xi32>
    %add3A_35 = arith.addi %get3A_34, %broadcast_in_dim3A : vector<16xi32>
    %swap3A = arith.constant 0 : index
    %swap3A_36 = tpu.vector_load %arg8[%swap3A] {strides = array<i32>} : memref<128xi32, #tpu.memory_space<vmem>>, vector<16xi32>,
    %swap3A_37 = vector.shape_cast %swap3A_36 : vector<16xi32> to vector<16xi32>
    %swap3A_38 = vector.shape_cast %add3A_35 : vector<16xi32> to vector<16xi32>
    tpu.vector_store %arg8[%swap3A], %swap3A_38 {strides = array<i32>} : memref<128xi32, #tpu.memory_space<vmem>>, vector<16xi32>,
    %get3A_39 = arith.constant 16 : index
    %get3A_40 = tpu.vector_load %arg8[%get3A_39] {strides = array<i32>} : memref<128xi32, #tpu.memory_space<vmem>>, vector<16xi32>,
    %get3A_41 = vector.shape_cast %get3A_40 : vector<16xi32> to vector<16xi32>
    %add3A_42 = arith.addi %get3A_41, %broadcast_in_dim3A : vector<16xi32>
    %swap3A_43 = arith.constant 16 : index
    %swap3A_44 = tpu.vector_load %arg8[%swap3A_43] {strides = array<i32>} : memref<128xi32, #tpu.memory_space<vmem>>, vector<16xi32>,
    %swap3A_45 = vector.shape_cast %swap3A_44 : vector<16xi32> to vector<16xi32>
    %swap3A_46 = vector.shape_cast %add3A_42 : vector<16xi32> to vector<16xi32>
    tpu.vector_store %arg8[%swap3A_43], %swap3A_46 {strides = array<i32>} : memref<128xi32, #tpu.memory_space<vmem>>, vector<16xi32>,
    %get3A_47 = arith.constant 32 : index
    %get3A_48 = tpu.vector_load %arg8[%get3A_47] {strides = array<i32>} : memref<128xi32, #tpu.memory_space<vmem>>, vector<16xi32>,
    %get3A_49 = vector.shape_cast %get3A_48 : vector<16xi32> to vector<16xi32>
    %add3A_50 = arith.addi %get3A_49, %broadcast_in_dim3A : vector<16xi32>
    %swap3A_51 = arith.constant 32 : index
    %swap3A_52 = tpu.vector_load %arg8[%swap3A_51] {strides = array<i32>} : memref<128xi32, #tpu.memory_space<vmem>>, vector<16xi32>,
    %swap3A_53 = vector.shape_cast %swap3A_52 : vector<16xi32> to vector<16xi32>
    %swap3A_54 = vector.shape_cast %add3A_50 : vector<16xi32> to vector<16xi32>
    tpu.vector_store %arg8[%swap3A_51], %swap3A_54 {strides = array<i32>} : memref<128xi32, #tpu.memory_space<vmem>>, vector<16xi32>,
    %get3A_55 = arith.constant 48 : index
    %get3A_56 = tpu.vector_load %arg8[%get3A_55] {strides = array<i32>} : memref<128xi32, #tpu.memory_space<vmem>>, vector<16xi32>,
    %get3A_57 = vector.shape_cast %get3A_56 : vector<16xi32> to vector<16xi32>
    %add3A_58 = arith.addi %get3A_57, %broadcast_in_dim3A : vector<16xi32>
    %swap3A_59 = arith.constant 48 : index
    %swap3A_60 = tpu.vector_load %arg8[%swap3A_59] {strides = array<i32>} : memref<128xi32, #tpu.memory_space<vmem>>, vector<16xi32>,
    %swap3A_61 = vector.shape_cast %swap3A_60 : vector<16xi32> to vector<16xi32>
    %swap3A_62 = vector.shape_cast %add3A_58 : vector<16xi32> to vector<16xi32>
    tpu.vector_store %arg8[%swap3A_59], %swap3A_62 {strides = array<i32>} : memref<128xi32, #tpu.memory_space<vmem>>, vector<16xi32>,
    %get3A_63 = arith.constant 64 : index
    %get3A_64 = tpu.vector_load %arg8[%get3A_63] {strides = array<i32>} : memref<128xi32, #tpu.memory_space<vmem>>, vector<16xi32>,
    %get3A_65 = vector.shape_cast %get3A_64 : vector<16xi32> to vector<16xi32>
    %add3A_66 = arith.addi %get3A_65, %broadcast_in_dim3A : vector<16xi32>
    %swap3A_67 = arith.constant 64 : index
    %swap3A_68 = tpu.vector_load %arg8[%swap3A_67] {strides = array<i32>} : memref<128xi32, #tpu.memory_space<vmem>>, vector<16xi32>,
    %swap3A_69 = vector.shape_cast %swap3A_68 : vector<16xi32> to vector<16xi32>
    %swap3A_70 = vector.shape_cast %add3A_66 : vector<16xi32> to vector<16xi32>
    tpu.vector_store %arg8[%swap3A_67], %swap3A_70 {strides = array<i32>} : memref<128xi32, #tpu.memory_space<vmem>>, vector<16xi32>,
    %get3A_71 = arith.constant 80 : index
    %get3A_72 = tpu.vector_load %arg8[%get3A_71] {strides = array<i32>} : memref<128xi32, #tpu.memory_space<vmem>>, vector<16xi32>,
    %get3A_73 = vector.shape_cast %get3A_72 : vector<16xi32> to vector<16xi32>
    %add3A_74 = arith.addi %get3A_73, %broadcast_in_dim3A : vector<16xi32>
    %swap3A_75 = arith.constant 80 : index
    %swap3A_76 = tpu.vector_load %arg8[%swap3A_75] {strides = array<i32>} : memref<128xi32, #tpu.memory_space<vmem>>, vector<16xi32>,
    %swap3A_77 = vector.shape_cast %swap3A_76 : vector<16xi32> to vector<16xi32>
    %swap3A_78 = vector.shape_cast %add3A_74 : vector<16xi32> to vector<16xi32>
    tpu.vector_store %arg8[%swap3A_75], %swap3A_78 {strides = array<i32>} : memref<128xi32, #tpu.memory_space<vmem>>, vector<16xi32>,
    %get3A_79 = arith.constant 96 : index
    %get3A_80 = tpu.vector_load %arg8[%get3A_79] {strides = array<i32>} : memref<128xi32, #tpu.memory_space<vmem>>, vector<16xi32>,
    %get3A_81 = vector.shape_cast %get3A_80 : vector<16xi32> to vector<16xi32>
    %add3A_82 = arith.addi %get3A_81, %broadcast_in_dim3A : vector<16xi32>
    %swap3A_83 = arith.constant 96 : index
    %swap3A_84 = tpu.vector_load %arg8[%swap3A_83] {strides = array<i32>} : memref<128xi32, #tpu.memory_space<vmem>>, vector<16xi32>,
    %swap3A_85 = vector.shape_cast %swap3A_84 : vector<16xi32> to vector<16xi32>
    %swap3A_86 = vector.shape_cast %add3A_82 : vector<16xi32> to vector<16xi32>
    tpu.vector_store %arg8[%swap3A_83], %swap3A_86 {strides = array<i32>} : memref<128xi32, #tpu.memory_space<vmem>>, vector<16xi32>,
    %get3A_87 = arith.constant 112 : index
    %get3A_88 = tpu.vector_load %arg8[%get3A_87] {strides = array<i32>} : memref<128xi32, #tpu.memory_space<vmem>>, vector<16xi32>,
    %get3A_89 = vector.shape_cast %get3A_88 : vector<16xi32> to vector<16xi32>
    %add3A_90 = arith.addi %get3A_89, %broadcast_in_dim3A : vector<16xi32>
    %swap3A_91 = arith.constant 112 : index
    %swap3A_92 = tpu.vector_load %arg8[%swap3A_91] {strides = array<i32>} : memref<128xi32, #tpu.memory_space<vmem>>, vector<16xi32>,
    %swap3A_93 = vector.shape_cast %swap3A_92 : vector<16xi32> to vector<16xi32>
    %swap3A_94 = vector.shape_cast %add3A_90 : vector<16xi32> to vector<16xi32>
    tpu.vector_store %arg8[%swap3A_91], %swap3A_94 {strides = array<i32>} : memref<128xi32, #tpu.memory_space<vmem>>, vector<16xi32>,
    %dma_start3A = arith.constant 0 : i32
    %dma_start3A_95 = arith.constant 0 : i32
    %dma_start3A_96 = tpu.memref_slice %arg2[%dma_start3A, %dma_start3A_95] : memref<20480x128xf32, #tpu.memory_space<hbm>> -> memref<20480x128xf32, #tpu.memory_space<hbm>>
    tpu.enqueue_indirect_dma source(%dma_start3A_96 : memref<20480x128xf32, #tpu.memory_space<hbm>>) target(%arg6 : memref<128x128xf32, #tpu.memory_space<vmem>>) offsets(%arg8 : memref<128xi32, #tpu.memory_space<vmem>>) semaphore(%arg15 : memref<!tpu.dma_semaphore, #tpu.memory_space<semaphore_mem>>)
    %add3A_97 = arith.constant 128 : i32
    %add3A_98 = arith.addi %mul3A_0, %add3A_97 : i32
    "tpu.region"() ({
      %run_scoped3A = tpu.sem_alloc : memref<!tpu.dma_semaphore, #tpu.memory_space<semaphore_mem>>
      %dma_start3A_196 = tpu.memref_slice %arg3[%add3A_98] : memref<323584xi32, #tpu.memory_space<hbm>> -> memref<128xi32, #tpu.memory_space<hbm>>
      %dma_start3A_197 = tpu.memref_slice %arg3[%add3A_98] : memref<323584xi32, #tpu.memory_space<hbm>> -> memref<128xi32, #tpu.memory_space<hbm>>
      tpu.enqueue_dma source(%dma_start3A_197 : memref<128xi32, #tpu.memory_space<hbm>>) target(%arg9 : memref<128xi32, #tpu.memory_space<vmem>>) target_semaphore(%run_scoped3A : memref<!tpu.dma_semaphore, #tpu.memory_space<semaphore_mem>>)
      %dma_wait3A_198 = tpu.memref_slice %arg3[%add3A_98] : memref<323584xi32, #tpu.memory_space<hbm>> -> memref<128xi32, #tpu.memory_space<hbm>>
      %dma_wait3A_199 = tpu.memref_slice %arg3[%add3A_98] : memref<323584xi32, #tpu.memory_space<hbm>> -> memref<128xi32, #tpu.memory_space<hbm>>
      tpu.wait_dma2 semaphore(%run_scoped3A : memref<!tpu.dma_semaphore, #tpu.memory_space<semaphore_mem>>) src(%dma_wait3A_199 : memref<128xi32, #tpu.memory_space<hbm>>) dst(%arg9 : memref<128xi32, #tpu.memory_space<vmem>>)
      tpu.yield
    }) : () -> ()
    %add3A_99 = arith.constant 128 : i32
    %add3A_100 = arith.addi %mul3A_0, %add3A_99 : i32
    "tpu.region"() ({
      %run_scoped3A = tpu.sem_alloc : memref<!tpu.dma_semaphore, #tpu.memory_space<semaphore_mem>>
      %dma_start3A_196 = tpu.memref_slice %arg4[%add3A_100] : memref<323584xi32, #tpu.memory_space<hbm>> -> memref<128xi32, #tpu.memory_space<hbm>>
      %dma_start3A_197 = tpu.memref_slice %arg4[%add3A_100] : memref<323584xi32, #tpu.memory_space<hbm>> -> memref<128xi32, #tpu.memory_space<hbm>>
      tpu.enqueue_dma source(%dma_start3A_197 : memref<128xi32, #tpu.memory_space<hbm>>) target(%arg12 : memref<128xi32, #tpu.memory_space<vmem>>) target_semaphore(%run_scoped3A : memref<!tpu.dma_semaphore, #tpu.memory_space<semaphore_mem>>)
      %dma_wait3A_198 = tpu.memref_slice %arg4[%add3A_100] : memref<323584xi32, #tpu.memory_space<hbm>> -> memref<128xi32, #tpu.memory_space<hbm>>
      %dma_wait3A_199 = tpu.memref_slice %arg4[%add3A_100] : memref<323584xi32, #tpu.memory_space<hbm>> -> memref<128xi32, #tpu.memory_space<hbm>>
      tpu.wait_dma2 semaphore(%run_scoped3A : memref<!tpu.dma_semaphore, #tpu.memory_space<semaphore_mem>>) src(%dma_wait3A_199 : memref<128xi32, #tpu.memory_space<hbm>>) dst(%arg12 : memref<128xi32, #tpu.memory_space<vmem>>)
      tpu.yield
    }) : () -> ()
    %get3A_101 = arith.constant 0 : index
    %get3A_102 = tpu.vector_load %arg9[%get3A_101] {strides = array<i32>} : memref<128xi32, #tpu.memory_space<vmem>>, vector<16xi32>,
    %get3A_103 = vector.shape_cast %get3A_102 : vector<16xi32> to vector<16xi32>
    %add3A_104 = arith.addi %get3A_103, %broadcast_in_dim3A : vector<16xi32>
    %swap3A_105 = arith.constant 0 : index
    %swap3A_106 = tpu.vector_load %arg9[%swap3A_105] {strides = array<i32>} : memref<128xi32, #tpu.memory_space<vmem>>, vector<16xi32>,
    %swap3A_107 = vector.shape_cast %swap3A_106 : vector<16xi32> to vector<16xi32>
    %swap3A_108 = vector.shape_cast %add3A_104 : vector<16xi32> to vector<16xi32>
    tpu.vector_store %arg9[%swap3A_105], %swap3A_108 {strides = array<i32>} : memref<128xi32, #tpu.memory_space<vmem>>, vector<16xi32>,
    %get3A_109 = arith.constant 16 : index
    %get3A_110 = tpu.vector_load %arg9[%get3A_109] {strides = array<i32>} : memref<128xi32, #tpu.memory_space<vmem>>, vector<16xi32>,
    %get3A_111 = vector.shape_cast %get3A_110 : vector<16xi32> to vector<16xi32>
    %add3A_112 = arith.addi %get3A_111, %broadcast_in_dim3A : vector<16xi32>
    %swap3A_113 = arith.constant 16 : index
    %swap3A_114 = tpu.vector_load %arg9[%swap3A_113] {strides = array<i32>} : memref<128xi32, #tpu.memory_space<vmem>>, vector<16xi32>,
    %swap3A_115 = vector.shape_cast %swap3A_114 : vector<16xi32> to vector<16xi32>
    %swap3A_116 = vector.shape_cast %add3A_112 : vector<16xi32> to vector<16xi32>
    tpu.vector_store %arg9[%swap3A_113], %swap3A_116 {strides = array<i32>} : memref<128xi32, #tpu.memory_space<vmem>>, vector<16xi32>,
    %get3A_117 = arith.constant 32 : index
    %get3A_118 = tpu.vector_load %arg9[%get3A_117] {strides = array<i32>} : memref<128xi32, #tpu.memory_space<vmem>>, vector<16xi32>,
    %get3A_119 = vector.shape_cast %get3A_118 : vector<16xi32> to vector<16xi32>
    %add3A_120 = arith.addi %get3A_119, %broadcast_in_dim3A : vector<16xi32>
    %swap3A_121 = arith.constant 32 : index
    %swap3A_122 = tpu.vector_load %arg9[%swap3A_121] {strides = array<i32>} : memref<128xi32, #tpu.memory_space<vmem>>, vector<16xi32>,
    %swap3A_123 = vector.shape_cast %swap3A_122 : vector<16xi32> to vector<16xi32>
    %swap3A_124 = vector.shape_cast %add3A_120 : vector<16xi32> to vector<16xi32>
    tpu.vector_store %arg9[%swap3A_121], %swap3A_124 {strides = array<i32>} : memref<128xi32, #tpu.memory_space<vmem>>, vector<16xi32>,
    %get3A_125 = arith.constant 48 : index
    %get3A_126 = tpu.vector_load %arg9[%get3A_125] {strides = array<i32>} : memref<128xi32, #tpu.memory_space<vmem>>, vector<16xi32>,
    %get3A_127 = vector.shape_cast %get3A_126 : vector<16xi32> to vector<16xi32>
    %add3A_128 = arith.addi %get3A_127, %broadcast_in_dim3A : vector<16xi32>
    %swap3A_129 = arith.constant 48 : index
    %swap3A_130 = tpu.vector_load %arg9[%swap3A_129] {strides = array<i32>} : memref<128xi32, #tpu.memory_space<vmem>>, vector<16xi32>,
    %swap3A_131 = vector.shape_cast %swap3A_130 : vector<16xi32> to vector<16xi32>
    %swap3A_132 = vector.shape_cast %add3A_128 : vector<16xi32> to vector<16xi32>
    tpu.vector_store %arg9[%swap3A_129], %swap3A_132 {strides = array<i32>} : memref<128xi32, #tpu.memory_space<vmem>>, vector<16xi32>,
    %get3A_133 = arith.constant 64 : index
    %get3A_134 = tpu.vector_load %arg9[%get3A_133] {strides = array<i32>} : memref<128xi32, #tpu.memory_space<vmem>>, vector<16xi32>,
    %get3A_135 = vector.shape_cast %get3A_134 : vector<16xi32> to vector<16xi32>
    %add3A_136 = arith.addi %get3A_135, %broadcast_in_dim3A : vector<16xi32>
    %swap3A_137 = arith.constant 64 : index
    %swap3A_138 = tpu.vector_load %arg9[%swap3A_137] {strides = array<i32>} : memref<128xi32, #tpu.memory_space<vmem>>, vector<16xi32>,
    %swap3A_139 = vector.shape_cast %swap3A_138 : vector<16xi32> to vector<16xi32>
    %swap3A_140 = vector.shape_cast %add3A_136 : vector<16xi32> to vector<16xi32>
    tpu.vector_store %arg9[%swap3A_137], %swap3A_140 {strides = array<i32>} : memref<128xi32, #tpu.memory_space<vmem>>, vector<16xi32>,
    %get3A_141 = arith.constant 80 : index
    %get3A_142 = tpu.vector_load %arg9[%get3A_141] {strides = array<i32>} : memref<128xi32, #tpu.memory_space<vmem>>, vector<16xi32>,
    %get3A_143 = vector.shape_cast %get3A_142 : vector<16xi32> to vector<16xi32>
    %add3A_144 = arith.addi %get3A_143, %broadcast_in_dim3A : vector<16xi32>
    %swap3A_145 = arith.constant 80 : index
    %swap3A_146 = tpu.vector_load %arg9[%swap3A_145] {strides = array<i32>} : memref<128xi32, #tpu.memory_space<vmem>>, vector<16xi32>,
    %swap3A_147 = vector.shape_cast %swap3A_146 : vector<16xi32> to vector<16xi32>
    %swap3A_148 = vector.shape_cast %add3A_144 : vector<16xi32> to vector<16xi32>
    tpu.vector_store %arg9[%swap3A_145], %swap3A_148 {strides = array<i32>} : memref<128xi32, #tpu.memory_space<vmem>>, vector<16xi32>,
    %get3A_149 = arith.constant 96 : index
    %get3A_150 = tpu.vector_load %arg9[%get3A_149] {strides = array<i32>} : memref<128xi32, #tpu.memory_space<vmem>>, vector<16xi32>,
    %get3A_151 = vector.shape_cast %get3A_150 : vector<16xi32> to vector<16xi32>
    %add3A_152 = arith.addi %get3A_151, %broadcast_in_dim3A : vector<16xi32>
    %swap3A_153 = arith.constant 96 : index
    %swap3A_154 = tpu.vector_load %arg9[%swap3A_153] {strides = array<i32>} : memref<128xi32, #tpu.memory_space<vmem>>, vector<16xi32>,
    %swap3A_155 = vector.shape_cast %swap3A_154 : vector<16xi32> to vector<16xi32>
    %swap3A_156 = vector.shape_cast %add3A_152 : vector<16xi32> to vector<16xi32>
    tpu.vector_store %arg9[%swap3A_153], %swap3A_156 {strides = array<i32>} : memref<128xi32, #tpu.memory_space<vmem>>, vector<16xi32>,
    %get3A_157 = arith.constant 112 : index
    %get3A_158 = tpu.vector_load %arg9[%get3A_157] {strides = array<i32>} : memref<128xi32, #tpu.memory_space<vmem>>, vector<16xi32>,
    %get3A_159 = vector.shape_cast %get3A_158 : vector<16xi32> to vector<16xi32>
    %add3A_160 = arith.addi %get3A_159, %broadcast_in_dim3A : vector<16xi32>
    %swap3A_161 = arith.constant 112 : index
    %swap3A_162 = tpu.vector_load %arg9[%swap3A_161] {strides = array<i32>} : memref<128xi32, #tpu.memory_space<vmem>>, vector<16xi32>,
    %swap3A_163 = vector.shape_cast %swap3A_162 : vector<16xi32> to vector<16xi32>
    %swap3A_164 = vector.shape_cast %add3A_160 : vector<16xi32> to vector<16xi32>
    tpu.vector_store %arg9[%swap3A_161], %swap3A_164 {strides = array<i32>} : memref<128xi32, #tpu.memory_space<vmem>>, vector<16xi32>,
    %dma_start3A_165 = arith.constant 0 : i32
    %dma_start3A_166 = arith.constant 0 : i32
    %dma_start3A_167 = tpu.memref_slice %arg2[%dma_start3A_165, %dma_start3A_166] : memref<20480x128xf32, #tpu.memory_space<hbm>> -> memref<20480x128xf32, #tpu.memory_space<hbm>>
    tpu.enqueue_indirect_dma source(%dma_start3A_167 : memref<20480x128xf32, #tpu.memory_space<hbm>>) target(%arg7 : memref<128x128xf32, #tpu.memory_space<vmem>>) offsets(%arg9 : memref<128xi32, #tpu.memory_space<vmem>>) semaphore(%arg16 : memref<!tpu.dma_semaphore, #tpu.memory_space<semaphore_mem>>)
    %scan3A_168 = arith.constant 0 : i32
    %scan3A_169 = arith.constant 0 : i32
    %scan3A_170 = arith.constant 39 : i32
    %scan3A_171 = arith.addi %scan3A_169, %scan3A_170 : i32
    %scan3A_172 = arith.constant 1 : i32
    scf.for %scan3A_196 = %scan3A_169 to %scan3A_171 step %scan3A_172  : i32 {
      %mul3A_197 = arith.constant 2 : i32
      %mul3A_198 = arith.muli %scan3A_196, %mul3A_197 : i32
      %add3A_199 = arith.constant 0 : i32
      %add3A_200 = arith.addi %mul3A_198, %add3A_199 : i32
      %mul3A_201 = arith.constant 2 : i32
      %mul3A_202 = arith.muli %add3A_200, %mul3A_201 : i32
      %add3A_203 = arith.constant 0 : i32
      %add3A_204 = arith.addi %mul3A_202, %add3A_203 : i32
      %dma_wait3A_205 = arith.constant 0 : i32
      %dma_wait3A_206 = arith.constant 0 : i32
      %dma_wait3A_207 = tpu.memref_slice %arg2[%dma_wait3A_205, %dma_wait3A_206] : memref<20480x128xf32, #tpu.memory_space<hbm>> -> memref<20480x128xf32, #tpu.memory_space<hbm>>
      tpu.wait_indirect_dma semaphore(%arg15 : memref<!tpu.dma_semaphore, #tpu.memory_space<semaphore_mem>>) src(%dma_wait3A_207 : memref<20480x128xf32, #tpu.memory_space<hbm>>) dst(%arg6 : memref<128x128xf32, #tpu.memory_space<vmem>>)
      %dma_start3A_208 = arith.constant 0 : i32
      %dma_start3A_209 = arith.constant 0 : i32
      %dma_start3A_210 = tpu.memref_slice %arg14[%dma_start3A_208, %dma_start3A_209] : memref<10240x128xf32, #tpu.memory_space<vmem_shared>> -> memref<10240x128xf32, #tpu.memory_space<vmem_shared>>
      tpu.enqueue_indirect_dma source(%arg6 : memref<128x128xf32, #tpu.memory_space<vmem>>) target(%dma_start3A_210 : memref<10240x128xf32, #tpu.memory_space<vmem_shared>>) offsets(%arg10 : memref<128xi32, #tpu.memory_space<vmem>>) semaphore(%arg15 : memref<!tpu.dma_semaphore, #tpu.memory_space<semaphore_mem>>) {add = true}
      %add3A_211 = arith.constant 2 : i32
      %add3A_212 = arith.addi %add3A_204, %add3A_211 : i32
      %mul3A_213 = arith.constant 128 : i32
      %mul3A_214 = arith.muli %add3A_212, %mul3A_213 : i32
      %add3A_215 = arith.addi %mul3A_0, %mul3A_214 : i32
      "tpu.region"() ({
        %run_scoped3A = tpu.sem_alloc : memref<!tpu.dma_semaphore, #tpu.memory_space<semaphore_mem>>
        %dma_start3A_565 = tpu.memref_slice %arg3[%add3A_215] : memref<323584xi32, #tpu.memory_space<hbm>> -> memref<128xi32, #tpu.memory_space<hbm>>
        %dma_start3A_566 = tpu.memref_slice %arg3[%add3A_215] : memref<323584xi32, #tpu.memory_space<hbm>> -> memref<128xi32, #tpu.memory_space<hbm>>
        tpu.enqueue_dma source(%dma_start3A_566 : memref<128xi32, #tpu.memory_space<hbm>>) target(%arg8 : memref<128xi32, #tpu.memory_space<vmem>>) target_semaphore(%run_scoped3A : memref<!tpu.dma_semaphore, #tpu.memory_space<semaphore_mem>>)
        %dma_wait3A_567 = tpu.memref_slice %arg3[%add3A_215] : memref<323584xi32, #tpu.memory_space<hbm>> -> memref<128xi32, #tpu.memory_space<hbm>>
        %dma_wait3A_568 = tpu.memref_slice %arg3[%add3A_215] : memref<323584xi32, #tpu.memory_space<hbm>> -> memref<128xi32, #tpu.memory_space<hbm>>
        tpu.wait_dma2 semaphore(%run_scoped3A : memref<!tpu.dma_semaphore, #tpu.memory_space<semaphore_mem>>) src(%dma_wait3A_568 : memref<128xi32, #tpu.memory_space<hbm>>) dst(%arg8 : memref<128xi32, #tpu.memory_space<vmem>>)
        tpu.yield
      }) : () -> ()
      %get3A_216 = arith.constant 0 : index
      %get3A_217 = tpu.vector_load %arg8[%get3A_216] {strides = array<i32>} : memref<128xi32, #tpu.memory_space<vmem>>, vector<16xi32>,
      %get3A_218 = vector.shape_cast %get3A_217 : vector<16xi32> to vector<16xi32>
      %add3A_219 = arith.addi %get3A_218, %broadcast_in_dim3A : vector<16xi32>
      %swap3A_220 = arith.constant 0 : index
      %swap3A_221 = tpu.vector_load %arg8[%swap3A_220] {strides = array<i32>} : memref<128xi32, #tpu.memory_space<vmem>>, vector<16xi32>,
      %swap3A_222 = vector.shape_cast %swap3A_221 : vector<16xi32> to vector<16xi32>
      %swap3A_223 = vector.shape_cast %add3A_219 : vector<16xi32> to vector<16xi32>
      tpu.vector_store %arg8[%swap3A_220], %swap3A_223 {strides = array<i32>} : memref<128xi32, #tpu.memory_space<vmem>>, vector<16xi32>,
      %get3A_224 = arith.constant 16 : index
      %get3A_225 = tpu.vector_load %arg8[%get3A_224] {strides = array<i32>} : memref<128xi32, #tpu.memory_space<vmem>>, vector<16xi32>,
      %get3A_226 = vector.shape_cast %get3A_225 : vector<16xi32> to vector<16xi32>
      %add3A_227 = arith.addi %get3A_226, %broadcast_in_dim3A : vector<16xi32>
      %swap3A_228 = arith.constant 16 : index
      %swap3A_229 = tpu.vector_load %arg8[%swap3A_228] {strides = array<i32>} : memref<128xi32, #tpu.memory_space<vmem>>, vector<16xi32>,
      %swap3A_230 = vector.shape_cast %swap3A_229 : vector<16xi32> to vector<16xi32>
      %swap3A_231 = vector.shape_cast %add3A_227 : vector<16xi32> to vector<16xi32>
      tpu.vector_store %arg8[%swap3A_228], %swap3A_231 {strides = array<i32>} : memref<128xi32, #tpu.memory_space<vmem>>, vector<16xi32>,
      %get3A_232 = arith.constant 32 : index
      %get3A_233 = tpu.vector_load %arg8[%get3A_232] {strides = array<i32>} : memref<128xi32, #tpu.memory_space<vmem>>, vector<16xi32>,
      %get3A_234 = vector.shape_cast %get3A_233 : vector<16xi32> to vector<16xi32>
      %add3A_235 = arith.addi %get3A_234, %broadcast_in_dim3A : vector<16xi32>
      %swap3A_236 = arith.constant 32 : index
      %swap3A_237 = tpu.vector_load %arg8[%swap3A_236] {strides = array<i32>} : memref<128xi32, #tpu.memory_space<vmem>>, vector<16xi32>,
      %swap3A_238 = vector.shape_cast %swap3A_237 : vector<16xi32> to vector<16xi32>
      %swap3A_239 = vector.shape_cast %add3A_235 : vector<16xi32> to vector<16xi32>
      tpu.vector_store %arg8[%swap3A_236], %swap3A_239 {strides = array<i32>} : memref<128xi32, #tpu.memory_space<vmem>>, vector<16xi32>,
      %get3A_240 = arith.constant 48 : index
      %get3A_241 = tpu.vector_load %arg8[%get3A_240] {strides = array<i32>} : memref<128xi32, #tpu.memory_space<vmem>>, vector<16xi32>,
      %get3A_242 = vector.shape_cast %get3A_241 : vector<16xi32> to vector<16xi32>
      %add3A_243 = arith.addi %get3A_242, %broadcast_in_dim3A : vector<16xi32>
      %swap3A_244 = arith.constant 48 : index
      %swap3A_245 = tpu.vector_load %arg8[%swap3A_244] {strides = array<i32>} : memref<128xi32, #tpu.memory_space<vmem>>, vector<16xi32>,
      %swap3A_246 = vector.shape_cast %swap3A_245 : vector<16xi32> to vector<16xi32>
      %swap3A_247 = vector.shape_cast %add3A_243 : vector<16xi32> to vector<16xi32>
      tpu.vector_store %arg8[%swap3A_244], %swap3A_247 {strides = array<i32>} : memref<128xi32, #tpu.memory_space<vmem>>, vector<16xi32>,
      %get3A_248 = arith.constant 64 : index
      %get3A_249 = tpu.vector_load %arg8[%get3A_248] {strides = array<i32>} : memref<128xi32, #tpu.memory_space<vmem>>, vector<16xi32>,
      %get3A_250 = vector.shape_cast %get3A_249 : vector<16xi32> to vector<16xi32>
      %add3A_251 = arith.addi %get3A_250, %broadcast_in_dim3A : vector<16xi32>
      %swap3A_252 = arith.constant 64 : index
      %swap3A_253 = tpu.vector_load %arg8[%swap3A_252] {strides = array<i32>} : memref<128xi32, #tpu.memory_space<vmem>>, vector<16xi32>,
      %swap3A_254 = vector.shape_cast %swap3A_253 : vector<16xi32> to vector<16xi32>
      %swap3A_255 = vector.shape_cast %add3A_251 : vector<16xi32> to vector<16xi32>
      tpu.vector_store %arg8[%swap3A_252], %swap3A_255 {strides = array<i32>} : memref<128xi32, #tpu.memory_space<vmem>>, vector<16xi32>,
      %get3A_256 = arith.constant 80 : index
      %get3A_257 = tpu.vector_load %arg8[%get3A_256] {strides = array<i32>} : memref<128xi32, #tpu.memory_space<vmem>>, vector<16xi32>,
      %get3A_258 = vector.shape_cast %get3A_257 : vector<16xi32> to vector<16xi32>
      %add3A_259 = arith.addi %get3A_258, %broadcast_in_dim3A : vector<16xi32>
      %swap3A_260 = arith.constant 80 : index
      %swap3A_261 = tpu.vector_load %arg8[%swap3A_260] {strides = array<i32>} : memref<128xi32, #tpu.memory_space<vmem>>, vector<16xi32>,
      %swap3A_262 = vector.shape_cast %swap3A_261 : vector<16xi32> to vector<16xi32>
      %swap3A_263 = vector.shape_cast %add3A_259 : vector<16xi32> to vector<16xi32>
      tpu.vector_store %arg8[%swap3A_260], %swap3A_263 {strides = array<i32>} : memref<128xi32, #tpu.memory_space<vmem>>, vector<16xi32>,
      %get3A_264 = arith.constant 96 : index
      %get3A_265 = tpu.vector_load %arg8[%get3A_264] {strides = array<i32>} : memref<128xi32, #tpu.memory_space<vmem>>, vector<16xi32>,
      %get3A_266 = vector.shape_cast %get3A_265 : vector<16xi32> to vector<16xi32>
      %add3A_267 = arith.addi %get3A_266, %broadcast_in_dim3A : vector<16xi32>
      %swap3A_268 = arith.constant 96 : index
      %swap3A_269 = tpu.vector_load %arg8[%swap3A_268] {strides = array<i32>} : memref<128xi32, #tpu.memory_space<vmem>>, vector<16xi32>,
      %swap3A_270 = vector.shape_cast %swap3A_269 : vector<16xi32> to vector<16xi32>
      %swap3A_271 = vector.shape_cast %add3A_267 : vector<16xi32> to vector<16xi32>
      tpu.vector_store %arg8[%swap3A_268], %swap3A_271 {strides = array<i32>} : memref<128xi32, #tpu.memory_space<vmem>>, vector<16xi32>,
      %get3A_272 = arith.constant 112 : index
      %get3A_273 = tpu.vector_load %arg8[%get3A_272] {strides = array<i32>} : memref<128xi32, #tpu.memory_space<vmem>>, vector<16xi32>,
      %get3A_274 = vector.shape_cast %get3A_273 : vector<16xi32> to vector<16xi32>
      %add3A_275 = arith.addi %get3A_274, %broadcast_in_dim3A : vector<16xi32>
      %swap3A_276 = arith.constant 112 : index
      %swap3A_277 = tpu.vector_load %arg8[%swap3A_276] {strides = array<i32>} : memref<128xi32, #tpu.memory_space<vmem>>, vector<16xi32>,
      %swap3A_278 = vector.shape_cast %swap3A_277 : vector<16xi32> to vector<16xi32>
      %swap3A_279 = vector.shape_cast %add3A_275 : vector<16xi32> to vector<16xi32>
      tpu.vector_store %arg8[%swap3A_276], %swap3A_279 {strides = array<i32>} : memref<128xi32, #tpu.memory_space<vmem>>, vector<16xi32>,
      %add3A_280 = arith.constant 2 : i32
      %add3A_281 = arith.addi %add3A_204, %add3A_280 : i32
      %mul3A_282 = arith.constant 128 : i32
      %mul3A_283 = arith.muli %add3A_281, %mul3A_282 : i32
      %add3A_284 = arith.addi %mul3A_0, %mul3A_283 : i32
      "tpu.region"() ({
        %run_scoped3A = tpu.sem_alloc : memref<!tpu.dma_semaphore, #tpu.memory_space<semaphore_mem>>
        %dma_start3A_565 = tpu.memref_slice %arg4[%add3A_284] : memref<323584xi32, #tpu.memory_space<hbm>> -> memref<128xi32, #tpu.memory_space<hbm>>
        %dma_start3A_566 = tpu.memref_slice %arg4[%add3A_284] : memref<323584xi32, #tpu.memory_space<hbm>> -> memref<128xi32, #tpu.memory_space<hbm>>
        tpu.enqueue_dma source(%dma_start3A_566 : memref<128xi32, #tpu.memory_space<hbm>>) target(%arg11 : memref<128xi32, #tpu.memory_space<vmem>>) target_semaphore(%run_scoped3A : memref<!tpu.dma_semaphore, #tpu.memory_space<semaphore_mem>>)
        %dma_wait3A_567 = tpu.memref_slice %arg4[%add3A_284] : memref<323584xi32, #tpu.memory_space<hbm>> -> memref<128xi32, #tpu.memory_space<hbm>>
        %dma_wait3A_568 = tpu.memref_slice %arg4[%add3A_284] : memref<323584xi32, #tpu.memory_space<hbm>> -> memref<128xi32, #tpu.memory_space<hbm>>
        tpu.wait_dma2 semaphore(%run_scoped3A : memref<!tpu.dma_semaphore, #tpu.memory_space<semaphore_mem>>) src(%dma_wait3A_568 : memref<128xi32, #tpu.memory_space<hbm>>) dst(%arg11 : memref<128xi32, #tpu.memory_space<vmem>>)
        tpu.yield
      }) : () -> ()
      %dma_wait3A_285 = arith.constant 0 : i32
      %dma_wait3A_286 = arith.constant 0 : i32
      %dma_wait3A_287 = tpu.memref_slice %arg14[%dma_wait3A_285, %dma_wait3A_286] : memref<10240x128xf32, #tpu.memory_space<vmem_shared>> -> memref<10240x128xf32, #tpu.memory_space<vmem_shared>>
      tpu.wait_indirect_dma semaphore(%arg15 : memref<!tpu.dma_semaphore, #tpu.memory_space<semaphore_mem>>) src(%arg6 : memref<128x128xf32, #tpu.memory_space<vmem>>) dst(%dma_wait3A_287 : memref<10240x128xf32, #tpu.memory_space<vmem_shared>>)
      %dma_start3A_288 = arith.constant 0 : i32
      %dma_start3A_289 = arith.constant 0 : i32
      %dma_start3A_290 = tpu.memref_slice %arg2[%dma_start3A_288, %dma_start3A_289] : memref<20480x128xf32, #tpu.memory_space<hbm>> -> memref<20480x128xf32, #tpu.memory_space<hbm>>
      tpu.enqueue_indirect_dma source(%dma_start3A_290 : memref<20480x128xf32, #tpu.memory_space<hbm>>) target(%arg6 : memref<128x128xf32, #tpu.memory_space<vmem>>) offsets(%arg8 : memref<128xi32, #tpu.memory_space<vmem>>) semaphore(%arg15 : memref<!tpu.dma_semaphore, #tpu.memory_space<semaphore_mem>>)
      %mul3A_291 = arith.constant 2 : i32
      %mul3A_292 = arith.muli %add3A_200, %mul3A_291 : i32
      %add3A_293 = arith.constant 1 : i32
      %add3A_294 = arith.addi %mul3A_292, %add3A_293 : i32
      %dma_wait3A_295 = arith.constant 0 : i32
      %dma_wait3A_296 = arith.constant 0 : i32
      %dma_wait3A_297 = tpu.memref_slice %arg2[%dma_wait3A_295, %dma_wait3A_296] : memref<20480x128xf32, #tpu.memory_space<hbm>> -> memref<20480x128xf32, #tpu.memory_space<hbm>>
      tpu.wait_indirect_dma semaphore(%arg16 : memref<!tpu.dma_semaphore, #tpu.memory_space<semaphore_mem>>) src(%dma_wait3A_297 : memref<20480x128xf32, #tpu.memory_space<hbm>>) dst(%arg7 : memref<128x128xf32, #tpu.memory_space<vmem>>)
      %dma_start3A_298 = arith.constant 0 : i32
      %dma_start3A_299 = arith.constant 0 : i32
      %dma_start3A_300 = tpu.memref_slice %arg14[%dma_start3A_298, %dma_start3A_299] : memref<10240x128xf32, #tpu.memory_space<vmem_shared>> -> memref<10240x128xf32, #tpu.memory_space<vmem_shared>>
      tpu.enqueue_indirect_dma source(%arg7 : memref<128x128xf32, #tpu.memory_space<vmem>>) target(%dma_start3A_300 : memref<10240x128xf32, #tpu.memory_space<vmem_shared>>) offsets(%arg12 : memref<128xi32, #tpu.memory_space<vmem>>) semaphore(%arg16 : memref<!tpu.dma_semaphore, #tpu.memory_space<semaphore_mem>>) {add = true}
      %add3A_301 = arith.constant 2 : i32
      %add3A_302 = arith.addi %add3A_294, %add3A_301 : i32
      %mul3A_303 = arith.constant 128 : i32
      %mul3A_304 = arith.muli %add3A_302, %mul3A_303 : i32
      %add3A_305 = arith.addi %mul3A_0, %mul3A_304 : i32
      "tpu.region"() ({
        %run_scoped3A = tpu.sem_alloc : memref<!tpu.dma_semaphore, #tpu.memory_space<semaphore_mem>>
        %dma_start3A_565 = tpu.memref_slice %arg3[%add3A_305] : memref<323584xi32, #tpu.memory_space<hbm>> -> memref<128xi32, #tpu.memory_space<hbm>>
        %dma_start3A_566 = tpu.memref_slice %arg3[%add3A_305] : memref<323584xi32, #tpu.memory_space<hbm>> -> memref<128xi32, #tpu.memory_space<hbm>>
        tpu.enqueue_dma source(%dma_start3A_566 : memref<128xi32, #tpu.memory_space<hbm>>) target(%arg9 : memref<128xi32, #tpu.memory_space<vmem>>) target_semaphore(%run_scoped3A : memref<!tpu.dma_semaphore, #tpu.memory_space<semaphore_mem>>)
        %dma_wait3A_567 = tpu.memref_slice %arg3[%add3A_305] : memref<323584xi32, #tpu.memory_space<hbm>> -> memref<128xi32, #tpu.memory_space<hbm>>
        %dma_wait3A_568 = tpu.memref_slice %arg3[%add3A_305] : memref<323584xi32, #tpu.memory_space<hbm>> -> memref<128xi32, #tpu.memory_space<hbm>>
        tpu.wait_dma2 semaphore(%run_scoped3A : memref<!tpu.dma_semaphore, #tpu.memory_space<semaphore_mem>>) src(%dma_wait3A_568 : memref<128xi32, #tpu.memory_space<hbm>>) dst(%arg9 : memref<128xi32, #tpu.memory_space<vmem>>)
        tpu.yield
      }) : () -> ()
      %get3A_306 = arith.constant 0 : index
      %get3A_307 = tpu.vector_load %arg9[%get3A_306] {strides = array<i32>} : memref<128xi32, #tpu.memory_space<vmem>>, vector<16xi32>,
      %get3A_308 = vector.shape_cast %get3A_307 : vector<16xi32> to vector<16xi32>
      %add3A_309 = arith.addi %get3A_308, %broadcast_in_dim3A : vector<16xi32>
      %swap3A_310 = arith.constant 0 : index
      %swap3A_311 = tpu.vector_load %arg9[%swap3A_310] {strides = array<i32>} : memref<128xi32, #tpu.memory_space<vmem>>, vector<16xi32>,
      %swap3A_312 = vector.shape_cast %swap3A_311 : vector<16xi32> to vector<16xi32>
      %swap3A_313 = vector.shape_cast %add3A_309 : vector<16xi32> to vector<16xi32>
      tpu.vector_store %arg9[%swap3A_310], %swap3A_313 {strides = array<i32>} : memref<128xi32, #tpu.memory_space<vmem>>, vector<16xi32>,
      %get3A_314 = arith.constant 16 : index
      %get3A_315 = tpu.vector_load %arg9[%get3A_314] {strides = array<i32>} : memref<128xi32, #tpu.memory_space<vmem>>, vector<16xi32>,
      %get3A_316 = vector.shape_cast %get3A_315 : vector<16xi32> to vector<16xi32>
      %add3A_317 = arith.addi %get3A_316, %broadcast_in_dim3A : vector<16xi32>
      %swap3A_318 = arith.constant 16 : index
      %swap3A_319 = tpu.vector_load %arg9[%swap3A_318] {strides = array<i32>} : memref<128xi32, #tpu.memory_space<vmem>>, vector<16xi32>,
      %swap3A_320 = vector.shape_cast %swap3A_319 : vector<16xi32> to vector<16xi32>
      %swap3A_321 = vector.shape_cast %add3A_317 : vector<16xi32> to vector<16xi32>
      tpu.vector_store %arg9[%swap3A_318], %swap3A_321 {strides = array<i32>} : memref<128xi32, #tpu.memory_space<vmem>>, vector<16xi32>,
      %get3A_322 = arith.constant 32 : index
      %get3A_323 = tpu.vector_load %arg9[%get3A_322] {strides = array<i32>} : memref<128xi32, #tpu.memory_space<vmem>>, vector<16xi32>,
      %get3A_324 = vector.shape_cast %get3A_323 : vector<16xi32> to vector<16xi32>
      %add3A_325 = arith.addi %get3A_324, %broadcast_in_dim3A : vector<16xi32>
      %swap3A_326 = arith.constant 32 : index
      %swap3A_327 = tpu.vector_load %arg9[%swap3A_326] {strides = array<i32>} : memref<128xi32, #tpu.memory_space<vmem>>, vector<16xi32>,
      %swap3A_328 = vector.shape_cast %swap3A_327 : vector<16xi32> to vector<16xi32>
      %swap3A_329 = vector.shape_cast %add3A_325 : vector<16xi32> to vector<16xi32>
      tpu.vector_store %arg9[%swap3A_326], %swap3A_329 {strides = array<i32>} : memref<128xi32, #tpu.memory_space<vmem>>, vector<16xi32>,
      %get3A_330 = arith.constant 48 : index
      %get3A_331 = tpu.vector_load %arg9[%get3A_330] {strides = array<i32>} : memref<128xi32, #tpu.memory_space<vmem>>, vector<16xi32>,
      %get3A_332 = vector.shape_cast %get3A_331 : vector<16xi32> to vector<16xi32>
      %add3A_333 = arith.addi %get3A_332, %broadcast_in_dim3A : vector<16xi32>
      %swap3A_334 = arith.constant 48 : index
      %swap3A_335 = tpu.vector_load %arg9[%swap3A_334] {strides = array<i32>} : memref<128xi32, #tpu.memory_space<vmem>>, vector<16xi32>,
      %swap3A_336 = vector.shape_cast %swap3A_335 : vector<16xi32> to vector<16xi32>
      %swap3A_337 = vector.shape_cast %add3A_333 : vector<16xi32> to vector<16xi32>
      tpu.vector_store %arg9[%swap3A_334], %swap3A_337 {strides = array<i32>} : memref<128xi32, #tpu.memory_space<vmem>>, vector<16xi32>,
      %get3A_338 = arith.constant 64 : index
      %get3A_339 = tpu.vector_load %arg9[%get3A_338] {strides = array<i32>} : memref<128xi32, #tpu.memory_space<vmem>>, vector<16xi32>,
      %get3A_340 = vector.shape_cast %get3A_339 : vector<16xi32> to vector<16xi32>
      %add3A_341 = arith.addi %get3A_340, %broadcast_in_dim3A : vector<16xi32>
      %swap3A_342 = arith.constant 64 : index
      %swap3A_343 = tpu.vector_load %arg9[%swap3A_342] {strides = array<i32>} : memref<128xi32, #tpu.memory_space<vmem>>, vector<16xi32>,
      %swap3A_344 = vector.shape_cast %swap3A_343 : vector<16xi32> to vector<16xi32>
      %swap3A_345 = vector.shape_cast %add3A_341 : vector<16xi32> to vector<16xi32>
      tpu.vector_store %arg9[%swap3A_342], %swap3A_345 {strides = array<i32>} : memref<128xi32, #tpu.memory_space<vmem>>, vector<16xi32>,
      %get3A_346 = arith.constant 80 : index
      %get3A_347 = tpu.vector_load %arg9[%get3A_346] {strides = array<i32>} : memref<128xi32, #tpu.memory_space<vmem>>, vector<16xi32>,
      %get3A_348 = vector.shape_cast %get3A_347 : vector<16xi32> to vector<16xi32>
      %add3A_349 = arith.addi %get3A_348, %broadcast_in_dim3A : vector<16xi32>
      %swap3A_350 = arith.constant 80 : index
      %swap3A_351 = tpu.vector_load %arg9[%swap3A_350] {strides = array<i32>} : memref<128xi32, #tpu.memory_space<vmem>>, vector<16xi32>,
      %swap3A_352 = vector.shape_cast %swap3A_351 : vector<16xi32> to vector<16xi32>
      %swap3A_353 = vector.shape_cast %add3A_349 : vector<16xi32> to vector<16xi32>
      tpu.vector_store %arg9[%swap3A_350], %swap3A_353 {strides = array<i32>} : memref<128xi32, #tpu.memory_space<vmem>>, vector<16xi32>,
      %get3A_354 = arith.constant 96 : index
      %get3A_355 = tpu.vector_load %arg9[%get3A_354] {strides = array<i32>} : memref<128xi32, #tpu.memory_space<vmem>>, vector<16xi32>,
      %get3A_356 = vector.shape_cast %get3A_355 : vector<16xi32> to vector<16xi32>
      %add3A_357 = arith.addi %get3A_356, %broadcast_in_dim3A : vector<16xi32>
      %swap3A_358 = arith.constant 96 : index
      %swap3A_359 = tpu.vector_load %arg9[%swap3A_358] {strides = array<i32>} : memref<128xi32, #tpu.memory_space<vmem>>, vector<16xi32>,
      %swap3A_360 = vector.shape_cast %swap3A_359 : vector<16xi32> to vector<16xi32>
      %swap3A_361 = vector.shape_cast %add3A_357 : vector<16xi32> to vector<16xi32>
      tpu.vector_store %arg9[%swap3A_358], %swap3A_361 {strides = array<i32>} : memref<128xi32, #tpu.memory_space<vmem>>, vector<16xi32>,
      %get3A_362 = arith.constant 112 : index
      %get3A_363 = tpu.vector_load %arg9[%get3A_362] {strides = array<i32>} : memref<128xi32, #tpu.memory_space<vmem>>, vector<16xi32>,
      %get3A_364 = vector.shape_cast %get3A_363 : vector<16xi32> to vector<16xi32>
      %add3A_365 = arith.addi %get3A_364, %broadcast_in_dim3A : vector<16xi32>
      %swap3A_366 = arith.constant 112 : index
      %swap3A_367 = tpu.vector_load %arg9[%swap3A_366] {strides = array<i32>} : memref<128xi32, #tpu.memory_space<vmem>>, vector<16xi32>,
      %swap3A_368 = vector.shape_cast %swap3A_367 : vector<16xi32> to vector<16xi32>
      %swap3A_369 = vector.shape_cast %add3A_365 : vector<16xi32> to vector<16xi32>
      tpu.vector_store %arg9[%swap3A_366], %swap3A_369 {strides = array<i32>} : memref<128xi32, #tpu.memory_space<vmem>>, vector<16xi32>,
      %add3A_370 = arith.constant 2 : i32
      %add3A_371 = arith.addi %add3A_294, %add3A_370 : i32
      %mul3A_372 = arith.constant 128 : i32
      %mul3A_373 = arith.muli %add3A_371, %mul3A_372 : i32
      %add3A_374 = arith.addi %mul3A_0, %mul3A_373 : i32
      "tpu.region"() ({
        %run_scoped3A = tpu.sem_alloc : memref<!tpu.dma_semaphore, #tpu.memory_space<semaphore_mem>>
        %dma_start3A_565 = tpu.memref_slice %arg4[%add3A_374] : memref<323584xi32, #tpu.memory_space<hbm>> -> memref<128xi32, #tpu.memory_space<hbm>>
        %dma_start3A_566 = tpu.memref_slice %arg4[%add3A_374] : memref<323584xi32, #tpu.memory_space<hbm>> -> memref<128xi32, #tpu.memory_space<hbm>>
        tpu.enqueue_dma source(%dma_start3A_566 : memref<128xi32, #tpu.memory_space<hbm>>) target(%arg13 : memref<128xi32, #tpu.memory_space<vmem>>) target_semaphore(%run_scoped3A : memref<!tpu.dma_semaphore, #tpu.memory_space<semaphore_mem>>)
        %dma_wait3A_567 = tpu.memref_slice %arg4[%add3A_374] : memref<323584xi32, #tpu.memory_space<hbm>> -> memref<128xi32, #tpu.memory_space<hbm>>
        %dma_wait3A_568 = tpu.memref_slice %arg4[%add3A_374] : memref<323584xi32, #tpu.memory_space<hbm>> -> memref<128xi32, #tpu.memory_space<hbm>>
        tpu.wait_dma2 semaphore(%run_scoped3A : memref<!tpu.dma_semaphore, #tpu.memory_space<semaphore_mem>>) src(%dma_wait3A_568 : memref<128xi32, #tpu.memory_space<hbm>>) dst(%arg13 : memref<128xi32, #tpu.memory_space<vmem>>)
        tpu.yield
      }) : () -> ()
      %dma_wait3A_375 = arith.constant 0 : i32
      %dma_wait3A_376 = arith.constant 0 : i32
      %dma_wait3A_377 = tpu.memref_slice %arg14[%dma_wait3A_375, %dma_wait3A_376] : memref<10240x128xf32, #tpu.memory_space<vmem_shared>> -> memref<10240x128xf32, #tpu.memory_space<vmem_shared>>
      tpu.wait_indirect_dma semaphore(%arg16 : memref<!tpu.dma_semaphore, #tpu.memory_space<semaphore_mem>>) src(%arg7 : memref<128x128xf32, #tpu.memory_space<vmem>>) dst(%dma_wait3A_377 : memref<10240x128xf32, #tpu.memory_space<vmem_shared>>)
      %dma_start3A_378 = arith.constant 0 : i32
      %dma_start3A_379 = arith.constant 0 : i32
      %dma_start3A_380 = tpu.memref_slice %arg2[%dma_start3A_378, %dma_start3A_379] : memref<20480x128xf32, #tpu.memory_space<hbm>> -> memref<20480x128xf32, #tpu.memory_space<hbm>>
      tpu.enqueue_indirect_dma source(%dma_start3A_380 : memref<20480x128xf32, #tpu.memory_space<hbm>>) target(%arg7 : memref<128x128xf32, #tpu.memory_space<vmem>>) offsets(%arg9 : memref<128xi32, #tpu.memory_space<vmem>>) semaphore(%arg16 : memref<!tpu.dma_semaphore, #tpu.memory_space<semaphore_mem>>)
      %mul3A_381 = arith.constant 2 : i32
      %mul3A_382 = arith.muli %scan3A_196, %mul3A_381 : i32
      %add3A_383 = arith.constant 1 : i32
      %add3A_384 = arith.addi %mul3A_382, %add3A_383 : i32
      %mul3A_385 = arith.constant 2 : i32
      %mul3A_386 = arith.muli %add3A_384, %mul3A_385 : i32
      %add3A_387 = arith.constant 0 : i32
      %add3A_388 = arith.addi %mul3A_386, %add3A_387 : i32
      %dma_wait3A_389 = arith.constant 0 : i32
      %dma_wait3A_390 = arith.constant 0 : i32
      %dma_wait3A_391 = tpu.memref_slice %arg2[%dma_wait3A_389, %dma_wait3A_390] : memref<20480x128xf32, #tpu.memory_space<hbm>> -> memref<20480x128xf32, #tpu.memory_space<hbm>>
      tpu.wait_indirect_dma semaphore(%arg15 : memref<!tpu.dma_semaphore, #tpu.memory_space<semaphore_mem>>) src(%dma_wait3A_391 : memref<20480x128xf32, #tpu.memory_space<hbm>>) dst(%arg6 : memref<128x128xf32, #tpu.memory_space<vmem>>)
      %dma_start3A_392 = arith.constant 0 : i32
      %dma_start3A_393 = arith.constant 0 : i32
      %dma_start3A_394 = tpu.memref_slice %arg14[%dma_start3A_392, %dma_start3A_393] : memref<10240x128xf32, #tpu.memory_space<vmem_shared>> -> memref<10240x128xf32, #tpu.memory_space<vmem_shared>>
      tpu.enqueue_indirect_dma source(%arg6 : memref<128x128xf32, #tpu.memory_space<vmem>>) target(%dma_start3A_394 : memref<10240x128xf32, #tpu.memory_space<vmem_shared>>) offsets(%arg11 : memref<128xi32, #tpu.memory_space<vmem>>) semaphore(%arg15 : memref<!tpu.dma_semaphore, #tpu.memory_space<semaphore_mem>>) {add = true}
      %add3A_395 = arith.constant 2 : i32
      %add3A_396 = arith.addi %add3A_388, %add3A_395 : i32
      %mul3A_397 = arith.constant 128 : i32
      %mul3A_398 = arith.muli %add3A_396, %mul3A_397 : i32
      %add3A_399 = arith.addi %mul3A_0, %mul3A_398 : i32
      "tpu.region"() ({
        %run_scoped3A = tpu.sem_alloc : memref<!tpu.dma_semaphore, #tpu.memory_space<semaphore_mem>>
        %dma_start3A_565 = tpu.memref_slice %arg3[%add3A_399] : memref<323584xi32, #tpu.memory_space<hbm>> -> memref<128xi32, #tpu.memory_space<hbm>>
        %dma_start3A_566 = tpu.memref_slice %arg3[%add3A_399] : memref<323584xi32, #tpu.memory_space<hbm>> -> memref<128xi32, #tpu.memory_space<hbm>>
        tpu.enqueue_dma source(%dma_start3A_566 : memref<128xi32, #tpu.memory_space<hbm>>) target(%arg8 : memref<128xi32, #tpu.memory_space<vmem>>) target_semaphore(%run_scoped3A : memref<!tpu.dma_semaphore, #tpu.memory_space<semaphore_mem>>)
        %dma_wait3A_567 = tpu.memref_slice %arg3[%add3A_399] : memref<323584xi32, #tpu.memory_space<hbm>> -> memref<128xi32, #tpu.memory_space<hbm>>
        %dma_wait3A_568 = tpu.memref_slice %arg3[%add3A_399] : memref<323584xi32, #tpu.memory_space<hbm>> -> memref<128xi32, #tpu.memory_space<hbm>>
        tpu.wait_dma2 semaphore(%run_scoped3A : memref<!tpu.dma_semaphore, #tpu.memory_space<semaphore_mem>>) src(%dma_wait3A_568 : memref<128xi32, #tpu.memory_space<hbm>>) dst(%arg8 : memref<128xi32, #tpu.memory_space<vmem>>)
        tpu.yield
      }) : () -> ()
      %get3A_400 = arith.constant 0 : index
      %get3A_401 = tpu.vector_load %arg8[%get3A_400] {strides = array<i32>} : memref<128xi32, #tpu.memory_space<vmem>>, vector<16xi32>,
      %get3A_402 = vector.shape_cast %get3A_401 : vector<16xi32> to vector<16xi32>
      %add3A_403 = arith.addi %get3A_402, %broadcast_in_dim3A : vector<16xi32>
      %swap3A_404 = arith.constant 0 : index
      %swap3A_405 = tpu.vector_load %arg8[%swap3A_404] {strides = array<i32>} : memref<128xi32, #tpu.memory_space<vmem>>, vector<16xi32>,
      %swap3A_406 = vector.shape_cast %swap3A_405 : vector<16xi32> to vector<16xi32>
      %swap3A_407 = vector.shape_cast %add3A_403 : vector<16xi32> to vector<16xi32>
      tpu.vector_store %arg8[%swap3A_404], %swap3A_407 {strides = array<i32>} : memref<128xi32, #tpu.memory_space<vmem>>, vector<16xi32>,
      %get3A_408 = arith.constant 16 : index
      %get3A_409 = tpu.vector_load %arg8[%get3A_408] {strides = array<i32>} : memref<128xi32, #tpu.memory_space<vmem>>, vector<16xi32>,
      %get3A_410 = vector.shape_cast %get3A_409 : vector<16xi32> to vector<16xi32>
      %add3A_411 = arith.addi %get3A_410, %broadcast_in_dim3A : vector<16xi32>
      %swap3A_412 = arith.constant 16 : index
      %swap3A_413 = tpu.vector_load %arg8[%swap3A_412] {strides = array<i32>} : memref<128xi32, #tpu.memory_space<vmem>>, vector<16xi32>,
      %swap3A_414 = vector.shape_cast %swap3A_413 : vector<16xi32> to vector<16xi32>
      %swap3A_415 = vector.shape_cast %add3A_411 : vector<16xi32> to vector<16xi32>
      tpu.vector_store %arg8[%swap3A_412], %swap3A_415 {strides = array<i32>} : memref<128xi32, #tpu.memory_space<vmem>>, vector<16xi32>,
      %get3A_416 = arith.constant 32 : index
      %get3A_417 = tpu.vector_load %arg8[%get3A_416] {strides = array<i32>} : memref<128xi32, #tpu.memory_space<vmem>>, vector<16xi32>,
      %get3A_418 = vector.shape_cast %get3A_417 : vector<16xi32> to vector<16xi32>
      %add3A_419 = arith.addi %get3A_418, %broadcast_in_dim3A : vector<16xi32>
      %swap3A_420 = arith.constant 32 : index
      %swap3A_421 = tpu.vector_load %arg8[%swap3A_420] {strides = array<i32>} : memref<128xi32, #tpu.memory_space<vmem>>, vector<16xi32>,
      %swap3A_422 = vector.shape_cast %swap3A_421 : vector<16xi32> to vector<16xi32>
      %swap3A_423 = vector.shape_cast %add3A_419 : vector<16xi32> to vector<16xi32>
      tpu.vector_store %arg8[%swap3A_420], %swap3A_423 {strides = array<i32>} : memref<128xi32, #tpu.memory_space<vmem>>, vector<16xi32>,
      %get3A_424 = arith.constant 48 : index
      %get3A_425 = tpu.vector_load %arg8[%get3A_424] {strides = array<i32>} : memref<128xi32, #tpu.memory_space<vmem>>, vector<16xi32>,
      %get3A_426 = vector.shape_cast %get3A_425 : vector<16xi32> to vector<16xi32>
      %add3A_427 = arith.addi %get3A_426, %broadcast_in_dim3A : vector<16xi32>
      %swap3A_428 = arith.constant 48 : index
      %swap3A_429 = tpu.vector_load %arg8[%swap3A_428] {strides = array<i32>} : memref<128xi32, #tpu.memory_space<vmem>>, vector<16xi32>,
      %swap3A_430 = vector.shape_cast %swap3A_429 : vector<16xi32> to vector<16xi32>
      %swap3A_431 = vector.shape_cast %add3A_427 : vector<16xi32> to vector<16xi32>
      tpu.vector_store %arg8[%swap3A_428], %swap3A_431 {strides = array<i32>} : memref<128xi32, #tpu.memory_space<vmem>>, vector<16xi32>,
      %get3A_432 = arith.constant 64 : index
      %get3A_433 = tpu.vector_load %arg8[%get3A_432] {strides = array<i32>} : memref<128xi32, #tpu.memory_space<vmem>>, vector<16xi32>,
      %get3A_434 = vector.shape_cast %get3A_433 : vector<16xi32> to vector<16xi32>
      %add3A_435 = arith.addi %get3A_434, %broadcast_in_dim3A : vector<16xi32>
      %swap3A_436 = arith.constant 64 : index
      %swap3A_437 = tpu.vector_load %arg8[%swap3A_436] {strides = array<i32>} : memref<128xi32, #tpu.memory_space<vmem>>, vector<16xi32>,
      %swap3A_438 = vector.shape_cast %swap3A_437 : vector<16xi32> to vector<16xi32>
      %swap3A_439 = vector.shape_cast %add3A_435 : vector<16xi32> to vector<16xi32>
      tpu.vector_store %arg8[%swap3A_436], %swap3A_439 {strides = array<i32>} : memref<128xi32, #tpu.memory_space<vmem>>, vector<16xi32>,
      %get3A_440 = arith.constant 80 : index
      %get3A_441 = tpu.vector_load %arg8[%get3A_440] {strides = array<i32>} : memref<128xi32, #tpu.memory_space<vmem>>, vector<16xi32>,
      %get3A_442 = vector.shape_cast %get3A_441 : vector<16xi32> to vector<16xi32>
      %add3A_443 = arith.addi %get3A_442, %broadcast_in_dim3A : vector<16xi32>
      %swap3A_444 = arith.constant 80 : index
      %swap3A_445 = tpu.vector_load %arg8[%swap3A_444] {strides = array<i32>} : memref<128xi32, #tpu.memory_space<vmem>>, vector<16xi32>,
      %swap3A_446 = vector.shape_cast %swap3A_445 : vector<16xi32> to vector<16xi32>
      %swap3A_447 = vector.shape_cast %add3A_443 : vector<16xi32> to vector<16xi32>
      tpu.vector_store %arg8[%swap3A_444], %swap3A_447 {strides = array<i32>} : memref<128xi32, #tpu.memory_space<vmem>>, vector<16xi32>,
      %get3A_448 = arith.constant 96 : index
      %get3A_449 = tpu.vector_load %arg8[%get3A_448] {strides = array<i32>} : memref<128xi32, #tpu.memory_space<vmem>>, vector<16xi32>,
      %get3A_450 = vector.shape_cast %get3A_449 : vector<16xi32> to vector<16xi32>
      %add3A_451 = arith.addi %get3A_450, %broadcast_in_dim3A : vector<16xi32>
      %swap3A_452 = arith.constant 96 : index
      %swap3A_453 = tpu.vector_load %arg8[%swap3A_452] {strides = array<i32>} : memref<128xi32, #tpu.memory_space<vmem>>, vector<16xi32>,
      %swap3A_454 = vector.shape_cast %swap3A_453 : vector<16xi32> to vector<16xi32>
      %swap3A_455 = vector.shape_cast %add3A_451 : vector<16xi32> to vector<16xi32>
      tpu.vector_store %arg8[%swap3A_452], %swap3A_455 {strides = array<i32>} : memref<128xi32, #tpu.memory_space<vmem>>, vector<16xi32>,
      %get3A_456 = arith.constant 112 : index
      %get3A_457 = tpu.vector_load %arg8[%get3A_456] {strides = array<i32>} : memref<128xi32, #tpu.memory_space<vmem>>, vector<16xi32>,
      %get3A_458 = vector.shape_cast %get3A_457 : vector<16xi32> to vector<16xi32>
      %add3A_459 = arith.addi %get3A_458, %broadcast_in_dim3A : vector<16xi32>
      %swap3A_460 = arith.constant 112 : index
      %swap3A_461 = tpu.vector_load %arg8[%swap3A_460] {strides = array<i32>} : memref<128xi32, #tpu.memory_space<vmem>>, vector<16xi32>,
      %swap3A_462 = vector.shape_cast %swap3A_461 : vector<16xi32> to vector<16xi32>
      %swap3A_463 = vector.shape_cast %add3A_459 : vector<16xi32> to vector<16xi32>
      tpu.vector_store %arg8[%swap3A_460], %swap3A_463 {strides = array<i32>} : memref<128xi32, #tpu.memory_space<vmem>>, vector<16xi32>,
      %add3A_464 = arith.constant 2 : i32
      %add3A_465 = arith.addi %add3A_388, %add3A_464 : i32
      %mul3A_466 = arith.constant 128 : i32
      %mul3A_467 = arith.muli %add3A_465, %mul3A_466 : i32
      %add3A_468 = arith.addi %mul3A_0, %mul3A_467 : i32
      "tpu.region"() ({
        %run_scoped3A = tpu.sem_alloc : memref<!tpu.dma_semaphore, #tpu.memory_space<semaphore_mem>>
        %dma_start3A_565 = tpu.memref_slice %arg4[%add3A_468] : memref<323584xi32, #tpu.memory_space<hbm>> -> memref<128xi32, #tpu.memory_space<hbm>>
        %dma_start3A_566 = tpu.memref_slice %arg4[%add3A_468] : memref<323584xi32, #tpu.memory_space<hbm>> -> memref<128xi32, #tpu.memory_space<hbm>>
        tpu.enqueue_dma source(%dma_start3A_566 : memref<128xi32, #tpu.memory_space<hbm>>) target(%arg10 : memref<128xi32, #tpu.memory_space<vmem>>) target_semaphore(%run_scoped3A : memref<!tpu.dma_semaphore, #tpu.memory_space<semaphore_mem>>)
        %dma_wait3A_567 = tpu.memref_slice %arg4[%add3A_468] : memref<323584xi32, #tpu.memory_space<hbm>> -> memref<128xi32, #tpu.memory_space<hbm>>
        %dma_wait3A_568 = tpu.memref_slice %arg4[%add3A_468] : memref<323584xi32, #tpu.memory_space<hbm>> -> memref<128xi32, #tpu.memory_space<hbm>>
        tpu.wait_dma2 semaphore(%run_scoped3A : memref<!tpu.dma_semaphore, #tpu.memory_space<semaphore_mem>>) src(%dma_wait3A_568 : memref<128xi32, #tpu.memory_space<hbm>>) dst(%arg10 : memref<128xi32, #tpu.memory_space<vmem>>)
        tpu.yield
      }) : () -> ()
      %dma_wait3A_469 = arith.constant 0 : i32
      %dma_wait3A_470 = arith.constant 0 : i32
      %dma_wait3A_471 = tpu.memref_slice %arg14[%dma_wait3A_469, %dma_wait3A_470] : memref<10240x128xf32, #tpu.memory_space<vmem_shared>> -> memref<10240x128xf32, #tpu.memory_space<vmem_shared>>
      tpu.wait_indirect_dma semaphore(%arg15 : memref<!tpu.dma_semaphore, #tpu.memory_space<semaphore_mem>>) src(%arg6 : memref<128x128xf32, #tpu.memory_space<vmem>>) dst(%dma_wait3A_471 : memref<10240x128xf32, #tpu.memory_space<vmem_shared>>)
      %dma_start3A_472 = arith.constant 0 : i32
      %dma_start3A_473 = arith.constant 0 : i32
      %dma_start3A_474 = tpu.memref_slice %arg2[%dma_start3A_472, %dma_start3A_473] : memref<20480x128xf32, #tpu.memory_space<hbm>> -> memref<20480x128xf32, #tpu.memory_space<hbm>>
      tpu.enqueue_indirect_dma source(%dma_start3A_474 : memref<20480x128xf32, #tpu.memory_space<hbm>>) target(%arg6 : memref<128x128xf32, #tpu.memory_space<vmem>>) offsets(%arg8 : memref<128xi32, #tpu.memory_space<vmem>>) semaphore(%arg15 : memref<!tpu.dma_semaphore, #tpu.memory_space<semaphore_mem>>)
      %mul3A_475 = arith.constant 2 : i32
      %mul3A_476 = arith.muli %add3A_384, %mul3A_475 : i32
      %add3A_477 = arith.constant 1 : i32
      %add3A_478 = arith.addi %mul3A_476, %add3A_477 : i32
      %dma_wait3A_479 = arith.constant 0 : i32
      %dma_wait3A_480 = arith.constant 0 : i32
      %dma_wait3A_481 = tpu.memref_slice %arg2[%dma_wait3A_479, %dma_wait3A_480] : memref<20480x128xf32, #tpu.memory_space<hbm>> -> memref<20480x128xf32, #tpu.memory_space<hbm>>
      tpu.wait_indirect_dma semaphore(%arg16 : memref<!tpu.dma_semaphore, #tpu.memory_space<semaphore_mem>>) src(%dma_wait3A_481 : memref<20480x128xf32, #tpu.memory_space<hbm>>) dst(%arg7 : memref<128x128xf32, #tpu.memory_space<vmem>>)
      %dma_start3A_482 = arith.constant 0 : i32
      %dma_start3A_483 = arith.constant 0 : i32
      %dma_start3A_484 = tpu.memref_slice %arg14[%dma_start3A_482, %dma_start3A_483] : memref<10240x128xf32, #tpu.memory_space<vmem_shared>> -> memref<10240x128xf32, #tpu.memory_space<vmem_shared>>
      tpu.enqueue_indirect_dma source(%arg7 : memref<128x128xf32, #tpu.memory_space<vmem>>) target(%dma_start3A_484 : memref<10240x128xf32, #tpu.memory_space<vmem_shared>>) offsets(%arg13 : memref<128xi32, #tpu.memory_space<vmem>>) semaphore(%arg16 : memref<!tpu.dma_semaphore, #tpu.memory_space<semaphore_mem>>) {add = true}
      %add3A_485 = arith.constant 2 : i32
      %add3A_486 = arith.addi %add3A_478, %add3A_485 : i32
      %mul3A_487 = arith.constant 128 : i32
      %mul3A_488 = arith.muli %add3A_486, %mul3A_487 : i32
      %add3A_489 = arith.addi %mul3A_0, %mul3A_488 : i32
      "tpu.region"() ({
        %run_scoped3A = tpu.sem_alloc : memref<!tpu.dma_semaphore, #tpu.memory_space<semaphore_mem>>
        %dma_start3A_565 = tpu.memref_slice %arg3[%add3A_489] : memref<323584xi32, #tpu.memory_space<hbm>> -> memref<128xi32, #tpu.memory_space<hbm>>
        %dma_start3A_566 = tpu.memref_slice %arg3[%add3A_489] : memref<323584xi32, #tpu.memory_space<hbm>> -> memref<128xi32, #tpu.memory_space<hbm>>
        tpu.enqueue_dma source(%dma_start3A_566 : memref<128xi32, #tpu.memory_space<hbm>>) target(%arg9 : memref<128xi32, #tpu.memory_space<vmem>>) target_semaphore(%run_scoped3A : memref<!tpu.dma_semaphore, #tpu.memory_space<semaphore_mem>>)
        %dma_wait3A_567 = tpu.memref_slice %arg3[%add3A_489] : memref<323584xi32, #tpu.memory_space<hbm>> -> memref<128xi32, #tpu.memory_space<hbm>>
        %dma_wait3A_568 = tpu.memref_slice %arg3[%add3A_489] : memref<323584xi32, #tpu.memory_space<hbm>> -> memref<128xi32, #tpu.memory_space<hbm>>
        tpu.wait_dma2 semaphore(%run_scoped3A : memref<!tpu.dma_semaphore, #tpu.memory_space<semaphore_mem>>) src(%dma_wait3A_568 : memref<128xi32, #tpu.memory_space<hbm>>) dst(%arg9 : memref<128xi32, #tpu.memory_space<vmem>>)
        tpu.yield
      }) : () -> ()
      %get3A_490 = arith.constant 0 : index
      %get3A_491 = tpu.vector_load %arg9[%get3A_490] {strides = array<i32>} : memref<128xi32, #tpu.memory_space<vmem>>, vector<16xi32>,
      %get3A_492 = vector.shape_cast %get3A_491 : vector<16xi32> to vector<16xi32>
      %add3A_493 = arith.addi %get3A_492, %broadcast_in_dim3A : vector<16xi32>
      %swap3A_494 = arith.constant 0 : index
      %swap3A_495 = tpu.vector_load %arg9[%swap3A_494] {strides = array<i32>} : memref<128xi32, #tpu.memory_space<vmem>>, vector<16xi32>,
      %swap3A_496 = vector.shape_cast %swap3A_495 : vector<16xi32> to vector<16xi32>
      %swap3A_497 = vector.shape_cast %add3A_493 : vector<16xi32> to vector<16xi32>
      tpu.vector_store %arg9[%swap3A_494], %swap3A_497 {strides = array<i32>} : memref<128xi32, #tpu.memory_space<vmem>>, vector<16xi32>,
      %get3A_498 = arith.constant 16 : index
      %get3A_499 = tpu.vector_load %arg9[%get3A_498] {strides = array<i32>} : memref<128xi32, #tpu.memory_space<vmem>>, vector<16xi32>,
      %get3A_500 = vector.shape_cast %get3A_499 : vector<16xi32> to vector<16xi32>
      %add3A_501 = arith.addi %get3A_500, %broadcast_in_dim3A : vector<16xi32>
      %swap3A_502 = arith.constant 16 : index
      %swap3A_503 = tpu.vector_load %arg9[%swap3A_502] {strides = array<i32>} : memref<128xi32, #tpu.memory_space<vmem>>, vector<16xi32>,
      %swap3A_504 = vector.shape_cast %swap3A_503 : vector<16xi32> to vector<16xi32>
      %swap3A_505 = vector.shape_cast %add3A_501 : vector<16xi32> to vector<16xi32>
      tpu.vector_store %arg9[%swap3A_502], %swap3A_505 {strides = array<i32>} : memref<128xi32, #tpu.memory_space<vmem>>, vector<16xi32>,
      %get3A_506 = arith.constant 32 : index
      %get3A_507 = tpu.vector_load %arg9[%get3A_506] {strides = array<i32>} : memref<128xi32, #tpu.memory_space<vmem>>, vector<16xi32>,
      %get3A_508 = vector.shape_cast %get3A_507 : vector<16xi32> to vector<16xi32>
      %add3A_509 = arith.addi %get3A_508, %broadcast_in_dim3A : vector<16xi32>
      %swap3A_510 = arith.constant 32 : index
      %swap3A_511 = tpu.vector_load %arg9[%swap3A_510] {strides = array<i32>} : memref<128xi32, #tpu.memory_space<vmem>>, vector<16xi32>,
      %swap3A_512 = vector.shape_cast %swap3A_511 : vector<16xi32> to vector<16xi32>
      %swap3A_513 = vector.shape_cast %add3A_509 : vector<16xi32> to vector<16xi32>
      tpu.vector_store %arg9[%swap3A_510], %swap3A_513 {strides = array<i32>} : memref<128xi32, #tpu.memory_space<vmem>>, vector<16xi32>,
      %get3A_514 = arith.constant 48 : index
      %get3A_515 = tpu.vector_load %arg9[%get3A_514] {strides = array<i32>} : memref<128xi32, #tpu.memory_space<vmem>>, vector<16xi32>,
      %get3A_516 = vector.shape_cast %get3A_515 : vector<16xi32> to vector<16xi32>
      %add3A_517 = arith.addi %get3A_516, %broadcast_in_dim3A : vector<16xi32>
      %swap3A_518 = arith.constant 48 : index
      %swap3A_519 = tpu.vector_load %arg9[%swap3A_518] {strides = array<i32>} : memref<128xi32, #tpu.memory_space<vmem>>, vector<16xi32>,
      %swap3A_520 = vector.shape_cast %swap3A_519 : vector<16xi32> to vector<16xi32>
      %swap3A_521 = vector.shape_cast %add3A_517 : vector<16xi32> to vector<16xi32>
      tpu.vector_store %arg9[%swap3A_518], %swap3A_521 {strides = array<i32>} : memref<128xi32, #tpu.memory_space<vmem>>, vector<16xi32>,
      %get3A_522 = arith.constant 64 : index
      %get3A_523 = tpu.vector_load %arg9[%get3A_522] {strides = array<i32>} : memref<128xi32, #tpu.memory_space<vmem>>, vector<16xi32>,
      %get3A_524 = vector.shape_cast %get3A_523 : vector<16xi32> to vector<16xi32>
      %add3A_525 = arith.addi %get3A_524, %broadcast_in_dim3A : vector<16xi32>
      %swap3A_526 = arith.constant 64 : index
      %swap3A_527 = tpu.vector_load %arg9[%swap3A_526] {strides = array<i32>} : memref<128xi32, #tpu.memory_space<vmem>>, vector<16xi32>,
      %swap3A_528 = vector.shape_cast %swap3A_527 : vector<16xi32> to vector<16xi32>
      %swap3A_529 = vector.shape_cast %add3A_525 : vector<16xi32> to vector<16xi32>
      tpu.vector_store %arg9[%swap3A_526], %swap3A_529 {strides = array<i32>} : memref<128xi32, #tpu.memory_space<vmem>>, vector<16xi32>,
      %get3A_530 = arith.constant 80 : index
      %get3A_531 = tpu.vector_load %arg9[%get3A_530] {strides = array<i32>} : memref<128xi32, #tpu.memory_space<vmem>>, vector<16xi32>,
      %get3A_532 = vector.shape_cast %get3A_531 : vector<16xi32> to vector<16xi32>
      %add3A_533 = arith.addi %get3A_532, %broadcast_in_dim3A : vector<16xi32>
      %swap3A_534 = arith.constant 80 : index
      %swap3A_535 = tpu.vector_load %arg9[%swap3A_534] {strides = array<i32>} : memref<128xi32, #tpu.memory_space<vmem>>, vector<16xi32>,
      %swap3A_536 = vector.shape_cast %swap3A_535 : vector<16xi32> to vector<16xi32>
      %swap3A_537 = vector.shape_cast %add3A_533 : vector<16xi32> to vector<16xi32>
      tpu.vector_store %arg9[%swap3A_534], %swap3A_537 {strides = array<i32>} : memref<128xi32, #tpu.memory_space<vmem>>, vector<16xi32>,
      %get3A_538 = arith.constant 96 : index
      %get3A_539 = tpu.vector_load %arg9[%get3A_538] {strides = array<i32>} : memref<128xi32, #tpu.memory_space<vmem>>, vector<16xi32>,
      %get3A_540 = vector.shape_cast %get3A_539 : vector<16xi32> to vector<16xi32>
      %add3A_541 = arith.addi %get3A_540, %broadcast_in_dim3A : vector<16xi32>
      %swap3A_542 = arith.constant 96 : index
      %swap3A_543 = tpu.vector_load %arg9[%swap3A_542] {strides = array<i32>} : memref<128xi32, #tpu.memory_space<vmem>>, vector<16xi32>,
      %swap3A_544 = vector.shape_cast %swap3A_543 : vector<16xi32> to vector<16xi32>
      %swap3A_545 = vector.shape_cast %add3A_541 : vector<16xi32> to vector<16xi32>
      tpu.vector_store %arg9[%swap3A_542], %swap3A_545 {strides = array<i32>} : memref<128xi32, #tpu.memory_space<vmem>>, vector<16xi32>,
      %get3A_546 = arith.constant 112 : index
      %get3A_547 = tpu.vector_load %arg9[%get3A_546] {strides = array<i32>} : memref<128xi32, #tpu.memory_space<vmem>>, vector<16xi32>,
      %get3A_548 = vector.shape_cast %get3A_547 : vector<16xi32> to vector<16xi32>
      %add3A_549 = arith.addi %get3A_548, %broadcast_in_dim3A : vector<16xi32>
      %swap3A_550 = arith.constant 112 : index
      %swap3A_551 = tpu.vector_load %arg9[%swap3A_550] {strides = array<i32>} : memref<128xi32, #tpu.memory_space<vmem>>, vector<16xi32>,
      %swap3A_552 = vector.shape_cast %swap3A_551 : vector<16xi32> to vector<16xi32>
      %swap3A_553 = vector.shape_cast %add3A_549 : vector<16xi32> to vector<16xi32>
      tpu.vector_store %arg9[%swap3A_550], %swap3A_553 {strides = array<i32>} : memref<128xi32, #tpu.memory_space<vmem>>, vector<16xi32>,
      %add3A_554 = arith.constant 2 : i32
      %add3A_555 = arith.addi %add3A_478, %add3A_554 : i32
      %mul3A_556 = arith.constant 128 : i32
      %mul3A_557 = arith.muli %add3A_555, %mul3A_556 : i32
      %add3A_558 = arith.addi %mul3A_0, %mul3A_557 : i32
      "tpu.region"() ({
        %run_scoped3A = tpu.sem_alloc : memref<!tpu.dma_semaphore, #tpu.memory_space<semaphore_mem>>
        %dma_start3A_565 = tpu.memref_slice %arg4[%add3A_558] : memref<323584xi32, #tpu.memory_space<hbm>> -> memref<128xi32, #tpu.memory_space<hbm>>
        %dma_start3A_566 = tpu.memref_slice %arg4[%add3A_558] : memref<323584xi32, #tpu.memory_space<hbm>> -> memref<128xi32, #tpu.memory_space<hbm>>
        tpu.enqueue_dma source(%dma_start3A_566 : memref<128xi32, #tpu.memory_space<hbm>>) target(%arg12 : memref<128xi32, #tpu.memory_space<vmem>>) target_semaphore(%run_scoped3A : memref<!tpu.dma_semaphore, #tpu.memory_space<semaphore_mem>>)
        %dma_wait3A_567 = tpu.memref_slice %arg4[%add3A_558] : memref<323584xi32, #tpu.memory_space<hbm>> -> memref<128xi32, #tpu.memory_space<hbm>>
        %dma_wait3A_568 = tpu.memref_slice %arg4[%add3A_558] : memref<323584xi32, #tpu.memory_space<hbm>> -> memref<128xi32, #tpu.memory_space<hbm>>
        tpu.wait_dma2 semaphore(%run_scoped3A : memref<!tpu.dma_semaphore, #tpu.memory_space<semaphore_mem>>) src(%dma_wait3A_568 : memref<128xi32, #tpu.memory_space<hbm>>) dst(%arg12 : memref<128xi32, #tpu.memory_space<vmem>>)
        tpu.yield
      }) : () -> ()
      %dma_wait3A_559 = arith.constant 0 : i32
      %dma_wait3A_560 = arith.constant 0 : i32
      %dma_wait3A_561 = tpu.memref_slice %arg14[%dma_wait3A_559, %dma_wait3A_560] : memref<10240x128xf32, #tpu.memory_space<vmem_shared>> -> memref<10240x128xf32, #tpu.memory_space<vmem_shared>>
      tpu.wait_indirect_dma semaphore(%arg16 : memref<!tpu.dma_semaphore, #tpu.memory_space<semaphore_mem>>) src(%arg7 : memref<128x128xf32, #tpu.memory_space<vmem>>) dst(%dma_wait3A_561 : memref<10240x128xf32, #tpu.memory_space<vmem_shared>>)
      %dma_start3A_562 = arith.constant 0 : i32
      %dma_start3A_563 = arith.constant 0 : i32
      %dma_start3A_564 = tpu.memref_slice %arg2[%dma_start3A_562, %dma_start3A_563] : memref<20480x128xf32, #tpu.memory_space<hbm>> -> memref<20480x128xf32, #tpu.memory_space<hbm>>
      tpu.enqueue_indirect_dma source(%dma_start3A_564 : memref<20480x128xf32, #tpu.memory_space<hbm>>) target(%arg7 : memref<128x128xf32, #tpu.memory_space<vmem>>) offsets(%arg9 : memref<128xi32, #tpu.memory_space<vmem>>) semaphore(%arg16 : memref<!tpu.dma_semaphore, #tpu.memory_space<semaphore_mem>>)
    }
    %scan3A_173 = arith.constant 39 : i32
    %dma_wait3A = arith.constant 0 : i32
    %dma_wait3A_174 = arith.constant 0 : i32
    %dma_wait3A_175 = tpu.memref_slice %arg2[%dma_wait3A, %dma_wait3A_174] : memref<20480x128xf32, #tpu.memory_space<hbm>> -> memref<20480x128xf32, #tpu.memory_space<hbm>>
    tpu.wait_indirect_dma semaphore(%arg15 : memref<!tpu.dma_semaphore, #tpu.memory_space<semaphore_mem>>) src(%dma_wait3A_175 : memref<20480x128xf32, #tpu.memory_space<hbm>>) dst(%arg6 : memref<128x128xf32, #tpu.memory_space<vmem>>)
    %dma_start3A_176 = arith.constant 0 : i32
    %dma_start3A_177 = arith.constant 0 : i32
    %dma_start3A_178 = tpu.memref_slice %arg14[%dma_start3A_176, %dma_start3A_177] : memref<10240x128xf32, #tpu.memory_space<vmem_shared>> -> memref<10240x128xf32, #tpu.memory_space<vmem_shared>>
    tpu.enqueue_indirect_dma source(%arg6 : memref<128x128xf32, #tpu.memory_space<vmem>>) target(%dma_start3A_178 : memref<10240x128xf32, #tpu.memory_space<vmem_shared>>) offsets(%arg10 : memref<128xi32, #tpu.memory_space<vmem>>) semaphore(%arg15 : memref<!tpu.dma_semaphore, #tpu.memory_space<semaphore_mem>>) {add = true}
    %dma_wait3A_179 = arith.constant 0 : i32
    %dma_wait3A_180 = arith.constant 0 : i32
    %dma_wait3A_181 = tpu.memref_slice %arg14[%dma_wait3A_179, %dma_wait3A_180] : memref<10240x128xf32, #tpu.memory_space<vmem_shared>> -> memref<10240x128xf32, #tpu.memory_space<vmem_shared>>
    tpu.wait_indirect_dma semaphore(%arg15 : memref<!tpu.dma_semaphore, #tpu.memory_space<semaphore_mem>>) src(%arg6 : memref<128x128xf32, #tpu.memory_space<vmem>>) dst(%dma_wait3A_181 : memref<10240x128xf32, #tpu.memory_space<vmem_shared>>)
    %dma_wait3A_182 = arith.constant 0 : i32
    %dma_wait3A_183 = arith.constant 0 : i32
    %dma_wait3A_184 = tpu.memref_slice %arg2[%dma_wait3A_182, %dma_wait3A_183] : memref<20480x128xf32, #tpu.memory_space<hbm>> -> memref<20480x128xf32, #tpu.memory_space<hbm>>
    tpu.wait_indirect_dma semaphore(%arg16 : memref<!tpu.dma_semaphore, #tpu.memory_space<semaphore_mem>>) src(%dma_wait3A_184 : memref<20480x128xf32, #tpu.memory_space<hbm>>) dst(%arg7 : memref<128x128xf32, #tpu.memory_space<vmem>>)
    %dma_start3A_185 = arith.constant 0 : i32
    %dma_start3A_186 = arith.constant 0 : i32
    %dma_start3A_187 = tpu.memref_slice %arg14[%dma_start3A_185, %dma_start3A_186] : memref<10240x128xf32, #tpu.memory_space<vmem_shared>> -> memref<10240x128xf32, #tpu.memory_space<vmem_shared>>
    tpu.enqueue_indirect_dma source(%arg7 : memref<128x128xf32, #tpu.memory_space<vmem>>) target(%dma_start3A_187 : memref<10240x128xf32, #tpu.memory_space<vmem_shared>>) offsets(%arg12 : memref<128xi32, #tpu.memory_space<vmem>>) semaphore(%arg16 : memref<!tpu.dma_semaphore, #tpu.memory_space<semaphore_mem>>) {add = true}
    %dma_wait3A_188 = arith.constant 0 : i32
    %dma_wait3A_189 = arith.constant 0 : i32
    %dma_wait3A_190 = tpu.memref_slice %arg14[%dma_wait3A_188, %dma_wait3A_189] : memref<10240x128xf32, #tpu.memory_space<vmem_shared>> -> memref<10240x128xf32, #tpu.memory_space<vmem_shared>>
    tpu.wait_indirect_dma semaphore(%arg16 : memref<!tpu.dma_semaphore, #tpu.memory_space<semaphore_mem>>) src(%arg7 : memref<128x128xf32, #tpu.memory_space<vmem>>) dst(%dma_wait3A_190 : memref<10240x128xf32, #tpu.memory_space<vmem_shared>>)
    %barrier3A_191 = arith.constant 0 : index
    tpu.barrier barrier_id(%barrier3A_191)
    %mul3A_192 = arith.constant 640 : i32
    %mul3A_193 = arith.muli %arg1, %mul3A_192 : i32
    %mul3A_194 = arith.constant 640 : i32
    %mul3A_195 = arith.muli %arg1, %mul3A_194 : i32
    "tpu.region"() ({
      %run_scoped3A = tpu.sem_alloc : memref<!tpu.dma_semaphore, #tpu.memory_space<semaphore_mem>>
      %dma_start3A_196 = arith.constant 0 : i32
      %dma_start3A_197 = tpu.memref_slice %arg5[%arg0, %mul3A_195, %dma_start3A_196] : memref<2x10240x128xf32, #tpu.memory_space<hbm>> -> memref<1x640x128xf32, #tpu.memory_space<hbm>>
      %dma_start3A_198 = tpu.memref_squeeze %dma_start3A_197 : memref<1x640x128xf32, #tpu.memory_space<hbm>> -> memref<640x128xf32, #tpu.memory_space<hbm>>
      %dma_start3A_199 = arith.constant 0 : i32
      %dma_start3A_200 = tpu.memref_slice %arg14[%mul3A_193, %dma_start3A_199] : memref<10240x128xf32, #tpu.memory_space<vmem_shared>> -> memref<640x128xf32, #tpu.memory_space<vmem_shared>>
      tpu.enqueue_dma source(%dma_start3A_200 : memref<640x128xf32, #tpu.memory_space<vmem_shared>>) target(%dma_start3A_198 : memref<640x128xf32, #tpu.memory_space<hbm>>) target_semaphore(%run_scoped3A : memref<!tpu.dma_semaphore, #tpu.memory_space<semaphore_mem>>)
      %dma_wait3A_201 = arith.constant 0 : i32
      %dma_wait3A_202 = tpu.memref_slice %arg5[%arg0, %mul3A_195, %dma_wait3A_201] : memref<2x10240x128xf32, #tpu.memory_space<hbm>> -> memref<1x640x128xf32, #tpu.memory_space<hbm>>
      %dma_wait3A_203 = tpu.memref_squeeze %dma_wait3A_202 : memref<1x640x128xf32, #tpu.memory_space<hbm>> -> memref<640x128xf32, #tpu.memory_space<hbm>>
      %dma_wait3A_204 = arith.constant 0 : i32
      %dma_wait3A_205 = tpu.memref_slice %arg14[%mul3A_193, %dma_wait3A_204] : memref<10240x128xf32, #tpu.memory_space<vmem_shared>> -> memref<640x128xf32, #tpu.memory_space<vmem_shared>>
      tpu.wait_dma2 semaphore(%run_scoped3A : memref<!tpu.dma_semaphore, #tpu.memory_space<semaphore_mem>>) src(%dma_wait3A_205 : memref<640x128xf32, #tpu.memory_space<vmem_shared>>) dst(%dma_wait3A_203 : memref<640x128xf32, #tpu.memory_space<hbm>>)
      tpu.yield
    }) : () -> ()
    return
  }
}

#map = affine_map<(d0, d1) -> (0, 0)>
#map1 = affine_map<(d0, d1) -> (0)>
#map2 = affine_map<(d0, d1) -> (0, 0, 0)>
module attributes {stable_mosaic.version = 14 : i64} {
  func.func @_agg_body(%arg0: i32, %arg1: i32, %arg2: memref<20480x128xf32, #tpu.memory_space<hbm>>, %arg3: memref<323584xi32, #tpu.memory_space<hbm>>, %arg4: memref<323584xi32, #tpu.memory_space<hbm>>, %arg5: memref<2x10240x128xf32, #tpu.memory_space<hbm>>, %arg6: memref<128x128xf32, #tpu.memory_space<vmem>>, %arg7: memref<128x128xf32, #tpu.memory_space<vmem>>, %arg8: memref<128xi32, #tpu.memory_space<vmem>>, %arg9: memref<128xi32, #tpu.memory_space<vmem>>, %arg10: memref<128xi32, #tpu.memory_space<vmem>>, %arg11: memref<128xi32, #tpu.memory_space<vmem>>, %arg12: memref<128xi32, #tpu.memory_space<vmem>>, %arg13: memref<128xi32, #tpu.memory_space<vmem>>, %arg14: memref<10240x128xf32, #tpu.memory_space<vmem_shared>>, %arg15: memref<!tpu.dma_semaphore, #tpu.memory_space<semaphore_mem>>, %arg16: memref<!tpu.dma_semaphore, #tpu.memory_space<semaphore_mem>>) attributes {dimension_semantics = [#tpu.dimension_semantics<core_parallel>, #tpu.dimension_semantics<subcore_parallel>], iteration_bounds = array<i64: 2, 16>, scalar_prefetch = 0 : i64, scratch_operands = 11 : i64, tpu.core_type = #tpu.core_type<sc_vector_subcore>, window_params = [{transform_indices = #map}, {transform_indices = #map1}, {transform_indices = #map1}, {transform_indices = #map2}]} {
    %mul3A = arith.constant 20224 : i32
    %mul3A_0 = arith.muli %arg1, %mul3A : i32
    %mul3A_1 = arith.constant 10240 : i32
    %mul3A_2 = arith.muli %arg0, %mul3A_1 : i32
    %broadcast_in_dim3A = vector.broadcast %mul3A_2 : i32 to vector<16xi32>
    %broadcast_in_dim3A_3 = arith.constant 0.000000e+00 : f32
    %broadcast_in_dim3A_4 = vector.broadcast %broadcast_in_dim3A_3 : f32 to vector<16xf32>
    %scan3A = arith.constant 0 : i32
    %scan3A_5 = arith.constant 0 : i32
    %scan3A_6 = arith.constant 128 : i32
    %scan3A_7 = arith.addi %scan3A_5, %scan3A_6 : i32
    %scan3A_8 = arith.constant 1 : i32
    scf.for %scan3A_196 = %scan3A_5 to %scan3A_7 step %scan3A_8  : i32 {
      %swap3A_197 = arith.index_cast %scan3A_196 : i32 to index
      %swap3A_198 = arith.constant 0 : index
      %swap3A_199 = tpu.vector_load %arg6[%swap3A_197, %swap3A_198] {strides = array<i32>} : memref<128x128xf32, #tpu.memory_space<vmem>>, vector<1x16xf32>,
      %swap3A_200 = vector.shape_cast %swap3A_199 : vector<1x16xf32> to vector<16xf32>
      %swap3A_201 = vector.shape_cast %broadcast_in_dim3A_4 : vector<16xf32> to vector<1x16xf32>
      tpu.vector_store %arg6[%swap3A_197, %swap3A_198], %swap3A_201 {strides = array<i32>} : memref<128x128xf32, #tpu.memory_space<vmem>>, vector<1x16xf32>,
      %swap3A_202 = arith.index_cast %scan3A_196 : i32 to index
      %swap3A_203 = arith.constant 16 : index
      %swap3A_204 = tpu.vector_load %arg6[%swap3A_202, %swap3A_203] {strides = array<i32>} : memref<128x128xf32, #tpu.memory_space<vmem>>, vector<1x16xf32>,
      %swap3A_205 = vector.shape_cast %swap3A_204 : vector<1x16xf32> to vector<16xf32>
      %swap3A_206 = vector.shape_cast %broadcast_in_dim3A_4 : vector<16xf32> to vector<1x16xf32>
      tpu.vector_store %arg6[%swap3A_202, %swap3A_203], %swap3A_206 {strides = array<i32>} : memref<128x128xf32, #tpu.memory_space<vmem>>, vector<1x16xf32>,
      %swap3A_207 = arith.index_cast %scan3A_196 : i32 to index
      %swap3A_208 = arith.constant 32 : index
      %swap3A_209 = tpu.vector_load %arg6[%swap3A_207, %swap3A_208] {strides = array<i32>} : memref<128x128xf32, #tpu.memory_space<vmem>>, vector<1x16xf32>,
      %swap3A_210 = vector.shape_cast %swap3A_209 : vector<1x16xf32> to vector<16xf32>
      %swap3A_211 = vector.shape_cast %broadcast_in_dim3A_4 : vector<16xf32> to vector<1x16xf32>
      tpu.vector_store %arg6[%swap3A_207, %swap3A_208], %swap3A_211 {strides = array<i32>} : memref<128x128xf32, #tpu.memory_space<vmem>>, vector<1x16xf32>,
      %swap3A_212 = arith.index_cast %scan3A_196 : i32 to index
      %swap3A_213 = arith.constant 48 : index
      %swap3A_214 = tpu.vector_load %arg6[%swap3A_212, %swap3A_213] {strides = array<i32>} : memref<128x128xf32, #tpu.memory_space<vmem>>, vector<1x16xf32>,
      %swap3A_215 = vector.shape_cast %swap3A_214 : vector<1x16xf32> to vector<16xf32>
      %swap3A_216 = vector.shape_cast %broadcast_in_dim3A_4 : vector<16xf32> to vector<1x16xf32>
      tpu.vector_store %arg6[%swap3A_212, %swap3A_213], %swap3A_216 {strides = array<i32>} : memref<128x128xf32, #tpu.memory_space<vmem>>, vector<1x16xf32>,
      %swap3A_217 = arith.index_cast %scan3A_196 : i32 to index
      %swap3A_218 = arith.constant 64 : index
      %swap3A_219 = tpu.vector_load %arg6[%swap3A_217, %swap3A_218] {strides = array<i32>} : memref<128x128xf32, #tpu.memory_space<vmem>>, vector<1x16xf32>,
      %swap3A_220 = vector.shape_cast %swap3A_219 : vector<1x16xf32> to vector<16xf32>
      %swap3A_221 = vector.shape_cast %broadcast_in_dim3A_4 : vector<16xf32> to vector<1x16xf32>
      tpu.vector_store %arg6[%swap3A_217, %swap3A_218], %swap3A_221 {strides = array<i32>} : memref<128x128xf32, #tpu.memory_space<vmem>>, vector<1x16xf32>,
      %swap3A_222 = arith.index_cast %scan3A_196 : i32 to index
      %swap3A_223 = arith.constant 80 : index
      %swap3A_224 = tpu.vector_load %arg6[%swap3A_222, %swap3A_223] {strides = array<i32>} : memref<128x128xf32, #tpu.memory_space<vmem>>, vector<1x16xf32>,
      %swap3A_225 = vector.shape_cast %swap3A_224 : vector<1x16xf32> to vector<16xf32>
      %swap3A_226 = vector.shape_cast %broadcast_in_dim3A_4 : vector<16xf32> to vector<1x16xf32>
      tpu.vector_store %arg6[%swap3A_222, %swap3A_223], %swap3A_226 {strides = array<i32>} : memref<128x128xf32, #tpu.memory_space<vmem>>, vector<1x16xf32>,
      %swap3A_227 = arith.index_cast %scan3A_196 : i32 to index
      %swap3A_228 = arith.constant 96 : index
      %swap3A_229 = tpu.vector_load %arg6[%swap3A_227, %swap3A_228] {strides = array<i32>} : memref<128x128xf32, #tpu.memory_space<vmem>>, vector<1x16xf32>,
      %swap3A_230 = vector.shape_cast %swap3A_229 : vector<1x16xf32> to vector<16xf32>
      %swap3A_231 = vector.shape_cast %broadcast_in_dim3A_4 : vector<16xf32> to vector<1x16xf32>
      tpu.vector_store %arg6[%swap3A_227, %swap3A_228], %swap3A_231 {strides = array<i32>} : memref<128x128xf32, #tpu.memory_space<vmem>>, vector<1x16xf32>,
      %swap3A_232 = arith.index_cast %scan3A_196 : i32 to index
      %swap3A_233 = arith.constant 112 : index
      %swap3A_234 = tpu.vector_load %arg6[%swap3A_232, %swap3A_233] {strides = array<i32>} : memref<128x128xf32, #tpu.memory_space<vmem>>, vector<1x16xf32>,
      %swap3A_235 = vector.shape_cast %swap3A_234 : vector<1x16xf32> to vector<16xf32>
      %swap3A_236 = vector.shape_cast %broadcast_in_dim3A_4 : vector<16xf32> to vector<1x16xf32>
      tpu.vector_store %arg6[%swap3A_232, %swap3A_233], %swap3A_236 {strides = array<i32>} : memref<128x128xf32, #tpu.memory_space<vmem>>, vector<1x16xf32>,
    }
    %scan3A_9 = arith.constant 128 : i32
    %mul3A_10 = arith.constant 640 : i32
    %mul3A_11 = arith.muli %arg1, %mul3A_10 : i32
    %add3A = arith.constant 0 : i32
    %add3A_12 = arith.addi %mul3A_11, %add3A : i32
    "tpu.region"() ({
      %run_scoped3A = tpu.sem_alloc : memref<!tpu.dma_semaphore, #tpu.memory_space<semaphore_mem>>
      %dma_start3A_196 = arith.constant 0 : i32
      %dma_start3A_197 = tpu.memref_slice %arg14[%add3A_12, %dma_start3A_196] : memref<10240x128xf32, #tpu.memory_space<vmem_shared>> -> memref<128x128xf32, #tpu.memory_space<vmem_shared>>
      %dma_start3A_198 = arith.constant 0 : i32
      %dma_start3A_199 = tpu.memref_slice %arg14[%add3A_12, %dma_start3A_198] : memref<10240x128xf32, #tpu.memory_space<vmem_shared>> -> memref<128x128xf32, #tpu.memory_space<vmem_shared>>
      tpu.enqueue_dma source(%arg6 : memref<128x128xf32, #tpu.memory_space<vmem>>) target(%dma_start3A_199 : memref<128x128xf32, #tpu.memory_space<vmem_shared>>) target_semaphore(%run_scoped3A : memref<!tpu.dma_semaphore, #tpu.memory_space<semaphore_mem>>)
      %dma_wait3A_200 = arith.constant 0 : i32
      %dma_wait3A_201 = tpu.memref_slice %arg14[%add3A_12, %dma_wait3A_200] : memref<10240x128xf32, #tpu.memory_space<vmem_shared>> -> memref<128x128xf32, #tpu.memory_space<vmem_shared>>
      %dma_wait3A_202 = arith.constant 0 : i32
      %dma_wait3A_203 = tpu.memref_slice %arg14[%add3A_12, %dma_wait3A_202] : memref<10240x128xf32, #tpu.memory_space<vmem_shared>> -> memref<128x128xf32, #tpu.memory_space<vmem_shared>>
      tpu.wait_dma2 semaphore(%run_scoped3A : memref<!tpu.dma_semaphore, #tpu.memory_space<semaphore_mem>>) src(%arg6 : memref<128x128xf32, #tpu.memory_space<vmem>>) dst(%dma_wait3A_203 : memref<128x128xf32, #tpu.memory_space<vmem_shared>>)
      tpu.yield
    }) : () -> ()
    %mul3A_13 = arith.constant 640 : i32
    %mul3A_14 = arith.muli %arg1, %mul3A_13 : i32
    %add3A_15 = arith.constant 128 : i32
    %add3A_16 = arith.addi %mul3A_14, %add3A_15 : i32
    "tpu.region"() ({
      %run_scoped3A = tpu.sem_alloc : memref<!tpu.dma_semaphore, #tpu.memory_space<semaphore_mem>>
      %dma_start3A_196 = arith.constant 0 : i32
      %dma_start3A_197 = tpu.memref_slice %arg14[%add3A_16, %dma_start3A_196] : memref<10240x128xf32, #tpu.memory_space<vmem_shared>> -> memref<128x128xf32, #tpu.memory_space<vmem_shared>>
      %dma_start3A_198 = arith.constant 0 : i32
      %dma_start3A_199 = tpu.memref_slice %arg14[%add3A_16, %dma_start3A_198] : memref<10240x128xf32, #tpu.memory_space<vmem_shared>> -> memref<128x128xf32, #tpu.memory_space<vmem_shared>>
      tpu.enqueue_dma source(%arg6 : memref<128x128xf32, #tpu.memory_space<vmem>>) target(%dma_start3A_199 : memref<128x128xf32, #tpu.memory_space<vmem_shared>>) target_semaphore(%run_scoped3A : memref<!tpu.dma_semaphore, #tpu.memory_space<semaphore_mem>>)
      %dma_wait3A_200 = arith.constant 0 : i32
      %dma_wait3A_201 = tpu.memref_slice %arg14[%add3A_16, %dma_wait3A_200] : memref<10240x128xf32, #tpu.memory_space<vmem_shared>> -> memref<128x128xf32, #tpu.memory_space<vmem_shared>>
      %dma_wait3A_202 = arith.constant 0 : i32
      %dma_wait3A_203 = tpu.memref_slice %arg14[%add3A_16, %dma_wait3A_202] : memref<10240x128xf32, #tpu.memory_space<vmem_shared>> -> memref<128x128xf32, #tpu.memory_space<vmem_shared>>
      tpu.wait_dma2 semaphore(%run_scoped3A : memref<!tpu.dma_semaphore, #tpu.memory_space<semaphore_mem>>) src(%arg6 : memref<128x128xf32, #tpu.memory_space<vmem>>) dst(%dma_wait3A_203 : memref<128x128xf32, #tpu.memory_space<vmem_shared>>)
      tpu.yield
    }) : () -> ()
    %mul3A_17 = arith.constant 640 : i32
    %mul3A_18 = arith.muli %arg1, %mul3A_17 : i32
    %add3A_19 = arith.constant 256 : i32
    %add3A_20 = arith.addi %mul3A_18, %add3A_19 : i32
    "tpu.region"() ({
      %run_scoped3A = tpu.sem_alloc : memref<!tpu.dma_semaphore, #tpu.memory_space<semaphore_mem>>
      %dma_start3A_196 = arith.constant 0 : i32
      %dma_start3A_197 = tpu.memref_slice %arg14[%add3A_20, %dma_start3A_196] : memref<10240x128xf32, #tpu.memory_space<vmem_shared>> -> memref<128x128xf32, #tpu.memory_space<vmem_shared>>
      %dma_start3A_198 = arith.constant 0 : i32
      %dma_start3A_199 = tpu.memref_slice %arg14[%add3A_20, %dma_start3A_198] : memref<10240x128xf32, #tpu.memory_space<vmem_shared>> -> memref<128x128xf32, #tpu.memory_space<vmem_shared>>
      tpu.enqueue_dma source(%arg6 : memref<128x128xf32, #tpu.memory_space<vmem>>) target(%dma_start3A_199 : memref<128x128xf32, #tpu.memory_space<vmem_shared>>) target_semaphore(%run_scoped3A : memref<!tpu.dma_semaphore, #tpu.memory_space<semaphore_mem>>)
      %dma_wait3A_200 = arith.constant 0 : i32
      %dma_wait3A_201 = tpu.memref_slice %arg14[%add3A_20, %dma_wait3A_200] : memref<10240x128xf32, #tpu.memory_space<vmem_shared>> -> memref<128x128xf32, #tpu.memory_space<vmem_shared>>
      %dma_wait3A_202 = arith.constant 0 : i32
      %dma_wait3A_203 = tpu.memref_slice %arg14[%add3A_20, %dma_wait3A_202] : memref<10240x128xf32, #tpu.memory_space<vmem_shared>> -> memref<128x128xf32, #tpu.memory_space<vmem_shared>>
      tpu.wait_dma2 semaphore(%run_scoped3A : memref<!tpu.dma_semaphore, #tpu.memory_space<semaphore_mem>>) src(%arg6 : memref<128x128xf32, #tpu.memory_space<vmem>>) dst(%dma_wait3A_203 : memref<128x128xf32, #tpu.memory_space<vmem_shared>>)
      tpu.yield
    }) : () -> ()
    %mul3A_21 = arith.constant 640 : i32
    %mul3A_22 = arith.muli %arg1, %mul3A_21 : i32
    %add3A_23 = arith.constant 384 : i32
    %add3A_24 = arith.addi %mul3A_22, %add3A_23 : i32
    "tpu.region"() ({
      %run_scoped3A = tpu.sem_alloc : memref<!tpu.dma_semaphore, #tpu.memory_space<semaphore_mem>>
      %dma_start3A_196 = arith.constant 0 : i32
      %dma_start3A_197 = tpu.memref_slice %arg14[%add3A_24, %dma_start3A_196] : memref<10240x128xf32, #tpu.memory_space<vmem_shared>> -> memref<128x128xf32, #tpu.memory_space<vmem_shared>>
      %dma_start3A_198 = arith.constant 0 : i32
      %dma_start3A_199 = tpu.memref_slice %arg14[%add3A_24, %dma_start3A_198] : memref<10240x128xf32, #tpu.memory_space<vmem_shared>> -> memref<128x128xf32, #tpu.memory_space<vmem_shared>>
      tpu.enqueue_dma source(%arg6 : memref<128x128xf32, #tpu.memory_space<vmem>>) target(%dma_start3A_199 : memref<128x128xf32, #tpu.memory_space<vmem_shared>>) target_semaphore(%run_scoped3A : memref<!tpu.dma_semaphore, #tpu.memory_space<semaphore_mem>>)
      %dma_wait3A_200 = arith.constant 0 : i32
      %dma_wait3A_201 = tpu.memref_slice %arg14[%add3A_24, %dma_wait3A_200] : memref<10240x128xf32, #tpu.memory_space<vmem_shared>> -> memref<128x128xf32, #tpu.memory_space<vmem_shared>>
      %dma_wait3A_202 = arith.constant 0 : i32
      %dma_wait3A_203 = tpu.memref_slice %arg14[%add3A_24, %dma_wait3A_202] : memref<10240x128xf32, #tpu.memory_space<vmem_shared>> -> memref<128x128xf32, #tpu.memory_space<vmem_shared>>
      tpu.wait_dma2 semaphore(%run_scoped3A : memref<!tpu.dma_semaphore, #tpu.memory_space<semaphore_mem>>) src(%arg6 : memref<128x128xf32, #tpu.memory_space<vmem>>) dst(%dma_wait3A_203 : memref<128x128xf32, #tpu.memory_space<vmem_shared>>)
      tpu.yield
    }) : () -> ()
    %mul3A_25 = arith.constant 640 : i32
    %mul3A_26 = arith.muli %arg1, %mul3A_25 : i32
    %add3A_27 = arith.constant 512 : i32
    %add3A_28 = arith.addi %mul3A_26, %add3A_27 : i32
    "tpu.region"() ({
      %run_scoped3A = tpu.sem_alloc : memref<!tpu.dma_semaphore, #tpu.memory_space<semaphore_mem>>
      %dma_start3A_196 = arith.constant 0 : i32
      %dma_start3A_197 = tpu.memref_slice %arg14[%add3A_28, %dma_start3A_196] : memref<10240x128xf32, #tpu.memory_space<vmem_shared>> -> memref<128x128xf32, #tpu.memory_space<vmem_shared>>
      %dma_start3A_198 = arith.constant 0 : i32
      %dma_start3A_199 = tpu.memref_slice %arg14[%add3A_28, %dma_start3A_198] : memref<10240x128xf32, #tpu.memory_space<vmem_shared>> -> memref<128x128xf32, #tpu.memory_space<vmem_shared>>
      tpu.enqueue_dma source(%arg6 : memref<128x128xf32, #tpu.memory_space<vmem>>) target(%dma_start3A_199 : memref<128x128xf32, #tpu.memory_space<vmem_shared>>) target_semaphore(%run_scoped3A : memref<!tpu.dma_semaphore, #tpu.memory_space<semaphore_mem>>)
      %dma_wait3A_200 = arith.constant 0 : i32
      %dma_wait3A_201 = tpu.memref_slice %arg14[%add3A_28, %dma_wait3A_200] : memref<10240x128xf32, #tpu.memory_space<vmem_shared>> -> memref<128x128xf32, #tpu.memory_space<vmem_shared>>
      %dma_wait3A_202 = arith.constant 0 : i32
      %dma_wait3A_203 = tpu.memref_slice %arg14[%add3A_28, %dma_wait3A_202] : memref<10240x128xf32, #tpu.memory_space<vmem_shared>> -> memref<128x128xf32, #tpu.memory_space<vmem_shared>>
      tpu.wait_dma2 semaphore(%run_scoped3A : memref<!tpu.dma_semaphore, #tpu.memory_space<semaphore_mem>>) src(%arg6 : memref<128x128xf32, #tpu.memory_space<vmem>>) dst(%dma_wait3A_203 : memref<128x128xf32, #tpu.memory_space<vmem_shared>>)
      tpu.yield
    }) : () -> ()
    %barrier3A = arith.constant 0 : index
    tpu.barrier barrier_id(%barrier3A)
    %add3A_29 = arith.constant 0 : i32
    %add3A_30 = arith.addi %mul3A_0, %add3A_29 : i32
    "tpu.region"() ({
      %run_scoped3A = tpu.sem_alloc : memref<!tpu.dma_semaphore, #tpu.memory_space<semaphore_mem>>
      %dma_start3A_196 = tpu.memref_slice %arg3[%add3A_30] : memref<323584xi32, #tpu.memory_space<hbm>> -> memref<128xi32, #tpu.memory_space<hbm>>
      %dma_start3A_197 = tpu.memref_slice %arg3[%add3A_30] : memref<323584xi32, #tpu.memory_space<hbm>> -> memref<128xi32, #tpu.memory_space<hbm>>
      tpu.enqueue_dma source(%dma_start3A_197 : memref<128xi32, #tpu.memory_space<hbm>>) target(%arg8 : memref<128xi32, #tpu.memory_space<vmem>>) target_semaphore(%run_scoped3A : memref<!tpu.dma_semaphore, #tpu.memory_space<semaphore_mem>>)
      %dma_wait3A_198 = tpu.memref_slice %arg3[%add3A_30] : memref<323584xi32, #tpu.memory_space<hbm>> -> memref<128xi32, #tpu.memory_space<hbm>>
      %dma_wait3A_199 = tpu.memref_slice %arg3[%add3A_30] : memref<323584xi32, #tpu.memory_space<hbm>> -> memref<128xi32, #tpu.memory_space<hbm>>
      tpu.wait_dma2 semaphore(%run_scoped3A : memref<!tpu.dma_semaphore, #tpu.memory_space<semaphore_mem>>) src(%dma_wait3A_199 : memref<128xi32, #tpu.memory_space<hbm>>) dst(%arg8 : memref<128xi32, #tpu.memory_space<vmem>>)
      tpu.yield
    }) : () -> ()
    %add3A_31 = arith.constant 0 : i32
    %add3A_32 = arith.addi %mul3A_0, %add3A_31 : i32
    "tpu.region"() ({
      %run_scoped3A = tpu.sem_alloc : memref<!tpu.dma_semaphore, #tpu.memory_space<semaphore_mem>>
      %dma_start3A_196 = tpu.memref_slice %arg4[%add3A_32] : memref<323584xi32, #tpu.memory_space<hbm>> -> memref<128xi32, #tpu.memory_space<hbm>>
      %dma_start3A_197 = tpu.memref_slice %arg4[%add3A_32] : memref<323584xi32, #tpu.memory_space<hbm>> -> memref<128xi32, #tpu.memory_space<hbm>>
      tpu.enqueue_dma source(%dma_start3A_197 : memref<128xi32, #tpu.memory_space<hbm>>) target(%arg10 : memref<128xi32, #tpu.memory_space<vmem>>) target_semaphore(%run_scoped3A : memref<!tpu.dma_semaphore, #tpu.memory_space<semaphore_mem>>)
      %dma_wait3A_198 = tpu.memref_slice %arg4[%add3A_32] : memref<323584xi32, #tpu.memory_space<hbm>> -> memref<128xi32, #tpu.memory_space<hbm>>
      %dma_wait3A_199 = tpu.memref_slice %arg4[%add3A_32] : memref<323584xi32, #tpu.memory_space<hbm>> -> memref<128xi32, #tpu.memory_space<hbm>>
      tpu.wait_dma2 semaphore(%run_scoped3A : memref<!tpu.dma_semaphore, #tpu.memory_space<semaphore_mem>>) src(%dma_wait3A_199 : memref<128xi32, #tpu.memory_space<hbm>>) dst(%arg10 : memref<128xi32, #tpu.memory_space<vmem>>)
      tpu.yield
    }) : () -> ()
    %get3A = arith.constant 0 : index
    %get3A_33 = tpu.vector_load %arg8[%get3A] {strides = array<i32>} : memref<128xi32, #tpu.memory_space<vmem>>, vector<16xi32>,
    %get3A_34 = vector.shape_cast %get3A_33 : vector<16xi32> to vector<16xi32>
    %add3A_35 = arith.addi %get3A_34, %broadcast_in_dim3A : vector<16xi32>
    %swap3A = arith.constant 0 : index
    %swap3A_36 = tpu.vector_load %arg8[%swap3A] {strides = array<i32>} : memref<128xi32, #tpu.memory_space<vmem>>, vector<16xi32>,
    %swap3A_37 = vector.shape_cast %swap3A_36 : vector<16xi32> to vector<16xi32>
    %swap3A_38 = vector.shape_cast %add3A_35 : vector<16xi32> to vector<16xi32>
    tpu.vector_store %arg8[%swap3A], %swap3A_38 {strides = array<i32>} : memref<128xi32, #tpu.memory_space<vmem>>, vector<16xi32>,
    %get3A_39 = arith.constant 16 : index
    %get3A_40 = tpu.vector_load %arg8[%get3A_39] {strides = array<i32>} : memref<128xi32, #tpu.memory_space<vmem>>, vector<16xi32>,
    %get3A_41 = vector.shape_cast %get3A_40 : vector<16xi32> to vector<16xi32>
    %add3A_42 = arith.addi %get3A_41, %broadcast_in_dim3A : vector<16xi32>
    %swap3A_43 = arith.constant 16 : index
    %swap3A_44 = tpu.vector_load %arg8[%swap3A_43] {strides = array<i32>} : memref<128xi32, #tpu.memory_space<vmem>>, vector<16xi32>,
    %swap3A_45 = vector.shape_cast %swap3A_44 : vector<16xi32> to vector<16xi32>
    %swap3A_46 = vector.shape_cast %add3A_42 : vector<16xi32> to vector<16xi32>
    tpu.vector_store %arg8[%swap3A_43], %swap3A_46 {strides = array<i32>} : memref<128xi32, #tpu.memory_space<vmem>>, vector<16xi32>,
    %get3A_47 = arith.constant 32 : index
    %get3A_48 = tpu.vector_load %arg8[%get3A_47] {strides = array<i32>} : memref<128xi32, #tpu.memory_space<vmem>>, vector<16xi32>,
    %get3A_49 = vector.shape_cast %get3A_48 : vector<16xi32> to vector<16xi32>
    %add3A_50 = arith.addi %get3A_49, %broadcast_in_dim3A : vector<16xi32>
    %swap3A_51 = arith.constant 32 : index
    %swap3A_52 = tpu.vector_load %arg8[%swap3A_51] {strides = array<i32>} : memref<128xi32, #tpu.memory_space<vmem>>, vector<16xi32>,
    %swap3A_53 = vector.shape_cast %swap3A_52 : vector<16xi32> to vector<16xi32>
    %swap3A_54 = vector.shape_cast %add3A_50 : vector<16xi32> to vector<16xi32>
    tpu.vector_store %arg8[%swap3A_51], %swap3A_54 {strides = array<i32>} : memref<128xi32, #tpu.memory_space<vmem>>, vector<16xi32>,
    %get3A_55 = arith.constant 48 : index
    %get3A_56 = tpu.vector_load %arg8[%get3A_55] {strides = array<i32>} : memref<128xi32, #tpu.memory_space<vmem>>, vector<16xi32>,
    %get3A_57 = vector.shape_cast %get3A_56 : vector<16xi32> to vector<16xi32>
    %add3A_58 = arith.addi %get3A_57, %broadcast_in_dim3A : vector<16xi32>
    %swap3A_59 = arith.constant 48 : index
    %swap3A_60 = tpu.vector_load %arg8[%swap3A_59] {strides = array<i32>} : memref<128xi32, #tpu.memory_space<vmem>>, vector<16xi32>,
    %swap3A_61 = vector.shape_cast %swap3A_60 : vector<16xi32> to vector<16xi32>
    %swap3A_62 = vector.shape_cast %add3A_58 : vector<16xi32> to vector<16xi32>
    tpu.vector_store %arg8[%swap3A_59], %swap3A_62 {strides = array<i32>} : memref<128xi32, #tpu.memory_space<vmem>>, vector<16xi32>,
    %get3A_63 = arith.constant 64 : index
    %get3A_64 = tpu.vector_load %arg8[%get3A_63] {strides = array<i32>} : memref<128xi32, #tpu.memory_space<vmem>>, vector<16xi32>,
    %get3A_65 = vector.shape_cast %get3A_64 : vector<16xi32> to vector<16xi32>
    %add3A_66 = arith.addi %get3A_65, %broadcast_in_dim3A : vector<16xi32>
    %swap3A_67 = arith.constant 64 : index
    %swap3A_68 = tpu.vector_load %arg8[%swap3A_67] {strides = array<i32>} : memref<128xi32, #tpu.memory_space<vmem>>, vector<16xi32>,
    %swap3A_69 = vector.shape_cast %swap3A_68 : vector<16xi32> to vector<16xi32>
    %swap3A_70 = vector.shape_cast %add3A_66 : vector<16xi32> to vector<16xi32>
    tpu.vector_store %arg8[%swap3A_67], %swap3A_70 {strides = array<i32>} : memref<128xi32, #tpu.memory_space<vmem>>, vector<16xi32>,
    %get3A_71 = arith.constant 80 : index
    %get3A_72 = tpu.vector_load %arg8[%get3A_71] {strides = array<i32>} : memref<128xi32, #tpu.memory_space<vmem>>, vector<16xi32>,
    %get3A_73 = vector.shape_cast %get3A_72 : vector<16xi32> to vector<16xi32>
    %add3A_74 = arith.addi %get3A_73, %broadcast_in_dim3A : vector<16xi32>
    %swap3A_75 = arith.constant 80 : index
    %swap3A_76 = tpu.vector_load %arg8[%swap3A_75] {strides = array<i32>} : memref<128xi32, #tpu.memory_space<vmem>>, vector<16xi32>,
    %swap3A_77 = vector.shape_cast %swap3A_76 : vector<16xi32> to vector<16xi32>
    %swap3A_78 = vector.shape_cast %add3A_74 : vector<16xi32> to vector<16xi32>
    tpu.vector_store %arg8[%swap3A_75], %swap3A_78 {strides = array<i32>} : memref<128xi32, #tpu.memory_space<vmem>>, vector<16xi32>,
    %get3A_79 = arith.constant 96 : index
    %get3A_80 = tpu.vector_load %arg8[%get3A_79] {strides = array<i32>} : memref<128xi32, #tpu.memory_space<vmem>>, vector<16xi32>,
    %get3A_81 = vector.shape_cast %get3A_80 : vector<16xi32> to vector<16xi32>
    %add3A_82 = arith.addi %get3A_81, %broadcast_in_dim3A : vector<16xi32>
    %swap3A_83 = arith.constant 96 : index
    %swap3A_84 = tpu.vector_load %arg8[%swap3A_83] {strides = array<i32>} : memref<128xi32, #tpu.memory_space<vmem>>, vector<16xi32>,
    %swap3A_85 = vector.shape_cast %swap3A_84 : vector<16xi32> to vector<16xi32>
    %swap3A_86 = vector.shape_cast %add3A_82 : vector<16xi32> to vector<16xi32>
    tpu.vector_store %arg8[%swap3A_83], %swap3A_86 {strides = array<i32>} : memref<128xi32, #tpu.memory_space<vmem>>, vector<16xi32>,
    %get3A_87 = arith.constant 112 : index
    %get3A_88 = tpu.vector_load %arg8[%get3A_87] {strides = array<i32>} : memref<128xi32, #tpu.memory_space<vmem>>, vector<16xi32>,
    %get3A_89 = vector.shape_cast %get3A_88 : vector<16xi32> to vector<16xi32>
    %add3A_90 = arith.addi %get3A_89, %broadcast_in_dim3A : vector<16xi32>
    %swap3A_91 = arith.constant 112 : index
    %swap3A_92 = tpu.vector_load %arg8[%swap3A_91] {strides = array<i32>} : memref<128xi32, #tpu.memory_space<vmem>>, vector<16xi32>,
    %swap3A_93 = vector.shape_cast %swap3A_92 : vector<16xi32> to vector<16xi32>
    %swap3A_94 = vector.shape_cast %add3A_90 : vector<16xi32> to vector<16xi32>
    tpu.vector_store %arg8[%swap3A_91], %swap3A_94 {strides = array<i32>} : memref<128xi32, #tpu.memory_space<vmem>>, vector<16xi32>,
    %dma_start3A = arith.constant 0 : i32
    %dma_start3A_95 = arith.constant 0 : i32
    %dma_start3A_96 = tpu.memref_slice %arg2[%dma_start3A, %dma_start3A_95] : memref<20480x128xf32, #tpu.memory_space<hbm>> -> memref<20480x128xf32, #tpu.memory_space<hbm>>
    tpu.enqueue_indirect_dma source(%dma_start3A_96 : memref<20480x128xf32, #tpu.memory_space<hbm>>) target(%arg6 : memref<128x128xf32, #tpu.memory_space<vmem>>) offsets(%arg8 : memref<128xi32, #tpu.memory_space<vmem>>) semaphore(%arg15 : memref<!tpu.dma_semaphore, #tpu.memory_space<semaphore_mem>>)
    %add3A_97 = arith.constant 128 : i32
    %add3A_98 = arith.addi %mul3A_0, %add3A_97 : i32
    "tpu.region"() ({
      %run_scoped3A = tpu.sem_alloc : memref<!tpu.dma_semaphore, #tpu.memory_space<semaphore_mem>>
      %dma_start3A_196 = tpu.memref_slice %arg3[%add3A_98] : memref<323584xi32, #tpu.memory_space<hbm>> -> memref<128xi32, #tpu.memory_space<hbm>>
      %dma_start3A_197 = tpu.memref_slice %arg3[%add3A_98] : memref<323584xi32, #tpu.memory_space<hbm>> -> memref<128xi32, #tpu.memory_space<hbm>>
      tpu.enqueue_dma source(%dma_start3A_197 : memref<128xi32, #tpu.memory_space<hbm>>) target(%arg9 : memref<128xi32, #tpu.memory_space<vmem>>) target_semaphore(%run_scoped3A : memref<!tpu.dma_semaphore, #tpu.memory_space<semaphore_mem>>)
      %dma_wait3A_198 = tpu.memref_slice %arg3[%add3A_98] : memref<323584xi32, #tpu.memory_space<hbm>> -> memref<128xi32, #tpu.memory_space<hbm>>
      %dma_wait3A_199 = tpu.memref_slice %arg3[%add3A_98] : memref<323584xi32, #tpu.memory_space<hbm>> -> memref<128xi32, #tpu.memory_space<hbm>>
      tpu.wait_dma2 semaphore(%run_scoped3A : memref<!tpu.dma_semaphore, #tpu.memory_space<semaphore_mem>>) src(%dma_wait3A_199 : memref<128xi32, #tpu.memory_space<hbm>>) dst(%arg9 : memref<128xi32, #tpu.memory_space<vmem>>)
      tpu.yield
    }) : () -> ()
    %add3A_99 = arith.constant 128 : i32
    %add3A_100 = arith.addi %mul3A_0, %add3A_99 : i32
    "tpu.region"() ({
      %run_scoped3A = tpu.sem_alloc : memref<!tpu.dma_semaphore, #tpu.memory_space<semaphore_mem>>
      %dma_start3A_196 = tpu.memref_slice %arg4[%add3A_100] : memref<323584xi32, #tpu.memory_space<hbm>> -> memref<128xi32, #tpu.memory_space<hbm>>
      %dma_start3A_197 = tpu.memref_slice %arg4[%add3A_100] : memref<323584xi32, #tpu.memory_space<hbm>> -> memref<128xi32, #tpu.memory_space<hbm>>
      tpu.enqueue_dma source(%dma_start3A_197 : memref<128xi32, #tpu.memory_space<hbm>>) target(%arg12 : memref<128xi32, #tpu.memory_space<vmem>>) target_semaphore(%run_scoped3A : memref<!tpu.dma_semaphore, #tpu.memory_space<semaphore_mem>>)
      %dma_wait3A_198 = tpu.memref_slice %arg4[%add3A_100] : memref<323584xi32, #tpu.memory_space<hbm>> -> memref<128xi32, #tpu.memory_space<hbm>>
      %dma_wait3A_199 = tpu.memref_slice %arg4[%add3A_100] : memref<323584xi32, #tpu.memory_space<hbm>> -> memref<128xi32, #tpu.memory_space<hbm>>
      tpu.wait_dma2 semaphore(%run_scoped3A : memref<!tpu.dma_semaphore, #tpu.memory_space<semaphore_mem>>) src(%dma_wait3A_199 : memref<128xi32, #tpu.memory_space<hbm>>) dst(%arg12 : memref<128xi32, #tpu.memory_space<vmem>>)
      tpu.yield
    }) : () -> ()
    %get3A_101 = arith.constant 0 : index
    %get3A_102 = tpu.vector_load %arg9[%get3A_101] {strides = array<i32>} : memref<128xi32, #tpu.memory_space<vmem>>, vector<16xi32>,
    %get3A_103 = vector.shape_cast %get3A_102 : vector<16xi32> to vector<16xi32>
    %add3A_104 = arith.addi %get3A_103, %broadcast_in_dim3A : vector<16xi32>
    %swap3A_105 = arith.constant 0 : index
    %swap3A_106 = tpu.vector_load %arg9[%swap3A_105] {strides = array<i32>} : memref<128xi32, #tpu.memory_space<vmem>>, vector<16xi32>,
    %swap3A_107 = vector.shape_cast %swap3A_106 : vector<16xi32> to vector<16xi32>
    %swap3A_108 = vector.shape_cast %add3A_104 : vector<16xi32> to vector<16xi32>
    tpu.vector_store %arg9[%swap3A_105], %swap3A_108 {strides = array<i32>} : memref<128xi32, #tpu.memory_space<vmem>>, vector<16xi32>,
    %get3A_109 = arith.constant 16 : index
    %get3A_110 = tpu.vector_load %arg9[%get3A_109] {strides = array<i32>} : memref<128xi32, #tpu.memory_space<vmem>>, vector<16xi32>,
    %get3A_111 = vector.shape_cast %get3A_110 : vector<16xi32> to vector<16xi32>
    %add3A_112 = arith.addi %get3A_111, %broadcast_in_dim3A : vector<16xi32>
    %swap3A_113 = arith.constant 16 : index
    %swap3A_114 = tpu.vector_load %arg9[%swap3A_113] {strides = array<i32>} : memref<128xi32, #tpu.memory_space<vmem>>, vector<16xi32>,
    %swap3A_115 = vector.shape_cast %swap3A_114 : vector<16xi32> to vector<16xi32>
    %swap3A_116 = vector.shape_cast %add3A_112 : vector<16xi32> to vector<16xi32>
    tpu.vector_store %arg9[%swap3A_113], %swap3A_116 {strides = array<i32>} : memref<128xi32, #tpu.memory_space<vmem>>, vector<16xi32>,
    %get3A_117 = arith.constant 32 : index
    %get3A_118 = tpu.vector_load %arg9[%get3A_117] {strides = array<i32>} : memref<128xi32, #tpu.memory_space<vmem>>, vector<16xi32>,
    %get3A_119 = vector.shape_cast %get3A_118 : vector<16xi32> to vector<16xi32>
    %add3A_120 = arith.addi %get3A_119, %broadcast_in_dim3A : vector<16xi32>
    %swap3A_121 = arith.constant 32 : index
    %swap3A_122 = tpu.vector_load %arg9[%swap3A_121] {strides = array<i32>} : memref<128xi32, #tpu.memory_space<vmem>>, vector<16xi32>,
    %swap3A_123 = vector.shape_cast %swap3A_122 : vector<16xi32> to vector<16xi32>
    %swap3A_124 = vector.shape_cast %add3A_120 : vector<16xi32> to vector<16xi32>
    tpu.vector_store %arg9[%swap3A_121], %swap3A_124 {strides = array<i32>} : memref<128xi32, #tpu.memory_space<vmem>>, vector<16xi32>,
    %get3A_125 = arith.constant 48 : index
    %get3A_126 = tpu.vector_load %arg9[%get3A_125] {strides = array<i32>} : memref<128xi32, #tpu.memory_space<vmem>>, vector<16xi32>,
    %get3A_127 = vector.shape_cast %get3A_126 : vector<16xi32> to vector<16xi32>
    %add3A_128 = arith.addi %get3A_127, %broadcast_in_dim3A : vector<16xi32>
    %swap3A_129 = arith.constant 48 : index
    %swap3A_130 = tpu.vector_load %arg9[%swap3A_129] {strides = array<i32>} : memref<128xi32, #tpu.memory_space<vmem>>, vector<16xi32>,
    %swap3A_131 = vector.shape_cast %swap3A_130 : vector<16xi32> to vector<16xi32>
    %swap3A_132 = vector.shape_cast %add3A_128 : vector<16xi32> to vector<16xi32>
    tpu.vector_store %arg9[%swap3A_129], %swap3A_132 {strides = array<i32>} : memref<128xi32, #tpu.memory_space<vmem>>, vector<16xi32>,
    %get3A_133 = arith.constant 64 : index
    %get3A_134 = tpu.vector_load %arg9[%get3A_133] {strides = array<i32>} : memref<128xi32, #tpu.memory_space<vmem>>, vector<16xi32>,
    %get3A_135 = vector.shape_cast %get3A_134 : vector<16xi32> to vector<16xi32>
    %add3A_136 = arith.addi %get3A_135, %broadcast_in_dim3A : vector<16xi32>
    %swap3A_137 = arith.constant 64 : index
    %swap3A_138 = tpu.vector_load %arg9[%swap3A_137] {strides = array<i32>} : memref<128xi32, #tpu.memory_space<vmem>>, vector<16xi32>,
    %swap3A_139 = vector.shape_cast %swap3A_138 : vector<16xi32> to vector<16xi32>
    %swap3A_140 = vector.shape_cast %add3A_136 : vector<16xi32> to vector<16xi32>
    tpu.vector_store %arg9[%swap3A_137], %swap3A_140 {strides = array<i32>} : memref<128xi32, #tpu.memory_space<vmem>>, vector<16xi32>,
    %get3A_141 = arith.constant 80 : index
    %get3A_142 = tpu.vector_load %arg9[%get3A_141] {strides = array<i32>} : memref<128xi32, #tpu.memory_space<vmem>>, vector<16xi32>,
    %get3A_143 = vector.shape_cast %get3A_142 : vector<16xi32> to vector<16xi32>
    %add3A_144 = arith.addi %get3A_143, %broadcast_in_dim3A : vector<16xi32>
    %swap3A_145 = arith.constant 80 : index
    %swap3A_146 = tpu.vector_load %arg9[%swap3A_145] {strides = array<i32>} : memref<128xi32, #tpu.memory_space<vmem>>, vector<16xi32>,
    %swap3A_147 = vector.shape_cast %swap3A_146 : vector<16xi32> to vector<16xi32>
    %swap3A_148 = vector.shape_cast %add3A_144 : vector<16xi32> to vector<16xi32>
    tpu.vector_store %arg9[%swap3A_145], %swap3A_148 {strides = array<i32>} : memref<128xi32, #tpu.memory_space<vmem>>, vector<16xi32>,
    %get3A_149 = arith.constant 96 : index
    %get3A_150 = tpu.vector_load %arg9[%get3A_149] {strides = array<i32>} : memref<128xi32, #tpu.memory_space<vmem>>, vector<16xi32>,
    %get3A_151 = vector.shape_cast %get3A_150 : vector<16xi32> to vector<16xi32>
    %add3A_152 = arith.addi %get3A_151, %broadcast_in_dim3A : vector<16xi32>
    %swap3A_153 = arith.constant 96 : index
    %swap3A_154 = tpu.vector_load %arg9[%swap3A_153] {strides = array<i32>} : memref<128xi32, #tpu.memory_space<vmem>>, vector<16xi32>,
    %swap3A_155 = vector.shape_cast %swap3A_154 : vector<16xi32> to vector<16xi32>
    %swap3A_156 = vector.shape_cast %add3A_152 : vector<16xi32> to vector<16xi32>
    tpu.vector_store %arg9[%swap3A_153], %swap3A_156 {strides = array<i32>} : memref<128xi32, #tpu.memory_space<vmem>>, vector<16xi32>,
    %get3A_157 = arith.constant 112 : index
    %get3A_158 = tpu.vector_load %arg9[%get3A_157] {strides = array<i32>} : memref<128xi32, #tpu.memory_space<vmem>>, vector<16xi32>,
    %get3A_159 = vector.shape_cast %get3A_158 : vector<16xi32> to vector<16xi32>
    %add3A_160 = arith.addi %get3A_159, %broadcast_in_dim3A : vector<16xi32>
    %swap3A_161 = arith.constant 112 : index
    %swap3A_162 = tpu.vector_load %arg9[%swap3A_161] {strides = array<i32>} : memref<128xi32, #tpu.memory_space<vmem>>, vector<16xi32>,
    %swap3A_163 = vector.shape_cast %swap3A_162 : vector<16xi32> to vector<16xi32>
    %swap3A_164 = vector.shape_cast %add3A_160 : vector<16xi32> to vector<16xi32>
    tpu.vector_store %arg9[%swap3A_161], %swap3A_164 {strides = array<i32>} : memref<128xi32, #tpu.memory_space<vmem>>, vector<16xi32>,
    %dma_start3A_165 = arith.constant 0 : i32
    %dma_start3A_166 = arith.constant 0 : i32
    %dma_start3A_167 = tpu.memref_slice %arg2[%dma_start3A_165, %dma_start3A_166] : memref<20480x128xf32, #tpu.memory_space<hbm>> -> memref<20480x128xf32, #tpu.memory_space<hbm>>
    tpu.enqueue_indirect_dma source(%dma_start3A_167 : memref<20480x128xf32, #tpu.memory_space<hbm>>) target(%arg7 : memref<128x128xf32, #tpu.memory_space<vmem>>) offsets(%arg9 : memref<128xi32, #tpu.memory_space<vmem>>) semaphore(%arg16 : memref<!tpu.dma_semaphore, #tpu.memory_space<semaphore_mem>>)
    %scan3A_168 = arith.constant 0 : i32
    %scan3A_169 = arith.constant 0 : i32
    %scan3A_170 = arith.constant 39 : i32
    %scan3A_171 = arith.addi %scan3A_169, %scan3A_170 : i32
    %scan3A_172 = arith.constant 1 : i32
    scf.for %scan3A_196 = %scan3A_169 to %scan3A_171 step %scan3A_172  : i32 {
      %mul3A_197 = arith.constant 2 : i32
      %mul3A_198 = arith.muli %scan3A_196, %mul3A_197 : i32
      %add3A_199 = arith.constant 0 : i32
      %add3A_200 = arith.addi %mul3A_198, %add3A_199 : i32
      %mul3A_201 = arith.constant 2 : i32
      %mul3A_202 = arith.muli %add3A_200, %mul3A_201 : i32
      %add3A_203 = arith.constant 0 : i32
      %add3A_204 = arith.addi %mul3A_202, %add3A_203 : i32
      %dma_wait3A_205 = arith.constant 0 : i32
      %dma_wait3A_206 = arith.constant 0 : i32
      %dma_wait3A_207 = tpu.memref_slice %arg2[%dma_wait3A_205, %dma_wait3A_206] : memref<20480x128xf32, #tpu.memory_space<hbm>> -> memref<20480x128xf32, #tpu.memory_space<hbm>>
      tpu.wait_indirect_dma semaphore(%arg15 : memref<!tpu.dma_semaphore, #tpu.memory_space<semaphore_mem>>) src(%dma_wait3A_207 : memref<20480x128xf32, #tpu.memory_space<hbm>>) dst(%arg6 : memref<128x128xf32, #tpu.memory_space<vmem>>)
      %dma_start3A_208 = arith.constant 0 : i32
      %dma_start3A_209 = arith.constant 0 : i32
      %dma_start3A_210 = tpu.memref_slice %arg14[%dma_start3A_208, %dma_start3A_209] : memref<10240x128xf32, #tpu.memory_space<vmem_shared>> -> memref<10240x128xf32, #tpu.memory_space<vmem_shared>>
      tpu.enqueue_indirect_dma source(%arg6 : memref<128x128xf32, #tpu.memory_space<vmem>>) target(%dma_start3A_210 : memref<10240x128xf32, #tpu.memory_space<vmem_shared>>) offsets(%arg10 : memref<128xi32, #tpu.memory_space<vmem>>) semaphore(%arg15 : memref<!tpu.dma_semaphore, #tpu.memory_space<semaphore_mem>>) {add = true}
      %add3A_211 = arith.constant 2 : i32
      %add3A_212 = arith.addi %add3A_204, %add3A_211 : i32
      %mul3A_213 = arith.constant 128 : i32
      %mul3A_214 = arith.muli %add3A_212, %mul3A_213 : i32
      %add3A_215 = arith.addi %mul3A_0, %mul3A_214 : i32
      "tpu.region"() ({
        %run_scoped3A = tpu.sem_alloc : memref<!tpu.dma_semaphore, #tpu.memory_space<semaphore_mem>>
        %dma_start3A_565 = tpu.memref_slice %arg3[%add3A_215] : memref<323584xi32, #tpu.memory_space<hbm>> -> memref<128xi32, #tpu.memory_space<hbm>>
        %dma_start3A_566 = tpu.memref_slice %arg3[%add3A_215] : memref<323584xi32, #tpu.memory_space<hbm>> -> memref<128xi32, #tpu.memory_space<hbm>>
        tpu.enqueue_dma source(%dma_start3A_566 : memref<128xi32, #tpu.memory_space<hbm>>) target(%arg8 : memref<128xi32, #tpu.memory_space<vmem>>) target_semaphore(%run_scoped3A : memref<!tpu.dma_semaphore, #tpu.memory_space<semaphore_mem>>)
        %dma_wait3A_567 = tpu.memref_slice %arg3[%add3A_215] : memref<323584xi32, #tpu.memory_space<hbm>> -> memref<128xi32, #tpu.memory_space<hbm>>
        %dma_wait3A_568 = tpu.memref_slice %arg3[%add3A_215] : memref<323584xi32, #tpu.memory_space<hbm>> -> memref<128xi32, #tpu.memory_space<hbm>>
        tpu.wait_dma2 semaphore(%run_scoped3A : memref<!tpu.dma_semaphore, #tpu.memory_space<semaphore_mem>>) src(%dma_wait3A_568 : memref<128xi32, #tpu.memory_space<hbm>>) dst(%arg8 : memref<128xi32, #tpu.memory_space<vmem>>)
        tpu.yield
      }) : () -> ()
      %get3A_216 = arith.constant 0 : index
      %get3A_217 = tpu.vector_load %arg8[%get3A_216] {strides = array<i32>} : memref<128xi32, #tpu.memory_space<vmem>>, vector<16xi32>,
      %get3A_218 = vector.shape_cast %get3A_217 : vector<16xi32> to vector<16xi32>
      %add3A_219 = arith.addi %get3A_218, %broadcast_in_dim3A : vector<16xi32>
      %swap3A_220 = arith.constant 0 : index
      %swap3A_221 = tpu.vector_load %arg8[%swap3A_220] {strides = array<i32>} : memref<128xi32, #tpu.memory_space<vmem>>, vector<16xi32>,
      %swap3A_222 = vector.shape_cast %swap3A_221 : vector<16xi32> to vector<16xi32>
      %swap3A_223 = vector.shape_cast %add3A_219 : vector<16xi32> to vector<16xi32>
      tpu.vector_store %arg8[%swap3A_220], %swap3A_223 {strides = array<i32>} : memref<128xi32, #tpu.memory_space<vmem>>, vector<16xi32>,
      %get3A_224 = arith.constant 16 : index
      %get3A_225 = tpu.vector_load %arg8[%get3A_224] {strides = array<i32>} : memref<128xi32, #tpu.memory_space<vmem>>, vector<16xi32>,
      %get3A_226 = vector.shape_cast %get3A_225 : vector<16xi32> to vector<16xi32>
      %add3A_227 = arith.addi %get3A_226, %broadcast_in_dim3A : vector<16xi32>
      %swap3A_228 = arith.constant 16 : index
      %swap3A_229 = tpu.vector_load %arg8[%swap3A_228] {strides = array<i32>} : memref<128xi32, #tpu.memory_space<vmem>>, vector<16xi32>,
      %swap3A_230 = vector.shape_cast %swap3A_229 : vector<16xi32> to vector<16xi32>
      %swap3A_231 = vector.shape_cast %add3A_227 : vector<16xi32> to vector<16xi32>
      tpu.vector_store %arg8[%swap3A_228], %swap3A_231 {strides = array<i32>} : memref<128xi32, #tpu.memory_space<vmem>>, vector<16xi32>,
      %get3A_232 = arith.constant 32 : index
      %get3A_233 = tpu.vector_load %arg8[%get3A_232] {strides = array<i32>} : memref<128xi32, #tpu.memory_space<vmem>>, vector<16xi32>,
      %get3A_234 = vector.shape_cast %get3A_233 : vector<16xi32> to vector<16xi32>
      %add3A_235 = arith.addi %get3A_234, %broadcast_in_dim3A : vector<16xi32>
      %swap3A_236 = arith.constant 32 : index
      %swap3A_237 = tpu.vector_load %arg8[%swap3A_236] {strides = array<i32>} : memref<128xi32, #tpu.memory_space<vmem>>, vector<16xi32>,
      %swap3A_238 = vector.shape_cast %swap3A_237 : vector<16xi32> to vector<16xi32>
      %swap3A_239 = vector.shape_cast %add3A_235 : vector<16xi32> to vector<16xi32>
      tpu.vector_store %arg8[%swap3A_236], %swap3A_239 {strides = array<i32>} : memref<128xi32, #tpu.memory_space<vmem>>, vector<16xi32>,
      %get3A_240 = arith.constant 48 : index
      %get3A_241 = tpu.vector_load %arg8[%get3A_240] {strides = array<i32>} : memref<128xi32, #tpu.memory_space<vmem>>, vector<16xi32>,
      %get3A_242 = vector.shape_cast %get3A_241 : vector<16xi32> to vector<16xi32>
      %add3A_243 = arith.addi %get3A_242, %broadcast_in_dim3A : vector<16xi32>
      %swap3A_244 = arith.constant 48 : index
      %swap3A_245 = tpu.vector_load %arg8[%swap3A_244] {strides = array<i32>} : memref<128xi32, #tpu.memory_space<vmem>>, vector<16xi32>,
      %swap3A_246 = vector.shape_cast %swap3A_245 : vector<16xi32> to vector<16xi32>
      %swap3A_247 = vector.shape_cast %add3A_243 : vector<16xi32> to vector<16xi32>
      tpu.vector_store %arg8[%swap3A_244], %swap3A_247 {strides = array<i32>} : memref<128xi32, #tpu.memory_space<vmem>>, vector<16xi32>,
      %get3A_248 = arith.constant 64 : index
      %get3A_249 = tpu.vector_load %arg8[%get3A_248] {strides = array<i32>} : memref<128xi32, #tpu.memory_space<vmem>>, vector<16xi32>,
      %get3A_250 = vector.shape_cast %get3A_249 : vector<16xi32> to vector<16xi32>
      %add3A_251 = arith.addi %get3A_250, %broadcast_in_dim3A : vector<16xi32>
      %swap3A_252 = arith.constant 64 : index
      %swap3A_253 = tpu.vector_load %arg8[%swap3A_252] {strides = array<i32>} : memref<128xi32, #tpu.memory_space<vmem>>, vector<16xi32>,
      %swap3A_254 = vector.shape_cast %swap3A_253 : vector<16xi32> to vector<16xi32>
      %swap3A_255 = vector.shape_cast %add3A_251 : vector<16xi32> to vector<16xi32>
      tpu.vector_store %arg8[%swap3A_252], %swap3A_255 {strides = array<i32>} : memref<128xi32, #tpu.memory_space<vmem>>, vector<16xi32>,
      %get3A_256 = arith.constant 80 : index
      %get3A_257 = tpu.vector_load %arg8[%get3A_256] {strides = array<i32>} : memref<128xi32, #tpu.memory_space<vmem>>, vector<16xi32>,
      %get3A_258 = vector.shape_cast %get3A_257 : vector<16xi32> to vector<16xi32>
      %add3A_259 = arith.addi %get3A_258, %broadcast_in_dim3A : vector<16xi32>
      %swap3A_260 = arith.constant 80 : index
      %swap3A_261 = tpu.vector_load %arg8[%swap3A_260] {strides = array<i32>} : memref<128xi32, #tpu.memory_space<vmem>>, vector<16xi32>,
      %swap3A_262 = vector.shape_cast %swap3A_261 : vector<16xi32> to vector<16xi32>
      %swap3A_263 = vector.shape_cast %add3A_259 : vector<16xi32> to vector<16xi32>
      tpu.vector_store %arg8[%swap3A_260], %swap3A_263 {strides = array<i32>} : memref<128xi32, #tpu.memory_space<vmem>>, vector<16xi32>,
      %get3A_264 = arith.constant 96 : index
      %get3A_265 = tpu.vector_load %arg8[%get3A_264] {strides = array<i32>} : memref<128xi32, #tpu.memory_space<vmem>>, vector<16xi32>,
      %get3A_266 = vector.shape_cast %get3A_265 : vector<16xi32> to vector<16xi32>
      %add3A_267 = arith.addi %get3A_266, %broadcast_in_dim3A : vector<16xi32>
      %swap3A_268 = arith.constant 96 : index
      %swap3A_269 = tpu.vector_load %arg8[%swap3A_268] {strides = array<i32>} : memref<128xi32, #tpu.memory_space<vmem>>, vector<16xi32>,
      %swap3A_270 = vector.shape_cast %swap3A_269 : vector<16xi32> to vector<16xi32>
      %swap3A_271 = vector.shape_cast %add3A_267 : vector<16xi32> to vector<16xi32>
      tpu.vector_store %arg8[%swap3A_268], %swap3A_271 {strides = array<i32>} : memref<128xi32, #tpu.memory_space<vmem>>, vector<16xi32>,
      %get3A_272 = arith.constant 112 : index
      %get3A_273 = tpu.vector_load %arg8[%get3A_272] {strides = array<i32>} : memref<128xi32, #tpu.memory_space<vmem>>, vector<16xi32>,
      %get3A_274 = vector.shape_cast %get3A_273 : vector<16xi32> to vector<16xi32>
      %add3A_275 = arith.addi %get3A_274, %broadcast_in_dim3A : vector<16xi32>
      %swap3A_276 = arith.constant 112 : index
      %swap3A_277 = tpu.vector_load %arg8[%swap3A_276] {strides = array<i32>} : memref<128xi32, #tpu.memory_space<vmem>>, vector<16xi32>,
      %swap3A_278 = vector.shape_cast %swap3A_277 : vector<16xi32> to vector<16xi32>
      %swap3A_279 = vector.shape_cast %add3A_275 : vector<16xi32> to vector<16xi32>
      tpu.vector_store %arg8[%swap3A_276], %swap3A_279 {strides = array<i32>} : memref<128xi32, #tpu.memory_space<vmem>>, vector<16xi32>,
      %add3A_280 = arith.constant 2 : i32
      %add3A_281 = arith.addi %add3A_204, %add3A_280 : i32
      %mul3A_282 = arith.constant 128 : i32
      %mul3A_283 = arith.muli %add3A_281, %mul3A_282 : i32
      %add3A_284 = arith.addi %mul3A_0, %mul3A_283 : i32
      "tpu.region"() ({
        %run_scoped3A = tpu.sem_alloc : memref<!tpu.dma_semaphore, #tpu.memory_space<semaphore_mem>>
        %dma_start3A_565 = tpu.memref_slice %arg4[%add3A_284] : memref<323584xi32, #tpu.memory_space<hbm>> -> memref<128xi32, #tpu.memory_space<hbm>>
        %dma_start3A_566 = tpu.memref_slice %arg4[%add3A_284] : memref<323584xi32, #tpu.memory_space<hbm>> -> memref<128xi32, #tpu.memory_space<hbm>>
        tpu.enqueue_dma source(%dma_start3A_566 : memref<128xi32, #tpu.memory_space<hbm>>) target(%arg11 : memref<128xi32, #tpu.memory_space<vmem>>) target_semaphore(%run_scoped3A : memref<!tpu.dma_semaphore, #tpu.memory_space<semaphore_mem>>)
        %dma_wait3A_567 = tpu.memref_slice %arg4[%add3A_284] : memref<323584xi32, #tpu.memory_space<hbm>> -> memref<128xi32, #tpu.memory_space<hbm>>
        %dma_wait3A_568 = tpu.memref_slice %arg4[%add3A_284] : memref<323584xi32, #tpu.memory_space<hbm>> -> memref<128xi32, #tpu.memory_space<hbm>>
        tpu.wait_dma2 semaphore(%run_scoped3A : memref<!tpu.dma_semaphore, #tpu.memory_space<semaphore_mem>>) src(%dma_wait3A_568 : memref<128xi32, #tpu.memory_space<hbm>>) dst(%arg11 : memref<128xi32, #tpu.memory_space<vmem>>)
        tpu.yield
      }) : () -> ()
      %dma_wait3A_285 = arith.constant 0 : i32
      %dma_wait3A_286 = arith.constant 0 : i32
      %dma_wait3A_287 = tpu.memref_slice %arg14[%dma_wait3A_285, %dma_wait3A_286] : memref<10240x128xf32, #tpu.memory_space<vmem_shared>> -> memref<10240x128xf32, #tpu.memory_space<vmem_shared>>
      tpu.wait_indirect_dma semaphore(%arg15 : memref<!tpu.dma_semaphore, #tpu.memory_space<semaphore_mem>>) src(%arg6 : memref<128x128xf32, #tpu.memory_space<vmem>>) dst(%dma_wait3A_287 : memref<10240x128xf32, #tpu.memory_space<vmem_shared>>)
      %dma_start3A_288 = arith.constant 0 : i32
      %dma_start3A_289 = arith.constant 0 : i32
      %dma_start3A_290 = tpu.memref_slice %arg2[%dma_start3A_288, %dma_start3A_289] : memref<20480x128xf32, #tpu.memory_space<hbm>> -> memref<20480x128xf32, #tpu.memory_space<hbm>>
      tpu.enqueue_indirect_dma source(%dma_start3A_290 : memref<20480x128xf32, #tpu.memory_space<hbm>>) target(%arg6 : memref<128x128xf32, #tpu.memory_space<vmem>>) offsets(%arg8 : memref<128xi32, #tpu.memory_space<vmem>>) semaphore(%arg15 : memref<!tpu.dma_semaphore, #tpu.memory_space<semaphore_mem>>)
      %mul3A_291 = arith.constant 2 : i32
      %mul3A_292 = arith.muli %add3A_200, %mul3A_291 : i32
      %add3A_293 = arith.constant 1 : i32
      %add3A_294 = arith.addi %mul3A_292, %add3A_293 : i32
      %dma_wait3A_295 = arith.constant 0 : i32
      %dma_wait3A_296 = arith.constant 0 : i32
      %dma_wait3A_297 = tpu.memref_slice %arg2[%dma_wait3A_295, %dma_wait3A_296] : memref<20480x128xf32, #tpu.memory_space<hbm>> -> memref<20480x128xf32, #tpu.memory_space<hbm>>
      tpu.wait_indirect_dma semaphore(%arg16 : memref<!tpu.dma_semaphore, #tpu.memory_space<semaphore_mem>>) src(%dma_wait3A_297 : memref<20480x128xf32, #tpu.memory_space<hbm>>) dst(%arg7 : memref<128x128xf32, #tpu.memory_space<vmem>>)
      %dma_start3A_298 = arith.constant 0 : i32
      %dma_start3A_299 = arith.constant 0 : i32
      %dma_start3A_300 = tpu.memref_slice %arg14[%dma_start3A_298, %dma_start3A_299] : memref<10240x128xf32, #tpu.memory_space<vmem_shared>> -> memref<10240x128xf32, #tpu.memory_space<vmem_shared>>
      tpu.enqueue_indirect_dma source(%arg7 : memref<128x128xf32, #tpu.memory_space<vmem>>) target(%dma_start3A_300 : memref<10240x128xf32, #tpu.memory_space<vmem_shared>>) offsets(%arg12 : memref<128xi32, #tpu.memory_space<vmem>>) semaphore(%arg16 : memref<!tpu.dma_semaphore, #tpu.memory_space<semaphore_mem>>) {add = true}
      %add3A_301 = arith.constant 2 : i32
      %add3A_302 = arith.addi %add3A_294, %add3A_301 : i32
      %mul3A_303 = arith.constant 128 : i32
      %mul3A_304 = arith.muli %add3A_302, %mul3A_303 : i32
      %add3A_305 = arith.addi %mul3A_0, %mul3A_304 : i32
      "tpu.region"() ({
        %run_scoped3A = tpu.sem_alloc : memref<!tpu.dma_semaphore, #tpu.memory_space<semaphore_mem>>
        %dma_start3A_565 = tpu.memref_slice %arg3[%add3A_305] : memref<323584xi32, #tpu.memory_space<hbm>> -> memref<128xi32, #tpu.memory_space<hbm>>
        %dma_start3A_566 = tpu.memref_slice %arg3[%add3A_305] : memref<323584xi32, #tpu.memory_space<hbm>> -> memref<128xi32, #tpu.memory_space<hbm>>
        tpu.enqueue_dma source(%dma_start3A_566 : memref<128xi32, #tpu.memory_space<hbm>>) target(%arg9 : memref<128xi32, #tpu.memory_space<vmem>>) target_semaphore(%run_scoped3A : memref<!tpu.dma_semaphore, #tpu.memory_space<semaphore_mem>>)
        %dma_wait3A_567 = tpu.memref_slice %arg3[%add3A_305] : memref<323584xi32, #tpu.memory_space<hbm>> -> memref<128xi32, #tpu.memory_space<hbm>>
        %dma_wait3A_568 = tpu.memref_slice %arg3[%add3A_305] : memref<323584xi32, #tpu.memory_space<hbm>> -> memref<128xi32, #tpu.memory_space<hbm>>
        tpu.wait_dma2 semaphore(%run_scoped3A : memref<!tpu.dma_semaphore, #tpu.memory_space<semaphore_mem>>) src(%dma_wait3A_568 : memref<128xi32, #tpu.memory_space<hbm>>) dst(%arg9 : memref<128xi32, #tpu.memory_space<vmem>>)
        tpu.yield
      }) : () -> ()
      %get3A_306 = arith.constant 0 : index
      %get3A_307 = tpu.vector_load %arg9[%get3A_306] {strides = array<i32>} : memref<128xi32, #tpu.memory_space<vmem>>, vector<16xi32>,
      %get3A_308 = vector.shape_cast %get3A_307 : vector<16xi32> to vector<16xi32>
      %add3A_309 = arith.addi %get3A_308, %broadcast_in_dim3A : vector<16xi32>
      %swap3A_310 = arith.constant 0 : index
      %swap3A_311 = tpu.vector_load %arg9[%swap3A_310] {strides = array<i32>} : memref<128xi32, #tpu.memory_space<vmem>>, vector<16xi32>,
      %swap3A_312 = vector.shape_cast %swap3A_311 : vector<16xi32> to vector<16xi32>
      %swap3A_313 = vector.shape_cast %add3A_309 : vector<16xi32> to vector<16xi32>
      tpu.vector_store %arg9[%swap3A_310], %swap3A_313 {strides = array<i32>} : memref<128xi32, #tpu.memory_space<vmem>>, vector<16xi32>,
      %get3A_314 = arith.constant 16 : index
      %get3A_315 = tpu.vector_load %arg9[%get3A_314] {strides = array<i32>} : memref<128xi32, #tpu.memory_space<vmem>>, vector<16xi32>,
      %get3A_316 = vector.shape_cast %get3A_315 : vector<16xi32> to vector<16xi32>
      %add3A_317 = arith.addi %get3A_316, %broadcast_in_dim3A : vector<16xi32>
      %swap3A_318 = arith.constant 16 : index
      %swap3A_319 = tpu.vector_load %arg9[%swap3A_318] {strides = array<i32>} : memref<128xi32, #tpu.memory_space<vmem>>, vector<16xi32>,
      %swap3A_320 = vector.shape_cast %swap3A_319 : vector<16xi32> to vector<16xi32>
      %swap3A_321 = vector.shape_cast %add3A_317 : vector<16xi32> to vector<16xi32>
      tpu.vector_store %arg9[%swap3A_318], %swap3A_321 {strides = array<i32>} : memref<128xi32, #tpu.memory_space<vmem>>, vector<16xi32>,
      %get3A_322 = arith.constant 32 : index
      %get3A_323 = tpu.vector_load %arg9[%get3A_322] {strides = array<i32>} : memref<128xi32, #tpu.memory_space<vmem>>, vector<16xi32>,
      %get3A_324 = vector.shape_cast %get3A_323 : vector<16xi32> to vector<16xi32>
      %add3A_325 = arith.addi %get3A_324, %broadcast_in_dim3A : vector<16xi32>
      %swap3A_326 = arith.constant 32 : index
      %swap3A_327 = tpu.vector_load %arg9[%swap3A_326] {strides = array<i32>} : memref<128xi32, #tpu.memory_space<vmem>>, vector<16xi32>,
      %swap3A_328 = vector.shape_cast %swap3A_327 : vector<16xi32> to vector<16xi32>
      %swap3A_329 = vector.shape_cast %add3A_325 : vector<16xi32> to vector<16xi32>
      tpu.vector_store %arg9[%swap3A_326], %swap3A_329 {strides = array<i32>} : memref<128xi32, #tpu.memory_space<vmem>>, vector<16xi32>,
      %get3A_330 = arith.constant 48 : index
      %get3A_331 = tpu.vector_load %arg9[%get3A_330] {strides = array<i32>} : memref<128xi32, #tpu.memory_space<vmem>>, vector<16xi32>,
      %get3A_332 = vector.shape_cast %get3A_331 : vector<16xi32> to vector<16xi32>
      %add3A_333 = arith.addi %get3A_332, %broadcast_in_dim3A : vector<16xi32>
      %swap3A_334 = arith.constant 48 : index
      %swap3A_335 = tpu.vector_load %arg9[%swap3A_334] {strides = array<i32>} : memref<128xi32, #tpu.memory_space<vmem>>, vector<16xi32>,
      %swap3A_336 = vector.shape_cast %swap3A_335 : vector<16xi32> to vector<16xi32>
      %swap3A_337 = vector.shape_cast %add3A_333 : vector<16xi32> to vector<16xi32>
      tpu.vector_store %arg9[%swap3A_334], %swap3A_337 {strides = array<i32>} : memref<128xi32, #tpu.memory_space<vmem>>, vector<16xi32>,
      %get3A_338 = arith.constant 64 : index
      %get3A_339 = tpu.vector_load %arg9[%get3A_338] {strides = array<i32>} : memref<128xi32, #tpu.memory_space<vmem>>, vector<16xi32>,
      %get3A_340 = vector.shape_cast %get3A_339 : vector<16xi32> to vector<16xi32>
      %add3A_341 = arith.addi %get3A_340, %broadcast_in_dim3A : vector<16xi32>
      %swap3A_342 = arith.constant 64 : index
      %swap3A_343 = tpu.vector_load %arg9[%swap3A_342] {strides = array<i32>} : memref<128xi32, #tpu.memory_space<vmem>>, vector<16xi32>,
      %swap3A_344 = vector.shape_cast %swap3A_343 : vector<16xi32> to vector<16xi32>
      %swap3A_345 = vector.shape_cast %add3A_341 : vector<16xi32> to vector<16xi32>
      tpu.vector_store %arg9[%swap3A_342], %swap3A_345 {strides = array<i32>} : memref<128xi32, #tpu.memory_space<vmem>>, vector<16xi32>,
      %get3A_346 = arith.constant 80 : index
      %get3A_347 = tpu.vector_load %arg9[%get3A_346] {strides = array<i32>} : memref<128xi32, #tpu.memory_space<vmem>>, vector<16xi32>,
      %get3A_348 = vector.shape_cast %get3A_347 : vector<16xi32> to vector<16xi32>
      %add3A_349 = arith.addi %get3A_348, %broadcast_in_dim3A : vector<16xi32>
      %swap3A_350 = arith.constant 80 : index
      %swap3A_351 = tpu.vector_load %arg9[%swap3A_350] {strides = array<i32>} : memref<128xi32, #tpu.memory_space<vmem>>, vector<16xi32>,
      %swap3A_352 = vector.shape_cast %swap3A_351 : vector<16xi32> to vector<16xi32>
      %swap3A_353 = vector.shape_cast %add3A_349 : vector<16xi32> to vector<16xi32>
      tpu.vector_store %arg9[%swap3A_350], %swap3A_353 {strides = array<i32>} : memref<128xi32, #tpu.memory_space<vmem>>, vector<16xi32>,
      %get3A_354 = arith.constant 96 : index
      %get3A_355 = tpu.vector_load %arg9[%get3A_354] {strides = array<i32>} : memref<128xi32, #tpu.memory_space<vmem>>, vector<16xi32>,
      %get3A_356 = vector.shape_cast %get3A_355 : vector<16xi32> to vector<16xi32>
      %add3A_357 = arith.addi %get3A_356, %broadcast_in_dim3A : vector<16xi32>
      %swap3A_358 = arith.constant 96 : index
      %swap3A_359 = tpu.vector_load %arg9[%swap3A_358] {strides = array<i32>} : memref<128xi32, #tpu.memory_space<vmem>>, vector<16xi32>,
      %swap3A_360 = vector.shape_cast %swap3A_359 : vector<16xi32> to vector<16xi32>
      %swap3A_361 = vector.shape_cast %add3A_357 : vector<16xi32> to vector<16xi32>
      tpu.vector_store %arg9[%swap3A_358], %swap3A_361 {strides = array<i32>} : memref<128xi32, #tpu.memory_space<vmem>>, vector<16xi32>,
      %get3A_362 = arith.constant 112 : index
      %get3A_363 = tpu.vector_load %arg9[%get3A_362] {strides = array<i32>} : memref<128xi32, #tpu.memory_space<vmem>>, vector<16xi32>,
      %get3A_364 = vector.shape_cast %get3A_363 : vector<16xi32> to vector<16xi32>
      %add3A_365 = arith.addi %get3A_364, %broadcast_in_dim3A : vector<16xi32>
      %swap3A_366 = arith.constant 112 : index
      %swap3A_367 = tpu.vector_load %arg9[%swap3A_366] {strides = array<i32>} : memref<128xi32, #tpu.memory_space<vmem>>, vector<16xi32>,
      %swap3A_368 = vector.shape_cast %swap3A_367 : vector<16xi32> to vector<16xi32>
      %swap3A_369 = vector.shape_cast %add3A_365 : vector<16xi32> to vector<16xi32>
      tpu.vector_store %arg9[%swap3A_366], %swap3A_369 {strides = array<i32>} : memref<128xi32, #tpu.memory_space<vmem>>, vector<16xi32>,
      %add3A_370 = arith.constant 2 : i32
      %add3A_371 = arith.addi %add3A_294, %add3A_370 : i32
      %mul3A_372 = arith.constant 128 : i32
      %mul3A_373 = arith.muli %add3A_371, %mul3A_372 : i32
      %add3A_374 = arith.addi %mul3A_0, %mul3A_373 : i32
      "tpu.region"() ({
        %run_scoped3A = tpu.sem_alloc : memref<!tpu.dma_semaphore, #tpu.memory_space<semaphore_mem>>
        %dma_start3A_565 = tpu.memref_slice %arg4[%add3A_374] : memref<323584xi32, #tpu.memory_space<hbm>> -> memref<128xi32, #tpu.memory_space<hbm>>
        %dma_start3A_566 = tpu.memref_slice %arg4[%add3A_374] : memref<323584xi32, #tpu.memory_space<hbm>> -> memref<128xi32, #tpu.memory_space<hbm>>
        tpu.enqueue_dma source(%dma_start3A_566 : memref<128xi32, #tpu.memory_space<hbm>>) target(%arg13 : memref<128xi32, #tpu.memory_space<vmem>>) target_semaphore(%run_scoped3A : memref<!tpu.dma_semaphore, #tpu.memory_space<semaphore_mem>>)
        %dma_wait3A_567 = tpu.memref_slice %arg4[%add3A_374] : memref<323584xi32, #tpu.memory_space<hbm>> -> memref<128xi32, #tpu.memory_space<hbm>>
        %dma_wait3A_568 = tpu.memref_slice %arg4[%add3A_374] : memref<323584xi32, #tpu.memory_space<hbm>> -> memref<128xi32, #tpu.memory_space<hbm>>
        tpu.wait_dma2 semaphore(%run_scoped3A : memref<!tpu.dma_semaphore, #tpu.memory_space<semaphore_mem>>) src(%dma_wait3A_568 : memref<128xi32, #tpu.memory_space<hbm>>) dst(%arg13 : memref<128xi32, #tpu.memory_space<vmem>>)
        tpu.yield
      }) : () -> ()
      %dma_wait3A_375 = arith.constant 0 : i32
      %dma_wait3A_376 = arith.constant 0 : i32
      %dma_wait3A_377 = tpu.memref_slice %arg14[%dma_wait3A_375, %dma_wait3A_376] : memref<10240x128xf32, #tpu.memory_space<vmem_shared>> -> memref<10240x128xf32, #tpu.memory_space<vmem_shared>>
      tpu.wait_indirect_dma semaphore(%arg16 : memref<!tpu.dma_semaphore, #tpu.memory_space<semaphore_mem>>) src(%arg7 : memref<128x128xf32, #tpu.memory_space<vmem>>) dst(%dma_wait3A_377 : memref<10240x128xf32, #tpu.memory_space<vmem_shared>>)
      %dma_start3A_378 = arith.constant 0 : i32
      %dma_start3A_379 = arith.constant 0 : i32
      %dma_start3A_380 = tpu.memref_slice %arg2[%dma_start3A_378, %dma_start3A_379] : memref<20480x128xf32, #tpu.memory_space<hbm>> -> memref<20480x128xf32, #tpu.memory_space<hbm>>
      tpu.enqueue_indirect_dma source(%dma_start3A_380 : memref<20480x128xf32, #tpu.memory_space<hbm>>) target(%arg7 : memref<128x128xf32, #tpu.memory_space<vmem>>) offsets(%arg9 : memref<128xi32, #tpu.memory_space<vmem>>) semaphore(%arg16 : memref<!tpu.dma_semaphore, #tpu.memory_space<semaphore_mem>>)
      %mul3A_381 = arith.constant 2 : i32
      %mul3A_382 = arith.muli %scan3A_196, %mul3A_381 : i32
      %add3A_383 = arith.constant 1 : i32
      %add3A_384 = arith.addi %mul3A_382, %add3A_383 : i32
      %mul3A_385 = arith.constant 2 : i32
      %mul3A_386 = arith.muli %add3A_384, %mul3A_385 : i32
      %add3A_387 = arith.constant 0 : i32
      %add3A_388 = arith.addi %mul3A_386, %add3A_387 : i32
      %dma_wait3A_389 = arith.constant 0 : i32
      %dma_wait3A_390 = arith.constant 0 : i32
      %dma_wait3A_391 = tpu.memref_slice %arg2[%dma_wait3A_389, %dma_wait3A_390] : memref<20480x128xf32, #tpu.memory_space<hbm>> -> memref<20480x128xf32, #tpu.memory_space<hbm>>
      tpu.wait_indirect_dma semaphore(%arg15 : memref<!tpu.dma_semaphore, #tpu.memory_space<semaphore_mem>>) src(%dma_wait3A_391 : memref<20480x128xf32, #tpu.memory_space<hbm>>) dst(%arg6 : memref<128x128xf32, #tpu.memory_space<vmem>>)
      %dma_start3A_392 = arith.constant 0 : i32
      %dma_start3A_393 = arith.constant 0 : i32
      %dma_start3A_394 = tpu.memref_slice %arg14[%dma_start3A_392, %dma_start3A_393] : memref<10240x128xf32, #tpu.memory_space<vmem_shared>> -> memref<10240x128xf32, #tpu.memory_space<vmem_shared>>
      tpu.enqueue_indirect_dma source(%arg6 : memref<128x128xf32, #tpu.memory_space<vmem>>) target(%dma_start3A_394 : memref<10240x128xf32, #tpu.memory_space<vmem_shared>>) offsets(%arg11 : memref<128xi32, #tpu.memory_space<vmem>>) semaphore(%arg15 : memref<!tpu.dma_semaphore, #tpu.memory_space<semaphore_mem>>) {add = true}
      %add3A_395 = arith.constant 2 : i32
      %add3A_396 = arith.addi %add3A_388, %add3A_395 : i32
      %mul3A_397 = arith.constant 128 : i32
      %mul3A_398 = arith.muli %add3A_396, %mul3A_397 : i32
      %add3A_399 = arith.addi %mul3A_0, %mul3A_398 : i32
      "tpu.region"() ({
        %run_scoped3A = tpu.sem_alloc : memref<!tpu.dma_semaphore, #tpu.memory_space<semaphore_mem>>
        %dma_start3A_565 = tpu.memref_slice %arg3[%add3A_399] : memref<323584xi32, #tpu.memory_space<hbm>> -> memref<128xi32, #tpu.memory_space<hbm>>
        %dma_start3A_566 = tpu.memref_slice %arg3[%add3A_399] : memref<323584xi32, #tpu.memory_space<hbm>> -> memref<128xi32, #tpu.memory_space<hbm>>
        tpu.enqueue_dma source(%dma_start3A_566 : memref<128xi32, #tpu.memory_space<hbm>>) target(%arg8 : memref<128xi32, #tpu.memory_space<vmem>>) target_semaphore(%run_scoped3A : memref<!tpu.dma_semaphore, #tpu.memory_space<semaphore_mem>>)
        %dma_wait3A_567 = tpu.memref_slice %arg3[%add3A_399] : memref<323584xi32, #tpu.memory_space<hbm>> -> memref<128xi32, #tpu.memory_space<hbm>>
        %dma_wait3A_568 = tpu.memref_slice %arg3[%add3A_399] : memref<323584xi32, #tpu.memory_space<hbm>> -> memref<128xi32, #tpu.memory_space<hbm>>
        tpu.wait_dma2 semaphore(%run_scoped3A : memref<!tpu.dma_semaphore, #tpu.memory_space<semaphore_mem>>) src(%dma_wait3A_568 : memref<128xi32, #tpu.memory_space<hbm>>) dst(%arg8 : memref<128xi32, #tpu.memory_space<vmem>>)
        tpu.yield
      }) : () -> ()
      %get3A_400 = arith.constant 0 : index
      %get3A_401 = tpu.vector_load %arg8[%get3A_400] {strides = array<i32>} : memref<128xi32, #tpu.memory_space<vmem>>, vector<16xi32>,
      %get3A_402 = vector.shape_cast %get3A_401 : vector<16xi32> to vector<16xi32>
      %add3A_403 = arith.addi %get3A_402, %broadcast_in_dim3A : vector<16xi32>
      %swap3A_404 = arith.constant 0 : index
      %swap3A_405 = tpu.vector_load %arg8[%swap3A_404] {strides = array<i32>} : memref<128xi32, #tpu.memory_space<vmem>>, vector<16xi32>,
      %swap3A_406 = vector.shape_cast %swap3A_405 : vector<16xi32> to vector<16xi32>
      %swap3A_407 = vector.shape_cast %add3A_403 : vector<16xi32> to vector<16xi32>
      tpu.vector_store %arg8[%swap3A_404], %swap3A_407 {strides = array<i32>} : memref<128xi32, #tpu.memory_space<vmem>>, vector<16xi32>,
      %get3A_408 = arith.constant 16 : index
      %get3A_409 = tpu.vector_load %arg8[%get3A_408] {strides = array<i32>} : memref<128xi32, #tpu.memory_space<vmem>>, vector<16xi32>,
      %get3A_410 = vector.shape_cast %get3A_409 : vector<16xi32> to vector<16xi32>
      %add3A_411 = arith.addi %get3A_410, %broadcast_in_dim3A : vector<16xi32>
      %swap3A_412 = arith.constant 16 : index
      %swap3A_413 = tpu.vector_load %arg8[%swap3A_412] {strides = array<i32>} : memref<128xi32, #tpu.memory_space<vmem>>, vector<16xi32>,
      %swap3A_414 = vector.shape_cast %swap3A_413 : vector<16xi32> to vector<16xi32>
      %swap3A_415 = vector.shape_cast %add3A_411 : vector<16xi32> to vector<16xi32>
      tpu.vector_store %arg8[%swap3A_412], %swap3A_415 {strides = array<i32>} : memref<128xi32, #tpu.memory_space<vmem>>, vector<16xi32>,
      %get3A_416 = arith.constant 32 : index
      %get3A_417 = tpu.vector_load %arg8[%get3A_416] {strides = array<i32>} : memref<128xi32, #tpu.memory_space<vmem>>, vector<16xi32>,
      %get3A_418 = vector.shape_cast %get3A_417 : vector<16xi32> to vector<16xi32>
      %add3A_419 = arith.addi %get3A_418, %broadcast_in_dim3A : vector<16xi32>
      %swap3A_420 = arith.constant 32 : index
      %swap3A_421 = tpu.vector_load %arg8[%swap3A_420] {strides = array<i32>} : memref<128xi32, #tpu.memory_space<vmem>>, vector<16xi32>,
      %swap3A_422 = vector.shape_cast %swap3A_421 : vector<16xi32> to vector<16xi32>
      %swap3A_423 = vector.shape_cast %add3A_419 : vector<16xi32> to vector<16xi32>
      tpu.vector_store %arg8[%swap3A_420], %swap3A_423 {strides = array<i32>} : memref<128xi32, #tpu.memory_space<vmem>>, vector<16xi32>,
      %get3A_424 = arith.constant 48 : index
      %get3A_425 = tpu.vector_load %arg8[%get3A_424] {strides = array<i32>} : memref<128xi32, #tpu.memory_space<vmem>>, vector<16xi32>,
      %get3A_426 = vector.shape_cast %get3A_425 : vector<16xi32> to vector<16xi32>
      %add3A_427 = arith.addi %get3A_426, %broadcast_in_dim3A : vector<16xi32>
      %swap3A_428 = arith.constant 48 : index
      %swap3A_429 = tpu.vector_load %arg8[%swap3A_428] {strides = array<i32>} : memref<128xi32, #tpu.memory_space<vmem>>, vector<16xi32>,
      %swap3A_430 = vector.shape_cast %swap3A_429 : vector<16xi32> to vector<16xi32>
      %swap3A_431 = vector.shape_cast %add3A_427 : vector<16xi32> to vector<16xi32>
      tpu.vector_store %arg8[%swap3A_428], %swap3A_431 {strides = array<i32>} : memref<128xi32, #tpu.memory_space<vmem>>, vector<16xi32>,
      %get3A_432 = arith.constant 64 : index
      %get3A_433 = tpu.vector_load %arg8[%get3A_432] {strides = array<i32>} : memref<128xi32, #tpu.memory_space<vmem>>, vector<16xi32>,
      %get3A_434 = vector.shape_cast %get3A_433 : vector<16xi32> to vector<16xi32>
      %add3A_435 = arith.addi %get3A_434, %broadcast_in_dim3A : vector<16xi32>
      %swap3A_436 = arith.constant 64 : index
      %swap3A_437 = tpu.vector_load %arg8[%swap3A_436] {strides = array<i32>} : memref<128xi32, #tpu.memory_space<vmem>>, vector<16xi32>,
      %swap3A_438 = vector.shape_cast %swap3A_437 : vector<16xi32> to vector<16xi32>
      %swap3A_439 = vector.shape_cast %add3A_435 : vector<16xi32> to vector<16xi32>
      tpu.vector_store %arg8[%swap3A_436], %swap3A_439 {strides = array<i32>} : memref<128xi32, #tpu.memory_space<vmem>>, vector<16xi32>,
      %get3A_440 = arith.constant 80 : index
      %get3A_441 = tpu.vector_load %arg8[%get3A_440] {strides = array<i32>} : memref<128xi32, #tpu.memory_space<vmem>>, vector<16xi32>,
      %get3A_442 = vector.shape_cast %get3A_441 : vector<16xi32> to vector<16xi32>
      %add3A_443 = arith.addi %get3A_442, %broadcast_in_dim3A : vector<16xi32>
      %swap3A_444 = arith.constant 80 : index
      %swap3A_445 = tpu.vector_load %arg8[%swap3A_444] {strides = array<i32>} : memref<128xi32, #tpu.memory_space<vmem>>, vector<16xi32>,
      %swap3A_446 = vector.shape_cast %swap3A_445 : vector<16xi32> to vector<16xi32>
      %swap3A_447 = vector.shape_cast %add3A_443 : vector<16xi32> to vector<16xi32>
      tpu.vector_store %arg8[%swap3A_444], %swap3A_447 {strides = array<i32>} : memref<128xi32, #tpu.memory_space<vmem>>, vector<16xi32>,
      %get3A_448 = arith.constant 96 : index
      %get3A_449 = tpu.vector_load %arg8[%get3A_448] {strides = array<i32>} : memref<128xi32, #tpu.memory_space<vmem>>, vector<16xi32>,
      %get3A_450 = vector.shape_cast %get3A_449 : vector<16xi32> to vector<16xi32>
      %add3A_451 = arith.addi %get3A_450, %broadcast_in_dim3A : vector<16xi32>
      %swap3A_452 = arith.constant 96 : index
      %swap3A_453 = tpu.vector_load %arg8[%swap3A_452] {strides = array<i32>} : memref<128xi32, #tpu.memory_space<vmem>>, vector<16xi32>,
      %swap3A_454 = vector.shape_cast %swap3A_453 : vector<16xi32> to vector<16xi32>
      %swap3A_455 = vector.shape_cast %add3A_451 : vector<16xi32> to vector<16xi32>
      tpu.vector_store %arg8[%swap3A_452], %swap3A_455 {strides = array<i32>} : memref<128xi32, #tpu.memory_space<vmem>>, vector<16xi32>,
      %get3A_456 = arith.constant 112 : index
      %get3A_457 = tpu.vector_load %arg8[%get3A_456] {strides = array<i32>} : memref<128xi32, #tpu.memory_space<vmem>>, vector<16xi32>,
      %get3A_458 = vector.shape_cast %get3A_457 : vector<16xi32> to vector<16xi32>
      %add3A_459 = arith.addi %get3A_458, %broadcast_in_dim3A : vector<16xi32>
      %swap3A_460 = arith.constant 112 : index
      %swap3A_461 = tpu.vector_load %arg8[%swap3A_460] {strides = array<i32>} : memref<128xi32, #tpu.memory_space<vmem>>, vector<16xi32>,
      %swap3A_462 = vector.shape_cast %swap3A_461 : vector<16xi32> to vector<16xi32>
      %swap3A_463 = vector.shape_cast %add3A_459 : vector<16xi32> to vector<16xi32>
      tpu.vector_store %arg8[%swap3A_460], %swap3A_463 {strides = array<i32>} : memref<128xi32, #tpu.memory_space<vmem>>, vector<16xi32>,
      %add3A_464 = arith.constant 2 : i32
      %add3A_465 = arith.addi %add3A_388, %add3A_464 : i32
      %mul3A_466 = arith.constant 128 : i32
      %mul3A_467 = arith.muli %add3A_465, %mul3A_466 : i32
      %add3A_468 = arith.addi %mul3A_0, %mul3A_467 : i32
      "tpu.region"() ({
        %run_scoped3A = tpu.sem_alloc : memref<!tpu.dma_semaphore, #tpu.memory_space<semaphore_mem>>
        %dma_start3A_565 = tpu.memref_slice %arg4[%add3A_468] : memref<323584xi32, #tpu.memory_space<hbm>> -> memref<128xi32, #tpu.memory_space<hbm>>
        %dma_start3A_566 = tpu.memref_slice %arg4[%add3A_468] : memref<323584xi32, #tpu.memory_space<hbm>> -> memref<128xi32, #tpu.memory_space<hbm>>
        tpu.enqueue_dma source(%dma_start3A_566 : memref<128xi32, #tpu.memory_space<hbm>>) target(%arg10 : memref<128xi32, #tpu.memory_space<vmem>>) target_semaphore(%run_scoped3A : memref<!tpu.dma_semaphore, #tpu.memory_space<semaphore_mem>>)
        %dma_wait3A_567 = tpu.memref_slice %arg4[%add3A_468] : memref<323584xi32, #tpu.memory_space<hbm>> -> memref<128xi32, #tpu.memory_space<hbm>>
        %dma_wait3A_568 = tpu.memref_slice %arg4[%add3A_468] : memref<323584xi32, #tpu.memory_space<hbm>> -> memref<128xi32, #tpu.memory_space<hbm>>
        tpu.wait_dma2 semaphore(%run_scoped3A : memref<!tpu.dma_semaphore, #tpu.memory_space<semaphore_mem>>) src(%dma_wait3A_568 : memref<128xi32, #tpu.memory_space<hbm>>) dst(%arg10 : memref<128xi32, #tpu.memory_space<vmem>>)
        tpu.yield
      }) : () -> ()
      %dma_wait3A_469 = arith.constant 0 : i32
      %dma_wait3A_470 = arith.constant 0 : i32
      %dma_wait3A_471 = tpu.memref_slice %arg14[%dma_wait3A_469, %dma_wait3A_470] : memref<10240x128xf32, #tpu.memory_space<vmem_shared>> -> memref<10240x128xf32, #tpu.memory_space<vmem_shared>>
      tpu.wait_indirect_dma semaphore(%arg15 : memref<!tpu.dma_semaphore, #tpu.memory_space<semaphore_mem>>) src(%arg6 : memref<128x128xf32, #tpu.memory_space<vmem>>) dst(%dma_wait3A_471 : memref<10240x128xf32, #tpu.memory_space<vmem_shared>>)
      %dma_start3A_472 = arith.constant 0 : i32
      %dma_start3A_473 = arith.constant 0 : i32
      %dma_start3A_474 = tpu.memref_slice %arg2[%dma_start3A_472, %dma_start3A_473] : memref<20480x128xf32, #tpu.memory_space<hbm>> -> memref<20480x128xf32, #tpu.memory_space<hbm>>
      tpu.enqueue_indirect_dma source(%dma_start3A_474 : memref<20480x128xf32, #tpu.memory_space<hbm>>) target(%arg6 : memref<128x128xf32, #tpu.memory_space<vmem>>) offsets(%arg8 : memref<128xi32, #tpu.memory_space<vmem>>) semaphore(%arg15 : memref<!tpu.dma_semaphore, #tpu.memory_space<semaphore_mem>>)
      %mul3A_475 = arith.constant 2 : i32
      %mul3A_476 = arith.muli %add3A_384, %mul3A_475 : i32
      %add3A_477 = arith.constant 1 : i32
      %add3A_478 = arith.addi %mul3A_476, %add3A_477 : i32
      %dma_wait3A_479 = arith.constant 0 : i32
      %dma_wait3A_480 = arith.constant 0 : i32
      %dma_wait3A_481 = tpu.memref_slice %arg2[%dma_wait3A_479, %dma_wait3A_480] : memref<20480x128xf32, #tpu.memory_space<hbm>> -> memref<20480x128xf32, #tpu.memory_space<hbm>>
      tpu.wait_indirect_dma semaphore(%arg16 : memref<!tpu.dma_semaphore, #tpu.memory_space<semaphore_mem>>) src(%dma_wait3A_481 : memref<20480x128xf32, #tpu.memory_space<hbm>>) dst(%arg7 : memref<128x128xf32, #tpu.memory_space<vmem>>)
      %dma_start3A_482 = arith.constant 0 : i32
      %dma_start3A_483 = arith.constant 0 : i32
      %dma_start3A_484 = tpu.memref_slice %arg14[%dma_start3A_482, %dma_start3A_483] : memref<10240x128xf32, #tpu.memory_space<vmem_shared>> -> memref<10240x128xf32, #tpu.memory_space<vmem_shared>>
      tpu.enqueue_indirect_dma source(%arg7 : memref<128x128xf32, #tpu.memory_space<vmem>>) target(%dma_start3A_484 : memref<10240x128xf32, #tpu.memory_space<vmem_shared>>) offsets(%arg13 : memref<128xi32, #tpu.memory_space<vmem>>) semaphore(%arg16 : memref<!tpu.dma_semaphore, #tpu.memory_space<semaphore_mem>>) {add = true}
      %add3A_485 = arith.constant 2 : i32
      %add3A_486 = arith.addi %add3A_478, %add3A_485 : i32
      %mul3A_487 = arith.constant 128 : i32
      %mul3A_488 = arith.muli %add3A_486, %mul3A_487 : i32
      %add3A_489 = arith.addi %mul3A_0, %mul3A_488 : i32
      "tpu.region"() ({
        %run_scoped3A = tpu.sem_alloc : memref<!tpu.dma_semaphore, #tpu.memory_space<semaphore_mem>>
        %dma_start3A_565 = tpu.memref_slice %arg3[%add3A_489] : memref<323584xi32, #tpu.memory_space<hbm>> -> memref<128xi32, #tpu.memory_space<hbm>>
        %dma_start3A_566 = tpu.memref_slice %arg3[%add3A_489] : memref<323584xi32, #tpu.memory_space<hbm>> -> memref<128xi32, #tpu.memory_space<hbm>>
        tpu.enqueue_dma source(%dma_start3A_566 : memref<128xi32, #tpu.memory_space<hbm>>) target(%arg9 : memref<128xi32, #tpu.memory_space<vmem>>) target_semaphore(%run_scoped3A : memref<!tpu.dma_semaphore, #tpu.memory_space<semaphore_mem>>)
        %dma_wait3A_567 = tpu.memref_slice %arg3[%add3A_489] : memref<323584xi32, #tpu.memory_space<hbm>> -> memref<128xi32, #tpu.memory_space<hbm>>
        %dma_wait3A_568 = tpu.memref_slice %arg3[%add3A_489] : memref<323584xi32, #tpu.memory_space<hbm>> -> memref<128xi32, #tpu.memory_space<hbm>>
        tpu.wait_dma2 semaphore(%run_scoped3A : memref<!tpu.dma_semaphore, #tpu.memory_space<semaphore_mem>>) src(%dma_wait3A_568 : memref<128xi32, #tpu.memory_space<hbm>>) dst(%arg9 : memref<128xi32, #tpu.memory_space<vmem>>)
        tpu.yield
      }) : () -> ()
      %get3A_490 = arith.constant 0 : index
      %get3A_491 = tpu.vector_load %arg9[%get3A_490] {strides = array<i32>} : memref<128xi32, #tpu.memory_space<vmem>>, vector<16xi32>,
      %get3A_492 = vector.shape_cast %get3A_491 : vector<16xi32> to vector<16xi32>
      %add3A_493 = arith.addi %get3A_492, %broadcast_in_dim3A : vector<16xi32>
      %swap3A_494 = arith.constant 0 : index
      %swap3A_495 = tpu.vector_load %arg9[%swap3A_494] {strides = array<i32>} : memref<128xi32, #tpu.memory_space<vmem>>, vector<16xi32>,
      %swap3A_496 = vector.shape_cast %swap3A_495 : vector<16xi32> to vector<16xi32>
      %swap3A_497 = vector.shape_cast %add3A_493 : vector<16xi32> to vector<16xi32>
      tpu.vector_store %arg9[%swap3A_494], %swap3A_497 {strides = array<i32>} : memref<128xi32, #tpu.memory_space<vmem>>, vector<16xi32>,
      %get3A_498 = arith.constant 16 : index
      %get3A_499 = tpu.vector_load %arg9[%get3A_498] {strides = array<i32>} : memref<128xi32, #tpu.memory_space<vmem>>, vector<16xi32>,
      %get3A_500 = vector.shape_cast %get3A_499 : vector<16xi32> to vector<16xi32>
      %add3A_501 = arith.addi %get3A_500, %broadcast_in_dim3A : vector<16xi32>
      %swap3A_502 = arith.constant 16 : index
      %swap3A_503 = tpu.vector_load %arg9[%swap3A_502] {strides = array<i32>} : memref<128xi32, #tpu.memory_space<vmem>>, vector<16xi32>,
      %swap3A_504 = vector.shape_cast %swap3A_503 : vector<16xi32> to vector<16xi32>
      %swap3A_505 = vector.shape_cast %add3A_501 : vector<16xi32> to vector<16xi32>
      tpu.vector_store %arg9[%swap3A_502], %swap3A_505 {strides = array<i32>} : memref<128xi32, #tpu.memory_space<vmem>>, vector<16xi32>,
      %get3A_506 = arith.constant 32 : index
      %get3A_507 = tpu.vector_load %arg9[%get3A_506] {strides = array<i32>} : memref<128xi32, #tpu.memory_space<vmem>>, vector<16xi32>,
      %get3A_508 = vector.shape_cast %get3A_507 : vector<16xi32> to vector<16xi32>
      %add3A_509 = arith.addi %get3A_508, %broadcast_in_dim3A : vector<16xi32>
      %swap3A_510 = arith.constant 32 : index
      %swap3A_511 = tpu.vector_load %arg9[%swap3A_510] {strides = array<i32>} : memref<128xi32, #tpu.memory_space<vmem>>, vector<16xi32>,
      %swap3A_512 = vector.shape_cast %swap3A_511 : vector<16xi32> to vector<16xi32>
      %swap3A_513 = vector.shape_cast %add3A_509 : vector<16xi32> to vector<16xi32>
      tpu.vector_store %arg9[%swap3A_510], %swap3A_513 {strides = array<i32>} : memref<128xi32, #tpu.memory_space<vmem>>, vector<16xi32>,
      %get3A_514 = arith.constant 48 : index
      %get3A_515 = tpu.vector_load %arg9[%get3A_514] {strides = array<i32>} : memref<128xi32, #tpu.memory_space<vmem>>, vector<16xi32>,
      %get3A_516 = vector.shape_cast %get3A_515 : vector<16xi32> to vector<16xi32>
      %add3A_517 = arith.addi %get3A_516, %broadcast_in_dim3A : vector<16xi32>
      %swap3A_518 = arith.constant 48 : index
      %swap3A_519 = tpu.vector_load %arg9[%swap3A_518] {strides = array<i32>} : memref<128xi32, #tpu.memory_space<vmem>>, vector<16xi32>,
      %swap3A_520 = vector.shape_cast %swap3A_519 : vector<16xi32> to vector<16xi32>
      %swap3A_521 = vector.shape_cast %add3A_517 : vector<16xi32> to vector<16xi32>
      tpu.vector_store %arg9[%swap3A_518], %swap3A_521 {strides = array<i32>} : memref<128xi32, #tpu.memory_space<vmem>>, vector<16xi32>,
      %get3A_522 = arith.constant 64 : index
      %get3A_523 = tpu.vector_load %arg9[%get3A_522] {strides = array<i32>} : memref<128xi32, #tpu.memory_space<vmem>>, vector<16xi32>,
      %get3A_524 = vector.shape_cast %get3A_523 : vector<16xi32> to vector<16xi32>
      %add3A_525 = arith.addi %get3A_524, %broadcast_in_dim3A : vector<16xi32>
      %swap3A_526 = arith.constant 64 : index
      %swap3A_527 = tpu.vector_load %arg9[%swap3A_526] {strides = array<i32>} : memref<128xi32, #tpu.memory_space<vmem>>, vector<16xi32>,
      %swap3A_528 = vector.shape_cast %swap3A_527 : vector<16xi32> to vector<16xi32>
      %swap3A_529 = vector.shape_cast %add3A_525 : vector<16xi32> to vector<16xi32>
      tpu.vector_store %arg9[%swap3A_526], %swap3A_529 {strides = array<i32>} : memref<128xi32, #tpu.memory_space<vmem>>, vector<16xi32>,
      %get3A_530 = arith.constant 80 : index
      %get3A_531 = tpu.vector_load %arg9[%get3A_530] {strides = array<i32>} : memref<128xi32, #tpu.memory_space<vmem>>, vector<16xi32>,
      %get3A_532 = vector.shape_cast %get3A_531 : vector<16xi32> to vector<16xi32>
      %add3A_533 = arith.addi %get3A_532, %broadcast_in_dim3A : vector<16xi32>
      %swap3A_534 = arith.constant 80 : index
      %swap3A_535 = tpu.vector_load %arg9[%swap3A_534] {strides = array<i32>} : memref<128xi32, #tpu.memory_space<vmem>>, vector<16xi32>,
      %swap3A_536 = vector.shape_cast %swap3A_535 : vector<16xi32> to vector<16xi32>
      %swap3A_537 = vector.shape_cast %add3A_533 : vector<16xi32> to vector<16xi32>
      tpu.vector_store %arg9[%swap3A_534], %swap3A_537 {strides = array<i32>} : memref<128xi32, #tpu.memory_space<vmem>>, vector<16xi32>,
      %get3A_538 = arith.constant 96 : index
      %get3A_539 = tpu.vector_load %arg9[%get3A_538] {strides = array<i32>} : memref<128xi32, #tpu.memory_space<vmem>>, vector<16xi32>,
      %get3A_540 = vector.shape_cast %get3A_539 : vector<16xi32> to vector<16xi32>
      %add3A_541 = arith.addi %get3A_540, %broadcast_in_dim3A : vector<16xi32>
      %swap3A_542 = arith.constant 96 : index
      %swap3A_543 = tpu.vector_load %arg9[%swap3A_542] {strides = array<i32>} : memref<128xi32, #tpu.memory_space<vmem>>, vector<16xi32>,
      %swap3A_544 = vector.shape_cast %swap3A_543 : vector<16xi32> to vector<16xi32>
      %swap3A_545 = vector.shape_cast %add3A_541 : vector<16xi32> to vector<16xi32>
      tpu.vector_store %arg9[%swap3A_542], %swap3A_545 {strides = array<i32>} : memref<128xi32, #tpu.memory_space<vmem>>, vector<16xi32>,
      %get3A_546 = arith.constant 112 : index
      %get3A_547 = tpu.vector_load %arg9[%get3A_546] {strides = array<i32>} : memref<128xi32, #tpu.memory_space<vmem>>, vector<16xi32>,
      %get3A_548 = vector.shape_cast %get3A_547 : vector<16xi32> to vector<16xi32>
      %add3A_549 = arith.addi %get3A_548, %broadcast_in_dim3A : vector<16xi32>
      %swap3A_550 = arith.constant 112 : index
      %swap3A_551 = tpu.vector_load %arg9[%swap3A_550] {strides = array<i32>} : memref<128xi32, #tpu.memory_space<vmem>>, vector<16xi32>,
      %swap3A_552 = vector.shape_cast %swap3A_551 : vector<16xi32> to vector<16xi32>
      %swap3A_553 = vector.shape_cast %add3A_549 : vector<16xi32> to vector<16xi32>
      tpu.vector_store %arg9[%swap3A_550], %swap3A_553 {strides = array<i32>} : memref<128xi32, #tpu.memory_space<vmem>>, vector<16xi32>,
      %add3A_554 = arith.constant 2 : i32
      %add3A_555 = arith.addi %add3A_478, %add3A_554 : i32
      %mul3A_556 = arith.constant 128 : i32
      %mul3A_557 = arith.muli %add3A_555, %mul3A_556 : i32
      %add3A_558 = arith.addi %mul3A_0, %mul3A_557 : i32
      "tpu.region"() ({
        %run_scoped3A = tpu.sem_alloc : memref<!tpu.dma_semaphore, #tpu.memory_space<semaphore_mem>>
        %dma_start3A_565 = tpu.memref_slice %arg4[%add3A_558] : memref<323584xi32, #tpu.memory_space<hbm>> -> memref<128xi32, #tpu.memory_space<hbm>>
        %dma_start3A_566 = tpu.memref_slice %arg4[%add3A_558] : memref<323584xi32, #tpu.memory_space<hbm>> -> memref<128xi32, #tpu.memory_space<hbm>>
        tpu.enqueue_dma source(%dma_start3A_566 : memref<128xi32, #tpu.memory_space<hbm>>) target(%arg12 : memref<128xi32, #tpu.memory_space<vmem>>) target_semaphore(%run_scoped3A : memref<!tpu.dma_semaphore, #tpu.memory_space<semaphore_mem>>)
        %dma_wait3A_567 = tpu.memref_slice %arg4[%add3A_558] : memref<323584xi32, #tpu.memory_space<hbm>> -> memref<128xi32, #tpu.memory_space<hbm>>
        %dma_wait3A_568 = tpu.memref_slice %arg4[%add3A_558] : memref<323584xi32, #tpu.memory_space<hbm>> -> memref<128xi32, #tpu.memory_space<hbm>>
        tpu.wait_dma2 semaphore(%run_scoped3A : memref<!tpu.dma_semaphore, #tpu.memory_space<semaphore_mem>>) src(%dma_wait3A_568 : memref<128xi32, #tpu.memory_space<hbm>>) dst(%arg12 : memref<128xi32, #tpu.memory_space<vmem>>)
        tpu.yield
      }) : () -> ()
      %dma_wait3A_559 = arith.constant 0 : i32
      %dma_wait3A_560 = arith.constant 0 : i32
      %dma_wait3A_561 = tpu.memref_slice %arg14[%dma_wait3A_559, %dma_wait3A_560] : memref<10240x128xf32, #tpu.memory_space<vmem_shared>> -> memref<10240x128xf32, #tpu.memory_space<vmem_shared>>
      tpu.wait_indirect_dma semaphore(%arg16 : memref<!tpu.dma_semaphore, #tpu.memory_space<semaphore_mem>>) src(%arg7 : memref<128x128xf32, #tpu.memory_space<vmem>>) dst(%dma_wait3A_561 : memref<10240x128xf32, #tpu.memory_space<vmem_shared>>)
      %dma_start3A_562 = arith.constant 0 : i32
      %dma_start3A_563 = arith.constant 0 : i32
      %dma_start3A_564 = tpu.memref_slice %arg2[%dma_start3A_562, %dma_start3A_563] : memref<20480x128xf32, #tpu.memory_space<hbm>> -> memref<20480x128xf32, #tpu.memory_space<hbm>>
      tpu.enqueue_indirect_dma source(%dma_start3A_564 : memref<20480x128xf32, #tpu.memory_space<hbm>>) target(%arg7 : memref<128x128xf32, #tpu.memory_space<vmem>>) offsets(%arg9 : memref<128xi32, #tpu.memory_space<vmem>>) semaphore(%arg16 : memref<!tpu.dma_semaphore, #tpu.memory_space<semaphore_mem>>)
    }
    %scan3A_173 = arith.constant 39 : i32
    %dma_wait3A = arith.constant 0 : i32
    %dma_wait3A_174 = arith.constant 0 : i32
    %dma_wait3A_175 = tpu.memref_slice %arg2[%dma_wait3A, %dma_wait3A_174] : memref<20480x128xf32, #tpu.memory_space<hbm>> -> memref<20480x128xf32, #tpu.memory_space<hbm>>
    tpu.wait_indirect_dma semaphore(%arg15 : memref<!tpu.dma_semaphore, #tpu.memory_space<semaphore_mem>>) src(%dma_wait3A_175 : memref<20480x128xf32, #tpu.memory_space<hbm>>) dst(%arg6 : memref<128x128xf32, #tpu.memory_space<vmem>>)
    %dma_start3A_176 = arith.constant 0 : i32
    %dma_start3A_177 = arith.constant 0 : i32
    %dma_start3A_178 = tpu.memref_slice %arg14[%dma_start3A_176, %dma_start3A_177] : memref<10240x128xf32, #tpu.memory_space<vmem_shared>> -> memref<10240x128xf32, #tpu.memory_space<vmem_shared>>
    tpu.enqueue_indirect_dma source(%arg6 : memref<128x128xf32, #tpu.memory_space<vmem>>) target(%dma_start3A_178 : memref<10240x128xf32, #tpu.memory_space<vmem_shared>>) offsets(%arg10 : memref<128xi32, #tpu.memory_space<vmem>>) semaphore(%arg15 : memref<!tpu.dma_semaphore, #tpu.memory_space<semaphore_mem>>) {add = true}
    %dma_wait3A_179 = arith.constant 0 : i32
    %dma_wait3A_180 = arith.constant 0 : i32
    %dma_wait3A_181 = tpu.memref_slice %arg14[%dma_wait3A_179, %dma_wait3A_180] : memref<10240x128xf32, #tpu.memory_space<vmem_shared>> -> memref<10240x128xf32, #tpu.memory_space<vmem_shared>>
    tpu.wait_indirect_dma semaphore(%arg15 : memref<!tpu.dma_semaphore, #tpu.memory_space<semaphore_mem>>) src(%arg6 : memref<128x128xf32, #tpu.memory_space<vmem>>) dst(%dma_wait3A_181 : memref<10240x128xf32, #tpu.memory_space<vmem_shared>>)
    %dma_wait3A_182 = arith.constant 0 : i32
    %dma_wait3A_183 = arith.constant 0 : i32
    %dma_wait3A_184 = tpu.memref_slice %arg2[%dma_wait3A_182, %dma_wait3A_183] : memref<20480x128xf32, #tpu.memory_space<hbm>> -> memref<20480x128xf32, #tpu.memory_space<hbm>>
    tpu.wait_indirect_dma semaphore(%arg16 : memref<!tpu.dma_semaphore, #tpu.memory_space<semaphore_mem>>) src(%dma_wait3A_184 : memref<20480x128xf32, #tpu.memory_space<hbm>>) dst(%arg7 : memref<128x128xf32, #tpu.memory_space<vmem>>)
    %dma_start3A_185 = arith.constant 0 : i32
    %dma_start3A_186 = arith.constant 0 : i32
    %dma_start3A_187 = tpu.memref_slice %arg14[%dma_start3A_185, %dma_start3A_186] : memref<10240x128xf32, #tpu.memory_space<vmem_shared>> -> memref<10240x128xf32, #tpu.memory_space<vmem_shared>>
    tpu.enqueue_indirect_dma source(%arg7 : memref<128x128xf32, #tpu.memory_space<vmem>>) target(%dma_start3A_187 : memref<10240x128xf32, #tpu.memory_space<vmem_shared>>) offsets(%arg12 : memref<128xi32, #tpu.memory_space<vmem>>) semaphore(%arg16 : memref<!tpu.dma_semaphore, #tpu.memory_space<semaphore_mem>>) {add = true}
    %dma_wait3A_188 = arith.constant 0 : i32
    %dma_wait3A_189 = arith.constant 0 : i32
    %dma_wait3A_190 = tpu.memref_slice %arg14[%dma_wait3A_188, %dma_wait3A_189] : memref<10240x128xf32, #tpu.memory_space<vmem_shared>> -> memref<10240x128xf32, #tpu.memory_space<vmem_shared>>
    tpu.wait_indirect_dma semaphore(%arg16 : memref<!tpu.dma_semaphore, #tpu.memory_space<semaphore_mem>>) src(%arg7 : memref<128x128xf32, #tpu.memory_space<vmem>>) dst(%dma_wait3A_190 : memref<10240x128xf32, #tpu.memory_space<vmem_shared>>)
    %barrier3A_191 = arith.constant 0 : index
    tpu.barrier barrier_id(%barrier3A_191)
    %mul3A_192 = arith.constant 640 : i32
    %mul3A_193 = arith.muli %arg1, %mul3A_192 : i32
    %mul3A_194 = arith.constant 640 : i32
    %mul3A_195 = arith.muli %arg1, %mul3A_194 : i32
    "tpu.region"() ({
      %run_scoped3A = tpu.sem_alloc : memref<!tpu.dma_semaphore, #tpu.memory_space<semaphore_mem>>
      %dma_start3A_196 = arith.constant 0 : i32
      %dma_start3A_197 = tpu.memref_slice %arg5[%arg0, %mul3A_195, %dma_start3A_196] : memref<2x10240x128xf32, #tpu.memory_space<hbm>> -> memref<1x640x128xf32, #tpu.memory_space<hbm>>
      %dma_start3A_198 = tpu.memref_squeeze %dma_start3A_197 : memref<1x640x128xf32, #tpu.memory_space<hbm>> -> memref<640x128xf32, #tpu.memory_space<hbm>>
      %dma_start3A_199 = arith.constant 0 : i32
      %dma_start3A_200 = tpu.memref_slice %arg14[%mul3A_193, %dma_start3A_199] : memref<10240x128xf32, #tpu.memory_space<vmem_shared>> -> memref<640x128xf32, #tpu.memory_space<vmem_shared>>
      tpu.enqueue_dma source(%dma_start3A_200 : memref<640x128xf32, #tpu.memory_space<vmem_shared>>) target(%dma_start3A_198 : memref<640x128xf32, #tpu.memory_space<hbm>>) target_semaphore(%run_scoped3A : memref<!tpu.dma_semaphore, #tpu.memory_space<semaphore_mem>>)
      %dma_wait3A_201 = arith.constant 0 : i32
      %dma_wait3A_202 = tpu.memref_slice %arg5[%arg0, %mul3A_195, %dma_wait3A_201] : memref<2x10240x128xf32, #tpu.memory_space<hbm>> -> memref<1x640x128xf32, #tpu.memory_space<hbm>>
      %dma_wait3A_203 = tpu.memref_squeeze %dma_wait3A_202 : memref<1x640x128xf32, #tpu.memory_space<hbm>> -> memref<640x128xf32, #tpu.memory_space<hbm>>
      %dma_wait3A_204 = arith.constant 0 : i32
      %dma_wait3A_205 = tpu.memref_slice %arg14[%mul3A_193, %dma_wait3A_204] : memref<10240x128xf32, #tpu.memory_space<vmem_shared>> -> memref<640x128xf32, #tpu.memory_space<vmem_shared>>
      tpu.wait_dma2 semaphore(%run_scoped3A : memref<!tpu.dma_semaphore, #tpu.memory_space<semaphore_mem>>) src(%dma_wait3A_205 : memref<640x128xf32, #tpu.memory_space<vmem_shared>>) dst(%dma_wait3A_203 : memref<640x128xf32, #tpu.memory_space<hbm>>)
      tpu.yield
    }) : () -> ()
    return
  }
}

module attributes {stable_mosaic.version = 14 : i64} {
  func.func @_mm1_body(%arg0: i32, %arg1: memref<1x2x256xf32, #tpu.memory_space<vmem>>, %arg2: memref<256x128xf32, #tpu.memory_space<vmem>>, %arg3: memref<128x256xf32, #tpu.memory_space<vmem>>, %arg4: memref<2x256x128xf32, #tpu.memory_space<vmem>>) attributes {dimension_semantics = [#tpu.dimension_semantics<arbitrary>], iteration_bounds = array<i64: 40>, scalar_prefetch = 0 : i64, scratch_operands = 0 : i64, tpu.core_type = #tpu.core_type<tc>, window_params = [{transform_indices = @transform_0, window_bounds = array<i64: 1, 2, 256>}, {transform_indices = @transform_1, window_bounds = array<i64: 256, 128>}, {pipeline_mode = #tpu.pipeline_mode<synchronous>, transform_indices = @transform_2, window_bounds = array<i64: 128, 256>}, {transform_indices = @transform_3, window_bounds = array<i64: 2, 256, 128>}]} {
    %get3A = arith.constant 0 : index
    %get3A_0 = arith.constant 0 : index
    %get3A_1 = arith.constant 0 : index
    %get3A_2 = vector.load %arg1[%get3A, %get3A_0, %get3A_1] : memref<1x2x256xf32, #tpu.memory_space<vmem>>, vector<1x2x256xf32>
    %get3A_3 = vector.shape_cast %get3A_2 : vector<1x2x256xf32> to vector<2x256xf32>
    %slice3A = vector.extract_strided_slice %get3A_3 {offsets = [0, 0], sizes = [1, 256], strides = [1, 1]} : vector<2x256xf32> to vector<1x256xf32>
    %slice3A_4 = vector.extract_strided_slice %get3A_3 {offsets = [1, 0], sizes = [1, 256], strides = [1, 1]} : vector<2x256xf32> to vector<1x256xf32>
    %add3A = arith.addf %slice3A, %slice3A_4 : vector<1x256xf32>
    %add3A_5 = arith.constant 1.000000e+00 : f32
    %add3A_6 = vector.broadcast %add3A_5 : f32 to vector<1x256xf32>
    %add3A_7 = arith.addf %add3A, %add3A_6 : vector<1x256xf32>
    %rsqrt3A = math.rsqrt %add3A_7 : vector<1x256xf32>
    %reshape3A = vector.shape_cast %rsqrt3A : vector<1x256xf32> to vector<256x1xf32>
    %get3A_8 = arith.constant 0 : index
    %get3A_9 = arith.constant 0 : index
    %get3A_10 = vector.load %arg2[%get3A_8, %get3A_9] : memref<256x128xf32, #tpu.memory_space<vmem>>, vector<256x128xf32>
    %get3A_11 = arith.constant 0 : index
    %get3A_12 = arith.constant 0 : index
    %get3A_13 = vector.load %arg3[%get3A_11, %get3A_12] : memref<128x256xf32, #tpu.memory_space<vmem>>, vector<128x256xf32>
    %dot_general3A = arith.constant dense<0.000000e+00> : vector<256x256xf32>
    %dot_general3A_14 = tpu.matmul %get3A_10, %get3A_13, %dot_general3A {dimension_numbers = #tpu.dot_dimension_numbers<[1], [0], [0], [1], [0, 0, 1, 1], [], []>, transpose_lhs_hint = false} : vector<256x128xf32>, vector<128x256xf32>, vector<256x256xf32> -> vector<256x256xf32>
    %mul3A = vector.broadcast %reshape3A : vector<256x1xf32> to vector<256x256xf32>
    %mul3A_15 = arith.mulf %dot_general3A_14, %mul3A : vector<256x256xf32>
    %slice3A_16 = vector.extract_strided_slice %mul3A_15 {offsets = [0, 0], sizes = [256, 128], strides = [1, 1]} : vector<256x256xf32> to vector<256x128xf32>
    %swap3A = arith.constant 0 : index
    %swap3A_17 = arith.constant 0 : index
    %swap3A_18 = arith.constant 0 : index
    %swap3A_19 = vector.load %arg4[%swap3A, %swap3A_17, %swap3A_18] : memref<2x256x128xf32, #tpu.memory_space<vmem>>, vector<1x256x128xf32>
    %swap3A_20 = vector.shape_cast %swap3A_19 : vector<1x256x128xf32> to vector<256x128xf32>
    %swap3A_21 = vector.shape_cast %slice3A_16 : vector<256x128xf32> to vector<1x256x128xf32>
    tpu.vector_store %arg4[%swap3A, %swap3A_17, %swap3A_18], %swap3A_21 {strides = array<i32>} : memref<2x256x128xf32, #tpu.memory_space<vmem>>, vector<1x256x128xf32>,
    %slice3A_22 = vector.extract_strided_slice %mul3A_15 {offsets = [0, 128], sizes = [256, 128], strides = [1, 1]} : vector<256x256xf32> to vector<256x128xf32>
    %swap3A_23 = arith.constant 1 : index
    %swap3A_24 = arith.constant 0 : index
    %swap3A_25 = arith.constant 0 : index
    %swap3A_26 = vector.load %arg4[%swap3A_23, %swap3A_24, %swap3A_25] : memref<2x256x128xf32, #tpu.memory_space<vmem>>, vector<1x256x128xf32>
    %swap3A_27 = vector.shape_cast %swap3A_26 : vector<1x256x128xf32> to vector<256x128xf32>
    %swap3A_28 = vector.shape_cast %slice3A_22 : vector<256x128xf32> to vector<1x256x128xf32>
    tpu.vector_store %arg4[%swap3A_23, %swap3A_24, %swap3A_25], %swap3A_28 {strides = array<i32>} : memref<2x256x128xf32, #tpu.memory_space<vmem>>, vector<1x256x128xf32>,
    return
  }
  func.func @transform_0(%arg0: i32) -> (i32, i32, i32) {
    %c0_i32 = arith.constant 0 : i32
    %c0_i32_0 = arith.constant 0 : i32
    %c0_i32_1 = arith.constant 0 : i32
    return %arg0, %c0_i32, %c0_i32_0 : i32, i32, i32
  }
  func.func @transform_1(%arg0: i32) -> (i32, i32) {
    %c0_i32 = arith.constant 0 : i32
    %c0_i32_0 = arith.constant 0 : i32
    return %arg0, %c0_i32 : i32, i32
  }
  func.func @transform_2(%arg0: i32) -> (i32, i32) {
    %c0_i32 = arith.constant 0 : i32
    %c0_i32_0 = arith.constant 0 : i32
    %c0_i32_1 = arith.constant 0 : i32
    return %c0_i32, %c0_i32_0 : i32, i32
  }
  func.func @transform_3(%arg0: i32) -> (i32, i32, i32) {
    %c0_i32 = arith.constant 0 : i32
    %c0_i32_0 = arith.constant 0 : i32
    %c0_i32_1 = arith.constant 0 : i32
    return %c0_i32, %arg0, %c0_i32_0 : i32, i32, i32
  }
}

module attributes {stable_mosaic.version = 14 : i64} {
  func.func @_mid_body(%arg0: i32, %arg1: memref<1x2x256xf32, #tpu.memory_space<vmem>>, %arg2: memref<256xf32, #tpu.memory_space<vmem>>, %arg3: memref<2x256x128xf32, #tpu.memory_space<vmem>>, %arg4: memref<2x256x128xf32, #tpu.memory_space<vmem>>, %arg5: memref<256x256xf32, #tpu.memory_space<vmem>>, %arg6: memref<2x256x128xf32, #tpu.memory_space<vmem>>) attributes {dimension_semantics = [#tpu.dimension_semantics<arbitrary>], iteration_bounds = array<i64: 40>, scalar_prefetch = 0 : i64, scratch_operands = 0 : i64, tpu.core_type = #tpu.core_type<tc>, window_params = [{transform_indices = @transform_0, window_bounds = array<i64: 1, 2, 256>}, {pipeline_mode = #tpu.pipeline_mode<synchronous>, transform_indices = @transform_1, window_bounds = array<i64: 256>}, {transform_indices = @transform_2, window_bounds = array<i64: 2, 256, 128>}, {transform_indices = @transform_3, window_bounds = array<i64: 2, 256, 128>}, {pipeline_mode = #tpu.pipeline_mode<synchronous>, transform_indices = @transform_4, window_bounds = array<i64: 256, 256>}, {transform_indices = @transform_5, window_bounds = array<i64: 2, 256, 128>}]} {
    %get3A = arith.constant 0 : index
    %get3A_0 = arith.constant 0 : index
    %get3A_1 = arith.constant 0 : index
    %get3A_2 = vector.load %arg1[%get3A, %get3A_0, %get3A_1] : memref<1x2x256xf32, #tpu.memory_space<vmem>>, vector<1x2x256xf32>
    %get3A_3 = vector.shape_cast %get3A_2 : vector<1x2x256xf32> to vector<2x256xf32>
    %slice3A = vector.extract_strided_slice %get3A_3 {offsets = [0, 0], sizes = [1, 256], strides = [1, 1]} : vector<2x256xf32> to vector<1x256xf32>
    %slice3A_4 = vector.extract_strided_slice %get3A_3 {offsets = [1, 0], sizes = [1, 256], strides = [1, 1]} : vector<2x256xf32> to vector<1x256xf32>
    %add3A = arith.addf %slice3A, %slice3A_4 : vector<1x256xf32>
    %add3A_5 = arith.constant 1.000000e+00 : f32
    %add3A_6 = vector.broadcast %add3A_5 : f32 to vector<1x256xf32>
    %add3A_7 = arith.addf %add3A, %add3A_6 : vector<1x256xf32>
    %rsqrt3A = math.rsqrt %add3A_7 : vector<1x256xf32>
    %reshape3A = vector.shape_cast %rsqrt3A : vector<1x256xf32> to vector<256x1xf32>
    %get3A_8 = arith.constant 0 : index
    %get3A_9 = arith.constant 0 : index
    %get3A_10 = arith.constant 0 : index
    %get3A_11 = vector.load %arg3[%get3A_8, %get3A_9, %get3A_10] : memref<2x256x128xf32, #tpu.memory_space<vmem>>, vector<1x256x128xf32>
    %get3A_12 = vector.shape_cast %get3A_11 : vector<1x256x128xf32> to vector<256x128xf32>
    %get3A_13 = arith.constant 1 : index
    %get3A_14 = arith.constant 0 : index
    %get3A_15 = arith.constant 0 : index
    %get3A_16 = vector.load %arg3[%get3A_13, %get3A_14, %get3A_15] : memref<2x256x128xf32, #tpu.memory_space<vmem>>, vector<1x256x128xf32>
    %get3A_17 = vector.shape_cast %get3A_16 : vector<1x256x128xf32> to vector<256x128xf32>
    %concatenate3A = tpu.concatenate %get3A_12, %get3A_17 in 1 : vector<256x128xf32>, vector<256x128xf32> -> vector<256x256xf32>
    %get3A_18 = arith.constant 0 : index
    %get3A_19 = arith.constant 0 : index
    %get3A_20 = arith.constant 0 : index
    %get3A_21 = vector.load %arg4[%get3A_18, %get3A_19, %get3A_20] : memref<2x256x128xf32, #tpu.memory_space<vmem>>, vector<1x256x128xf32>
    %get3A_22 = vector.shape_cast %get3A_21 : vector<1x256x128xf32> to vector<256x128xf32>
    %get3A_23 = arith.constant 1 : index
    %get3A_24 = arith.constant 0 : index
    %get3A_25 = arith.constant 0 : index
    %get3A_26 = vector.load %arg4[%get3A_23, %get3A_24, %get3A_25] : memref<2x256x128xf32, #tpu.memory_space<vmem>>, vector<1x256x128xf32>
    %get3A_27 = vector.shape_cast %get3A_26 : vector<1x256x128xf32> to vector<256x128xf32>
    %concatenate3A_28 = tpu.concatenate %get3A_22, %get3A_27 in 1 : vector<256x128xf32>, vector<256x128xf32> -> vector<256x256xf32>
    %add3A_29 = arith.addf %concatenate3A, %concatenate3A_28 : vector<256x256xf32>
    %mul3A = vector.broadcast %reshape3A : vector<256x1xf32> to vector<256x256xf32>
    %mul3A_30 = arith.mulf %add3A_29, %mul3A : vector<256x256xf32>
    %get3A_31 = arith.constant 0 : index
    %get3A_32 = vector.load %arg2[%get3A_31] : memref<256xf32, #tpu.memory_space<vmem>>, vector<256xf32>
    %broadcast_in_dim3A = vector.shape_cast %get3A_32 : vector<256xf32> to vector<1x256xf32>
    %add3A_33 = vector.broadcast %broadcast_in_dim3A : vector<1x256xf32> to vector<256x256xf32>
    %add3A_34 = arith.addf %mul3A_30, %add3A_33 : vector<256x256xf32>
    %max3A = arith.constant 0.000000e+00 : f32
    %max3A_35 = vector.broadcast %max3A : f32 to vector<256x256xf32>
    %max3A_36 = arith.maximumf %add3A_34, %max3A_35 : vector<256x256xf32>
    %get3A_37 = arith.constant 0 : index
    %get3A_38 = arith.constant 0 : index
    %get3A_39 = vector.load %arg5[%get3A_37, %get3A_38] : memref<256x256xf32, #tpu.memory_space<vmem>>, vector<256x256xf32>
    %dot_general3A = arith.constant dense<0.000000e+00> : vector<256x256xf32>
    %dot_general3A_40 = tpu.matmul %max3A_36, %get3A_39, %dot_general3A {dimension_numbers = #tpu.dot_dimension_numbers<[1], [0], [0], [1], [0, 0, 1, 1], [], []>, transpose_lhs_hint = false} : vector<256x256xf32>, vector<256x256xf32>, vector<256x256xf32> -> vector<256x256xf32>
    %mul3A_41 = vector.broadcast %reshape3A : vector<256x1xf32> to vector<256x256xf32>
    %mul3A_42 = arith.mulf %dot_general3A_40, %mul3A_41 : vector<256x256xf32>
    %slice3A_43 = vector.extract_strided_slice %mul3A_42 {offsets = [0, 0], sizes = [256, 128], strides = [1, 1]} : vector<256x256xf32> to vector<256x128xf32>
    %swap3A = arith.constant 0 : index
    %swap3A_44 = arith.constant 0 : index
    %swap3A_45 = arith.constant 0 : index
    %swap3A_46 = vector.load %arg6[%swap3A, %swap3A_44, %swap3A_45] : memref<2x256x128xf32, #tpu.memory_space<vmem>>, vector<1x256x128xf32>
    %swap3A_47 = vector.shape_cast %swap3A_46 : vector<1x256x128xf32> to vector<256x128xf32>
    %swap3A_48 = vector.shape_cast %slice3A_43 : vector<256x128xf32> to vector<1x256x128xf32>
    tpu.vector_store %arg6[%swap3A, %swap3A_44, %swap3A_45], %swap3A_48 {strides = array<i32>} : memref<2x256x128xf32, #tpu.memory_space<vmem>>, vector<1x256x128xf32>,
    %slice3A_49 = vector.extract_strided_slice %mul3A_42 {offsets = [0, 128], sizes = [256, 128], strides = [1, 1]} : vector<256x256xf32> to vector<256x128xf32>
    %swap3A_50 = arith.constant 1 : index
    %swap3A_51 = arith.constant 0 : index
    %swap3A_52 = arith.constant 0 : index
    %swap3A_53 = vector.load %arg6[%swap3A_50, %swap3A_51, %swap3A_52] : memref<2x256x128xf32, #tpu.memory_space<vmem>>, vector<1x256x128xf32>
    %swap3A_54 = vector.shape_cast %swap3A_53 : vector<1x256x128xf32> to vector<256x128xf32>
    %swap3A_55 = vector.shape_cast %slice3A_49 : vector<256x128xf32> to vector<1x256x128xf32>
    tpu.vector_store %arg6[%swap3A_50, %swap3A_51, %swap3A_52], %swap3A_55 {strides = array<i32>} : memref<2x256x128xf32, #tpu.memory_space<vmem>>, vector<1x256x128xf32>,
    return
  }
  func.func @transform_0(%arg0: i32) -> (i32, i32, i32) {
    %c0_i32 = arith.constant 0 : i32
    %c0_i32_0 = arith.constant 0 : i32
    %c0_i32_1 = arith.constant 0 : i32
    return %arg0, %c0_i32, %c0_i32_0 : i32, i32, i32
  }
  func.func @transform_1(%arg0: i32) -> i32 {
    %c0_i32 = arith.constant 0 : i32
    %c0_i32_0 = arith.constant 0 : i32
    return %c0_i32 : i32
  }
  func.func @transform_2(%arg0: i32) -> (i32, i32, i32) {
    %c0_i32 = arith.constant 0 : i32
    %c0_i32_0 = arith.constant 0 : i32
    %c0_i32_1 = arith.constant 0 : i32
    return %c0_i32, %arg0, %c0_i32_0 : i32, i32, i32
  }
  func.func @transform_3(%arg0: i32) -> (i32, i32, i32) {
    %c0_i32 = arith.constant 0 : i32
    %c0_i32_0 = arith.constant 0 : i32
    %c0_i32_1 = arith.constant 0 : i32
    return %c0_i32, %arg0, %c0_i32_0 : i32, i32, i32
  }
  func.func @transform_4(%arg0: i32) -> (i32, i32) {
    %c0_i32 = arith.constant 0 : i32
    %c0_i32_0 = arith.constant 0 : i32
    %c0_i32_1 = arith.constant 0 : i32
    return %c0_i32, %c0_i32_0 : i32, i32
  }
  func.func @transform_5(%arg0: i32) -> (i32, i32, i32) {
    %c0_i32 = arith.constant 0 : i32
    %c0_i32_0 = arith.constant 0 : i32
    %c0_i32_1 = arith.constant 0 : i32
    return %c0_i32, %arg0, %c0_i32_0 : i32, i32, i32
  }
}

module attributes {stable_mosaic.version = 14 : i64} {
  func.func @_pool_body(%arg0: i32, %arg1: i32, %arg2: memref<1x2x256xf32, #tpu.memory_space<vmem>>, %arg3: memref<256xf32, #tpu.memory_space<vmem>>, %arg4: memref<1x256xf32, #tpu.memory_space<vmem>>, %arg5: memref<1x1xf32, #tpu.memory_space<vmem>>, %arg6: memref<256x1xf32, #tpu.memory_space<vmem>>, %arg7: memref<256x128xf32, #tpu.memory_space<vmem>>, %arg8: memref<1x128xf32, #tpu.memory_space<vmem>>, %arg9: memref<2x256x128xf32, #tpu.memory_space<vmem>>, %arg10: memref<2x256x128xf32, #tpu.memory_space<vmem>>, %arg11: memref<16x128xf32, #tpu.memory_space<vmem>>, %arg12: memref<1x16xf32, #tpu.memory_space<vmem>>, %arg13: memref<1x16xf32, #tpu.memory_space<vmem>>, %arg14: memref<16x256xf32, #tpu.memory_space<vmem>>) attributes {dimension_semantics = [#tpu.dimension_semantics<arbitrary>, #tpu.dimension_semantics<arbitrary>], iteration_bounds = array<i64: 2, 40>, scalar_prefetch = 0 : i64, scratch_operands = 3 : i64, tpu.core_type = #tpu.core_type<tc>, window_params = [{transform_indices = @transform_0, window_bounds = array<i64: 1, 2, 256>}, {pipeline_mode = #tpu.pipeline_mode<synchronous>, transform_indices = @transform_1, window_bounds = array<i64: 256>}, {pipeline_mode = #tpu.pipeline_mode<synchronous>, transform_indices = @transform_2, window_bounds = array<i64: 1, 256>}, {pipeline_mode = #tpu.pipeline_mode<synchronous>, transform_indices = @transform_3, window_bounds = array<i64: 1, 1>}, {transform_indices = @transform_4, window_bounds = array<i64: 256, 1>}, {pipeline_mode = #tpu.pipeline_mode<synchronous>, transform_indices = @transform_5, window_bounds = array<i64: 256, 128>}, {pipeline_mode = #tpu.pipeline_mode<synchronous>, transform_indices = @transform_6, window_bounds = array<i64: 1, 128>}, {transform_indices = @transform_7, window_bounds = array<i64: 2, 256, 128>}, {transform_indices = @transform_8, window_bounds = array<i64: 2, 256, 128>}, {pipeline_mode = #tpu.pipeline_mode<synchronous>, transform_indices = @transform_9, window_bounds = array<i64: 16, 128>}]} {
    %get3A = arith.constant 0 : index
    %get3A_0 = arith.constant 0 : index
    %get3A_1 = arith.constant 0 : index
    %get3A_2 = vector.load %arg2[%get3A, %get3A_0, %get3A_1] : memref<1x2x256xf32, #tpu.memory_space<vmem>>, vector<1x2x256xf32>
    %get3A_3 = vector.shape_cast %get3A_2 : vector<1x2x256xf32> to vector<2x256xf32>
    %slice3A = vector.extract_strided_slice %get3A_3 {offsets = [0, 0], sizes = [1, 256], strides = [1, 1]} : vector<2x256xf32> to vector<1x256xf32>
    %slice3A_4 = vector.extract_strided_slice %get3A_3 {offsets = [1, 0], sizes = [1, 256], strides = [1, 1]} : vector<2x256xf32> to vector<1x256xf32>
    %add3A = arith.addf %slice3A, %slice3A_4 : vector<1x256xf32>
    %add3A_5 = arith.constant 1.000000e+00 : f32
    %add3A_6 = vector.broadcast %add3A_5 : f32 to vector<1x256xf32>
    %add3A_7 = arith.addf %add3A, %add3A_6 : vector<1x256xf32>
    %rsqrt3A = math.rsqrt %add3A_7 : vector<1x256xf32>
    %reshape3A = vector.shape_cast %rsqrt3A : vector<1x256xf32> to vector<256x1xf32>
    %get3A_8 = arith.constant 0 : index
    %get3A_9 = arith.constant 0 : index
    %get3A_10 = arith.constant 0 : index
    %get3A_11 = vector.load %arg9[%get3A_8, %get3A_9, %get3A_10] : memref<2x256x128xf32, #tpu.memory_space<vmem>>, vector<1x256x128xf32>
    %get3A_12 = vector.shape_cast %get3A_11 : vector<1x256x128xf32> to vector<256x128xf32>
    %get3A_13 = arith.constant 1 : index
    %get3A_14 = arith.constant 0 : index
    %get3A_15 = arith.constant 0 : index
    %get3A_16 = vector.load %arg9[%get3A_13, %get3A_14, %get3A_15] : memref<2x256x128xf32, #tpu.memory_space<vmem>>, vector<1x256x128xf32>
    %get3A_17 = vector.shape_cast %get3A_16 : vector<1x256x128xf32> to vector<256x128xf32>
    %concatenate3A = tpu.concatenate %get3A_12, %get3A_17 in 1 : vector<256x128xf32>, vector<256x128xf32> -> vector<256x256xf32>
    %get3A_18 = arith.constant 0 : index
    %get3A_19 = arith.constant 0 : index
    %get3A_20 = arith.constant 0 : index
    %get3A_21 = vector.load %arg10[%get3A_18, %get3A_19, %get3A_20] : memref<2x256x128xf32, #tpu.memory_space<vmem>>, vector<1x256x128xf32>
    %get3A_22 = vector.shape_cast %get3A_21 : vector<1x256x128xf32> to vector<256x128xf32>
    %get3A_23 = arith.constant 1 : index
    %get3A_24 = arith.constant 0 : index
    %get3A_25 = arith.constant 0 : index
    %get3A_26 = vector.load %arg10[%get3A_23, %get3A_24, %get3A_25] : memref<2x256x128xf32, #tpu.memory_space<vmem>>, vector<1x256x128xf32>
    %get3A_27 = vector.shape_cast %get3A_26 : vector<1x256x128xf32> to vector<256x128xf32>
    %concatenate3A_28 = tpu.concatenate %get3A_22, %get3A_27 in 1 : vector<256x128xf32>, vector<256x128xf32> -> vector<256x256xf32>
    %add3A_29 = arith.addf %concatenate3A, %concatenate3A_28 : vector<256x256xf32>
    %mul3A = vector.broadcast %reshape3A : vector<256x1xf32> to vector<256x256xf32>
    %mul3A_30 = arith.mulf %add3A_29, %mul3A : vector<256x256xf32>
    %get3A_31 = arith.constant 0 : index
    %get3A_32 = vector.load %arg3[%get3A_31] : memref<256xf32, #tpu.memory_space<vmem>>, vector<256xf32>
    %broadcast_in_dim3A = vector.shape_cast %get3A_32 : vector<256xf32> to vector<1x256xf32>
    %add3A_33 = vector.broadcast %broadcast_in_dim3A : vector<1x256xf32> to vector<256x256xf32>
    %add3A_34 = arith.addf %mul3A_30, %add3A_33 : vector<256x256xf32>
    %get3A_35 = arith.constant 0 : index
    %get3A_36 = arith.constant 0 : index
    %get3A_37 = vector.load %arg4[%get3A_35, %get3A_36] : memref<1x256xf32, #tpu.memory_space<vmem>>, vector<1x256xf32>
    %mul3A_38 = vector.broadcast %get3A_37 : vector<1x256xf32> to vector<256x256xf32>
    %mul3A_39 = arith.mulf %add3A_34, %mul3A_38 : vector<256x256xf32>
    %reduce_sum3A = arith.constant dense<0.000000e+00> : vector<256xf32>
    %reduce_sum3A_40 = vector.multi_reduction <add>, %mul3A_39, %reduce_sum3A [1] : vector<256x256xf32> to vector<256xf32>
    %broadcast_in_dim3A_41 = vector.shape_cast %reduce_sum3A_40 : vector<256xf32> to vector<256x1xf32>
    %get3A_42 = arith.constant 0 : index
    %get3A_43 = arith.constant 0 : index
    %get3A_44 = vector.load %arg5[%get3A_42, %get3A_43] : memref<1x1xf32, #tpu.memory_space<vmem>>, vector<1x1xf32>
    %add3A_45 = vector.broadcast %get3A_44 : vector<1x1xf32> to vector<256x1xf32>
    %add3A_46 = arith.addf %broadcast_in_dim3A_41, %add3A_45 : vector<256x1xf32>
    %get3A_47 = arith.constant 0 : index
    %get3A_48 = arith.constant 0 : index
    %get3A_49 = vector.load %arg6[%get3A_47, %get3A_48] : memref<256x1xf32, #tpu.memory_space<vmem>>, vector<256x1xf32>
    %iota3A = tpu.iota {dimensions = array<i32: 1>} : vector<256x16xi32>
    %convert_element_type3A = arith.sitofp %iota3A : vector<256x16xi32> to vector<256x16xf32>
    %eq3A = vector.broadcast %get3A_49 : vector<256x1xf32> to vector<256x16xf32>
    %eq3A_50 = arith.cmpf oeq, %eq3A, %convert_element_type3A : vector<256x16xf32>
    %eq3A_51 = arith.constant 0 : i32
    %eq3A_52 = arith.cmpi eq, %arg0, %eq3A_51 : i32
    %eq3A_53 = arith.constant 0 : i32
    %eq3A_54 = arith.cmpi eq, %arg1, %eq3A_53 : i32
    %and3A = arith.andi %eq3A_52, %eq3A_54 : i1
    %convert_element_type3A_55 = arith.extui %and3A : i1 to i32
    %cond3A = arith.constant 0 : i32
    %cond3A_56 = arith.cmpi ne, %convert_element_type3A_55, %cond3A : i32
    scf.if %cond3A_56 {
      %broadcast_in_dim3A_67 = arith.constant -1.000000e+30 : f32
      %broadcast_in_dim3A_68 = vector.broadcast %broadcast_in_dim3A_67 : f32 to vector<1x16xf32>
      %swap3A = arith.constant 0 : index
      %swap3A_69 = arith.constant 0 : index
      %swap3A_70 = vector.load %arg12[%swap3A, %swap3A_69] : memref<1x16xf32, #tpu.memory_space<vmem>>, vector<1x16xf32>
      tpu.vector_store %arg12[%swap3A, %swap3A_69], %broadcast_in_dim3A_68 {strides = array<i32>} : memref<1x16xf32, #tpu.memory_space<vmem>>, vector<1x16xf32>,
    } else {
    }
    %eq3A_57 = arith.constant 0 : i32
    %eq3A_58 = arith.cmpi eq, %arg0, %eq3A_57 : i32
    %convert_element_type3A_59 = arith.extui %eq3A_58 : i1 to i32
    %cond3A_60 = arith.constant 0 : i32
    %cond3A_61 = arith.cmpi ne, %convert_element_type3A_59, %cond3A_60 : i32
    scf.if %cond3A_61 {
      %jit3A = arith.constant -1.000000e+30 : f32
      %broadcast_in_dim3A_67 = vector.shape_cast %add3A_46 : vector<256x1xf32> to vector<256x1xf32>
      %broadcast_in_dim3A_68 = vector.broadcast %broadcast_in_dim3A_67 : vector<256x1xf32> to vector<256x16xf32>
      %broadcast_in_dim3A_69 = vector.broadcast %jit3A : f32 to vector<256x16xf32>
      %select_n3A = arith.select %eq3A_50, %broadcast_in_dim3A_68, %broadcast_in_dim3A_69 : vector<256x16xi1>, vector<256x16xf32>
      %get3A_70 = arith.constant 0 : index
      %get3A_71 = arith.constant 0 : index
      %get3A_72 = vector.load %arg12[%get3A_70, %get3A_71] : memref<1x16xf32, #tpu.memory_space<vmem>>, vector<1x16xf32>
      %reduce_max3A = arith.constant dense<0xFF800000> : vector<16xf32>
      %reduce_max3A_73 = vector.multi_reduction <maximumf>, %select_n3A, %reduce_max3A [0] : vector<256x16xf32> to vector<16xf32>
      %broadcast_in_dim3A_74 = vector.shape_cast %reduce_max3A_73 : vector<16xf32> to vector<1x16xf32>
      %max3A = arith.maximumf %get3A_72, %broadcast_in_dim3A_74 : vector<1x16xf32>
      %swap3A = arith.constant 0 : index
      %swap3A_75 = arith.constant 0 : index
      %swap3A_76 = vector.load %arg12[%swap3A, %swap3A_75] : memref<1x16xf32, #tpu.memory_space<vmem>>, vector<1x16xf32>
      tpu.vector_store %arg12[%swap3A, %swap3A_75], %max3A {strides = array<i32>} : memref<1x16xf32, #tpu.memory_space<vmem>>, vector<1x16xf32>,
    } else {
    }
    %eq3A_62 = arith.constant 1 : i32
    %eq3A_63 = arith.cmpi eq, %arg0, %eq3A_62 : i32
    %convert_element_type3A_64 = arith.extui %eq3A_63 : i1 to i32
    %cond3A_65 = arith.constant 0 : i32
    %cond3A_66 = arith.cmpi ne, %convert_element_type3A_64, %cond3A_65 : i32
    scf.if %cond3A_66 {
      %eq3A_67 = arith.constant 0 : i32
      %eq3A_68 = arith.cmpi eq, %arg1, %eq3A_67 : i32
      %convert_element_type3A_69 = arith.extui %eq3A_68 : i1 to i32
      %cond3A_70 = arith.constant 0 : i32
      %cond3A_71 = arith.cmpi ne, %convert_element_type3A_69, %cond3A_70 : i32
      scf.if %cond3A_71 {
        %broadcast_in_dim3A_108 = arith.constant 0.000000e+00 : f32
        %broadcast_in_dim3A_109 = vector.broadcast %broadcast_in_dim3A_108 : f32 to vector<1x16xf32>
        %swap3A_110 = arith.constant 0 : index
        %swap3A_111 = arith.constant 0 : index
        %swap3A_112 = vector.load %arg13[%swap3A_110, %swap3A_111] : memref<1x16xf32, #tpu.memory_space<vmem>>, vector<1x16xf32>
        tpu.vector_store %arg13[%swap3A_110, %swap3A_111], %broadcast_in_dim3A_109 {strides = array<i32>} : memref<1x16xf32, #tpu.memory_space<vmem>>, vector<1x16xf32>,
        %broadcast_in_dim3A_113 = arith.constant 0.000000e+00 : f32
        %broadcast_in_dim3A_114 = vector.broadcast %broadcast_in_dim3A_113 : f32 to vector<16x256xf32>
        %swap3A_115 = arith.constant 0 : index
        %swap3A_116 = arith.constant 0 : index
        %swap3A_117 = vector.load %arg14[%swap3A_115, %swap3A_116] : memref<16x256xf32, #tpu.memory_space<vmem>>, vector<16x256xf32>
        tpu.vector_store %arg14[%swap3A_115, %swap3A_116], %broadcast_in_dim3A_114 {strides = array<i32>} : memref<16x256xf32, #tpu.memory_space<vmem>>, vector<16x256xf32>,
      } else {
      }
      %convert_element_type3A_72 = arith.extui %eq3A_50 : vector<256x16xi1> to vector<256x16xi32>
      %convert_element_type3A_73 = arith.sitofp %convert_element_type3A_72 : vector<256x16xi32> to vector<256x16xf32>
      %get3A_74 = arith.constant 0 : index
      %get3A_75 = arith.constant 0 : index
      %get3A_76 = vector.load %arg12[%get3A_74, %get3A_75] : memref<1x16xf32, #tpu.memory_space<vmem>>, vector<1x16xf32>
      %mul3A_77 = vector.broadcast %get3A_76 : vector<1x16xf32> to vector<256x16xf32>
      %mul3A_78 = arith.mulf %convert_element_type3A_73, %mul3A_77 : vector<256x16xf32>
      %reduce_sum3A_79 = arith.constant dense<0.000000e+00> : vector<256xf32>
      %reduce_sum3A_80 = vector.multi_reduction <add>, %mul3A_78, %reduce_sum3A_79 [1] : vector<256x16xf32> to vector<256xf32>
      %broadcast_in_dim3A_81 = vector.shape_cast %reduce_sum3A_80 : vector<256xf32> to vector<256x1xf32>
      %sub3A = arith.subf %add3A_46, %broadcast_in_dim3A_81 : vector<256x1xf32>
      %exp3A = math.exp %sub3A : vector<256x1xf32>
      %get3A_82 = arith.constant 0 : index
      %get3A_83 = arith.constant 0 : index
      %get3A_84 = vector.load %arg13[%get3A_82, %get3A_83] : memref<1x16xf32, #tpu.memory_space<vmem>>, vector<1x16xf32>
      %mul3A_85 = vector.broadcast %exp3A : vector<256x1xf32> to vector<256x16xf32>
      %mul3A_86 = arith.mulf %convert_element_type3A_73, %mul3A_85 : vector<256x16xf32>
      %reduce_sum3A_87 = arith.constant dense<0.000000e+00> : vector<16xf32>
      %reduce_sum3A_88 = vector.multi_reduction <add>, %mul3A_86, %reduce_sum3A_87 [0] : vector<256x16xf32> to vector<16xf32>
      %broadcast_in_dim3A_89 = vector.shape_cast %reduce_sum3A_88 : vector<16xf32> to vector<1x16xf32>
      %add3A_90 = arith.addf %get3A_84, %broadcast_in_dim3A_89 : vector<1x16xf32>
      %swap3A = arith.constant 0 : index
      %swap3A_91 = arith.constant 0 : index
      %swap3A_92 = vector.load %arg13[%swap3A, %swap3A_91] : memref<1x16xf32, #tpu.memory_space<vmem>>, vector<1x16xf32>
      tpu.vector_store %arg13[%swap3A, %swap3A_91], %add3A_90 {strides = array<i32>} : memref<1x16xf32, #tpu.memory_space<vmem>>, vector<1x16xf32>,
      %get3A_93 = arith.constant 0 : index
      %get3A_94 = arith.constant 0 : index
      %get3A_95 = vector.load %arg14[%get3A_93, %get3A_94] : memref<16x256xf32, #tpu.memory_space<vmem>>, vector<16x256xf32>
      %mul3A_96 = vector.broadcast %exp3A : vector<256x1xf32> to vector<256x256xf32>
      %mul3A_97 = arith.mulf %add3A_34, %mul3A_96 : vector<256x256xf32>
      %dot_general3A = arith.constant dense<0.000000e+00> : vector<16x256xf32>
      %dot_general3A_98 = tpu.matmul %convert_element_type3A_73, %mul3A_97, %dot_general3A {dimension_numbers = #tpu.dot_dimension_numbers<[0], [0], [1], [1], [0, 1, 1, 1], [], []>, transpose_lhs_hint = false} : vector<256x16xf32>, vector<256x256xf32>, vector<16x256xf32> -> vector<16x256xf32>
      %add3A_99 = arith.addf %get3A_95, %dot_general3A_98 : vector<16x256xf32>
      %swap3A_100 = arith.constant 0 : index
      %swap3A_101 = arith.constant 0 : index
      %swap3A_102 = vector.load %arg14[%swap3A_100, %swap3A_101] : memref<16x256xf32, #tpu.memory_space<vmem>>, vector<16x256xf32>
      tpu.vector_store %arg14[%swap3A_100, %swap3A_101], %add3A_99 {strides = array<i32>} : memref<16x256xf32, #tpu.memory_space<vmem>>, vector<16x256xf32>,
      %eq3A_103 = arith.constant 39 : i32
      %eq3A_104 = arith.cmpi eq, %arg1, %eq3A_103 : i32
      %convert_element_type3A_105 = arith.extui %eq3A_104 : i1 to i32
      %cond3A_106 = arith.constant 0 : i32
      %cond3A_107 = arith.cmpi ne, %convert_element_type3A_105, %cond3A_106 : i32
      scf.if %cond3A_107 {
        %get3A_108 = arith.constant 0 : index
        %get3A_109 = arith.constant 0 : index
        %get3A_110 = vector.load %arg14[%get3A_108, %get3A_109] : memref<16x256xf32, #tpu.memory_space<vmem>>, vector<16x256xf32>
        %get3A_111 = arith.constant 0 : index
        %get3A_112 = arith.constant 0 : index
        %get3A_113 = vector.load %arg13[%get3A_111, %get3A_112] : memref<1x16xf32, #tpu.memory_space<vmem>>, vector<1x16xf32>
        %reshape3A_114 = vector.shape_cast %get3A_113 : vector<1x16xf32> to vector<16x1xf32>
        %add3A_115 = arith.constant 1.000000e-16 : f32
        %add3A_116 = vector.broadcast %add3A_115 : f32 to vector<16x1xf32>
        %add3A_117 = arith.addf %reshape3A_114, %add3A_116 : vector<16x1xf32>
        %div3A = vector.broadcast %add3A_117 : vector<16x1xf32> to vector<16x256xf32>
        %div3A_118 = arith.divf %get3A_110, %div3A : vector<16x256xf32>
        %get3A_119 = arith.constant 0 : index
        %get3A_120 = arith.constant 0 : index
        %get3A_121 = vector.load %arg7[%get3A_119, %get3A_120] : memref<256x128xf32, #tpu.memory_space<vmem>>, vector<256x128xf32>
        %dot_general3A_122 = arith.constant dense<0.000000e+00> : vector<16x128xf32>
        %dot_general3A_123 = tpu.matmul %div3A_118, %get3A_121, %dot_general3A_122 {dimension_numbers = #tpu.dot_dimension_numbers<[1], [0], [0], [1], [0, 0, 1, 1], [], []>, transpose_lhs_hint = false} : vector<16x256xf32>, vector<256x128xf32>, vector<16x128xf32> -> vector<16x128xf32>
        %get3A_124 = arith.constant 0 : index
        %get3A_125 = arith.constant 0 : index
        %get3A_126 = vector.load %arg8[%get3A_124, %get3A_125] : memref<1x128xf32, #tpu.memory_space<vmem>>, vector<1x128xf32>
        %add3A_127 = vector.broadcast %get3A_126 : vector<1x128xf32> to vector<16x128xf32>
        %add3A_128 = arith.addf %dot_general3A_123, %add3A_127 : vector<16x128xf32>
        %tanh3A = math.tanh %add3A_128 : vector<16x128xf32>
        %swap3A_129 = arith.constant 0 : index
        %swap3A_130 = arith.constant 0 : index
        %swap3A_131 = vector.load %arg11[%swap3A_129, %swap3A_130] : memref<16x128xf32, #tpu.memory_space<vmem>>, vector<16x128xf32>
        tpu.vector_store %arg11[%swap3A_129, %swap3A_130], %tanh3A {strides = array<i32>} : memref<16x128xf32, #tpu.memory_space<vmem>>, vector<16x128xf32>,
      } else {
      }
    } else {
    }
    return
  }
  func.func @transform_0(%arg0: i32, %arg1: i32) -> (i32, i32, i32) {
    %c0_i32 = arith.constant 0 : i32
    %c0_i32_0 = arith.constant 0 : i32
    %c0_i32_1 = arith.constant 0 : i32
    return %arg1, %c0_i32, %c0_i32_0 : i32, i32, i32
  }
  func.func @transform_1(%arg0: i32, %arg1: i32) -> i32 {
    %c0_i32 = arith.constant 0 : i32
    %c0_i32_0 = arith.constant 0 : i32
    return %c0_i32 : i32
  }
  func.func @transform_2(%arg0: i32, %arg1: i32) -> (i32, i32) {
    %c0_i32 = arith.constant 0 : i32
    %c0_i32_0 = arith.constant 0 : i32
    %c0_i32_1 = arith.constant 0 : i32
    return %c0_i32, %c0_i32_0 : i32, i32
  }
  func.func @transform_3(%arg0: i32, %arg1: i32) -> (i32, i32) {
    %c0_i32 = arith.constant 0 : i32
    %c0_i32_0 = arith.constant 0 : i32
    %c0_i32_1 = arith.constant 0 : i32
    return %c0_i32, %c0_i32_0 : i32, i32
  }
  func.func @transform_4(%arg0: i32, %arg1: i32) -> (i32, i32) {
    %c0_i32 = arith.constant 0 : i32
    %c0_i32_0 = arith.constant 0 : i32
    return %arg1, %c0_i32 : i32, i32
  }
  func.func @transform_5(%arg0: i32, %arg1: i32) -> (i32, i32) {
    %c0_i32 = arith.constant 0 : i32
    %c0_i32_0 = arith.constant 0 : i32
    %c0_i32_1 = arith.constant 0 : i32
    return %c0_i32, %c0_i32_0 : i32, i32
  }
  func.func @transform_6(%arg0: i32, %arg1: i32) -> (i32, i32) {
    %c0_i32 = arith.constant 0 : i32
    %c0_i32_0 = arith.constant 0 : i32
    %c0_i32_1 = arith.constant 0 : i32
    return %c0_i32, %c0_i32_0 : i32, i32
  }
  func.func @transform_7(%arg0: i32, %arg1: i32) -> (i32, i32, i32) {
    %c0_i32 = arith.constant 0 : i32
    %c0_i32_0 = arith.constant 0 : i32
    %c0_i32_1 = arith.constant 0 : i32
    return %c0_i32, %arg1, %c0_i32_0 : i32, i32, i32
  }
  func.func @transform_8(%arg0: i32, %arg1: i32) -> (i32, i32, i32) {
    %c0_i32 = arith.constant 0 : i32
    %c0_i32_0 = arith.constant 0 : i32
    %c0_i32_1 = arith.constant 0 : i32
    return %c0_i32, %arg1, %c0_i32_0 : i32, i32, i32
  }
  func.func @transform_9(%arg0: i32, %arg1: i32) -> (i32, i32) {
    %c0_i32 = arith.constant 0 : i32
    %c0_i32_0 = arith.constant 0 : i32
    %c0_i32_1 = arith.constant 0 : i32
    return %c0_i32, %c0_i32_0 : i32, i32
  }
}

</mosaic_0001>

<sc_bundles>
// kernel: kernel.10.cloned.1.call-start
scs
__scs_entry_jumppad:
0x0: {  	(pc) =	sbr.rel $0x88, $3  }
0x1: {  	(tag) =	ssettag $0x0;
	lr =	simm.s32 $0x1  }
0x2: {  	[smem:$0x3F94] =	sst lr;
	_ =	strace $0xD0000000  }
0x3: {  	_ = 	snop  }
0x4: {  	_ = 	snop  }
0x5: {  	_ = 	snop  }
0x6: {  	_ = 	snop  }
0x7: {  	_ = 	snop  }
__scs_overlays_trampoline_lowered:
0x8: {  	[smem:$0x3FA3] =	sst s0  }
0x9: {  	[smem:$0x3FA4] =	sst s1  }
0xa: {  	[smem:$0x3FA5] =	sst s2  }
0xb: {  	[smem:$0x3FA6] =	sst s3  }
0xc: {  	[smem:$0x3FA7] =	sst s4  }
0xd: {  	[smem:$0x3FA8] =	sst s5  }
0xe: {  	[smem:$0x3FA9] =	sst s6  }
0xf: {  	[smem:$0x3FAA] =	sst s7  }
0x10: {  	[smem:$0x3FAB] =	sst s8  }
0x11: {  	[smem:$0x3FAC] =	sst s9;
	s0 =	simm.s32 @!p0 $0x0  }
0x12: {  	s1 =	sld [smem:$0x3F92];
	s0 =	simm.s32 @p0 $0x1  }
0x13: {  	[smem:$0x3FAD] =	sst s0;
	s0 =	simm.s32 @!p1 $0x0  }
0x14: {  	s2 =	sld [smem:$0x3F91];
	s0 =	simm.s32 @p1 $0x1  }
0x15: {  	[smem:$0x3FAE] =	sst s0;
	s0 =	simm.s32 @!p2 $0x0  }
0x16: {  	s3 =	sld [smem:$0x3FDB];
	s0 =	simm.s32 @p2 $0x1  }
0x17: {  	s4 =	simm.s32 $0x1BF5;
	[smem:$0x3FB0] =	sst s0  }
0x18: {  	s0 =	sld [smem:$0x3F93];
	_ =	swait.ge [sflag:s4], $0x0  }
0x19: {  	s7 =	sld [smem:$0x3F94]  }
0x1a: {  	s8 =	sadd.s32 $0xFFFFE003, lr  }
0x1b: {  	s9 =	sadd.s32 $0xFFFFFEF7, lr;
	s5 =	simm.s32 $0xFFFFFFFF;
	p2 =	slt.u32 s8, $0xFFFFF086  }
0x1c: {  	p1 =	slt.u32 s9, $0xF7A;
	s5 =	simm.s32 @!p2 $0x0  }
0x1d: {  	s5 =	simm.s32 @p1 $0x1;
	p0 =	seq.s32 s7, s2  }
0x1e: {  	s7 =	smul.u32 @!p0 $0xF7A, s2;
	p2 =	seq.s32 @!p0 s5, $0x0  }
0x1f: {  	s9 =	smul.u32 $0xF7A, s1;
	s8 =	simm.s32 @!p0 $0x1BF5;
	p2 =	por !p2, p0  }
0x20: {  	[sflag:s8] =	ssyncset.s32 @!p0 $0xFFFFF086;
	s6 =	sadd.s32 @!p0 s3, s7;
	s7 =	simm.s32 @!p0 $0x108  }
0x21: {  	s3 =	sadd.s32 s3, s9;
	s6 =	sadd.s32 @!p0 $0x88, s6;
	s7 =	simm.s32 @p2 $0x1082  }
0x22: {  	[simem:s7], [sflag:s8] =	dma.local @!p0 [hbm:s6], $0xF7A  }
0x23: {  	s9 =	sor.u32 $0xD0000000, s2;
	s6 =	simm.s32 $0x108;
	_ =	swait.ge @!p0 [sflag:s8], $0x0  }
0x24: {  	s3 =	sadd.s32 $0x88, s3;
	s6 =	simm.s32 @!p1 $0x1082;
	[sflag:s4] =	ssyncset.s32 $0xFFFFF086  }
0x25: {  	[simem:s6], [sflag:s4] =	dma.local [hbm:s3], $0xF7A  }
0x26: {  	[smem:$0x3F94] =	sst s1;
	(tag) =	ssettag s2;
	_ =	strace s9  }
0x27: {  	s1 =	sld [smem:$0x3FA4]  }
0x28: {  	s2 =	sld [smem:$0x3FA5]  }
0x29: {  	s4 =	sld [smem:$0x3FA7]  }
0x2a: {  	p0 =	seq.s32 s5, $0x0;
	s5 =	sld [smem:$0x3FA8]  }
0x2b: {  	s6 =	sld [smem:$0x3FA9]  }
0x2c: {  	s7 =	sld [smem:$0x3FAA]  }
0x2d: {  	s3 =	simm.s32 $0x108;
	s8 =	sld [smem:$0x3FAB]  }
0x2e: {  	s3 =	simm.s32 @!p0 $0x1082;
	s9 =	sld [smem:$0x3FAC]  }
0x2f: {  	lr =	sadd.s32 s0, s3;
	s0 =	sld [smem:$0x3FA3]  }
0x30: {  	s3 =	sld [smem:$0x3FA6]  }
0x31: {  	[smem:$0x3FAF] =	sst s10  }
0x32: {  	s10 =	sld [smem:$0x3FAD];
	_ =	sdelay $0x3  }
0x33: {  	p0 =	seq.s32 s10, $0x1;
	s10 =	sld [smem:$0x3FAF];
	_ =	sdelay $0x3  }
0x34: {  	[smem:$0x3FAF] =	sst s10  }
0x35: {  	s10 =	sld [smem:$0x3FAE];
	_ =	sdelay $0x3  }
0x36: {  	p1 =	seq.s32 s10, $0x1;
	s10 =	sld [smem:$0x3FAF];
	_ =	sdelay $0x3  }
0x37: {  	[smem:$0x3FAF] =	sst s10  }
0x38: {  	s10 =	sld [smem:$0x3FB0]  }
0x39: {  	_ = 	snop;
	(pc) =	sbr.ind lr, $3  }
0x3a: {  	_ = 	snop  }
0x3b: {  	_ = 	snop  }
0x3c: {  	p2 =	seq.s32 s10, $0x1;
	s10 =	sld [smem:$0x3FAF]  }
0x3d: {  	_ =	shalt  }
0x3e: {  	_ =	shalt  }
0x3f: {  	_ =	shalt  }
0x40: {  	_ =	shalt  }
0x41: {  	_ =	shalt  }
0x42: {  	_ =	shalt  }
0x43: {  	_ =	shalt  }
0x44: {  	_ =	shalt  }
0x45: {  	_ =	shalt  }
0x46: {  	_ =	shalt  }
0x47: {  	_ =	shalt  }
0x48: {  	_ =	shalt  }
0x49: {  	_ =	shalt  }
0x4a: {  	_ =	shalt  }
0x4b: {  	_ =	shalt  }
0x4c: {  	_ =	shalt  }
0x4d: {  	_ =	shalt  }
0x4e: {  	_ =	shalt  }
0x4f: {  	_ =	shalt  }
0x50: {  	_ =	shalt  }
0x51: {  	_ =	shalt  }
0x52: {  	_ =	shalt  }
0x53: {  	_ =	shalt  }
0x54: {  	_ =	shalt  }
0x55: {  	_ =	shalt  }
0x56: {  	_ =	shalt  }
0x57: {  	_ =	shalt  }
0x58: {  	_ =	shalt  }
0x59: {  	_ =	shalt  }
0x5a: {  	_ =	shalt  }
0x5b: {  	_ =	shalt  }
0x5c: {  	_ =	shalt  }
0x5d: {  	_ =	shalt  }
0x5e: {  	_ =	shalt  }
0x5f: {  	_ =	shalt  }
0x60: {  	_ =	shalt  }
0x61: {  	_ =	shalt  }
0x62: {  	_ =	shalt  }
0x63: {  	_ =	shalt  }
0x64: {  	_ =	shalt  }
0x65: {  	_ =	shalt  }
0x66: {  	_ =	shalt  }
0x67: {  	_ =	shalt  }
0x68: {  	_ =	shalt  }
0x69: {  	_ =	shalt  }
0x6a: {  	_ =	shalt  }
0x6b: {  	_ =	shalt  }
0x6c: {  	_ =	shalt  }
0x6d: {  	_ =	shalt  }
0x6e: {  	_ =	shalt  }
0x6f: {  	_ =	shalt  }
0x70: {  	_ =	shalt  }
0x71: {  	_ =	shalt  }
0x72: {  	_ =	shalt  }
0x73: {  	_ =	shalt  }
0x74: {  	_ =	shalt  }
0x75: {  	_ =	shalt  }
0x76: {  	_ =	shalt  }
0x77: {  	_ =	shalt  }
0x78: {  	_ =	shalt  }
0x79: {  	_ =	shalt  }
0x7a: {  	_ =	shalt  }
0x7b: {  	_ =	shalt  }
0x7c: {  	_ =	shalt  }
0x7d: {  	_ =	shalt  }
0x7e: {  	_ =	shalt  }
0x7f: {  	_ =	shalt  }
0x80: {  	_ =	shalt  }
0x81: {  	_ =	shalt  }
0x82: {  	_ =	shalt  }
0x83: {  	_ =	shalt  }
0x84: {  	_ =	shalt  }
0x85: {  	_ =	shalt  }
0x86: {  	_ =	shalt  }
0x87: {  	_ =	shalt  }
.Lfunc_end0:
.L_simem_size_0:
called_computation_lowered:
.L_overlay_start_0:
0x88: {  	s2 =	sld [smem:$0x3FD9]  }
0x89: {  	s3 =	sld [smem:$0x3FFE];
	_ =	sdelay $0x1  }
0x8a: {  	s1 =	srdreg.scid  }
0x8b: {  	s0 =	sand.u32 $0x1, s1  }
0x8c: {  	s16 =	sshll.u32 s0, $0xA;
	s2 =	sadd.s32 s3, s2  }
0x8d: {  	s2 =	sadd.s32 s2, s16  }
0x8e: {  	[smem:$0x3FBB] =	sst s2  }
0x8f: {  	_ = 	snop  }
0x90: {  	(tm) =	ssettm $0x1  }
0x91: {  	s17 =	sld [smem:$0x3FFB];
	_ =	sdelay $0x3  }
0x92: {  	_ =	strace s17  }
0x93: {  	s2 =	sld [smem:$0x3FFC];
	_ =	sdelay $0x3  }
0x94: {  	_ =	strace s2  }
0x95: {  	s2 =	sld [smem:$0x3FFD];
	_ =	sdelay $0x3  }
0x96: {  	_ =	strace s2  }
0x97: {  	_ =	strace $0x8FFFFFFF  }
0x98: {  	s18 =	sld [smem:$0x3FDB];
	_ =	sdelay $0x1  }
0x99: {  	s19 =	simm.s32 $_scs_section_size  }
0x9a: {  	s4 =	simm.s32 $_size__tile_overlayer_lowered;
	s5 =	simm.s32 $_tile_overlayer_lowered  }
0x9b: {  	s22 =	simm.s32 $0x1BFF;
	s21 =	sshll.u32 s5, $0x1;
	s2 =	sadd.s32 s19, s18  }
0x9c: {  	s6 =	simm.s32 $0x0;
	s20 =	sshll.u32 s4, $0x1;
	s4 =	sadd.s32 s21, s2  }
0x9d: {  	[timem:s6], [sflag:s22] =	dma.local [hbm:s4], s20  }
0x9e: {  	_ =	swait.ge [sflag:s22], s20  }
0x9f: {  	s3 =	ssub.s32 $0x0, s20;
	[sflag:s22] =	ssyncset.done $0x0  }
0xa0: {  	[sflag:s22] =	ssyncadd.s32 s3;
	_ =	sdelay $0x1  }
0xa1: {  	s23 =	simm.s32 $0x1B8B  }
0xa2: {  	_ =	swait.ge [sflag:s23], $0x1  }
0xa3: {  	[sflag:s23] =	ssyncset.done $0x0  }
0xa4: {  	s25 =	simm.s32 $0x1B8E;
	s24 =	sld [smem:$0x3FFE];
	[sflag:s23] =	ssyncadd.s32 $0xFFFFFFFF  }
0xa5: {  	s26 =	simm.s32 $execute0_lowered;
	[smem:$0x3FD2] =	sst s25  }
0xa6: {  	s4 =	sshll.u32 s26, $0x1;
	_ =	strace $0x80000046;
	[dreg:$0x1] =	wrdreg $0xFFFFFFFF  }
0xa7: {  	s28 =	simm.s32 $_size_execute0_lowered;
	s2 =	sadd.s32 s2, s4;
	[dreg:$0x0] =	wrdreg $0x0  }
0xa8: {  	s4 =	sshll.u32 s28, $0x1;
	[dreg:$0x2] =	wrdreg s2  }
0xa9: {  	[dreg:$0x3] =	wrdreg s4  }
0xaa: {  	[dreg:$0x4] =	wrdreg $0xC0  }
0xab: {  	_ =	task [dreg:s6], $0x5FFFF  }
0xac: {  	[dreg:$0x1] =	wrdreg $0xFFFFFFFF  }
0xad: {  	[dreg:$0x0] =	wrdreg $0x60  }
0xae: {  	[dreg:$0x2] =	wrdreg s24  }
0xaf: {  	[dreg:$0x3] =	wrdreg $0x7A000  }
0xb0: {  	[dreg:$0x4] =	wrdreg $0x9  }
0xb1: {  	_ =	task.clear_ibuf [dreg:s6], $0x5FFFF;
	_ =	strace $0x90000046  }
0xb2: {  	s29 =	simm.s32 $0x9;
	_ =	strace $0x80000048  }
0xb3: {  	_ =	swait.ge [sflag:s29], $0x1  }
0xb4: {  	[sflag:s29] =	ssyncadd.s32 $0xFFFFFFFF  }
0xb5: {  	_ =	strace $0x90000048  }
0xb6: {  	_ =	sfence  }
0xb7: {  	s30 =	sld [smem:$0x0];
	_ =	sdelay $0x2  }
0xb8: {  	s31 =	sshll.u32 s1, $0xD;
	s1 =	sshrl.u32 s1, $0x2  }
0xb9: {  	s3 =	sand.u32 $0x4000, s31;
	s1 =	sadd.s32 s1, s30  }
0xba: {  	s0 =	sor.u32 s3, s0;
	s1 =	sshll.u32 s1, $0x11  }
0xbb: {  	s0 =	sor.u32 s1, s0  }
0xbc: {  	s0 =	sadd.s32 $0x8F2B, s0  }
0xbd: {  	[sflag:s0] =	ssyncadd.remote.s32 $0x1  }
0xbe: {  	_ =	sfence.sel $0xFFFF  }
0xbf: {  	[dreg:$0x0] =	wrdreg $0xFFFFFFFF;
	(pc) =	sbr.abs _section_cstart, $3  }
0xc0: {  	[dreg:$0x1] =	wrdreg $0xFFFFFFFF  }
0xc1: {  	_ =	task.clear_ibuf [dreg:s6], $0x2FFFF;
	_ =	strace $0x9FFFFFFF  }
0xc2: {  	(tm) =	ssettm $0x7FFFFFFF  }
0xc3: {  	_ =	shalt  }
tec
execute0_lowered:
.L_overlay_start_1:
0x0: {  	(tag) =	ssettag $0x1  }
0x1: {  	s1 =	srdreg.scid;
	s3 =	rddreg [dreg:$0x0]  }
0x2: {  	s0 =	stileid.u32;
	s5 =	rddreg [dreg:$0x1];
	s2 =	simm.s32 $0x0  }
0x3: {  	s11 =	simm.s32 $0x400;
	s12 =	simm.s32 $0x1400;
	s13 =	simm.s32 $0x14000  }
0x4: {  	s14 =	simm.s32 $0x4F80;
	s15 =	simm.s32 $0x100;
	s16 =	simm.s32 $0x7780  }
0x5: {  	s17 =	simm.s32 $0x0;
	s4 =	sand.u32 $0x1, s1;
	s1 =	rddreg [dreg:$0x2]  }
0x6: {  	s25 =	sshll.u32 s0, $0x1;
	[smem:$0x7FF] =	sst s2;
	s7 =	smul.u32 $0x500, s0  }
0x7: {  	s26 =	sshrl.u32 s0, $0x3;
	s9 =	smul.u32 $0x5000, s0;
	s29 =	sshll.u32 s0, $0x7  }
0x8: {  	s6 =	sor.u32 s4, s25;
	_ =	strace $0x80000047;
	s8 =	sshll.u32 s4, $0x7  }
0x9: {  	s4 =	ssub.s32 $0x2, s4;
	s31 =	sand.u32 $0x380, s29;
	s6 =	smul.u32 $0x4F0, s6  }
0xa: {  	s7 =	sor.u32 s8, s7;
	s8 =	smul.u32 $0x50000, s26;
	s28 =	sshrl.u32 s4, $0x1  }
0xb: {  	s9 =	sshrl.u32 s9, $0x2;
	s7 =	sshrl.u32 s7, $0x3;
	s10 =	ssub.s32 s4, s28  }
0xc: {  	s6 =	sadd.s32 s6, s3;
	s7 =	sadd.s32 s7, s3;
	s30 =	sshrl.u32 s8, $0x2  }
0xd: {  	s8 =	simm.s32 $0x1;
	s4 =	sadd.s32 s30, s5;
	s3 =	sadd.s32 $0x3200, s6  }
0xe: {  	s5 =	sadd.s32 s9, s5;
	s6 =	sadd.s32 $0xD000, s7;
	s7 =	smax.u32 s10, $0x1  }
0xf: {  	v0 =	vimm.f32 $0.0e+00;
	v1 =	vimm.f32 $1.000000000e+00;
	s9 =	simm.s32 $0x2780;
	s10 =	simm.s32 $0x80;
	s4 =	sadd.s32 s31, s4  }
.LBB2_1:
0x10: {  	[tilespmem:s2], [sflag:$0x1] =	stream.linear.gather [hbm4b:s3+s2], $0x2780, $0x38;
	[tilespmem:$0xA200] =	vst v63  }
0x11: {  	_ =	swait.ge [sflag:s8], $0x2780  }
0x12: {  	[sflag:s8] =	ssyncset.done $0x0  }
0x13: {  	s18 =	simm.s32 $0x0;
	[sflag:s8] =	ssyncadd.s32 $0xFFFFD880  }
.LBB2_2:
0x14: {  	p0 =	sne.s32 s18, $0x9FC0  }
.Ltmp0:
0x15: {  	_ = 	snop;
	(pc) =	sbr.rel @p0 .LBB2_2-.Ltmp0, $3  }
0x16: {  	_ =	sdelay $0x1  }
0x17: {  	s19 =	sshra.s32 s18, $0x2  }
0x18: {  	s18 =	sadd.s32 $0x40, s18;
	[tilespmem:s19+$0x2780] =	vst v0  }
0x19: {  	s19 =	simm.s32 $0x0;
	s18 =	simm.s32 $0x40  }
.LBB2_4:
0x1a: {  	p0 =	sne.s32 s18, $0x9DC0;
	v2 =	vld [tilespmem:s19+$0x0];
	_ =	sdelay $0x3  }
.Ltmp1:
0x1b: {  	(pc) =	sbr.rel @p0 .LBB2_4-.Ltmp1, $2  }
0x1c: {  	_ =	sdelay $0x2  }
0x1d: {  	s19 =	sshra.s32 s18, $0x2;
	s18 =	sadd.s32 $0x40, s18;
	[tilespmem:v2+s9+$0x0] =	vst.idx.add.f32.msk $0xffff, v1  }
0x1e: {  	v2 =	vld [tilespmem:s19+$0x0];
	_ =	sdelay $0x7  }
0x1f: {  	[tilespmem:v2+s9+$0x0] =	vst.idx.add.f32.msk $0xffff, v1  }
0x20: {  	[spmem:s4] =	stream.strided.scatter [tilespmem:s9], [sflag:$0x1], $0x2800, s11, s10, $0x38;
	[tilespmem:$0xA200] =	vst v63  }
0x21: {  	_ =	swait.ge [sflag:s8], $0x2800  }
0x22: {  	[sflag:s8] =	ssyncset.done $0x0  }
0x23: {  	[sflag:s8] =	ssyncadd.s32 $0xFFFFD800  }
0x24: {  	[bflag:$0x0] =	sbarrier.arrive $0xFFFF  }
0x25: {  	[tilespmem:s14], [sflag:$0x1] =	stream.strided.gather [spmem:s5], $0x2800, s13, s12, $0x38;
	[tilespmem:$0xA200] =	vst v63  }
0x26: {  	s18 =	simm.s32 $0x0;
	_ =	swait.ge [sflag:s8], $0x2800  }
0x27: {  	s30 =	sand.u32 $0x70, s18;
	s18 =	sand.u32 $0x1C00, s18;
	[sflag:s8] =	ssyncset.done $0x0  }
0x28: {  	s18 =	sor.u32 s30, s18;
	[sflag:s8] =	ssyncadd.s32 $0xFFFFD800  }
0x29: {  	v2 =	vld [tilespmem:s18+$0x5000]  }
0x2a: {  	v3 =	vld [tilespmem:s18+$0x4F80];
	_ =	sdelay $0x1  }
0x2b: {  	v4 =	vld [tilespmem:s18+$0x5080];
	_ =	sdelay $0x1  }
0x2c: {  	v5 =	vld [tilespmem:s18+$0x5100]  }
0x2d: {  	v2 =	vadd.f32 v2, v3  }
0x2e: {  	v3 =	vld [tilespmem:s18+$0x5180]  }
0x2f: {  	v2 =	vadd.f32 v4, v2  }
0x30: {  	v56 =	vld [tilespmem:s18+$0x5200]  }
0x31: {  	v2 =	vadd.f32 v5, v2  }
0x32: {  	v57 =	vld [tilespmem:s18+$0x5280]  }
0x33: {  	v2 =	vadd.f32 v3, v2  }
0x34: {  	v3 =	vld [tilespmem:s18+$0x5300]  }
0x35: {  	v2 =	vadd.f32 v56, v2  }
0x36: {  	v58 =	vld [tilespmem:s18+$0x6380]  }
0x37: {  	v2 =	vadd.f32 v57, v2  }
0x38: {  	v59 =	vld [tilespmem:s18+$0x6400]  }
0x39: {  	v2 =	vadd.f32 v3, v2  }
0x3a: {  	v3 =	vld [tilespmem:s18+$0x6480]  }
0x3b: {  	v2 =	vadd.f32 v58, v2  }
0x3c: {  	v60 =	vld [tilespmem:s18+$0x6500]  }
0x3d: {  	v2 =	vadd.f32 v59, v2  }
0x3e: {  	v61 =	vld [tilespmem:s18+$0x6580]  }
0x3f: {  	v2 =	vadd.f32 v3, v2  }
0x40: {  	v3 =	vld [tilespmem:s18+$0x6600]  }
0x41: {  	v2 =	vadd.f32 v60, v2  }
0x42: {  	v62 =	vld [tilespmem:s18+$0x6680]  }
0x43: {  	v2 =	vadd.f32 v61, v2  }
0x44: {  	v63 =	vld [tilespmem:s18+$0x6700]  }
0x45: {  	v2 =	vadd.f32 v3, v2;
	_ =	sdelay $0x1  }
0x46: {  	v2 =	vadd.f32 v62, v2;
	_ =	sdelay $0x1  }
0x47: {  	s31 =	simm.s32 $0x10;
	s20 =	simm.s32 $0x80;
	v2 =	vadd.f32 v63, v2  }
0x48: {  	s19 =	sand.u32 $0x70, s31;
	s21 =	sand.u32 $0x1C00, s20;
	s18 =	simm.s32 $0x7780  }
0x49: {  	s19 =	sor.u32 s19, s21;
	s21 =	simm.s32 $0x20;
	[tilespmem:s18+$0x0] =	vst v2  }
.LBB2_6:
0x4a: {  	p0 =	sne.s32 s21, $0x270;
	v2 =	vld [tilespmem:s19+$0x5000]  }
0x4b: {  	v3 =	vld [tilespmem:s19+$0x4F80];
	_ =	sdelay $0x1  }
0x4c: {  	v4 =	vld [tilespmem:s19+$0x5080];
	_ =	sdelay $0x1  }
0x4d: {  	v5 =	vld [tilespmem:s19+$0x5100]  }
0x4e: {  	v2 =	vadd.f32 v2, v3  }
0x4f: {  	v3 =	vld [tilespmem:s19+$0x5180]  }
0x50: {  	v2 =	vadd.f32 v4, v2  }
0x51: {  	v4 =	vld [tilespmem:s19+$0x5200]  }
0x52: {  	v2 =	vadd.f32 v5, v2  }
0x53: {  	v5 =	vld [tilespmem:s19+$0x5280]  }
0x54: {  	v2 =	vadd.f32 v3, v2  }
0x55: {  	v3 =	vld [tilespmem:s19+$0x5300]  }
0x56: {  	v2 =	vadd.f32 v4, v2  }
0x57: {  	v4 =	vld [tilespmem:s19+$0x6380]  }
0x58: {  	v2 =	vadd.f32 v5, v2  }
0x59: {  	v5 =	vld [tilespmem:s19+$0x6400]  }
0x5a: {  	v2 =	vadd.f32 v3, v2  }
0x5b: {  	v3 =	vld [tilespmem:s19+$0x6480]  }
0x5c: {  	v2 =	vadd.f32 v4, v2  }
0x5d: {  	v4 =	vld [tilespmem:s19+$0x6500]  }
0x5e: {  	v2 =	vadd.f32 v5, v2  }
0x5f: {  	v5 =	vld [tilespmem:s19+$0x6580]  }
0x60: {  	v2 =	vadd.f32 v3, v2  }
0x61: {  	v3 =	vld [tilespmem:s19+$0x6600]  }
0x62: {  	v2 =	vadd.f32 v4, v2  }
0x63: {  	v4 =	vld [tilespmem:s19+$0x6680]  }
0x64: {  	v2 =	vadd.f32 v5, v2  }
0x65: {  	v5 =	vld [tilespmem:s19+$0x6700]  }
0x66: {  	v2 =	vadd.f32 v3, v2;
	_ =	sdelay $0x1  }
.Ltmp2:
0x67: {  	v2 =	vadd.f32 v4, v2;
	(pc) =	sbr.rel @p0 .LBB2_6-.Ltmp2, $4  }
0x68: {  	_ = 	snop  }
0x69: {  	s20 =	sadd.s32 $0x80, s20;
	v2 =	vadd.f32 v5, v2  }
0x6a: {  	s18 =	sadd.s32 $0x10, s18;
	s22 =	sand.u32 $0x1C00, s20;
	s19 =	sand.u32 $0x70, s21  }
0x6b: {  	s21 =	sadd.s32 $0x10, s21;
	s19 =	sor.u32 s19, s22;
	[tilespmem:s18+$0x0] =	vst v2  }
0x6c: {  	v2 =	vld [tilespmem:s19+$0x5000]  }
0x6d: {  	v3 =	vld [tilespmem:s19+$0x4F80];
	_ =	sdelay $0x1  }
0x6e: {  	v4 =	vld [tilespmem:s19+$0x5080];
	_ =	sdelay $0x1  }
0x6f: {  	v5 =	vld [tilespmem:s19+$0x5100]  }
0x70: {  	v2 =	vadd.f32 v2, v3  }
0x71: {  	v3 =	vld [tilespmem:s19+$0x5180]  }
0x72: {  	v2 =	vadd.f32 v4, v2  }
0x73: {  	v56 =	vld [tilespmem:s19+$0x5200]  }
0x74: {  	v2 =	vadd.f32 v5, v2  }
0x75: {  	v57 =	vld [tilespmem:s19+$0x5280]  }
0x76: {  	v2 =	vadd.f32 v3, v2  }
0x77: {  	v3 =	vld [tilespmem:s19+$0x5300]  }
0x78: {  	v2 =	vadd.f32 v56, v2  }
0x79: {  	v58 =	vld [tilespmem:s19+$0x6380]  }
0x7a: {  	v2 =	vadd.f32 v57, v2  }
0x7b: {  	v59 =	vld [tilespmem:s19+$0x6400]  }
0x7c: {  	v2 =	vadd.f32 v3, v2  }
0x7d: {  	v3 =	vld [tilespmem:s19+$0x6480]  }
0x7e: {  	v2 =	vadd.f32 v58, v2  }
0x7f: {  	v60 =	vld [tilespmem:s19+$0x6500]  }
0x80: {  	v2 =	vadd.f32 v59, v2  }
0x81: {  	v61 =	vld [tilespmem:s19+$0x6580]  }
0x82: {  	v2 =	vadd.f32 v3, v2  }
0x83: {  	v3 =	vld [tilespmem:s19+$0x6600]  }
0x84: {  	v2 =	vadd.f32 v60, v2  }
0x85: {  	v62 =	vld [tilespmem:s19+$0x6680]  }
0x86: {  	v2 =	vadd.f32 v61, v2  }
0x87: {  	v63 =	vld [tilespmem:s19+$0x6700]  }
0x88: {  	v2 =	vadd.f32 v3, v2;
	_ =	sdelay $0x1  }
0x89: {  	v2 =	vadd.f32 v62, v2;
	_ =	sdelay $0x1  }
0x8a: {  	s17 =	sadd.s32 $0x1, s17;
	v2 =	vadd.f32 v63, v2  }
0x8b: {  	s18 =	sadd.s32 $0x10, s18;
	p0 =	sne.s32 s17, s7  }
.Ltmp3:
0x8c: {  	[tilespmem:s18+$0x0] =	vst v2;
	(pc) =	sbr.rel @p0 .LBB2_1-.Ltmp3, $4  }
0x8d: {  	[hbm4b:s6+s10] =	stream.strided.scatter [tilespmem:s16], [sflag:$0x1], $0x280, s15, s10, $0x38;
	[tilespmem:$0xA200] =	vst v63  }
0x8e: {  	_ =	swait.ge [sflag:s8], $0x280  }
0x8f: {  	[sflag:s8] =	ssyncset.done $0x0  }
0x90: {  	[sflag:s8] =	ssyncadd.s32 $0xFFFFFD80  }
0x91: {  	_ =	sfence.sel $0x180000  }
0x92: {  	[bflag:$0x0] =	sbarrier.arrive $0xFFFF  }
0x93: {  	p0 =	sne.s32 s0, $0x0;
	_ =	strace $0x90000047  }
0x94: {  	s0 =	sadd.s32 @!p0 $0x100000, s1;
	[bflag:$0x2] =	sbarrier.arrive $0xFFFF  }
0x95: {  	[sflag:s0] =	ssyncadd.tile.s32 @!p0 $0x1;
	_ =	shalt  }
.Lfunc_end2:
_tile_overlayer_lowered:
.L_overlay_start_2:
0x96: {  	(tag) =	ssettag $0x2  }
0x97: {  	s0 =	rddreg [dreg:$0x0];
	s2 =	stileid.u32  }
0x98: {  	s1 =	rddreg [dreg:$0x1];
	p0 =	sne.s32 s2, $0x0  }
0x99: {  	s3 =	rddreg [dreg:$0x2];
	[bflag:$0x3] =	sbarrier.arrive $0xFFFF;
	s2 =	simm.s32 @!p0 $0x1C01  }
0x9a: {  	[timem:s3], [sflag:s2] =	dma.local @!p0 [hbm:s0], s1  }
0x9b: {  	s0 =	simm.s32 @!p0 $0x1  }
0x9c: {  	_ =	swait.ge @!p0 [sflag:s0], s1  }
0x9d: {  	s1 =	ssub.s32 @!p0 $0x0, s1;
	[sflag:s0] =	ssyncset.done @!p0 $0x0  }
0x9e: {  	[sflag:s0] =	ssyncadd.s32 @!p0 s1  }
0x9f: {  	[bflag:$0x3] =	sbarrier.arrive $0xFFFF  }
0xa0: {  	_ =	shalt  }

// kernel: kernel.13.cloned.1.call-start
scs
__scs_entry_jumppad:
0x0: {  	(pc) =	sbr.rel $0x88, $3  }
0x1: {  	(tag) =	ssettag $0x0;
	lr =	simm.s32 $0x1  }
0x2: {  	[smem:$0x3F94] =	sst lr;
	_ =	strace $0xD0000000  }
0x3: {  	_ = 	snop  }
0x4: {  	_ = 	snop  }
0x5: {  	_ = 	snop  }
0x6: {  	_ = 	snop  }
0x7: {  	_ = 	snop  }
__scs_overlays_trampoline_lowered:
0x8: {  	[smem:$0x3FA3] =	sst s0  }
0x9: {  	[smem:$0x3FA4] =	sst s1  }
0xa: {  	[smem:$0x3FA5] =	sst s2  }
0xb: {  	[smem:$0x3FA6] =	sst s3  }
0xc: {  	[smem:$0x3FA7] =	sst s4  }
0xd: {  	[smem:$0x3FA8] =	sst s5  }
0xe: {  	[smem:$0x3FA9] =	sst s6  }
0xf: {  	[smem:$0x3FAA] =	sst s7  }
0x10: {  	[smem:$0x3FAB] =	sst s8  }
0x11: {  	[smem:$0x3FAC] =	sst s9;
	s0 =	simm.s32 @!p0 $0x0  }
0x12: {  	s1 =	sld [smem:$0x3F92];
	s0 =	simm.s32 @p0 $0x1  }
0x13: {  	[smem:$0x3FAD] =	sst s0;
	s0 =	simm.s32 @!p1 $0x0  }
0x14: {  	s2 =	sld [smem:$0x3F91];
	s0 =	simm.s32 @p1 $0x1  }
0x15: {  	[smem:$0x3FAE] =	sst s0;
	s0 =	simm.s32 @!p2 $0x0  }
0x16: {  	s3 =	sld [smem:$0x3FDB];
	s0 =	simm.s32 @p2 $0x1  }
0x17: {  	s4 =	simm.s32 $0x1BF5;
	[smem:$0x3FB0] =	sst s0  }
0x18: {  	s0 =	sld [smem:$0x3F93];
	_ =	swait.ge [sflag:s4], $0x0  }
0x19: {  	s7 =	sld [smem:$0x3F94]  }
0x1a: {  	s8 =	sadd.s32 $0xFFFFE003, lr  }
0x1b: {  	s9 =	sadd.s32 $0xFFFFFEF7, lr;
	s5 =	simm.s32 $0xFFFFFFFF;
	p2 =	slt.u32 s8, $0xFFFFF086  }
0x1c: {  	p1 =	slt.u32 s9, $0xF7A;
	s5 =	simm.s32 @!p2 $0x0  }
0x1d: {  	s5 =	simm.s32 @p1 $0x1;
	p0 =	seq.s32 s7, s2  }
0x1e: {  	s7 =	smul.u32 @!p0 $0xF7A, s2;
	p2 =	seq.s32 @!p0 s5, $0x0  }
0x1f: {  	s9 =	smul.u32 $0xF7A, s1;
	s8 =	simm.s32 @!p0 $0x1BF5;
	p2 =	por !p2, p0  }
0x20: {  	[sflag:s8] =	ssyncset.s32 @!p0 $0xFFFFF086;
	s6 =	sadd.s32 @!p0 s3, s7;
	s7 =	simm.s32 @!p0 $0x108  }
0x21: {  	s3 =	sadd.s32 s3, s9;
	s6 =	sadd.s32 @!p0 $0x88, s6;
	s7 =	simm.s32 @p2 $0x1082  }
0x22: {  	[simem:s7], [sflag:s8] =	dma.local @!p0 [hbm:s6], $0xF7A  }
0x23: {  	s9 =	sor.u32 $0xD0000000, s2;
	s6 =	simm.s32 $0x108;
	_ =	swait.ge @!p0 [sflag:s8], $0x0  }
0x24: {  	s3 =	sadd.s32 $0x88, s3;
	s6 =	simm.s32 @!p1 $0x1082;
	[sflag:s4] =	ssyncset.s32 $0xFFFFF086  }
0x25: {  	[simem:s6], [sflag:s4] =	dma.local [hbm:s3], $0xF7A  }
0x26: {  	[smem:$0x3F94] =	sst s1;
	(tag) =	ssettag s2;
	_ =	strace s9  }
0x27: {  	s1 =	sld [smem:$0x3FA4]  }
0x28: {  	s2 =	sld [smem:$0x3FA5]  }
0x29: {  	s4 =	sld [smem:$0x3FA7]  }
0x2a: {  	p0 =	seq.s32 s5, $0x0;
	s5 =	sld [smem:$0x3FA8]  }
0x2b: {  	s6 =	sld [smem:$0x3FA9]  }
0x2c: {  	s7 =	sld [smem:$0x3FAA]  }
0x2d: {  	s3 =	simm.s32 $0x108;
	s8 =	sld [smem:$0x3FAB]  }
0x2e: {  	s3 =	simm.s32 @!p0 $0x1082;
	s9 =	sld [smem:$0x3FAC]  }
0x2f: {  	lr =	sadd.s32 s0, s3;
	s0 =	sld [smem:$0x3FA3]  }
0x30: {  	s3 =	sld [smem:$0x3FA6]  }
0x31: {  	[smem:$0x3FAF] =	sst s10  }
0x32: {  	s10 =	sld [smem:$0x3FAD];
	_ =	sdelay $0x3  }
0x33: {  	p0 =	seq.s32 s10, $0x1;
	s10 =	sld [smem:$0x3FAF];
	_ =	sdelay $0x3  }
0x34: {  	[smem:$0x3FAF] =	sst s10  }
0x35: {  	s10 =	sld [smem:$0x3FAE];
	_ =	sdelay $0x3  }
0x36: {  	p1 =	seq.s32 s10, $0x1;
	s10 =	sld [smem:$0x3FAF];
	_ =	sdelay $0x3  }
0x37: {  	[smem:$0x3FAF] =	sst s10  }
0x38: {  	s10 =	sld [smem:$0x3FB0]  }
0x39: {  	_ = 	snop;
	(pc) =	sbr.ind lr, $3  }
0x3a: {  	_ = 	snop  }
0x3b: {  	_ = 	snop  }
0x3c: {  	p2 =	seq.s32 s10, $0x1;
	s10 =	sld [smem:$0x3FAF]  }
0x3d: {  	_ =	shalt  }
0x3e: {  	_ =	shalt  }
0x3f: {  	_ =	shalt  }
0x40: {  	_ =	shalt  }
0x41: {  	_ =	shalt  }
0x42: {  	_ =	shalt  }
0x43: {  	_ =	shalt  }
0x44: {  	_ =	shalt  }
0x45: {  	_ =	shalt  }
0x46: {  	_ =	shalt  }
0x47: {  	_ =	shalt  }
0x48: {  	_ =	shalt  }
0x49: {  	_ =	shalt  }
0x4a: {  	_ =	shalt  }
0x4b: {  	_ =	shalt  }
0x4c: {  	_ =	shalt  }
0x4d: {  	_ =	shalt  }
0x4e: {  	_ =	shalt  }
0x4f: {  	_ =	shalt  }
0x50: {  	_ =	shalt  }
0x51: {  	_ =	shalt  }
0x52: {  	_ =	shalt  }
0x53: {  	_ =	shalt  }
0x54: {  	_ =	shalt  }
0x55: {  	_ =	shalt  }
0x56: {  	_ =	shalt  }
0x57: {  	_ =	shalt  }
0x58: {  	_ =	shalt  }
0x59: {  	_ =	shalt  }
0x5a: {  	_ =	shalt  }
0x5b: {  	_ =	shalt  }
0x5c: {  	_ =	shalt  }
0x5d: {  	_ =	shalt  }
0x5e: {  	_ =	shalt  }
0x5f: {  	_ =	shalt  }
0x60: {  	_ =	shalt  }
0x61: {  	_ =	shalt  }
0x62: {  	_ =	shalt  }
0x63: {  	_ =	shalt  }
0x64: {  	_ =	shalt  }
0x65: {  	_ =	shalt  }
0x66: {  	_ =	shalt  }
0x67: {  	_ =	shalt  }
0x68: {  	_ =	shalt  }
0x69: {  	_ =	shalt  }
0x6a: {  	_ =	shalt  }
0x6b: {  	_ =	shalt  }
0x6c: {  	_ =	shalt  }
0x6d: {  	_ =	shalt  }
0x6e: {  	_ =	shalt  }
0x6f: {  	_ =	shalt  }
0x70: {  	_ =	shalt  }
0x71: {  	_ =	shalt  }
0x72: {  	_ =	shalt  }
0x73: {  	_ =	shalt  }
0x74: {  	_ =	shalt  }
0x75: {  	_ =	shalt  }
0x76: {  	_ =	shalt  }
0x77: {  	_ =	shalt  }
0x78: {  	_ =	shalt  }
0x79: {  	_ =	shalt  }
0x7a: {  	_ =	shalt  }
0x7b: {  	_ =	shalt  }
0x7c: {  	_ =	shalt  }
0x7d: {  	_ =	shalt  }
0x7e: {  	_ =	shalt  }
0x7f: {  	_ =	shalt  }
0x80: {  	_ =	shalt  }
0x81: {  	_ =	shalt  }
0x82: {  	_ =	shalt  }
0x83: {  	_ =	shalt  }
0x84: {  	_ =	shalt  }
0x85: {  	_ =	shalt  }
0x86: {  	_ =	shalt  }
0x87: {  	_ =	shalt  }
.Lfunc_end0:
.L_simem_size_0:
called_computation.1_lowered:
.L_overlay_start_0:
0x88: {  	s2 =	sld [smem:$0x3FD9]  }
0x89: {  	s3 =	sld [smem:$0x3FFE];
	_ =	sdelay $0x1  }
0x8a: {  	s1 =	srdreg.scid  }
0x8b: {  	s0 =	sand.u32 $0x1, s1  }
0x8c: {  	s16 =	sshll.u32 s0, $0xA;
	s2 =	sadd.s32 s3, s2  }
0x8d: {  	s2 =	sadd.s32 s2, s16  }
0x8e: {  	[smem:$0x3FBB] =	sst s2  }
0x8f: {  	_ = 	snop  }
0x90: {  	(tm) =	ssettm $0x1  }
0x91: {  	s17 =	sld [smem:$0x3FFB];
	_ =	sdelay $0x3  }
0x92: {  	_ =	strace s17  }
0x93: {  	s2 =	sld [smem:$0x3FFC];
	_ =	sdelay $0x3  }
0x94: {  	_ =	strace s2  }
0x95: {  	s2 =	sld [smem:$0x3FFD];
	_ =	sdelay $0x3  }
0x96: {  	_ =	strace s2  }
0x97: {  	_ =	strace $0x8FFFFFFF  }
0x98: {  	s18 =	sld [smem:$0x3FDB];
	_ =	sdelay $0x1  }
0x99: {  	s19 =	simm.s32 $_scs_section_size  }
0x9a: {  	s4 =	simm.s32 $_size__tile_overlayer_lowered;
	s5 =	simm.s32 $_tile_overlayer_lowered  }
0x9b: {  	s22 =	simm.s32 $0x1BFF;
	s21 =	sshll.u32 s5, $0x1;
	s2 =	sadd.s32 s19, s18  }
0x9c: {  	s6 =	simm.s32 $0x0;
	s20 =	sshll.u32 s4, $0x1;
	s4 =	sadd.s32 s21, s2  }
0x9d: {  	[timem:s6], [sflag:s22] =	dma.local [hbm:s4], s20  }
0x9e: {  	_ =	swait.ge [sflag:s22], s20  }
0x9f: {  	s3 =	ssub.s32 $0x0, s20;
	[sflag:s22] =	ssyncset.done $0x0  }
0xa0: {  	[sflag:s22] =	ssyncadd.s32 s3;
	_ =	sdelay $0x1  }
0xa1: {  	s23 =	simm.s32 $0x1B8B  }
0xa2: {  	_ =	swait.ge [sflag:s23], $0x1  }
0xa3: {  	[sflag:s23] =	ssyncset.done $0x0  }
0xa4: {  	s25 =	simm.s32 $0x1B8E;
	s24 =	sld [smem:$0x3FFE];
	[sflag:s23] =	ssyncadd.s32 $0xFFFFFFFF  }
0xa5: {  	s26 =	simm.s32 $execute0_lowered;
	[smem:$0x3FD2] =	sst s25  }
0xa6: {  	s4 =	sshll.u32 s26, $0x1;
	_ =	strace $0x80000049;
	[dreg:$0x1] =	wrdreg $0xFFFFFFFF  }
0xa7: {  	s28 =	simm.s32 $_size_execute0_lowered;
	s2 =	sadd.s32 s2, s4;
	[dreg:$0x0] =	wrdreg $0x0  }
0xa8: {  	s4 =	sshll.u32 s28, $0x1;
	[dreg:$0x2] =	wrdreg s2  }
0xa9: {  	[dreg:$0x3] =	wrdreg s4  }
0xaa: {  	[dreg:$0x4] =	wrdreg $0xC0  }
0xab: {  	_ =	task [dreg:s6], $0x5FFFF  }
0xac: {  	[dreg:$0x1] =	wrdreg $0xFFFFFFFF  }
0xad: {  	[dreg:$0x0] =	wrdreg $0x60  }
0xae: {  	[dreg:$0x2] =	wrdreg s24  }
0xaf: {  	[dreg:$0x3] =	wrdreg $0x83000  }
0xb0: {  	[dreg:$0x4] =	wrdreg $0x9  }
0xb1: {  	_ =	task.clear_ibuf [dreg:s6], $0x5FFFF;
	_ =	strace $0x90000049  }
0xb2: {  	s29 =	simm.s32 $0x9;
	_ =	strace $0x8000004B  }
0xb3: {  	_ =	swait.ge [sflag:s29], $0x1  }
0xb4: {  	[sflag:s29] =	ssyncadd.s32 $0xFFFFFFFF  }
0xb5: {  	_ =	strace $0x9000004B  }
0xb6: {  	_ =	sfence  }
0xb7: {  	s30 =	sld [smem:$0x0];
	_ =	sdelay $0x2  }
0xb8: {  	s31 =	sshll.u32 s1, $0xD;
	s1 =	sshrl.u32 s1, $0x2  }
0xb9: {  	s3 =	sand.u32 $0x4000, s31;
	s1 =	sadd.s32 s1, s30  }
0xba: {  	s0 =	sor.u32 s3, s0;
	s1 =	sshll.u32 s1, $0x11  }
0xbb: {  	s0 =	sor.u32 s1, s0  }
0xbc: {  	s0 =	sadd.s32 $0x8F2B, s0  }
0xbd: {  	[sflag:s0] =	ssyncadd.remote.s32 $0x1  }
0xbe: {  	_ =	sfence.sel $0xFFFF  }
0xbf: {  	[dreg:$0x0] =	wrdreg $0xFFFFFFFF;
	(pc) =	sbr.abs _section_cstart, $3  }
0xc0: {  	[dreg:$0x1] =	wrdreg $0xFFFFFFFF  }
0xc1: {  	_ =	task.clear_ibuf [dreg:s6], $0x2FFFF;
	_ =	strace $0x9FFFFFFF  }
0xc2: {  	(tm) =	ssettm $0x7FFFFFFF  }
0xc3: {  	_ =	shalt  }
tec
execute0_lowered:
.L_overlay_start_1:
0x0: {  	(tag) =	ssettag $0x1  }
0x1: {  	s0 =	rddreg [dreg:$0x0];
	s1 =	srdreg.scid  }
0x2: {  	s2 =	rddreg [dreg:$0x1];
	s14 =	stileid.u32;
	s3 =	simm.s32 $0x0  }
0x3: {  	s18 =	simm.s32 $0x3;
	s19 =	simm.s32 $0x8000;
	s20 =	simm.s32 $0x8100  }
0x4: {  	s21 =	simm.s32 $0x80;
	s22 =	simm.s32 $0x8080;
	s23 =	simm.s32 $0x8200  }
0x5: {  	s24 =	simm.s32 $0x4000;
	s28 =	simm.s32 $0x2;
	s6 =	smul.u32 $0x14000, s14  }
0x6: {  	s29 =	simm.s32 $0x8280;
	s30 =	simm.s32 $0x0;
	s7 =	smul.u32 $0x50000, s14  }
0x7: {  	s1 =	sand.u32 $0x1, s1;
	[smem:$0x7FF] =	sst s3;
	s9 =	smul.u32 $0x4F00, s14  }
0x8: {  	s4 =	sadd.s32 $0x17800, s0;
	s25 =	sadd.s32 $0xDA00, s0;
	s17 =	smul.u32 $0x9E0, s14  }
0x9: {  	s16 =	sadd.s32 $0x3200, s0;
	s5 =	smul.u32 $0x140000, s1;
	s26 =	ssub.s32 $0x2, s1  }
0xa: {  	_ =	strace $0x8000004A;
	s1 =	smul.u32 $0x2800, s1;
	s8 =	sshrl.u32 s26, $0x1  }
0xb: {  	s7 =	sshrl.u32 s7, $0x2;
	s12 =	sshrl.u32 s9, $0x3;
	s5 =	sadd.s32 s6, s5  }
0xc: {  	s15 =	ssub.s32 s26, s8;
	s10 =	sadd.s32 s25, s12;
	s11 =	sadd.s32 s16, s12  }
0xd: {  	s13 =	sor.u32 $0x10, s12;
	s26 =	simm.s32 $0x8180;
	s5 =	sshrl.u32 s5, $0x3  }
0xe: {  	s12 =	sadd.s32 s25, s13;
	s13 =	sadd.s32 s16, s13;
	s15 =	smax.u32 s15, $0x1  }
0xf: {  	s16 =	sadd.s32 s17, s16;
	s0 =	sadd.s32 s5, s0;
	s5 =	sadd.s32 s7, s2  }
0x10: {  	s17 =	sadd.s32 s17, s25;
	s25 =	simm.s32 $0x1;
	s7 =	sadd.s32 $0x4000, s5  }
0x11: {  	s31 =	sadd.s32 $0x8000, s5;
	s8 =	sadd.s32 $0xC000, s5;
	[dreg:$0x3] =	wrdreg s7  }
0x12: {  	v1 =	vimm.f32 $0.0e+00;
	v0 =	vmov s1;
	s9 =	sadd.s32 $0x10000, s5;
	s14 =	sadd.s32 $0x67800, s0;
	[dreg:$0x4] =	wrdreg s31  }
.LBB2_1:
0x13: {  	s0 =	simm.s32 $0x0;
	s1 =	simm.s32 $0x200  }
.LBB2_2:
0x14: {  	p0 =	sne.s32 s1, $0xFE00;
	[tilespmem:s0+$0x70] =	vst v1  }
0x15: {  	[tilespmem:s0+$0x0] =	vst v1  }
0x16: {  	[tilespmem:s0+$0x10] =	vst v1  }
.Ltmp0:
0x17: {  	[tilespmem:s0+$0x20] =	vst v1;
	(pc) =	sbr.rel @p0 .LBB2_2-.Ltmp0, $4  }
0x18: {  	[tilespmem:s0+$0x30] =	vst v1  }
0x19: {  	[tilespmem:s0+$0x40] =	vst v1  }
0x1a: {  	[tilespmem:s0+$0x50] =	vst v1  }
0x1b: {  	[tilespmem:s0+$0x60] =	vst v1;
	s0 =	sshra.s32 s1, $0x2;
	s1 =	sadd.s32 $0x200, s1  }
0x1c: {  	[tilespmem:s0+$0x70] =	vst v1  }
0x1d: {  	[tilespmem:s0+$0x0] =	vst v1  }
0x1e: {  	[tilespmem:s0+$0x10] =	vst v1  }
0x1f: {  	[tilespmem:s0+$0x20] =	vst v1  }
0x20: {  	[tilespmem:s0+$0x30] =	vst v1  }
0x21: {  	[tilespmem:s0+$0x40] =	vst v1  }
0x22: {  	[tilespmem:s0+$0x50] =	vst v1  }
0x23: {  	[tilespmem:s0+$0x60] =	vst v1;
	s6 =	simm.s32 $0x0  }
0x24: {  	[spmem:s5] =	stream.linear.scatter [tilespmem:s6], [sflag:$0x3], $0x4000, $0x38;
	[tilespmem:$0x1C300] =	vst v63  }
0x25: {  	_ =	swait.ge [sflag:s18], $0x4000  }
0x26: {  	[sflag:s18] =	ssyncset.done $0x0  }
0x27: {  	s1 =	rddreg [dreg:$0x3];
	[sflag:s18] =	ssyncadd.s32 $0xFFFFC000  }
0x28: {  	[spmem:s1] =	stream.linear.scatter [tilespmem:s6], [sflag:$0x3], $0x4000, $0x38;
	[tilespmem:$0x1C300] =	vst v63  }
0x29: {  	_ =	swait.ge [sflag:s18], $0x4000  }
0x2a: {  	[sflag:s18] =	ssyncset.done $0x0  }
0x2b: {  	s7 =	rddreg [dreg:$0x4];
	[sflag:s18] =	ssyncadd.s32 $0xFFFFC000  }
0x2c: {  	[spmem:s7] =	stream.linear.scatter [tilespmem:s6], [sflag:$0x3], $0x4000, $0x38;
	[tilespmem:$0x1C300] =	vst v63  }
0x2d: {  	_ =	swait.ge [sflag:s18], $0x4000  }
0x2e: {  	[sflag:s18] =	ssyncset.done $0x0  }
0x2f: {  	[sflag:s18] =	ssyncadd.s32 $0xFFFFC000  }
0x30: {  	[spmem:s8] =	stream.linear.scatter [tilespmem:s6], [sflag:$0x3], $0x4000, $0x38;
	[tilespmem:$0x1C300] =	vst v63  }
0x31: {  	_ =	swait.ge [sflag:s18], $0x4000  }
0x32: {  	[sflag:s18] =	ssyncset.done $0x0  }
0x33: {  	[sflag:s18] =	ssyncadd.s32 $0xFFFFC000  }
0x34: {  	[spmem:s9] =	stream.linear.scatter [tilespmem:s6], [sflag:$0x3], $0x4000, $0x38;
	[tilespmem:$0x1C300] =	vst v63  }
0x35: {  	_ =	swait.ge [sflag:s18], $0x4000  }
0x36: {  	[sflag:s18] =	ssyncset.done $0x0  }
0x37: {  	[sflag:s18] =	ssyncadd.s32 $0xFFFFC000  }
0x38: {  	[bflag:$0x0] =	sbarrier.arrive $0xFFFF  }
0x39: {  	[tilespmem:s19], [sflag:$0x3] =	stream.linear.gather [hbm4b:s10+s6], $0x80, $0x38;
	[tilespmem:$0x1C300] =	vst v63  }
0x3a: {  	_ =	swait.ge [sflag:s18], $0x80  }
0x3b: {  	[sflag:s18] =	ssyncset.done $0x0  }
0x3c: {  	[sflag:s18] =	ssyncadd.s32 $0xFFFFFF80  }
0x3d: {  	[tilespmem:s20], [sflag:$0x3] =	stream.linear.gather [hbm4b:s11+s6], $0x80, $0x38;
	[tilespmem:$0x1C300] =	vst v63  }
0x3e: {  	_ =	swait.ge [sflag:s18], $0x80  }
0x3f: {  	[sflag:s18] =	ssyncset.done $0x0  }
0x40: {  	[sflag:s18] =	ssyncadd.s32 $0xFFFFFF80  }
0x41: {  	v2 =	vld [tilespmem:$0x8000]  }
0x42: {  	v3 =	vld [tilespmem:$0x8010]  }
0x43: {  	v4 =	vld [tilespmem:$0x8020]  }
0x44: {  	v5 =	vld [tilespmem:$0x8030]  }
0x45: {  	v6 =	vld [tilespmem:$0x8040]  }
0x46: {  	v7 =	vld [tilespmem:$0x8050];
	v2 =	vadd.s32 v0, v2  }
0x47: {  	[tilespmem:$0x8000] =	vst v2;
	v2 =	vadd.s32 v0, v3;
	v3 =	vld [tilespmem:$0x8060]  }
0x48: {  	[tilespmem:$0x8010] =	vst v2;
	v2 =	vadd.s32 v0, v4;
	v4 =	vld [tilespmem:$0x8070]  }
0x49: {  	[tilespmem:$0x8020] =	vst v2;
	v2 =	vadd.s32 v0, v5  }
0x4a: {  	[tilespmem:$0x8030] =	vst v2;
	v2 =	vadd.s32 v0, v6  }
0x4b: {  	[tilespmem:$0x8040] =	vst v2;
	v2 =	vadd.s32 v0, v7  }
0x4c: {  	[tilespmem:$0x8050] =	vst v2;
	v2 =	vadd.s32 v0, v3  }
0x4d: {  	[tilespmem:$0x8060] =	vst v2;
	v2 =	vadd.s32 v0, v4  }
0x4e: {  	[tilespmem:$0x8070] =	vst v2  }
0x4f: {  	[tilespmem:s6], [sflag:$0x1] =	stream.indirect.gather [hbm4b:s4+s21], $0x80, s19, s21, $0xb8;
	[tilespmem:$0x1C300] =	vst v63  }
0x50: {  	_ = 	snop  }
0x51: {  	[tilespmem:s22], [sflag:$0x3] =	stream.linear.gather [hbm4b:s12+s6], $0x80, $0x38;
	[tilespmem:$0x1C300] =	vst v63  }
0x52: {  	_ =	swait.ge [sflag:s18], $0x80  }
0x53: {  	[sflag:s18] =	ssyncset.done $0x0  }
0x54: {  	[sflag:s18] =	ssyncadd.s32 $0xFFFFFF80  }
0x55: {  	[tilespmem:s23], [sflag:$0x3] =	stream.linear.gather [hbm4b:s13+s6], $0x80, $0x38;
	[tilespmem:$0x1C300] =	vst v63  }
0x56: {  	_ =	swait.ge [sflag:s18], $0x80  }
0x57: {  	[sflag:s18] =	ssyncset.done $0x0  }
0x58: {  	[sflag:s18] =	ssyncadd.s32 $0xFFFFFF80  }
0x59: {  	v2 =	vld [tilespmem:$0x8080]  }
0x5a: {  	v3 =	vld [tilespmem:$0x8090]  }
0x5b: {  	v4 =	vld [tilespmem:$0x80A0]  }
0x5c: {  	v5 =	vld [tilespmem:$0x80B0]  }
0x5d: {  	v6 =	vld [tilespmem:$0x80C0]  }
0x5e: {  	v7 =	vld [tilespmem:$0x80D0];
	v2 =	vadd.s32 v0, v2  }
0x5f: {  	[tilespmem:$0x8080] =	vst v2;
	v2 =	vadd.s32 v0, v3;
	v3 =	vld [tilespmem:$0x80E0]  }
0x60: {  	[tilespmem:$0x8090] =	vst v2;
	v2 =	vadd.s32 v0, v4;
	v4 =	vld [tilespmem:$0x80F0]  }
0x61: {  	[tilespmem:$0x80A0] =	vst v2;
	v2 =	vadd.s32 v0, v5  }
0x62: {  	[tilespmem:$0x80B0] =	vst v2;
	v2 =	vadd.s32 v0, v6  }
0x63: {  	[tilespmem:$0x80C0] =	vst v2;
	v2 =	vadd.s32 v0, v7  }
0x64: {  	[tilespmem:$0x80D0] =	vst v2;
	v2 =	vadd.s32 v0, v3  }
0x65: {  	[tilespmem:$0x80E0] =	vst v2;
	v2 =	vadd.s32 v0, v4  }
0x66: {  	[tilespmem:$0x80F0] =	vst v2  }
0x67: {  	[tilespmem:s24], [sflag:$0x2] =	stream.indirect.gather [hbm4b:s4+s21], $0x80, s22, s21, $0xb8;
	[tilespmem:$0x1C300] =	vst v63  }
0x68: {  	_ =	swait.ge [sflag:s25], $0x4000  }
0x69: {  	[sflag:s25] =	ssyncset.done $0x0  }
0x6a: {  	s31 =	sadd.s32 $0x0, s17;
	[sflag:s25] =	ssyncadd.s32 $0xFFFFC000  }
0x6b: {  	[spmem:s2] =	stream.indirect.scatter.add.f32 [tilespmem:s3], [sflag:$0x1], $0x80, s20, s21, $0xb8;
	[tilespmem:$0x1C300] =	vst v63  }
0x6c: {  	s1 =	sadd.s32 $0x20, s31  }
0x6d: {  	[tilespmem:s19], [sflag:$0x3] =	stream.linear.gather [hbm4b:s1+s3], $0x80, $0x38;
	[tilespmem:$0x1C300] =	vst v63  }
0x6e: {  	_ =	swait.ge [sflag:s18], $0x80  }
0x6f: {  	[sflag:s18] =	ssyncset.done $0x0  }
0x70: {  	[sflag:s18] =	ssyncadd.s32 $0xFFFFFF80  }
0x71: {  	v2 =	vld [tilespmem:$0x8000]  }
0x72: {  	v3 =	vld [tilespmem:$0x8070]  }
0x73: {  	v4 =	vld [tilespmem:$0x8030]  }
0x74: {  	v5 =	vld [tilespmem:$0x8060]  }
0x75: {  	v6 =	vld [tilespmem:$0x8040]  }
0x76: {  	v7 =	vld [tilespmem:$0x8020];
	v2 =	vadd.s32 v0, v2  }
0x77: {  	v8 =	vld [tilespmem:$0x8010];
	v3 =	vadd.s32 v0, v3;
	[tilespmem:$0x8000] =	vst v2  }
0x78: {  	v4 =	vadd.s32 v0, v4;
	v2 =	vld [tilespmem:$0x8050];
	[tilespmem:$0x8070] =	vst v3  }
0x79: {  	[tilespmem:$0x8030] =	vst v4;
	v3 =	vadd.s32 v0, v5  }
0x7a: {  	v4 =	vadd.s32 v0, v6;
	[tilespmem:$0x8060] =	vst v3  }
0x7b: {  	v3 =	vadd.s32 v0, v7;
	[tilespmem:$0x8040] =	vst v4  }
0x7c: {  	[tilespmem:$0x8020] =	vst v3;
	v3 =	vadd.s32 v0, v8  }
0x7d: {  	s0 =	sadd.s32 $0x0, s16;
	[tilespmem:$0x8010] =	vst v3;
	v2 =	vadd.s32 v0, v2  }
0x7e: {  	s6 =	sadd.s32 $0x20, s0;
	[tilespmem:$0x8050] =	vst v2  }
0x7f: {  	[tilespmem:s26], [sflag:$0x3] =	stream.linear.gather [hbm4b:s6+s3], $0x80, $0x38;
	[tilespmem:$0x1C300] =	vst v63  }
0x80: {  	_ =	swait.ge [sflag:s18], $0x80  }
0x81: {  	[sflag:s18] =	ssyncset.done $0x0  }
0x82: {  	[sflag:s18] =	ssyncadd.s32 $0xFFFFFF80  }
0x83: {  	_ =	swait.ge [sflag:s25], $0x4000  }
0x84: {  	[sflag:s25] =	ssyncset.done $0x0  }
0x85: {  	[sflag:s25] =	ssyncadd.s32 $0xFFFFC000  }
0x86: {  	[tilespmem:s3], [sflag:$0x1] =	stream.indirect.gather [hbm4b:s4+s21], $0x80, s19, s21, $0xb8;
	[tilespmem:$0x1C300] =	vst v63  }
0x87: {  	_ =	swait.ge [sflag:s28], $0x4000  }
0x88: {  	[sflag:s28] =	ssyncset.done $0x0  }
0x89: {  	[sflag:s28] =	ssyncadd.s32 $0xFFFFC000  }
0x8a: {  	[spmem:s2] =	stream.indirect.scatter.add.f32 [tilespmem:s24], [sflag:$0x2], $0x80, s23, s21, $0xb8;
	[tilespmem:$0x1C300] =	vst v63  }
0x8b: {  	s7 =	sadd.s32 $0x30, s31  }
0x8c: {  	[tilespmem:s22], [sflag:$0x3] =	stream.linear.gather [hbm4b:s7+s3], $0x80, $0x38;
	[tilespmem:$0x1C300] =	vst v63  }
0x8d: {  	_ =	swait.ge [sflag:s18], $0x80  }
0x8e: {  	[sflag:s18] =	ssyncset.done $0x0  }
0x8f: {  	[sflag:s18] =	ssyncadd.s32 $0xFFFFFF80  }
0x90: {  	v2 =	vld [tilespmem:$0x80A0]  }
0x91: {  	v3 =	vld [tilespmem:$0x80B0]  }
0x92: {  	v4 =	vld [tilespmem:$0x80C0]  }
0x93: {  	v6 =	vld [tilespmem:$0x8080]  }
0x94: {  	v5 =	vld [tilespmem:$0x80D0]  }
0x95: {  	v8 =	vld [tilespmem:$0x8090];
	v2 =	vadd.s32 v0, v2  }
0x96: {  	v7 =	vld [tilespmem:$0x80E0];
	[tilespmem:$0x80A0] =	vst v2;
	v2 =	vadd.s32 v0, v3  }
0x97: {  	v3 =	vld [tilespmem:$0x80F0];
	[tilespmem:$0x80B0] =	vst v2;
	v2 =	vadd.s32 v0, v4  }
0x98: {  	v4 =	vadd.s32 v0, v6;
	[tilespmem:$0x80C0] =	vst v2  }
0x99: {  	v2 =	vadd.s32 v0, v5;
	[tilespmem:$0x8080] =	vst v4  }
0x9a: {  	v4 =	vadd.s32 v0, v8;
	[tilespmem:$0x80D0] =	vst v2  }
0x9b: {  	v2 =	vadd.s32 v0, v7;
	[tilespmem:$0x8090] =	vst v4  }
0x9c: {  	[tilespmem:$0x80E0] =	vst v2;
	v2 =	vadd.s32 v0, v3  }
0x9d: {  	s6 =	sadd.s32 $0x30, s0;
	[tilespmem:$0x80F0] =	vst v2  }
0x9e: {  	[tilespmem:s29], [sflag:$0x3] =	stream.linear.gather [hbm4b:s6+s3], $0x80, $0x38;
	[tilespmem:$0x1C300] =	vst v63  }
0x9f: {  	_ =	swait.ge [sflag:s18], $0x80  }
0xa0: {  	[sflag:s18] =	ssyncset.done $0x0  }
0xa1: {  	[sflag:s18] =	ssyncadd.s32 $0xFFFFFF80  }
0xa2: {  	_ =	swait.ge [sflag:s28], $0x4000  }
0xa3: {  	[sflag:s28] =	ssyncset.done $0x0  }
0xa4: {  	[sflag:s28] =	ssyncadd.s32 $0xFFFFC000  }
0xa5: {  	[tilespmem:s24], [sflag:$0x2] =	stream.indirect.gather [hbm4b:s4+s21], $0x80, s22, s21, $0xb8;
	[tilespmem:$0x1C300] =	vst v63  }
0xa6: {  	_ =	swait.ge [sflag:s25], $0x4000  }
0xa7: {  	[sflag:s25] =	ssyncset.done $0x0  }
0xa8: {  	[sflag:s25] =	ssyncadd.s32 $0xFFFFC000  }
0xa9: {  	[spmem:s2] =	stream.indirect.scatter.add.f32 [tilespmem:s3], [sflag:$0x1], $0x80, s26, s21, $0xb8;
	[tilespmem:$0x1C300] =	vst v63  }
0xaa: {  	s7 =	sadd.s32 $0x40, s31  }
0xab: {  	[tilespmem:s19], [sflag:$0x3] =	stream.linear.gather [hbm4b:s7+s3], $0x80, $0x38;
	[tilespmem:$0x1C300] =	vst v63  }
0xac: {  	_ =	swait.ge [sflag:s18], $0x80  }
0xad: {  	[sflag:s18] =	ssyncset.done $0x0  }
0xae: {  	[sflag:s18] =	ssyncadd.s32 $0xFFFFFF80  }
0xaf: {  	v3 =	vld [tilespmem:$0x8020]  }
0xb0: {  	v7 =	vld [tilespmem:$0x8040]  }
0xb1: {  	v2 =	vld [tilespmem:$0x8060]  }
0xb2: {  	v5 =	vld [tilespmem:$0x8070]  }
0xb3: {  	v6 =	vld [tilespmem:$0x8050]  }
0xb4: {  	v4 =	vld [tilespmem:$0x8000];
	v8 =	vadd.s32 v0, v3  }
0xb5: {  	s1 =	simm.s32 $0x40;
	v3 =	vld [tilespmem:$0x8010];
	v7 =	vadd.s32 v0, v7;
	[tilespmem:$0x8020] =	vst v8  }
.LBB2_4:
0xb6: {  	p0 =	sne.s32 s1, $0x980;
	v8 =	vld [tilespmem:$0x8030];
	s6 =	smov.u32 s1;
	s1 =	sadd.s32 $0x40, s1  }
0xb7: {  	[tilespmem:$0x8040] =	vst v7;
	v5 =	vadd.s32 v0, v5  }
0xb8: {  	v6 =	vadd.s32 v0, v6;
	[tilespmem:$0x8070] =	vst v5  }
0xb9: {  	v4 =	vadd.s32 v0, v4;
	[tilespmem:$0x8050] =	vst v6  }
0xba: {  	v2 =	vadd.s32 v0, v2;
	[tilespmem:$0x8000] =	vst v4;
	v3 =	vadd.s32 v0, v3  }
0xbb: {  	[tilespmem:$0x8010] =	vst v3;
	v3 =	vadd.s32 v0, v8  }
0xbc: {  	[tilespmem:$0x8060] =	vst v2  }
0xbd: {  	s7 =	sadd.s32 $0x40, s0;
	[tilespmem:$0x8030] =	vst v3  }
0xbe: {  	[tilespmem:s20], [sflag:$0x3] =	stream.linear.gather [hbm4b:s7+s3], $0x80, $0x38;
	[tilespmem:$0x1C300] =	vst v63  }
0xbf: {  	_ =	swait.ge [sflag:s18], $0x80  }
0xc0: {  	[sflag:s18] =	ssyncset.done $0x0  }
0xc1: {  	[sflag:s18] =	ssyncadd.s32 $0xFFFFFF80  }
0xc2: {  	_ =	swait.ge [sflag:s25], $0x4000  }
0xc3: {  	[sflag:s25] =	ssyncset.done $0x0  }
0xc4: {  	[sflag:s25] =	ssyncadd.s32 $0xFFFFC000  }
0xc5: {  	[tilespmem:s3], [sflag:$0x1] =	stream.indirect.gather [hbm4b:s4+s21], $0x80, s19, s21, $0xb8;
	[tilespmem:$0x1C300] =	vst v63  }
0xc6: {  	_ =	swait.ge [sflag:s28], $0x4000  }
0xc7: {  	[sflag:s28] =	ssyncset.done $0x0  }
0xc8: {  	[sflag:s28] =	ssyncadd.s32 $0xFFFFC000  }
0xc9: {  	[spmem:s2] =	stream.indirect.scatter.add.f32 [tilespmem:s24], [sflag:$0x2], $0x80, s29, s21, $0xb8;
	[tilespmem:$0x1C300] =	vst v63  }
0xca: {  	s7 =	sadd.s32 $0x50, s31  }
0xcb: {  	[tilespmem:s22], [sflag:$0x3] =	stream.linear.gather [hbm4b:s7+s3], $0x80, $0x38;
	[tilespmem:$0x1C300] =	vst v63  }
0xcc: {  	_ =	swait.ge [sflag:s18], $0x80  }
0xcd: {  	[sflag:s18] =	ssyncset.done $0x0  }
0xce: {  	[sflag:s18] =	ssyncadd.s32 $0xFFFFFF80  }
0xcf: {  	v2 =	vld [tilespmem:$0x8080]  }
0xd0: {  	v3 =	vld [tilespmem:$0x8090]  }
0xd1: {  	v4 =	vld [tilespmem:$0x80A0]  }
0xd2: {  	v5 =	vld [tilespmem:$0x80B0]  }
0xd3: {  	v6 =	vld [tilespmem:$0x80C0]  }
0xd4: {  	v2 =	vadd.s32 v0, v2;
	v7 =	vld [tilespmem:$0x80D0]  }
0xd5: {  	[tilespmem:$0x8080] =	vst v2;
	v2 =	vadd.s32 v0, v3;
	v3 =	vld [tilespmem:$0x80F0]  }
0xd6: {  	[tilespmem:$0x8090] =	vst v2;
	v2 =	vadd.s32 v0, v4;
	v4 =	vld [tilespmem:$0x80E0]  }
0xd7: {  	[tilespmem:$0x80A0] =	vst v2;
	v2 =	vadd.s32 v0, v5  }
0xd8: {  	[tilespmem:$0x80B0] =	vst v2;
	v2 =	vadd.s32 v0, v6  }
0xd9: {  	[tilespmem:$0x80C0] =	vst v2;
	v2 =	vadd.s32 v0, v7  }
0xda: {  	[tilespmem:$0x80D0] =	vst v2;
	v2 =	vadd.s32 v0, v3  }
0xdb: {  	v3 =	vadd.s32 v0, v4;
	[tilespmem:$0x80F0] =	vst v2  }
0xdc: {  	s0 =	sadd.s32 $0x50, s0;
	[tilespmem:$0x80E0] =	vst v3  }
0xdd: {  	[tilespmem:s23], [sflag:$0x3] =	stream.linear.gather [hbm4b:s0+s3], $0x80, $0x38;
	[tilespmem:$0x1C300] =	vst v63  }
0xde: {  	_ =	swait.ge [sflag:s18], $0x80  }
0xdf: {  	[sflag:s18] =	ssyncset.done $0x0  }
0xe0: {  	[sflag:s18] =	ssyncadd.s32 $0xFFFFFF80  }
0xe1: {  	_ =	swait.ge [sflag:s28], $0x4000  }
0xe2: {  	[sflag:s28] =	ssyncset.done $0x0  }
0xe3: {  	[sflag:s28] =	ssyncadd.s32 $0xFFFFC000  }
0xe4: {  	[tilespmem:s24], [sflag:$0x2] =	stream.indirect.gather [hbm4b:s4+s21], $0x80, s22, s21, $0xb8;
	[tilespmem:$0x1C300] =	vst v63  }
0xe5: {  	_ =	swait.ge [sflag:s25], $0x4000  }
0xe6: {  	[sflag:s25] =	ssyncset.done $0x0  }
0xe7: {  	s31 =	sadd.s32 s6, s17;
	[sflag:s25] =	ssyncadd.s32 $0xFFFFC000  }
0xe8: {  	[spmem:s2] =	stream.indirect.scatter.add.f32 [tilespmem:s3], [sflag:$0x1], $0x80, s20, s21, $0xb8;
	[tilespmem:$0x1C300] =	vst v63  }
0xe9: {  	s0 =	sadd.s32 $0x20, s31  }
0xea: {  	[tilespmem:s19], [sflag:$0x3] =	stream.linear.gather [hbm4b:s0+s3], $0x80, $0x38;
	[tilespmem:$0x1C300] =	vst v63  }
0xeb: {  	_ =	swait.ge [sflag:s18], $0x80  }
0xec: {  	[sflag:s18] =	ssyncset.done $0x0  }
0xed: {  	[sflag:s18] =	ssyncadd.s32 $0xFFFFFF80  }
0xee: {  	v2 =	vld [tilespmem:$0x8070]  }
0xef: {  	v3 =	vld [tilespmem:$0x8000]  }
0xf0: {  	v4 =	vld [tilespmem:$0x8030]  }
0xf1: {  	v5 =	vld [tilespmem:$0x8040]  }
0xf2: {  	v6 =	vld [tilespmem:$0x8060]  }
0xf3: {  	v7 =	vld [tilespmem:$0x8010]  }
0xf4: {  	v2 =	vadd.s32 v0, v2;
	v3 =	vadd.s32 v0, v3;
	v8 =	vld [tilespmem:$0x8020]  }
0xf5: {  	[tilespmem:$0x8000] =	vst v3;
	v3 =	vadd.s32 v0, v4;
	v4 =	vld [tilespmem:$0x8050]  }
0xf6: {  	v5 =	vadd.s32 v0, v5;
	[tilespmem:$0x8070] =	vst v2  }
0xf7: {  	[tilespmem:$0x8030] =	vst v3;
	v2 =	vadd.s32 v0, v6  }
0xf8: {  	v3 =	vadd.s32 v0, v7;
	[tilespmem:$0x8060] =	vst v2  }
0xf9: {  	v2 =	vadd.s32 v0, v8;
	[tilespmem:$0x8040] =	vst v5  }
0xfa: {  	[tilespmem:$0x8020] =	vst v2;
	v2 =	vadd.s32 v0, v4  }
0xfb: {  	s0 =	sadd.s32 s6, s16;
	[tilespmem:$0x8050] =	vst v2  }
0xfc: {  	s6 =	sadd.s32 $0x20, s0;
	[tilespmem:$0x8010] =	vst v3  }
0xfd: {  	[tilespmem:s26], [sflag:$0x3] =	stream.linear.gather [hbm4b:s6+s3], $0x80, $0x38;
	[tilespmem:$0x1C300] =	vst v63  }
0xfe: {  	_ =	swait.ge [sflag:s18], $0x80  }
0xff: {  	[sflag:s18] =	ssyncset.done $0x0  }
0x100: {  	[sflag:s18] =	ssyncadd.s32 $0xFFFFFF80  }
0x101: {  	_ =	swait.ge [sflag:s25], $0x4000  }
0x102: {  	[sflag:s25] =	ssyncset.done $0x0  }
0x103: {  	[sflag:s25] =	ssyncadd.s32 $0xFFFFC000  }
0x104: {  	[tilespmem:s3], [sflag:$0x1] =	stream.indirect.gather [hbm4b:s4+s21], $0x80, s19, s21, $0xb8;
	[tilespmem:$0x1C300] =	vst v63  }
0x105: {  	_ =	swait.ge [sflag:s28], $0x4000  }
0x106: {  	[sflag:s28] =	ssyncset.done $0x0  }
0x107: {  	[sflag:s28] =	ssyncadd.s32 $0xFFFFC000  }
0x108: {  	[spmem:s2] =	stream.indirect.scatter.add.f32 [tilespmem:s24], [sflag:$0x2], $0x80, s23, s21, $0xb8;
	[tilespmem:$0x1C300] =	vst v63  }
0x109: {  	s6 =	sadd.s32 $0x30, s31  }
0x10a: {  	[tilespmem:s22], [sflag:$0x3] =	stream.linear.gather [hbm4b:s6+s3], $0x80, $0x38;
	[tilespmem:$0x1C300] =	vst v63  }
0x10b: {  	_ =	swait.ge [sflag:s18], $0x80  }
0x10c: {  	[sflag:s18] =	ssyncset.done $0x0  }
0x10d: {  	[sflag:s18] =	ssyncadd.s32 $0xFFFFFF80  }
0x10e: {  	v2 =	vld [tilespmem:$0x8090]  }
0x10f: {  	v3 =	vld [tilespmem:$0x80A0]  }
0x110: {  	v4 =	vld [tilespmem:$0x80B0]  }
0x111: {  	v5 =	vld [tilespmem:$0x80C0]  }
0x112: {  	v6 =	vld [tilespmem:$0x80D0]  }
0x113: {  	v7 =	vld [tilespmem:$0x8080];
	v2 =	vadd.s32 v0, v2  }
0x114: {  	v3 =	vadd.s32 v0, v3;
	v8 =	vld [tilespmem:$0x80E0]  }
0x115: {  	[tilespmem:$0x80A0] =	vst v3;
	v3 =	vadd.s32 v0, v4;
	v4 =	vld [tilespmem:$0x80F0]  }
0x116: {  	[tilespmem:$0x80B0] =	vst v3;
	v3 =	vadd.s32 v0, v5  }
0x117: {  	[tilespmem:$0x80C0] =	vst v3;
	v3 =	vadd.s32 v0, v6  }
0x118: {  	v5 =	vadd.s32 v0, v7;
	[tilespmem:$0x80D0] =	vst v3  }
0x119: {  	[tilespmem:$0x8080] =	vst v5;
	v3 =	vadd.s32 v0, v8  }
0x11a: {  	[tilespmem:$0x80E0] =	vst v3;
	v3 =	vadd.s32 v0, v4  }
0x11b: {  	[tilespmem:$0x8090] =	vst v2  }
0x11c: {  	s6 =	sadd.s32 $0x30, s0;
	[tilespmem:$0x80F0] =	vst v3  }
0x11d: {  	[tilespmem:s29], [sflag:$0x3] =	stream.linear.gather [hbm4b:s6+s3], $0x80, $0x38;
	[tilespmem:$0x1C300] =	vst v63  }
0x11e: {  	_ =	swait.ge [sflag:s18], $0x80  }
0x11f: {  	[sflag:s18] =	ssyncset.done $0x0  }
0x120: {  	[sflag:s18] =	ssyncadd.s32 $0xFFFFFF80  }
0x121: {  	_ =	swait.ge [sflag:s28], $0x4000  }
0x122: {  	[sflag:s28] =	ssyncset.done $0x0  }
0x123: {  	[sflag:s28] =	ssyncadd.s32 $0xFFFFC000  }
0x124: {  	[tilespmem:s24], [sflag:$0x2] =	stream.indirect.gather [hbm4b:s4+s21], $0x80, s22, s21, $0xb8;
	[tilespmem:$0x1C300] =	vst v63  }
0x125: {  	_ =	swait.ge [sflag:s25], $0x4000  }
0x126: {  	[sflag:s25] =	ssyncset.done $0x0  }
0x127: {  	[sflag:s25] =	ssyncadd.s32 $0xFFFFC000  }
0x128: {  	[spmem:s2] =	stream.indirect.scatter.add.f32 [tilespmem:s3], [sflag:$0x1], $0x80, s26, s21, $0xb8;
	[tilespmem:$0x1C300] =	vst v63  }
0x129: {  	s6 =	sadd.s32 $0x40, s31  }
0x12a: {  	[tilespmem:s19], [sflag:$0x3] =	stream.linear.gather [hbm4b:s6+s3], $0x80, $0x38;
	[tilespmem:$0x1C300] =	vst v63  }
0x12b: {  	_ =	swait.ge [sflag:s18], $0x80  }
0x12c: {  	[sflag:s18] =	ssyncset.done $0x0  }
0x12d: {  	[sflag:s18] =	ssyncadd.s32 $0xFFFFFF80  }
0x12e: {  	v3 =	vld [tilespmem:$0x8020]  }
0x12f: {  	v7 =	vld [tilespmem:$0x8040]  }
.Ltmp1:
0x130: {  	v2 =	vld [tilespmem:$0x8060];
	(pc) =	sbr.rel @p0 .LBB2_4-.Ltmp1, $4  }
0x131: {  	v5 =	vld [tilespmem:$0x8070]  }
0x132: {  	v6 =	vld [tilespmem:$0x8050]  }
0x133: {  	v4 =	vld [tilespmem:$0x8000];
	v8 =	vadd.s32 v0, v3  }
0x134: {  	v3 =	vld [tilespmem:$0x8010];
	[tilespmem:$0x8020] =	vst v8;
	v7 =	vadd.s32 v0, v7  }
0x135: {  	v8 =	vld [tilespmem:$0x8030];
	[tilespmem:$0x8040] =	vst v7;
	v2 =	vadd.s32 v0, v2  }
0x136: {  	v5 =	vadd.s32 v0, v5;
	[tilespmem:$0x8060] =	vst v2  }
0x137: {  	v6 =	vadd.s32 v0, v6;
	[tilespmem:$0x8070] =	vst v5  }
0x138: {  	v4 =	vadd.s32 v0, v4;
	[tilespmem:$0x8050] =	vst v6  }
0x139: {  	[tilespmem:$0x8000] =	vst v4;
	v3 =	vadd.s32 v0, v3  }
0x13a: {  	[tilespmem:$0x8010] =	vst v3;
	v3 =	vadd.s32 v0, v8  }
0x13b: {  	s1 =	sadd.s32 $0x40, s0;
	[tilespmem:$0x8030] =	vst v3  }
0x13c: {  	[tilespmem:s20], [sflag:$0x3] =	stream.linear.gather [hbm4b:s1+s3], $0x80, $0x38;
	[tilespmem:$0x1C300] =	vst v63  }
0x13d: {  	_ =	swait.ge [sflag:s18], $0x80  }
0x13e: {  	[sflag:s18] =	ssyncset.done $0x0  }
0x13f: {  	[sflag:s18] =	ssyncadd.s32 $0xFFFFFF80  }
0x140: {  	_ =	swait.ge [sflag:s25], $0x4000  }
0x141: {  	[sflag:s25] =	ssyncset.done $0x0  }
0x142: {  	[sflag:s25] =	ssyncadd.s32 $0xFFFFC000  }
0x143: {  	[tilespmem:s3], [sflag:$0x1] =	stream.indirect.gather [hbm4b:s4+s21], $0x80, s19, s21, $0xb8;
	[tilespmem:$0x1C300] =	vst v63  }
0x144: {  	_ =	swait.ge [sflag:s28], $0x4000  }
0x145: {  	[sflag:s28] =	ssyncset.done $0x0  }
0x146: {  	[sflag:s28] =	ssyncadd.s32 $0xFFFFC000  }
0x147: {  	[spmem:s2] =	stream.indirect.scatter.add.f32 [tilespmem:s24], [sflag:$0x2], $0x80, s29, s21, $0xb8;
	[tilespmem:$0x1C300] =	vst v63  }
0x148: {  	s31 =	sadd.s32 $0x50, s31  }
0x149: {  	[tilespmem:s22], [sflag:$0x3] =	stream.linear.gather [hbm4b:s31+s3], $0x80, $0x38;
	[tilespmem:$0x1C300] =	vst v63  }
0x14a: {  	_ =	swait.ge [sflag:s18], $0x80  }
0x14b: {  	[sflag:s18] =	ssyncset.done $0x0  }
0x14c: {  	[sflag:s18] =	ssyncadd.s32 $0xFFFFFF80  }
0x14d: {  	v2 =	vld [tilespmem:$0x8080]  }
0x14e: {  	v3 =	vld [tilespmem:$0x8090]  }
0x14f: {  	v59 =	vld [tilespmem:$0x80A0]  }
0x150: {  	v60 =	vld [tilespmem:$0x80B0]  }
0x151: {  	v61 =	vld [tilespmem:$0x80C0]  }
0x152: {  	v62 =	vld [tilespmem:$0x80D0];
	v2 =	vadd.s32 v0, v2  }
0x153: {  	[tilespmem:$0x8080] =	vst v2;
	v2 =	vadd.s32 v0, v3;
	v3 =	vld [tilespmem:$0x80F0]  }
0x154: {  	v63 =	vld [tilespmem:$0x80E0];
	[tilespmem:$0x8090] =	vst v2;
	v2 =	vadd.s32 v0, v59  }
0x155: {  	[tilespmem:$0x80A0] =	vst v2;
	v2 =	vadd.s32 v0, v60  }
0x156: {  	[tilespmem:$0x80B0] =	vst v2;
	v2 =	vadd.s32 v0, v61  }
0x157: {  	[tilespmem:$0x80C0] =	vst v2;
	v2 =	vadd.s32 v0, v62  }
0x158: {  	[tilespmem:$0x80D0] =	vst v2;
	v2 =	vadd.s32 v0, v3  }
0x159: {  	v3 =	vadd.s32 v0, v63;
	[tilespmem:$0x80F0] =	vst v2  }
0x15a: {  	s6 =	sadd.s32 $0x50, s0;
	[tilespmem:$0x80E0] =	vst v3  }
0x15b: {  	[tilespmem:s23], [sflag:$0x3] =	stream.linear.gather [hbm4b:s6+s3], $0x80, $0x38;
	[tilespmem:$0x1C300] =	vst v63  }
0x15c: {  	_ =	swait.ge [sflag:s18], $0x80  }
0x15d: {  	[sflag:s18] =	ssyncset.done $0x0  }
0x15e: {  	[sflag:s18] =	ssyncadd.s32 $0xFFFFFF80  }
0x15f: {  	_ =	swait.ge [sflag:s28], $0x4000  }
0x160: {  	[sflag:s28] =	ssyncset.done $0x0  }
0x161: {  	[sflag:s28] =	ssyncadd.s32 $0xFFFFC000  }
0x162: {  	[tilespmem:s24], [sflag:$0x2] =	stream.indirect.gather [hbm4b:s4+s21], $0x80, s22, s21, $0xb8;
	[tilespmem:$0x1C300] =	vst v63  }
0x163: {  	_ =	swait.ge [sflag:s25], $0x4000  }
0x164: {  	[sflag:s25] =	ssyncset.done $0x0  }
0x165: {  	[sflag:s25] =	ssyncadd.s32 $0xFFFFC000  }
0x166: {  	[spmem:s2] =	stream.indirect.scatter.add.f32 [tilespmem:s3], [sflag:$0x1], $0x80, s20, s21, $0xb8;
	[tilespmem:$0x1C300] =	vst v63  }
0x167: {  	_ =	swait.ge [sflag:s25], $0x4000  }
0x168: {  	[sflag:s25] =	ssyncset.done $0x0  }
0x169: {  	[sflag:s25] =	ssyncadd.s32 $0xFFFFC000  }
0x16a: {  	_ =	swait.ge [sflag:s28], $0x4000  }
0x16b: {  	[sflag:s28] =	ssyncset.done $0x0  }
0x16c: {  	[sflag:s28] =	ssyncadd.s32 $0xFFFFC000  }
0x16d: {  	[spmem:s2] =	stream.indirect.scatter.add.f32 [tilespmem:s24], [sflag:$0x2], $0x80, s23, s21, $0xb8;
	[tilespmem:$0x1C300] =	vst v63  }
0x16e: {  	s7 =	stileid.u32;
	_ =	swait.ge [sflag:s28], $0x4000  }
0x16f: {  	s30 =	sadd.s32 $0x1, s30;
	s0 =	sshll.u32 s7, $0x6;
	[sflag:s28] =	ssyncset.done $0x0  }
0x170: {  	p0 =	sne.s32 s30, s15;
	s0 =	sor.u32 $0x1C03, s0;
	[sflag:s28] =	ssyncadd.s32 $0xFFFFC000  }
.Ltmp2:
0x171: {  	s31 =	sshrl.u32 s5, $0x3;
	[bflag:$0x0] =	sbarrier.arrive $0xFFFF;
	(pc) =	sbr.rel @p0 .LBB2_1-.Ltmp2, $4  }
0x172: {  	[hbm:s14], [sflag:s0] =	dma.local [spmem:s31], $0x2800  }
0x173: {  	_ =	swait.ge [sflag:s18], $0x2800  }
0x174: {  	[sflag:s18] =	ssyncset.done $0x0  }
0x175: {  	[sflag:s18] =	ssyncadd.s32 $0xFFFFD800  }
0x176: {  	_ =	sfence.sel $0x180000  }
0x177: {  	[bflag:$0x0] =	sbarrier.arrive $0xFFFF  }
0x178: {  	_ =	strace $0x9000004A  }
0x179: {  	s0 =	stileid.u32;
	[bflag:$0x2] =	sbarrier.arrive $0xFFFF  }
0x17a: {  	p0 =	sne.s32 s0, $0x0;
	s0 =	rddreg [dreg:$0x2]  }
0x17b: {  	s0 =	sadd.s32 @!p0 $0x100000, s0  }
0x17c: {  	[sflag:s0] =	ssyncadd.tile.s32 @!p0 $0x1;
	_ =	shalt  }
.Lfunc_end2:
_tile_overlayer_lowered:
.L_overlay_start_2:
0x17d: {  	(tag) =	ssettag $0x2  }
0x17e: {  	s0 =	rddreg [dreg:$0x0];
	s2 =	stileid.u32  }
0x17f: {  	s1 =	rddreg [dreg:$0x1];
	p0 =	sne.s32 s2, $0x0  }
0x180: {  	s3 =	rddreg [dreg:$0x2];
	[bflag:$0x3] =	sbarrier.arrive $0xFFFF;
	s2 =	simm.s32 @!p0 $0x1C03  }
0x181: {  	[timem:s3], [sflag:s2] =	dma.local @!p0 [hbm:s0], s1  }
0x182: {  	s0 =	simm.s32 @!p0 $0x3  }
0x183: {  	_ =	swait.ge @!p0 [sflag:s0], s1  }
0x184: {  	s1 =	ssub.s32 @!p0 $0x0, s1;
	[sflag:s0] =	ssyncset.done @!p0 $0x0  }
0x185: {  	[sflag:s0] =	ssyncadd.s32 @!p0 s1  }
0x186: {  	[bflag:$0x3] =	sbarrier.arrive $0xFFFF  }
0x187: {  	_ =	shalt  }

// kernel: kernel.16.cloned.1.call-start
scs
__scs_entry_jumppad:
0x0: {  	(pc) =	sbr.rel $0x88, $3  }
0x1: {  	(tag) =	ssettag $0x0;
	lr =	simm.s32 $0x1  }
0x2: {  	[smem:$0x3F94] =	sst lr;
	_ =	strace $0xD0000000  }
0x3: {  	_ = 	snop  }
0x4: {  	_ = 	snop  }
0x5: {  	_ = 	snop  }
0x6: {  	_ = 	snop  }
0x7: {  	_ = 	snop  }
__scs_overlays_trampoline_lowered:
0x8: {  	[smem:$0x3FA3] =	sst s0  }
0x9: {  	[smem:$0x3FA4] =	sst s1  }
0xa: {  	[smem:$0x3FA5] =	sst s2  }
0xb: {  	[smem:$0x3FA6] =	sst s3  }
0xc: {  	[smem:$0x3FA7] =	sst s4  }
0xd: {  	[smem:$0x3FA8] =	sst s5  }
0xe: {  	[smem:$0x3FA9] =	sst s6  }
0xf: {  	[smem:$0x3FAA] =	sst s7  }
0x10: {  	[smem:$0x3FAB] =	sst s8  }
0x11: {  	[smem:$0x3FAC] =	sst s9;
	s0 =	simm.s32 @!p0 $0x0  }
0x12: {  	s1 =	sld [smem:$0x3F92];
	s0 =	simm.s32 @p0 $0x1  }
0x13: {  	[smem:$0x3FAD] =	sst s0;
	s0 =	simm.s32 @!p1 $0x0  }
0x14: {  	s2 =	sld [smem:$0x3F91];
	s0 =	simm.s32 @p1 $0x1  }
0x15: {  	[smem:$0x3FAE] =	sst s0;
	s0 =	simm.s32 @!p2 $0x0  }
0x16: {  	s3 =	sld [smem:$0x3FDB];
	s0 =	simm.s32 @p2 $0x1  }
0x17: {  	s4 =	simm.s32 $0x1BF5;
	[smem:$0x3FB0] =	sst s0  }
0x18: {  	s0 =	sld [smem:$0x3F93];
	_ =	swait.ge [sflag:s4], $0x0  }
0x19: {  	s7 =	sld [smem:$0x3F94]  }
0x1a: {  	s8 =	sadd.s32 $0xFFFFE003, lr  }
0x1b: {  	s9 =	sadd.s32 $0xFFFFFEF7, lr;
	s5 =	simm.s32 $0xFFFFFFFF;
	p2 =	slt.u32 s8, $0xFFFFF086  }
0x1c: {  	p1 =	slt.u32 s9, $0xF7A;
	s5 =	simm.s32 @!p2 $0x0  }
0x1d: {  	s5 =	simm.s32 @p1 $0x1;
	p0 =	seq.s32 s7, s2  }
0x1e: {  	s7 =	smul.u32 @!p0 $0xF7A, s2;
	p2 =	seq.s32 @!p0 s5, $0x0  }
0x1f: {  	s9 =	smul.u32 $0xF7A, s1;
	s8 =	simm.s32 @!p0 $0x1BF5;
	p2 =	por !p2, p0  }
0x20: {  	[sflag:s8] =	ssyncset.s32 @!p0 $0xFFFFF086;
	s6 =	sadd.s32 @!p0 s3, s7;
	s7 =	simm.s32 @!p0 $0x108  }
0x21: {  	s3 =	sadd.s32 s3, s9;
	s6 =	sadd.s32 @!p0 $0x88, s6;
	s7 =	simm.s32 @p2 $0x1082  }
0x22: {  	[simem:s7], [sflag:s8] =	dma.local @!p0 [hbm:s6], $0xF7A  }
0x23: {  	s9 =	sor.u32 $0xD0000000, s2;
	s6 =	simm.s32 $0x108;
	_ =	swait.ge @!p0 [sflag:s8], $0x0  }
0x24: {  	s3 =	sadd.s32 $0x88, s3;
	s6 =	simm.s32 @!p1 $0x1082;
	[sflag:s4] =	ssyncset.s32 $0xFFFFF086  }
0x25: {  	[simem:s6], [sflag:s4] =	dma.local [hbm:s3], $0xF7A  }
0x26: {  	[smem:$0x3F94] =	sst s1;
	(tag) =	ssettag s2;
	_ =	strace s9  }
0x27: {  	s1 =	sld [smem:$0x3FA4]  }
0x28: {  	s2 =	sld [smem:$0x3FA5]  }
0x29: {  	s4 =	sld [smem:$0x3FA7]  }
0x2a: {  	p0 =	seq.s32 s5, $0x0;
	s5 =	sld [smem:$0x3FA8]  }
0x2b: {  	s6 =	sld [smem:$0x3FA9]  }
0x2c: {  	s7 =	sld [smem:$0x3FAA]  }
0x2d: {  	s3 =	simm.s32 $0x108;
	s8 =	sld [smem:$0x3FAB]  }
0x2e: {  	s3 =	simm.s32 @!p0 $0x1082;
	s9 =	sld [smem:$0x3FAC]  }
0x2f: {  	lr =	sadd.s32 s0, s3;
	s0 =	sld [smem:$0x3FA3]  }
0x30: {  	s3 =	sld [smem:$0x3FA6]  }
0x31: {  	[smem:$0x3FAF] =	sst s10  }
0x32: {  	s10 =	sld [smem:$0x3FAD];
	_ =	sdelay $0x3  }
0x33: {  	p0 =	seq.s32 s10, $0x1;
	s10 =	sld [smem:$0x3FAF];
	_ =	sdelay $0x3  }
0x34: {  	[smem:$0x3FAF] =	sst s10  }
0x35: {  	s10 =	sld [smem:$0x3FAE];
	_ =	sdelay $0x3  }
0x36: {  	p1 =	seq.s32 s10, $0x1;
	s10 =	sld [smem:$0x3FAF];
	_ =	sdelay $0x3  }
0x37: {  	[smem:$0x3FAF] =	sst s10  }
0x38: {  	s10 =	sld [smem:$0x3FB0]  }
0x39: {  	_ = 	snop;
	(pc) =	sbr.ind lr, $3  }
0x3a: {  	_ = 	snop  }
0x3b: {  	_ = 	snop  }
0x3c: {  	p2 =	seq.s32 s10, $0x1;
	s10 =	sld [smem:$0x3FAF]  }
0x3d: {  	_ =	shalt  }
0x3e: {  	_ =	shalt  }
0x3f: {  	_ =	shalt  }
0x40: {  	_ =	shalt  }
0x41: {  	_ =	shalt  }
0x42: {  	_ =	shalt  }
0x43: {  	_ =	shalt  }
0x44: {  	_ =	shalt  }
0x45: {  	_ =	shalt  }
0x46: {  	_ =	shalt  }
0x47: {  	_ =	shalt  }
0x48: {  	_ =	shalt  }
0x49: {  	_ =	shalt  }
0x4a: {  	_ =	shalt  }
0x4b: {  	_ =	shalt  }
0x4c: {  	_ =	shalt  }
0x4d: {  	_ =	shalt  }
0x4e: {  	_ =	shalt  }
0x4f: {  	_ =	shalt  }
0x50: {  	_ =	shalt  }
0x51: {  	_ =	shalt  }
0x52: {  	_ =	shalt  }
0x53: {  	_ =	shalt  }
0x54: {  	_ =	shalt  }
0x55: {  	_ =	shalt  }
0x56: {  	_ =	shalt  }
0x57: {  	_ =	shalt  }
0x58: {  	_ =	shalt  }
0x59: {  	_ =	shalt  }
0x5a: {  	_ =	shalt  }
0x5b: {  	_ =	shalt  }
0x5c: {  	_ =	shalt  }
0x5d: {  	_ =	shalt  }
0x5e: {  	_ =	shalt  }
0x5f: {  	_ =	shalt  }
0x60: {  	_ =	shalt  }
0x61: {  	_ =	shalt  }
0x62: {  	_ =	shalt  }
0x63: {  	_ =	shalt  }
0x64: {  	_ =	shalt  }
0x65: {  	_ =	shalt  }
0x66: {  	_ =	shalt  }
0x67: {  	_ =	shalt  }
0x68: {  	_ =	shalt  }
0x69: {  	_ =	shalt  }
0x6a: {  	_ =	shalt  }
0x6b: {  	_ =	shalt  }
0x6c: {  	_ =	shalt  }
0x6d: {  	_ =	shalt  }
0x6e: {  	_ =	shalt  }
0x6f: {  	_ =	shalt  }
0x70: {  	_ =	shalt  }
0x71: {  	_ =	shalt  }
0x72: {  	_ =	shalt  }
0x73: {  	_ =	shalt  }
0x74: {  	_ =	shalt  }
0x75: {  	_ =	shalt  }
0x76: {  	_ =	shalt  }
0x77: {  	_ =	shalt  }
0x78: {  	_ =	shalt  }
0x79: {  	_ =	shalt  }
0x7a: {  	_ =	shalt  }
0x7b: {  	_ =	shalt  }
0x7c: {  	_ =	shalt  }
0x7d: {  	_ =	shalt  }
0x7e: {  	_ =	shalt  }
0x7f: {  	_ =	shalt  }
0x80: {  	_ =	shalt  }
0x81: {  	_ =	shalt  }
0x82: {  	_ =	shalt  }
0x83: {  	_ =	shalt  }
0x84: {  	_ =	shalt  }
0x85: {  	_ =	shalt  }
0x86: {  	_ =	shalt  }
0x87: {  	_ =	shalt  }
.Lfunc_end0:
.L_simem_size_0:
called_computation.2_lowered:
.L_overlay_start_0:
0x88: {  	s2 =	sld [smem:$0x3FD9]  }
0x89: {  	s3 =	sld [smem:$0x3FFE];
	_ =	sdelay $0x1  }
0x8a: {  	s1 =	srdreg.scid  }
0x8b: {  	s0 =	sand.u32 $0x1, s1  }
0x8c: {  	s16 =	sshll.u32 s0, $0xA;
	s2 =	sadd.s32 s3, s2  }
0x8d: {  	s2 =	sadd.s32 s2, s16  }
0x8e: {  	[smem:$0x3FBB] =	sst s2  }
0x8f: {  	_ = 	snop  }
0x90: {  	(tm) =	ssettm $0x1  }
0x91: {  	s17 =	sld [smem:$0x3FFB];
	_ =	sdelay $0x3  }
0x92: {  	_ =	strace s17  }
0x93: {  	s2 =	sld [smem:$0x3FFC];
	_ =	sdelay $0x3  }
0x94: {  	_ =	strace s2  }
0x95: {  	s2 =	sld [smem:$0x3FFD];
	_ =	sdelay $0x3  }
0x96: {  	_ =	strace s2  }
0x97: {  	_ =	strace $0x8FFFFFFF  }
0x98: {  	s18 =	sld [smem:$0x3FDB];
	_ =	sdelay $0x1  }
0x99: {  	s19 =	simm.s32 $_scs_section_size  }
0x9a: {  	s4 =	simm.s32 $_size__tile_overlayer_lowered;
	s5 =	simm.s32 $_tile_overlayer_lowered  }
0x9b: {  	s22 =	simm.s32 $0x1BFF;
	s21 =	sshll.u32 s5, $0x1;
	s2 =	sadd.s32 s19, s18  }
0x9c: {  	s6 =	simm.s32 $0x0;
	s20 =	sshll.u32 s4, $0x1;
	s4 =	sadd.s32 s21, s2  }
0x9d: {  	[timem:s6], [sflag:s22] =	dma.local [hbm:s4], s20  }
0x9e: {  	_ =	swait.ge [sflag:s22], s20  }
0x9f: {  	s3 =	ssub.s32 $0x0, s20;
	[sflag:s22] =	ssyncset.done $0x0  }
0xa0: {  	[sflag:s22] =	ssyncadd.s32 s3;
	_ =	sdelay $0x1  }
0xa1: {  	s23 =	simm.s32 $0x1B8B  }
0xa2: {  	_ =	swait.ge [sflag:s23], $0x1  }
0xa3: {  	[sflag:s23] =	ssyncset.done $0x0  }
0xa4: {  	s25 =	simm.s32 $0x1B8E;
	s24 =	sld [smem:$0x3FFE];
	[sflag:s23] =	ssyncadd.s32 $0xFFFFFFFF  }
0xa5: {  	s26 =	simm.s32 $execute0_lowered;
	[smem:$0x3FD2] =	sst s25  }
0xa6: {  	s4 =	sshll.u32 s26, $0x1;
	_ =	strace $0x8000004C;
	[dreg:$0x1] =	wrdreg $0xFFFFFFFF  }
0xa7: {  	s28 =	simm.s32 $_size_execute0_lowered;
	s2 =	sadd.s32 s2, s4;
	[dreg:$0x0] =	wrdreg $0x0  }
0xa8: {  	s4 =	sshll.u32 s28, $0x1;
	[dreg:$0x2] =	wrdreg s2  }
0xa9: {  	[dreg:$0x3] =	wrdreg s4  }
0xaa: {  	[dreg:$0x4] =	wrdreg $0xC0  }
0xab: {  	_ =	task [dreg:s6], $0x5FFFF  }
0xac: {  	[dreg:$0x1] =	wrdreg $0xFFFFFFFF  }
0xad: {  	[dreg:$0x0] =	wrdreg $0x60  }
0xae: {  	[dreg:$0x2] =	wrdreg s24  }
0xaf: {  	[dreg:$0x3] =	wrdreg $0x83000  }
0xb0: {  	[dreg:$0x4] =	wrdreg $0x9  }
0xb1: {  	_ =	task.clear_ibuf [dreg:s6], $0x5FFFF;
	_ =	strace $0x9000004C  }
0xb2: {  	s29 =	simm.s32 $0x9;
	_ =	strace $0x8000004E  }
0xb3: {  	_ =	swait.ge [sflag:s29], $0x1  }
0xb4: {  	[sflag:s29] =	ssyncadd.s32 $0xFFFFFFFF  }
0xb5: {  	_ =	strace $0x9000004E  }
0xb6: {  	_ =	sfence  }
0xb7: {  	s30 =	sld [smem:$0x0];
	_ =	sdelay $0x2  }
0xb8: {  	s31 =	sshll.u32 s1, $0xD;
	s1 =	sshrl.u32 s1, $0x2  }
0xb9: {  	s3 =	sand.u32 $0x4000, s31;
	s1 =	sadd.s32 s1, s30  }
0xba: {  	s0 =	sor.u32 s3, s0;
	s1 =	sshll.u32 s1, $0x11  }
0xbb: {  	s0 =	sor.u32 s1, s0  }
0xbc: {  	s0 =	sadd.s32 $0x8F2B, s0  }
0xbd: {  	[sflag:s0] =	ssyncadd.remote.s32 $0x1  }
0xbe: {  	_ =	sfence.sel $0xFFFF  }
0xbf: {  	[dreg:$0x0] =	wrdreg $0xFFFFFFFF;
	(pc) =	sbr.abs _section_cstart, $3  }
0xc0: {  	[dreg:$0x1] =	wrdreg $0xFFFFFFFF  }
0xc1: {  	_ =	task.clear_ibuf [dreg:s6], $0x2FFFF;
	_ =	strace $0x9FFFFFFF  }
0xc2: {  	(tm) =	ssettm $0x7FFFFFFF  }
0xc3: {  	_ =	shalt  }
tec
execute0_lowered:
.L_overlay_start_1:
0x0: {  	(tag) =	ssettag $0x1  }
0x1: {  	s0 =	rddreg [dreg:$0x0];
	s1 =	srdreg.scid  }
0x2: {  	s2 =	rddreg [dreg:$0x1];
	s14 =	stileid.u32;
	s3 =	simm.s32 $0x0  }
0x3: {  	s18 =	simm.s32 $0x3;
	s19 =	simm.s32 $0x8000;
	s20 =	simm.s32 $0x8100  }
0x4: {  	s21 =	simm.s32 $0x80;
	s22 =	simm.s32 $0x8080;
	s23 =	simm.s32 $0x8200  }
0x5: {  	s24 =	simm.s32 $0x4000;
	s28 =	simm.s32 $0x2;
	s6 =	smul.u32 $0x14000, s14  }
0x6: {  	s29 =	simm.s32 $0x8280;
	s30 =	simm.s32 $0x0;
	s7 =	smul.u32 $0x50000, s14  }
0x7: {  	s1 =	sand.u32 $0x1, s1;
	[smem:$0x7FF] =	sst s3;
	s9 =	smul.u32 $0x4F00, s14  }
0x8: {  	s4 =	sadd.s32 $0x17800, s0;
	s25 =	sadd.s32 $0xDA00, s0;
	s17 =	smul.u32 $0x9E0, s14  }
0x9: {  	s16 =	sadd.s32 $0x3200, s0;
	s5 =	smul.u32 $0x140000, s1;
	s26 =	ssub.s32 $0x2, s1  }
0xa: {  	_ =	strace $0x8000004D;
	s1 =	smul.u32 $0x2800, s1;
	s8 =	sshrl.u32 s26, $0x1  }
0xb: {  	s7 =	sshrl.u32 s7, $0x2;
	s12 =	sshrl.u32 s9, $0x3;
	s5 =	sadd.s32 s6, s5  }
0xc: {  	s15 =	ssub.s32 s26, s8;
	s10 =	sadd.s32 s25, s12;
	s11 =	sadd.s32 s16, s12  }
0xd: {  	s13 =	sor.u32 $0x10, s12;
	s26 =	simm.s32 $0x8180;
	s5 =	sshrl.u32 s5, $0x3  }
0xe: {  	s12 =	sadd.s32 s25, s13;
	s13 =	sadd.s32 s16, s13;
	s15 =	smax.u32 s15, $0x1  }
0xf: {  	s16 =	sadd.s32 s17, s16;
	s0 =	sadd.s32 s5, s0;
	s5 =	sadd.s32 s7, s2  }
0x10: {  	s17 =	sadd.s32 s17, s25;
	s25 =	simm.s32 $0x1;
	s7 =	sadd.s32 $0x4000, s5  }
0x11: {  	s31 =	sadd.s32 $0x8000, s5;
	s8 =	sadd.s32 $0xC000, s5;
	[dreg:$0x3] =	wrdreg s7  }
0x12: {  	v1 =	vimm.f32 $0.0e+00;
	v0 =	vmov s1;
	s9 =	sadd.s32 $0x10000, s5;
	s14 =	sadd.s32 $0x67800, s0;
	[dreg:$0x4] =	wrdreg s31  }
.LBB2_1:
0x13: {  	s0 =	simm.s32 $0x0;
	s1 =	simm.s32 $0x200  }
.LBB2_2:
0x14: {  	p0 =	sne.s32 s1, $0xFE00;
	[tilespmem:s0+$0x70] =	vst v1  }
0x15: {  	[tilespmem:s0+$0x0] =	vst v1  }
0x16: {  	[tilespmem:s0+$0x10] =	vst v1  }
.Ltmp0:
0x17: {  	[tilespmem:s0+$0x20] =	vst v1;
	(pc) =	sbr.rel @p0 .LBB2_2-.Ltmp0, $4  }
0x18: {  	[tilespmem:s0+$0x30] =	vst v1  }
0x19: {  	[tilespmem:s0+$0x40] =	vst v1  }
0x1a: {  	[tilespmem:s0+$0x50] =	vst v1  }
0x1b: {  	[tilespmem:s0+$0x60] =	vst v1;
	s0 =	sshra.s32 s1, $0x2;
	s1 =	sadd.s32 $0x200, s1  }
0x1c: {  	[tilespmem:s0+$0x70] =	vst v1  }
0x1d: {  	[tilespmem:s0+$0x0] =	vst v1  }
0x1e: {  	[tilespmem:s0+$0x10] =	vst v1  }
0x1f: {  	[tilespmem:s0+$0x20] =	vst v1  }
0x20: {  	[tilespmem:s0+$0x30] =	vst v1  }
0x21: {  	[tilespmem:s0+$0x40] =	vst v1  }
0x22: {  	[tilespmem:s0+$0x50] =	vst v1  }
0x23: {  	[tilespmem:s0+$0x60] =	vst v1;
	s6 =	simm.s32 $0x0  }
0x24: {  	[spmem:s5] =	stream.linear.scatter [tilespmem:s6], [sflag:$0x3], $0x4000, $0x38;
	[tilespmem:$0x1C300] =	vst v63  }
0x25: {  	_ =	swait.ge [sflag:s18], $0x4000  }
0x26: {  	[sflag:s18] =	ssyncset.done $0x0  }
0x27: {  	s1 =	rddreg [dreg:$0x3];
	[sflag:s18] =	ssyncadd.s32 $0xFFFFC000  }
0x28: {  	[spmem:s1] =	stream.linear.scatter [tilespmem:s6], [sflag:$0x3], $0x4000, $0x38;
	[tilespmem:$0x1C300] =	vst v63  }
0x29: {  	_ =	swait.ge [sflag:s18], $0x4000  }
0x2a: {  	[sflag:s18] =	ssyncset.done $0x0  }
0x2b: {  	s7 =	rddreg [dreg:$0x4];
	[sflag:s18] =	ssyncadd.s32 $0xFFFFC000  }
0x2c: {  	[spmem:s7] =	stream.linear.scatter [tilespmem:s6], [sflag:$0x3], $0x4000, $0x38;
	[tilespmem:$0x1C300] =	vst v63  }
0x2d: {  	_ =	swait.ge [sflag:s18], $0x4000  }
0x2e: {  	[sflag:s18] =	ssyncset.done $0x0  }
0x2f: {  	[sflag:s18] =	ssyncadd.s32 $0xFFFFC000  }
0x30: {  	[spmem:s8] =	stream.linear.scatter [tilespmem:s6], [sflag:$0x3], $0x4000, $0x38;
	[tilespmem:$0x1C300] =	vst v63  }
0x31: {  	_ =	swait.ge [sflag:s18], $0x4000  }
0x32: {  	[sflag:s18] =	ssyncset.done $0x0  }
0x33: {  	[sflag:s18] =	ssyncadd.s32 $0xFFFFC000  }
0x34: {  	[spmem:s9] =	stream.linear.scatter [tilespmem:s6], [sflag:$0x3], $0x4000, $0x38;
	[tilespmem:$0x1C300] =	vst v63  }
0x35: {  	_ =	swait.ge [sflag:s18], $0x4000  }
0x36: {  	[sflag:s18] =	ssyncset.done $0x0  }
0x37: {  	[sflag:s18] =	ssyncadd.s32 $0xFFFFC000  }
0x38: {  	[bflag:$0x0] =	sbarrier.arrive $0xFFFF  }
0x39: {  	[tilespmem:s19], [sflag:$0x3] =	stream.linear.gather [hbm4b:s10+s6], $0x80, $0x38;
	[tilespmem:$0x1C300] =	vst v63  }
0x3a: {  	_ =	swait.ge [sflag:s18], $0x80  }
0x3b: {  	[sflag:s18] =	ssyncset.done $0x0  }
0x3c: {  	[sflag:s18] =	ssyncadd.s32 $0xFFFFFF80  }
0x3d: {  	[tilespmem:s20], [sflag:$0x3] =	stream.linear.gather [hbm4b:s11+s6], $0x80, $0x38;
	[tilespmem:$0x1C300] =	vst v63  }
0x3e: {  	_ =	swait.ge [sflag:s18], $0x80  }
0x3f: {  	[sflag:s18] =	ssyncset.done $0x0  }
0x40: {  	[sflag:s18] =	ssyncadd.s32 $0xFFFFFF80  }
0x41: {  	v2 =	vld [tilespmem:$0x8000]  }
0x42: {  	v3 =	vld [tilespmem:$0x8010]  }
0x43: {  	v4 =	vld [tilespmem:$0x8020]  }
0x44: {  	v5 =	vld [tilespmem:$0x8030]  }
0x45: {  	v6 =	vld [tilespmem:$0x8040]  }
0x46: {  	v7 =	vld [tilespmem:$0x8050];
	v2 =	vadd.s32 v0, v2  }
0x47: {  	[tilespmem:$0x8000] =	vst v2;
	v2 =	vadd.s32 v0, v3;
	v3 =	vld [tilespmem:$0x8060]  }
0x48: {  	[tilespmem:$0x8010] =	vst v2;
	v2 =	vadd.s32 v0, v4;
	v4 =	vld [tilespmem:$0x8070]  }
0x49: {  	[tilespmem:$0x8020] =	vst v2;
	v2 =	vadd.s32 v0, v5  }
0x4a: {  	[tilespmem:$0x8030] =	vst v2;
	v2 =	vadd.s32 v0, v6  }
0x4b: {  	[tilespmem:$0x8040] =	vst v2;
	v2 =	vadd.s32 v0, v7  }
0x4c: {  	[tilespmem:$0x8050] =	vst v2;
	v2 =	vadd.s32 v0, v3  }
0x4d: {  	[tilespmem:$0x8060] =	vst v2;
	v2 =	vadd.s32 v0, v4  }
0x4e: {  	[tilespmem:$0x8070] =	vst v2  }
0x4f: {  	[tilespmem:s6], [sflag:$0x1] =	stream.indirect.gather [hbm4b:s4+s21], $0x80, s19, s21, $0xb8;
	[tilespmem:$0x1C300] =	vst v63  }
0x50: {  	_ = 	snop  }
0x51: {  	[tilespmem:s22], [sflag:$0x3] =	stream.linear.gather [hbm4b:s12+s6], $0x80, $0x38;
	[tilespmem:$0x1C300] =	vst v63  }
0x52: {  	_ =	swait.ge [sflag:s18], $0x80  }
0x53: {  	[sflag:s18] =	ssyncset.done $0x0  }
0x54: {  	[sflag:s18] =	ssyncadd.s32 $0xFFFFFF80  }
0x55: {  	[tilespmem:s23], [sflag:$0x3] =	stream.linear.gather [hbm4b:s13+s6], $0x80, $0x38;
	[tilespmem:$0x1C300] =	vst v63  }
0x56: {  	_ =	swait.ge [sflag:s18], $0x80  }
0x57: {  	[sflag:s18] =	ssyncset.done $0x0  }
0x58: {  	[sflag:s18] =	ssyncadd.s32 $0xFFFFFF80  }
0x59: {  	v2 =	vld [tilespmem:$0x8080]  }
0x5a: {  	v3 =	vld [tilespmem:$0x8090]  }
0x5b: {  	v4 =	vld [tilespmem:$0x80A0]  }
0x5c: {  	v5 =	vld [tilespmem:$0x80B0]  }
0x5d: {  	v6 =	vld [tilespmem:$0x80C0]  }
0x5e: {  	v7 =	vld [tilespmem:$0x80D0];
	v2 =	vadd.s32 v0, v2  }
0x5f: {  	[tilespmem:$0x8080] =	vst v2;
	v2 =	vadd.s32 v0, v3;
	v3 =	vld [tilespmem:$0x80E0]  }
0x60: {  	[tilespmem:$0x8090] =	vst v2;
	v2 =	vadd.s32 v0, v4;
	v4 =	vld [tilespmem:$0x80F0]  }
0x61: {  	[tilespmem:$0x80A0] =	vst v2;
	v2 =	vadd.s32 v0, v5  }
0x62: {  	[tilespmem:$0x80B0] =	vst v2;
	v2 =	vadd.s32 v0, v6  }
0x63: {  	[tilespmem:$0x80C0] =	vst v2;
	v2 =	vadd.s32 v0, v7  }
0x64: {  	[tilespmem:$0x80D0] =	vst v2;
	v2 =	vadd.s32 v0, v3  }
0x65: {  	[tilespmem:$0x80E0] =	vst v2;
	v2 =	vadd.s32 v0, v4  }
0x66: {  	[tilespmem:$0x80F0] =	vst v2  }
0x67: {  	[tilespmem:s24], [sflag:$0x2] =	stream.indirect.gather [hbm4b:s4+s21], $0x80, s22, s21, $0xb8;
	[tilespmem:$0x1C300] =	vst v63  }
0x68: {  	_ =	swait.ge [sflag:s25], $0x4000  }
0x69: {  	[sflag:s25] =	ssyncset.done $0x0  }
0x6a: {  	s31 =	sadd.s32 $0x0, s17;
	[sflag:s25] =	ssyncadd.s32 $0xFFFFC000  }
0x6b: {  	[spmem:s2] =	stream.indirect.scatter.add.f32 [tilespmem:s3], [sflag:$0x1], $0x80, s20, s21, $0xb8;
	[tilespmem:$0x1C300] =	vst v63  }
0x6c: {  	s1 =	sadd.s32 $0x20, s31  }
0x6d: {  	[tilespmem:s19], [sflag:$0x3] =	stream.linear.gather [hbm4b:s1+s3], $0x80, $0x38;
	[tilespmem:$0x1C300] =	vst v63  }
0x6e: {  	_ =	swait.ge [sflag:s18], $0x80  }
0x6f: {  	[sflag:s18] =	ssyncset.done $0x0  }
0x70: {  	[sflag:s18] =	ssyncadd.s32 $0xFFFFFF80  }
0x71: {  	v2 =	vld [tilespmem:$0x8000]  }
0x72: {  	v3 =	vld [tilespmem:$0x8070]  }
0x73: {  	v4 =	vld [tilespmem:$0x8030]  }
0x74: {  	v5 =	vld [tilespmem:$0x8060]  }
0x75: {  	v6 =	vld [tilespmem:$0x8040]  }
0x76: {  	v7 =	vld [tilespmem:$0x8020];
	v2 =	vadd.s32 v0, v2  }
0x77: {  	v8 =	vld [tilespmem:$0x8010];
	v3 =	vadd.s32 v0, v3;
	[tilespmem:$0x8000] =	vst v2  }
0x78: {  	v4 =	vadd.s32 v0, v4;
	v2 =	vld [tilespmem:$0x8050];
	[tilespmem:$0x8070] =	vst v3  }
0x79: {  	[tilespmem:$0x8030] =	vst v4;
	v3 =	vadd.s32 v0, v5  }
0x7a: {  	v4 =	vadd.s32 v0, v6;
	[tilespmem:$0x8060] =	vst v3  }
0x7b: {  	v3 =	vadd.s32 v0, v7;
	[tilespmem:$0x8040] =	vst v4  }
0x7c: {  	[tilespmem:$0x8020] =	vst v3;
	v3 =	vadd.s32 v0, v8  }
0x7d: {  	s0 =	sadd.s32 $0x0, s16;
	[tilespmem:$0x8010] =	vst v3;
	v2 =	vadd.s32 v0, v2  }
0x7e: {  	s6 =	sadd.s32 $0x20, s0;
	[tilespmem:$0x8050] =	vst v2  }
0x7f: {  	[tilespmem:s26], [sflag:$0x3] =	stream.linear.gather [hbm4b:s6+s3], $0x80, $0x38;
	[tilespmem:$0x1C300] =	vst v63  }
0x80: {  	_ =	swait.ge [sflag:s18], $0x80  }
0x81: {  	[sflag:s18] =	ssyncset.done $0x0  }
0x82: {  	[sflag:s18] =	ssyncadd.s32 $0xFFFFFF80  }
0x83: {  	_ =	swait.ge [sflag:s25], $0x4000  }
0x84: {  	[sflag:s25] =	ssyncset.done $0x0  }
0x85: {  	[sflag:s25] =	ssyncadd.s32 $0xFFFFC000  }
0x86: {  	[tilespmem:s3], [sflag:$0x1] =	stream.indirect.gather [hbm4b:s4+s21], $0x80, s19, s21, $0xb8;
	[tilespmem:$0x1C300] =	vst v63  }
0x87: {  	_ =	swait.ge [sflag:s28], $0x4000  }
0x88: {  	[sflag:s28] =	ssyncset.done $0x0  }
0x89: {  	[sflag:s28] =	ssyncadd.s32 $0xFFFFC000  }
0x8a: {  	[spmem:s2] =	stream.indirect.scatter.add.f32 [tilespmem:s24], [sflag:$0x2], $0x80, s23, s21, $0xb8;
	[tilespmem:$0x1C300] =	vst v63  }
0x8b: {  	s7 =	sadd.s32 $0x30, s31  }
0x8c: {  	[tilespmem:s22], [sflag:$0x3] =	stream.linear.gather [hbm4b:s7+s3], $0x80, $0x38;
	[tilespmem:$0x1C300] =	vst v63  }
0x8d: {  	_ =	swait.ge [sflag:s18], $0x80  }
0x8e: {  	[sflag:s18] =	ssyncset.done $0x0  }
0x8f: {  	[sflag:s18] =	ssyncadd.s32 $0xFFFFFF80  }
0x90: {  	v2 =	vld [tilespmem:$0x80A0]  }
0x91: {  	v3 =	vld [tilespmem:$0x80B0]  }
0x92: {  	v4 =	vld [tilespmem:$0x80C0]  }
0x93: {  	v6 =	vld [tilespmem:$0x8080]  }
0x94: {  	v5 =	vld [tilespmem:$0x80D0]  }
0x95: {  	v8 =	vld [tilespmem:$0x8090];
	v2 =	vadd.s32 v0, v2  }
0x96: {  	v7 =	vld [tilespmem:$0x80E0];
	[tilespmem:$0x80A0] =	vst v2;
	v2 =	vadd.s32 v0, v3  }
0x97: {  	v3 =	vld [tilespmem:$0x80F0];
	[tilespmem:$0x80B0] =	vst v2;
	v2 =	vadd.s32 v0, v4  }
0x98: {  	v4 =	vadd.s32 v0, v6;
	[tilespmem:$0x80C0] =	vst v2  }
0x99: {  	v2 =	vadd.s32 v0, v5;
	[tilespmem:$0x8080] =	vst v4  }
0x9a: {  	v4 =	vadd.s32 v0, v8;
	[tilespmem:$0x80D0] =	vst v2  }
0x9b: {  	v2 =	vadd.s32 v0, v7;
	[tilespmem:$0x8090] =	vst v4  }
0x9c: {  	[tilespmem:$0x80E0] =	vst v2;
	v2 =	vadd.s32 v0, v3  }
0x9d: {  	s6 =	sadd.s32 $0x30, s0;
	[tilespmem:$0x80F0] =	vst v2  }
0x9e: {  	[tilespmem:s29], [sflag:$0x3] =	stream.linear.gather [hbm4b:s6+s3], $0x80, $0x38;
	[tilespmem:$0x1C300] =	vst v63  }
0x9f: {  	_ =	swait.ge [sflag:s18], $0x80  }
0xa0: {  	[sflag:s18] =	ssyncset.done $0x0  }
0xa1: {  	[sflag:s18] =	ssyncadd.s32 $0xFFFFFF80  }
0xa2: {  	_ =	swait.ge [sflag:s28], $0x4000  }
0xa3: {  	[sflag:s28] =	ssyncset.done $0x0  }
0xa4: {  	[sflag:s28] =	ssyncadd.s32 $0xFFFFC000  }
0xa5: {  	[tilespmem:s24], [sflag:$0x2] =	stream.indirect.gather [hbm4b:s4+s21], $0x80, s22, s21, $0xb8;
	[tilespmem:$0x1C300] =	vst v63  }
0xa6: {  	_ =	swait.ge [sflag:s25], $0x4000  }
0xa7: {  	[sflag:s25] =	ssyncset.done $0x0  }
0xa8: {  	[sflag:s25] =	ssyncadd.s32 $0xFFFFC000  }
0xa9: {  	[spmem:s2] =	stream.indirect.scatter.add.f32 [tilespmem:s3], [sflag:$0x1], $0x80, s26, s21, $0xb8;
	[tilespmem:$0x1C300] =	vst v63  }
0xaa: {  	s7 =	sadd.s32 $0x40, s31  }
0xab: {  	[tilespmem:s19], [sflag:$0x3] =	stream.linear.gather [hbm4b:s7+s3], $0x80, $0x38;
	[tilespmem:$0x1C300] =	vst v63  }
0xac: {  	_ =	swait.ge [sflag:s18], $0x80  }
0xad: {  	[sflag:s18] =	ssyncset.done $0x0  }
0xae: {  	[sflag:s18] =	ssyncadd.s32 $0xFFFFFF80  }
0xaf: {  	v3 =	vld [tilespmem:$0x8020]  }
0xb0: {  	v7 =	vld [tilespmem:$0x8040]  }
0xb1: {  	v2 =	vld [tilespmem:$0x8060]  }
0xb2: {  	v5 =	vld [tilespmem:$0x8070]  }
0xb3: {  	v6 =	vld [tilespmem:$0x8050]  }
0xb4: {  	v4 =	vld [tilespmem:$0x8000];
	v8 =	vadd.s32 v0, v3  }
0xb5: {  	s1 =	simm.s32 $0x40;
	v3 =	vld [tilespmem:$0x8010];
	v7 =	vadd.s32 v0, v7;
	[tilespmem:$0x8020] =	vst v8  }
.LBB2_4:
0xb6: {  	p0 =	sne.s32 s1, $0x980;
	v8 =	vld [tilespmem:$0x8030];
	s6 =	smov.u32 s1;
	s1 =	sadd.s32 $0x40, s1  }
0xb7: {  	[tilespmem:$0x8040] =	vst v7;
	v5 =	vadd.s32 v0, v5  }
0xb8: {  	v6 =	vadd.s32 v0, v6;
	[tilespmem:$0x8070] =	vst v5  }
0xb9: {  	v4 =	vadd.s32 v0, v4;
	[tilespmem:$0x8050] =	vst v6  }
0xba: {  	v2 =	vadd.s32 v0, v2;
	[tilespmem:$0x8000] =	vst v4;
	v3 =	vadd.s32 v0, v3  }
0xbb: {  	[tilespmem:$0x8010] =	vst v3;
	v3 =	vadd.s32 v0, v8  }
0xbc: {  	[tilespmem:$0x8060] =	vst v2  }
0xbd: {  	s7 =	sadd.s32 $0x40, s0;
	[tilespmem:$0x8030] =	vst v3  }
0xbe: {  	[tilespmem:s20], [sflag:$0x3] =	stream.linear.gather [hbm4b:s7+s3], $0x80, $0x38;
	[tilespmem:$0x1C300] =	vst v63  }
0xbf: {  	_ =	swait.ge [sflag:s18], $0x80  }
0xc0: {  	[sflag:s18] =	ssyncset.done $0x0  }
0xc1: {  	[sflag:s18] =	ssyncadd.s32 $0xFFFFFF80  }
0xc2: {  	_ =	swait.ge [sflag:s25], $0x4000  }
0xc3: {  	[sflag:s25] =	ssyncset.done $0x0  }
0xc4: {  	[sflag:s25] =	ssyncadd.s32 $0xFFFFC000  }
0xc5: {  	[tilespmem:s3], [sflag:$0x1] =	stream.indirect.gather [hbm4b:s4+s21], $0x80, s19, s21, $0xb8;
	[tilespmem:$0x1C300] =	vst v63  }
0xc6: {  	_ =	swait.ge [sflag:s28], $0x4000  }
0xc7: {  	[sflag:s28] =	ssyncset.done $0x0  }
0xc8: {  	[sflag:s28] =	ssyncadd.s32 $0xFFFFC000  }
0xc9: {  	[spmem:s2] =	stream.indirect.scatter.add.f32 [tilespmem:s24], [sflag:$0x2], $0x80, s29, s21, $0xb8;
	[tilespmem:$0x1C300] =	vst v63  }
0xca: {  	s7 =	sadd.s32 $0x50, s31  }
0xcb: {  	[tilespmem:s22], [sflag:$0x3] =	stream.linear.gather [hbm4b:s7+s3], $0x80, $0x38;
	[tilespmem:$0x1C300] =	vst v63  }
0xcc: {  	_ =	swait.ge [sflag:s18], $0x80  }
0xcd: {  	[sflag:s18] =	ssyncset.done $0x0  }
0xce: {  	[sflag:s18] =	ssyncadd.s32 $0xFFFFFF80  }
0xcf: {  	v2 =	vld [tilespmem:$0x8080]  }
0xd0: {  	v3 =	vld [tilespmem:$0x8090]  }
0xd1: {  	v4 =	vld [tilespmem:$0x80A0]  }
0xd2: {  	v5 =	vld [tilespmem:$0x80B0]  }
0xd3: {  	v6 =	vld [tilespmem:$0x80C0]  }
0xd4: {  	v2 =	vadd.s32 v0, v2;
	v7 =	vld [tilespmem:$0x80D0]  }
0xd5: {  	[tilespmem:$0x8080] =	vst v2;
	v2 =	vadd.s32 v0, v3;
	v3 =	vld [tilespmem:$0x80F0]  }
0xd6: {  	[tilespmem:$0x8090] =	vst v2;
	v2 =	vadd.s32 v0, v4;
	v4 =	vld [tilespmem:$0x80E0]  }
0xd7: {  	[tilespmem:$0x80A0] =	vst v2;
	v2 =	vadd.s32 v0, v5  }
0xd8: {  	[tilespmem:$0x80B0] =	vst v2;
	v2 =	vadd.s32 v0, v6  }
0xd9: {  	[tilespmem:$0x80C0] =	vst v2;
	v2 =	vadd.s32 v0, v7  }
0xda: {  	[tilespmem:$0x80D0] =	vst v2;
	v2 =	vadd.s32 v0, v3  }
0xdb: {  	v3 =	vadd.s32 v0, v4;
	[tilespmem:$0x80F0] =	vst v2  }
0xdc: {  	s0 =	sadd.s32 $0x50, s0;
	[tilespmem:$0x80E0] =	vst v3  }
0xdd: {  	[tilespmem:s23], [sflag:$0x3] =	stream.linear.gather [hbm4b:s0+s3], $0x80, $0x38;
	[tilespmem:$0x1C300] =	vst v63  }
0xde: {  	_ =	swait.ge [sflag:s18], $0x80  }
0xdf: {  	[sflag:s18] =	ssyncset.done $0x0  }
0xe0: {  	[sflag:s18] =	ssyncadd.s32 $0xFFFFFF80  }
0xe1: {  	_ =	swait.ge [sflag:s28], $0x4000  }
0xe2: {  	[sflag:s28] =	ssyncset.done $0x0  }
0xe3: {  	[sflag:s28] =	ssyncadd.s32 $0xFFFFC000  }
0xe4: {  	[tilespmem:s24], [sflag:$0x2] =	stream.indirect.gather [hbm4b:s4+s21], $0x80, s22, s21, $0xb8;
	[tilespmem:$0x1C300] =	vst v63  }
0xe5: {  	_ =	swait.ge [sflag:s25], $0x4000  }
0xe6: {  	[sflag:s25] =	ssyncset.done $0x0  }
0xe7: {  	s31 =	sadd.s32 s6, s17;
	[sflag:s25] =	ssyncadd.s32 $0xFFFFC000  }
0xe8: {  	[spmem:s2] =	stream.indirect.scatter.add.f32 [tilespmem:s3], [sflag:$0x1], $0x80, s20, s21, $0xb8;
	[tilespmem:$0x1C300] =	vst v63  }
0xe9: {  	s0 =	sadd.s32 $0x20, s31  }
0xea: {  	[tilespmem:s19], [sflag:$0x3] =	stream.linear.gather [hbm4b:s0+s3], $0x80, $0x38;
	[tilespmem:$0x1C300] =	vst v63  }
0xeb: {  	_ =	swait.ge [sflag:s18], $0x80  }
0xec: {  	[sflag:s18] =	ssyncset.done $0x0  }
0xed: {  	[sflag:s18] =	ssyncadd.s32 $0xFFFFFF80  }
0xee: {  	v2 =	vld [tilespmem:$0x8070]  }
0xef: {  	v3 =	vld [tilespmem:$0x8000]  }
0xf0: {  	v4 =	vld [tilespmem:$0x8030]  }
0xf1: {  	v5 =	vld [tilespmem:$0x8040]  }
0xf2: {  	v6 =	vld [tilespmem:$0x8060]  }
0xf3: {  	v7 =	vld [tilespmem:$0x8010]  }
0xf4: {  	v2 =	vadd.s32 v0, v2;
	v3 =	vadd.s32 v0, v3;
	v8 =	vld [tilespmem:$0x8020]  }
0xf5: {  	[tilespmem:$0x8000] =	vst v3;
	v3 =	vadd.s32 v0, v4;
	v4 =	vld [tilespmem:$0x8050]  }
0xf6: {  	v5 =	vadd.s32 v0, v5;
	[tilespmem:$0x8070] =	vst v2  }
0xf7: {  	[tilespmem:$0x8030] =	vst v3;
	v2 =	vadd.s32 v0, v6  }
0xf8: {  	v3 =	vadd.s32 v0, v7;
	[tilespmem:$0x8060] =	vst v2  }
0xf9: {  	v2 =	vadd.s32 v0, v8;
	[tilespmem:$0x8040] =	vst v5  }
0xfa: {  	[tilespmem:$0x8020] =	vst v2;
	v2 =	vadd.s32 v0, v4  }
0xfb: {  	s0 =	sadd.s32 s6, s16;
	[tilespmem:$0x8050] =	vst v2  }
0xfc: {  	s6 =	sadd.s32 $0x20, s0;
	[tilespmem:$0x8010] =	vst v3  }
0xfd: {  	[tilespmem:s26], [sflag:$0x3] =	stream.linear.gather [hbm4b:s6+s3], $0x80, $0x38;
	[tilespmem:$0x1C300] =	vst v63  }
0xfe: {  	_ =	swait.ge [sflag:s18], $0x80  }
0xff: {  	[sflag:s18] =	ssyncset.done $0x0  }
0x100: {  	[sflag:s18] =	ssyncadd.s32 $0xFFFFFF80  }
0x101: {  	_ =	swait.ge [sflag:s25], $0x4000  }
0x102: {  	[sflag:s25] =	ssyncset.done $0x0  }
0x103: {  	[sflag:s25] =	ssyncadd.s32 $0xFFFFC000  }
0x104: {  	[tilespmem:s3], [sflag:$0x1] =	stream.indirect.gather [hbm4b:s4+s21], $0x80, s19, s21, $0xb8;
	[tilespmem:$0x1C300] =	vst v63  }
0x105: {  	_ =	swait.ge [sflag:s28], $0x4000  }
0x106: {  	[sflag:s28] =	ssyncset.done $0x0  }
0x107: {  	[sflag:s28] =	ssyncadd.s32 $0xFFFFC000  }
0x108: {  	[spmem:s2] =	stream.indirect.scatter.add.f32 [tilespmem:s24], [sflag:$0x2], $0x80, s23, s21, $0xb8;
	[tilespmem:$0x1C300] =	vst v63  }
0x109: {  	s6 =	sadd.s32 $0x30, s31  }
0x10a: {  	[tilespmem:s22], [sflag:$0x3] =	stream.linear.gather [hbm4b:s6+s3], $0x80, $0x38;
	[tilespmem:$0x1C300] =	vst v63  }
0x10b: {  	_ =	swait.ge [sflag:s18], $0x80  }
0x10c: {  	[sflag:s18] =	ssyncset.done $0x0  }
0x10d: {  	[sflag:s18] =	ssyncadd.s32 $0xFFFFFF80  }
0x10e: {  	v2 =	vld [tilespmem:$0x8090]  }
0x10f: {  	v3 =	vld [tilespmem:$0x80A0]  }
0x110: {  	v4 =	vld [tilespmem:$0x80B0]  }
0x111: {  	v5 =	vld [tilespmem:$0x80C0]  }
0x112: {  	v6 =	vld [tilespmem:$0x80D0]  }
0x113: {  	v7 =	vld [tilespmem:$0x8080];
	v2 =	vadd.s32 v0, v2  }
0x114: {  	v3 =	vadd.s32 v0, v3;
	v8 =	vld [tilespmem:$0x80E0]  }
0x115: {  	[tilespmem:$0x80A0] =	vst v3;
	v3 =	vadd.s32 v0, v4;
	v4 =	vld [tilespmem:$0x80F0]  }
0x116: {  	[tilespmem:$0x80B0] =	vst v3;
	v3 =	vadd.s32 v0, v5  }
0x117: {  	[tilespmem:$0x80C0] =	vst v3;
	v3 =	vadd.s32 v0, v6  }
0x118: {  	v5 =	vadd.s32 v0, v7;
	[tilespmem:$0x80D0] =	vst v3  }
0x119: {  	[tilespmem:$0x8080] =	vst v5;
	v3 =	vadd.s32 v0, v8  }
0x11a: {  	[tilespmem:$0x80E0] =	vst v3;
	v3 =	vadd.s32 v0, v4  }
0x11b: {  	[tilespmem:$0x8090] =	vst v2  }
0x11c: {  	s6 =	sadd.s32 $0x30, s0;
	[tilespmem:$0x80F0] =	vst v3  }
0x11d: {  	[tilespmem:s29], [sflag:$0x3] =	stream.linear.gather [hbm4b:s6+s3], $0x80, $0x38;
	[tilespmem:$0x1C300] =	vst v63  }
0x11e: {  	_ =	swait.ge [sflag:s18], $0x80  }
0x11f: {  	[sflag:s18] =	ssyncset.done $0x0  }
0x120: {  	[sflag:s18] =	ssyncadd.s32 $0xFFFFFF80  }
0x121: {  	_ =	swait.ge [sflag:s28], $0x4000  }
0x122: {  	[sflag:s28] =	ssyncset.done $0x0  }
0x123: {  	[sflag:s28] =	ssyncadd.s32 $0xFFFFC000  }
0x124: {  	[tilespmem:s24], [sflag:$0x2] =	stream.indirect.gather [hbm4b:s4+s21], $0x80, s22, s21, $0xb8;
	[tilespmem:$0x1C300] =	vst v63  }
0x125: {  	_ =	swait.ge [sflag:s25], $0x4000  }
0x126: {  	[sflag:s25] =	ssyncset.done $0x0  }
0x127: {  	[sflag:s25] =	ssyncadd.s32 $0xFFFFC000  }
0x128: {  	[spmem:s2] =	stream.indirect.scatter.add.f32 [tilespmem:s3], [sflag:$0x1], $0x80, s26, s21, $0xb8;
	[tilespmem:$0x1C300] =	vst v63  }
0x129: {  	s6 =	sadd.s32 $0x40, s31  }
0x12a: {  	[tilespmem:s19], [sflag:$0x3] =	stream.linear.gather [hbm4b:s6+s3], $0x80, $0x38;
	[tilespmem:$0x1C300] =	vst v63  }
0x12b: {  	_ =	swait.ge [sflag:s18], $0x80  }
0x12c: {  	[sflag:s18] =	ssyncset.done $0x0  }
0x12d: {  	[sflag:s18] =	ssyncadd.s32 $0xFFFFFF80  }
0x12e: {  	v3 =	vld [tilespmem:$0x8020]  }
0x12f: {  	v7 =	vld [tilespmem:$0x8040]  }
.Ltmp1:
0x130: {  	v2 =	vld [tilespmem:$0x8060];
	(pc) =	sbr.rel @p0 .LBB2_4-.Ltmp1, $4  }
0x131: {  	v5 =	vld [tilespmem:$0x8070]  }
0x132: {  	v6 =	vld [tilespmem:$0x8050]  }
0x133: {  	v4 =	vld [tilespmem:$0x8000];
	v8 =	vadd.s32 v0, v3  }
0x134: {  	v3 =	vld [tilespmem:$0x8010];
	[tilespmem:$0x8020] =	vst v8;
	v7 =	vadd.s32 v0, v7  }
0x135: {  	v8 =	vld [tilespmem:$0x8030];
	[tilespmem:$0x8040] =	vst v7;
	v2 =	vadd.s32 v0, v2  }
0x136: {  	v5 =	vadd.s32 v0, v5;
	[tilespmem:$0x8060] =	vst v2  }
0x137: {  	v6 =	vadd.s32 v0, v6;
	[tilespmem:$0x8070] =	vst v5  }
0x138: {  	v4 =	vadd.s32 v0, v4;
	[tilespmem:$0x8050] =	vst v6  }
0x139: {  	[tilespmem:$0x8000] =	vst v4;
	v3 =	vadd.s32 v0, v3  }
0x13a: {  	[tilespmem:$0x8010] =	vst v3;
	v3 =	vadd.s32 v0, v8  }
0x13b: {  	s1 =	sadd.s32 $0x40, s0;
	[tilespmem:$0x8030] =	vst v3  }
0x13c: {  	[tilespmem:s20], [sflag:$0x3] =	stream.linear.gather [hbm4b:s1+s3], $0x80, $0x38;
	[tilespmem:$0x1C300] =	vst v63  }
0x13d: {  	_ =	swait.ge [sflag:s18], $0x80  }
0x13e: {  	[sflag:s18] =	ssyncset.done $0x0  }
0x13f: {  	[sflag:s18] =	ssyncadd.s32 $0xFFFFFF80  }
0x140: {  	_ =	swait.ge [sflag:s25], $0x4000  }
0x141: {  	[sflag:s25] =	ssyncset.done $0x0  }
0x142: {  	[sflag:s25] =	ssyncadd.s32 $0xFFFFC000  }
0x143: {  	[tilespmem:s3], [sflag:$0x1] =	stream.indirect.gather [hbm4b:s4+s21], $0x80, s19, s21, $0xb8;
	[tilespmem:$0x1C300] =	vst v63  }
0x144: {  	_ =	swait.ge [sflag:s28], $0x4000  }
0x145: {  	[sflag:s28] =	ssyncset.done $0x0  }
0x146: {  	[sflag:s28] =	ssyncadd.s32 $0xFFFFC000  }
0x147: {  	[spmem:s2] =	stream.indirect.scatter.add.f32 [tilespmem:s24], [sflag:$0x2], $0x80, s29, s21, $0xb8;
	[tilespmem:$0x1C300] =	vst v63  }
0x148: {  	s31 =	sadd.s32 $0x50, s31  }
0x149: {  	[tilespmem:s22], [sflag:$0x3] =	stream.linear.gather [hbm4b:s31+s3], $0x80, $0x38;
	[tilespmem:$0x1C300] =	vst v63  }
0x14a: {  	_ =	swait.ge [sflag:s18], $0x80  }
0x14b: {  	[sflag:s18] =	ssyncset.done $0x0  }
0x14c: {  	[sflag:s18] =	ssyncadd.s32 $0xFFFFFF80  }
0x14d: {  	v2 =	vld [tilespmem:$0x8080]  }
0x14e: {  	v3 =	vld [tilespmem:$0x8090]  }
0x14f: {  	v59 =	vld [tilespmem:$0x80A0]  }
0x150: {  	v60 =	vld [tilespmem:$0x80B0]  }
0x151: {  	v61 =	vld [tilespmem:$0x80C0]  }
0x152: {  	v62 =	vld [tilespmem:$0x80D0];
	v2 =	vadd.s32 v0, v2  }
0x153: {  	[tilespmem:$0x8080] =	vst v2;
	v2 =	vadd.s32 v0, v3;
	v3 =	vld [tilespmem:$0x80F0]  }
0x154: {  	v63 =	vld [tilespmem:$0x80E0];
	[tilespmem:$0x8090] =	vst v2;
	v2 =	vadd.s32 v0, v59  }
0x155: {  	[tilespmem:$0x80A0] =	vst v2;
	v2 =	vadd.s32 v0, v60  }
0x156: {  	[tilespmem:$0x80B0] =	vst v2;
	v2 =	vadd.s32 v0, v61  }
0x157: {  	[tilespmem:$0x80C0] =	vst v2;
	v2 =	vadd.s32 v0, v62  }
0x158: {  	[tilespmem:$0x80D0] =	vst v2;
	v2 =	vadd.s32 v0, v3  }
0x159: {  	v3 =	vadd.s32 v0, v63;
	[tilespmem:$0x80F0] =	vst v2  }
0x15a: {  	s6 =	sadd.s32 $0x50, s0;
	[tilespmem:$0x80E0] =	vst v3  }
0x15b: {  	[tilespmem:s23], [sflag:$0x3] =	stream.linear.gather [hbm4b:s6+s3], $0x80, $0x38;
	[tilespmem:$0x1C300] =	vst v63  }
0x15c: {  	_ =	swait.ge [sflag:s18], $0x80  }
0x15d: {  	[sflag:s18] =	ssyncset.done $0x0  }
0x15e: {  	[sflag:s18] =	ssyncadd.s32 $0xFFFFFF80  }
0x15f: {  	_ =	swait.ge [sflag:s28], $0x4000  }
0x160: {  	[sflag:s28] =	ssyncset.done $0x0  }
0x161: {  	[sflag:s28] =	ssyncadd.s32 $0xFFFFC000  }
0x162: {  	[tilespmem:s24], [sflag:$0x2] =	stream.indirect.gather [hbm4b:s4+s21], $0x80, s22, s21, $0xb8;
	[tilespmem:$0x1C300] =	vst v63  }
0x163: {  	_ =	swait.ge [sflag:s25], $0x4000  }
0x164: {  	[sflag:s25] =	ssyncset.done $0x0  }
0x165: {  	[sflag:s25] =	ssyncadd.s32 $0xFFFFC000  }
0x166: {  	[spmem:s2] =	stream.indirect.scatter.add.f32 [tilespmem:s3], [sflag:$0x1], $0x80, s20, s21, $0xb8;
	[tilespmem:$0x1C300] =	vst v63  }
0x167: {  	_ =	swait.ge [sflag:s25], $0x4000  }
0x168: {  	[sflag:s25] =	ssyncset.done $0x0  }
0x169: {  	[sflag:s25] =	ssyncadd.s32 $0xFFFFC000  }
0x16a: {  	_ =	swait.ge [sflag:s28], $0x4000  }
0x16b: {  	[sflag:s28] =	ssyncset.done $0x0  }
0x16c: {  	[sflag:s28] =	ssyncadd.s32 $0xFFFFC000  }
0x16d: {  	[spmem:s2] =	stream.indirect.scatter.add.f32 [tilespmem:s24], [sflag:$0x2], $0x80, s23, s21, $0xb8;
	[tilespmem:$0x1C300] =	vst v63  }
0x16e: {  	s7 =	stileid.u32;
	_ =	swait.ge [sflag:s28], $0x4000  }
0x16f: {  	s30 =	sadd.s32 $0x1, s30;
	s0 =	sshll.u32 s7, $0x6;
	[sflag:s28] =	ssyncset.done $0x0  }
0x170: {  	p0 =	sne.s32 s30, s15;
	s0 =	sor.u32 $0x1C03, s0;
	[sflag:s28] =	ssyncadd.s32 $0xFFFFC000  }
.Ltmp2:
0x171: {  	s31 =	sshrl.u32 s5, $0x3;
	[bflag:$0x0] =	sbarrier.arrive $0xFFFF;
	(pc) =	sbr.rel @p0 .LBB2_1-.Ltmp2, $4  }
0x172: {  	[hbm:s14], [sflag:s0] =	dma.local [spmem:s31], $0x2800  }
0x173: {  	_ =	swait.ge [sflag:s18], $0x2800  }
0x174: {  	[sflag:s18] =	ssyncset.done $0x0  }
0x175: {  	[sflag:s18] =	ssyncadd.s32 $0xFFFFD800  }
0x176: {  	_ =	sfence.sel $0x180000  }
0x177: {  	[bflag:$0x0] =	sbarrier.arrive $0xFFFF  }
0x178: {  	_ =	strace $0x9000004D  }
0x179: {  	s0 =	stileid.u32;
	[bflag:$0x2] =	sbarrier.arrive $0xFFFF  }
0x17a: {  	p0 =	sne.s32 s0, $0x0;
	s0 =	rddreg [dreg:$0x2]  }
0x17b: {  	s0 =	sadd.s32 @!p0 $0x100000, s0  }
0x17c: {  	[sflag:s0] =	ssyncadd.tile.s32 @!p0 $0x1;
	_ =	shalt  }
.Lfunc_end2:
_tile_overlayer_lowered:
.L_overlay_start_2:
0x17d: {  	(tag) =	ssettag $0x2  }
0x17e: {  	s0 =	rddreg [dreg:$0x0];
	s2 =	stileid.u32  }
0x17f: {  	s1 =	rddreg [dreg:$0x1];
	p0 =	sne.s32 s2, $0x0  }
0x180: {  	s3 =	rddreg [dreg:$0x2];
	[bflag:$0x3] =	sbarrier.arrive $0xFFFF;
	s2 =	simm.s32 @!p0 $0x1C03  }
0x181: {  	[timem:s3], [sflag:s2] =	dma.local @!p0 [hbm:s0], s1  }
0x182: {  	s0 =	simm.s32 @!p0 $0x3  }
0x183: {  	_ =	swait.ge @!p0 [sflag:s0], s1  }
0x184: {  	s1 =	ssub.s32 @!p0 $0x0, s1;
	[sflag:s0] =	ssyncset.done @!p0 $0x0  }
0x185: {  	[sflag:s0] =	ssyncadd.s32 @!p0 s1  }
0x186: {  	[bflag:$0x3] =	sbarrier.arrive $0xFFFF  }
0x187: {  	_ =	shalt  }

// kernel: kernel.19.cloned.1.call-start
scs
__scs_entry_jumppad:
0x0: {  	(pc) =	sbr.rel $0x88, $3  }
0x1: {  	(tag) =	ssettag $0x0;
	lr =	simm.s32 $0x1  }
0x2: {  	[smem:$0x3F94] =	sst lr;
	_ =	strace $0xD0000000  }
0x3: {  	_ = 	snop  }
0x4: {  	_ = 	snop  }
0x5: {  	_ = 	snop  }
0x6: {  	_ = 	snop  }
0x7: {  	_ = 	snop  }
__scs_overlays_trampoline_lowered:
0x8: {  	[smem:$0x3FA3] =	sst s0  }
0x9: {  	[smem:$0x3FA4] =	sst s1  }
0xa: {  	[smem:$0x3FA5] =	sst s2  }
0xb: {  	[smem:$0x3FA6] =	sst s3  }
0xc: {  	[smem:$0x3FA7] =	sst s4  }
0xd: {  	[smem:$0x3FA8] =	sst s5  }
0xe: {  	[smem:$0x3FA9] =	sst s6  }
0xf: {  	[smem:$0x3FAA] =	sst s7  }
0x10: {  	[smem:$0x3FAB] =	sst s8  }
0x11: {  	[smem:$0x3FAC] =	sst s9;
	s0 =	simm.s32 @!p0 $0x0  }
0x12: {  	s1 =	sld [smem:$0x3F92];
	s0 =	simm.s32 @p0 $0x1  }
0x13: {  	[smem:$0x3FAD] =	sst s0;
	s0 =	simm.s32 @!p1 $0x0  }
0x14: {  	s2 =	sld [smem:$0x3F91];
	s0 =	simm.s32 @p1 $0x1  }
0x15: {  	[smem:$0x3FAE] =	sst s0;
	s0 =	simm.s32 @!p2 $0x0  }
0x16: {  	s3 =	sld [smem:$0x3FDB];
	s0 =	simm.s32 @p2 $0x1  }
0x17: {  	s4 =	simm.s32 $0x1BF5;
	[smem:$0x3FB0] =	sst s0  }
0x18: {  	s0 =	sld [smem:$0x3F93];
	_ =	swait.ge [sflag:s4], $0x0  }
0x19: {  	s7 =	sld [smem:$0x3F94]  }
0x1a: {  	s8 =	sadd.s32 $0xFFFFE003, lr  }
0x1b: {  	s9 =	sadd.s32 $0xFFFFFEF7, lr;
	s5 =	simm.s32 $0xFFFFFFFF;
	p2 =	slt.u32 s8, $0xFFFFF086  }
0x1c: {  	p1 =	slt.u32 s9, $0xF7A;
	s5 =	simm.s32 @!p2 $0x0  }
0x1d: {  	s5 =	simm.s32 @p1 $0x1;
	p0 =	seq.s32 s7, s2  }
0x1e: {  	s7 =	smul.u32 @!p0 $0xF7A, s2;
	p2 =	seq.s32 @!p0 s5, $0x0  }
0x1f: {  	s9 =	smul.u32 $0xF7A, s1;
	s8 =	simm.s32 @!p0 $0x1BF5;
	p2 =	por !p2, p0  }
0x20: {  	[sflag:s8] =	ssyncset.s32 @!p0 $0xFFFFF086;
	s6 =	sadd.s32 @!p0 s3, s7;
	s7 =	simm.s32 @!p0 $0x108  }
0x21: {  	s3 =	sadd.s32 s3, s9;
	s6 =	sadd.s32 @!p0 $0x88, s6;
	s7 =	simm.s32 @p2 $0x1082  }
0x22: {  	[simem:s7], [sflag:s8] =	dma.local @!p0 [hbm:s6], $0xF7A  }
0x23: {  	s9 =	sor.u32 $0xD0000000, s2;
	s6 =	simm.s32 $0x108;
	_ =	swait.ge @!p0 [sflag:s8], $0x0  }
0x24: {  	s3 =	sadd.s32 $0x88, s3;
	s6 =	simm.s32 @!p1 $0x1082;
	[sflag:s4] =	ssyncset.s32 $0xFFFFF086  }
0x25: {  	[simem:s6], [sflag:s4] =	dma.local [hbm:s3], $0xF7A  }
0x26: {  	[smem:$0x3F94] =	sst s1;
	(tag) =	ssettag s2;
	_ =	strace s9  }
0x27: {  	s1 =	sld [smem:$0x3FA4]  }
0x28: {  	s2 =	sld [smem:$0x3FA5]  }
0x29: {  	s4 =	sld [smem:$0x3FA7]  }
0x2a: {  	p0 =	seq.s32 s5, $0x0;
	s5 =	sld [smem:$0x3FA8]  }
0x2b: {  	s6 =	sld [smem:$0x3FA9]  }
0x2c: {  	s7 =	sld [smem:$0x3FAA]  }
0x2d: {  	s3 =	simm.s32 $0x108;
	s8 =	sld [smem:$0x3FAB]  }
0x2e: {  	s3 =	simm.s32 @!p0 $0x1082;
	s9 =	sld [smem:$0x3FAC]  }
0x2f: {  	lr =	sadd.s32 s0, s3;
	s0 =	sld [smem:$0x3FA3]  }
0x30: {  	s3 =	sld [smem:$0x3FA6]  }
0x31: {  	[smem:$0x3FAF] =	sst s10  }
0x32: {  	s10 =	sld [smem:$0x3FAD];
	_ =	sdelay $0x3  }
0x33: {  	p0 =	seq.s32 s10, $0x1;
	s10 =	sld [smem:$0x3FAF];
	_ =	sdelay $0x3  }
0x34: {  	[smem:$0x3FAF] =	sst s10  }
0x35: {  	s10 =	sld [smem:$0x3FAE];
	_ =	sdelay $0x3  }
0x36: {  	p1 =	seq.s32 s10, $0x1;
	s10 =	sld [smem:$0x3FAF];
	_ =	sdelay $0x3  }
0x37: {  	[smem:$0x3FAF] =	sst s10  }
0x38: {  	s10 =	sld [smem:$0x3FB0]  }
0x39: {  	_ = 	snop;
	(pc) =	sbr.ind lr, $3  }
0x3a: {  	_ = 	snop  }
0x3b: {  	_ = 	snop  }
0x3c: {  	p2 =	seq.s32 s10, $0x1;
	s10 =	sld [smem:$0x3FAF]  }
0x3d: {  	_ =	shalt  }
0x3e: {  	_ =	shalt  }
0x3f: {  	_ =	shalt  }
0x40: {  	_ =	shalt  }
0x41: {  	_ =	shalt  }
0x42: {  	_ =	shalt  }
0x43: {  	_ =	shalt  }
0x44: {  	_ =	shalt  }
0x45: {  	_ =	shalt  }
0x46: {  	_ =	shalt  }
0x47: {  	_ =	shalt  }
0x48: {  	_ =	shalt  }
0x49: {  	_ =	shalt  }
0x4a: {  	_ =	shalt  }
0x4b: {  	_ =	shalt  }
0x4c: {  	_ =	shalt  }
0x4d: {  	_ =	shalt  }
0x4e: {  	_ =	shalt  }
0x4f: {  	_ =	shalt  }
0x50: {  	_ =	shalt  }
0x51: {  	_ =	shalt  }
0x52: {  	_ =	shalt  }
0x53: {  	_ =	shalt  }
0x54: {  	_ =	shalt  }
0x55: {  	_ =	shalt  }
0x56: {  	_ =	shalt  }
0x57: {  	_ =	shalt  }
0x58: {  	_ =	shalt  }
0x59: {  	_ =	shalt  }
0x5a: {  	_ =	shalt  }
0x5b: {  	_ =	shalt  }
0x5c: {  	_ =	shalt  }
0x5d: {  	_ =	shalt  }
0x5e: {  	_ =	shalt  }
0x5f: {  	_ =	shalt  }
0x60: {  	_ =	shalt  }
0x61: {  	_ =	shalt  }
0x62: {  	_ =	shalt  }
0x63: {  	_ =	shalt  }
0x64: {  	_ =	shalt  }
0x65: {  	_ =	shalt  }
0x66: {  	_ =	shalt  }
0x67: {  	_ =	shalt  }
0x68: {  	_ =	shalt  }
0x69: {  	_ =	shalt  }
0x6a: {  	_ =	shalt  }
0x6b: {  	_ =	shalt  }
0x6c: {  	_ =	shalt  }
0x6d: {  	_ =	shalt  }
0x6e: {  	_ =	shalt  }
0x6f: {  	_ =	shalt  }
0x70: {  	_ =	shalt  }
0x71: {  	_ =	shalt  }
0x72: {  	_ =	shalt  }
0x73: {  	_ =	shalt  }
0x74: {  	_ =	shalt  }
0x75: {  	_ =	shalt  }
0x76: {  	_ =	shalt  }
0x77: {  	_ =	shalt  }
0x78: {  	_ =	shalt  }
0x79: {  	_ =	shalt  }
0x7a: {  	_ =	shalt  }
0x7b: {  	_ =	shalt  }
0x7c: {  	_ =	shalt  }
0x7d: {  	_ =	shalt  }
0x7e: {  	_ =	shalt  }
0x7f: {  	_ =	shalt  }
0x80: {  	_ =	shalt  }
0x81: {  	_ =	shalt  }
0x82: {  	_ =	shalt  }
0x83: {  	_ =	shalt  }
0x84: {  	_ =	shalt  }
0x85: {  	_ =	shalt  }
0x86: {  	_ =	shalt  }
0x87: {  	_ =	shalt  }
.Lfunc_end0:
.L_simem_size_0:
called_computation.3_lowered:
.L_overlay_start_0:
0x88: {  	s2 =	sld [smem:$0x3FD9]  }
0x89: {  	s3 =	sld [smem:$0x3FFE];
	_ =	sdelay $0x1  }
0x8a: {  	s1 =	srdreg.scid  }
0x8b: {  	s0 =	sand.u32 $0x1, s1  }
0x8c: {  	s16 =	sshll.u32 s0, $0xA;
	s2 =	sadd.s32 s3, s2  }
0x8d: {  	s2 =	sadd.s32 s2, s16  }
0x8e: {  	[smem:$0x3FBB] =	sst s2  }
0x8f: {  	_ = 	snop  }
0x90: {  	(tm) =	ssettm $0x1  }
0x91: {  	s17 =	sld [smem:$0x3FFB];
	_ =	sdelay $0x3  }
0x92: {  	_ =	strace s17  }
0x93: {  	s2 =	sld [smem:$0x3FFC];
	_ =	sdelay $0x3  }
0x94: {  	_ =	strace s2  }
0x95: {  	s2 =	sld [smem:$0x3FFD];
	_ =	sdelay $0x3  }
0x96: {  	_ =	strace s2  }
0x97: {  	_ =	strace $0x8FFFFFFF  }
0x98: {  	s18 =	sld [smem:$0x3FDB];
	_ =	sdelay $0x1  }
0x99: {  	s19 =	simm.s32 $_scs_section_size  }
0x9a: {  	s4 =	simm.s32 $_size__tile_overlayer_lowered;
	s5 =	simm.s32 $_tile_overlayer_lowered  }
0x9b: {  	s22 =	simm.s32 $0x1BFF;
	s21 =	sshll.u32 s5, $0x1;
	s2 =	sadd.s32 s19, s18  }
0x9c: {  	s6 =	simm.s32 $0x0;
	s20 =	sshll.u32 s4, $0x1;
	s4 =	sadd.s32 s21, s2  }
0x9d: {  	[timem:s6], [sflag:s22] =	dma.local [hbm:s4], s20  }
0x9e: {  	_ =	swait.ge [sflag:s22], s20  }
0x9f: {  	s3 =	ssub.s32 $0x0, s20;
	[sflag:s22] =	ssyncset.done $0x0  }
0xa0: {  	[sflag:s22] =	ssyncadd.s32 s3;
	_ =	sdelay $0x1  }
0xa1: {  	s23 =	simm.s32 $0x1B8B  }
0xa2: {  	_ =	swait.ge [sflag:s23], $0x1  }
0xa3: {  	[sflag:s23] =	ssyncset.done $0x0  }
0xa4: {  	s25 =	simm.s32 $0x1B8E;
	s24 =	sld [smem:$0x3FFE];
	[sflag:s23] =	ssyncadd.s32 $0xFFFFFFFF  }
0xa5: {  	s26 =	simm.s32 $execute0_lowered;
	[smem:$0x3FD2] =	sst s25  }
0xa6: {  	s4 =	sshll.u32 s26, $0x1;
	_ =	strace $0x8000004F;
	[dreg:$0x1] =	wrdreg $0xFFFFFFFF  }
0xa7: {  	s28 =	simm.s32 $_size_execute0_lowered;
	s2 =	sadd.s32 s2, s4;
	[dreg:$0x0] =	wrdreg $0x0  }
0xa8: {  	s4 =	sshll.u32 s28, $0x1;
	[dreg:$0x2] =	wrdreg s2  }
0xa9: {  	[dreg:$0x3] =	wrdreg s4  }
0xaa: {  	[dreg:$0x4] =	wrdreg $0xC0  }
0xab: {  	_ =	task [dreg:s6], $0x5FFFF  }
0xac: {  	[dreg:$0x1] =	wrdreg $0xFFFFFFFF  }
0xad: {  	[dreg:$0x0] =	wrdreg $0x60  }
0xae: {  	[dreg:$0x2] =	wrdreg s24  }
0xaf: {  	[dreg:$0x3] =	wrdreg $0x83000  }
0xb0: {  	[dreg:$0x4] =	wrdreg $0x9  }
0xb1: {  	_ =	task.clear_ibuf [dreg:s6], $0x5FFFF;
	_ =	strace $0x9000004F  }
0xb2: {  	s29 =	simm.s32 $0x9;
	_ =	strace $0x80000051  }
0xb3: {  	_ =	swait.ge [sflag:s29], $0x1  }
0xb4: {  	[sflag:s29] =	ssyncadd.s32 $0xFFFFFFFF  }
0xb5: {  	_ =	strace $0x90000051  }
0xb6: {  	_ =	sfence  }
0xb7: {  	s30 =	sld [smem:$0x0];
	_ =	sdelay $0x2  }
0xb8: {  	s31 =	sshll.u32 s1, $0xD;
	s1 =	sshrl.u32 s1, $0x2  }
0xb9: {  	s3 =	sand.u32 $0x4000, s31;
	s1 =	sadd.s32 s1, s30  }
0xba: {  	s0 =	sor.u32 s3, s0;
	s1 =	sshll.u32 s1, $0x11  }
0xbb: {  	s0 =	sor.u32 s1, s0  }
0xbc: {  	s0 =	sadd.s32 $0x8F2B, s0  }
0xbd: {  	[sflag:s0] =	ssyncadd.remote.s32 $0x1  }
0xbe: {  	_ =	sfence.sel $0xFFFF  }
0xbf: {  	[dreg:$0x0] =	wrdreg $0xFFFFFFFF;
	(pc) =	sbr.abs _section_cstart, $3  }
0xc0: {  	[dreg:$0x1] =	wrdreg $0xFFFFFFFF  }
0xc1: {  	_ =	task.clear_ibuf [dreg:s6], $0x2FFFF;
	_ =	strace $0x9FFFFFFF  }
0xc2: {  	(tm) =	ssettm $0x7FFFFFFF  }
0xc3: {  	_ =	shalt  }
tec
execute0_lowered:
.L_overlay_start_1:
0x0: {  	(tag) =	ssettag $0x1  }
0x1: {  	s0 =	rddreg [dreg:$0x0];
	s1 =	srdreg.scid  }
0x2: {  	s2 =	rddreg [dreg:$0x1];
	s14 =	stileid.u32;
	s3 =	simm.s32 $0x0  }
0x3: {  	s18 =	simm.s32 $0x3;
	s19 =	simm.s32 $0x8000;
	s20 =	simm.s32 $0x8100  }
0x4: {  	s21 =	simm.s32 $0x80;
	s22 =	simm.s32 $0x8080;
	s23 =	simm.s32 $0x8200  }
0x5: {  	s24 =	simm.s32 $0x4000;
	s28 =	simm.s32 $0x2;
	s6 =	smul.u32 $0x14000, s14  }
0x6: {  	s29 =	simm.s32 $0x8280;
	s30 =	simm.s32 $0x0;
	s7 =	smul.u32 $0x50000, s14  }
0x7: {  	s1 =	sand.u32 $0x1, s1;
	[smem:$0x7FF] =	sst s3;
	s9 =	smul.u32 $0x4F00, s14  }
0x8: {  	s4 =	sadd.s32 $0x17800, s0;
	s25 =	sadd.s32 $0xDA00, s0;
	s17 =	smul.u32 $0x9E0, s14  }
0x9: {  	s16 =	sadd.s32 $0x3200, s0;
	s5 =	smul.u32 $0x140000, s1;
	s26 =	ssub.s32 $0x2, s1  }
0xa: {  	_ =	strace $0x80000050;
	s1 =	smul.u32 $0x2800, s1;
	s8 =	sshrl.u32 s26, $0x1  }
0xb: {  	s7 =	sshrl.u32 s7, $0x2;
	s12 =	sshrl.u32 s9, $0x3;
	s5 =	sadd.s32 s6, s5  }
0xc: {  	s15 =	ssub.s32 s26, s8;
	s10 =	sadd.s32 s25, s12;
	s11 =	sadd.s32 s16, s12  }
0xd: {  	s13 =	sor.u32 $0x10, s12;
	s26 =	simm.s32 $0x8180;
	s5 =	sshrl.u32 s5, $0x3  }
0xe: {  	s12 =	sadd.s32 s25, s13;
	s13 =	sadd.s32 s16, s13;
	s15 =	smax.u32 s15, $0x1  }
0xf: {  	s16 =	sadd.s32 s17, s16;
	s0 =	sadd.s32 s5, s0;
	s5 =	sadd.s32 s7, s2  }
0x10: {  	s17 =	sadd.s32 s17, s25;
	s25 =	simm.s32 $0x1;
	s7 =	sadd.s32 $0x4000, s5  }
0x11: {  	s31 =	sadd.s32 $0x8000, s5;
	s8 =	sadd.s32 $0xC000, s5;
	[dreg:$0x3] =	wrdreg s7  }
0x12: {  	v1 =	vimm.f32 $0.0e+00;
	v0 =	vmov s1;
	s9 =	sadd.s32 $0x10000, s5;
	s14 =	sadd.s32 $0x67800, s0;
	[dreg:$0x4] =	wrdreg s31  }
.LBB2_1:
0x13: {  	s0 =	simm.s32 $0x0;
	s1 =	simm.s32 $0x200  }
.LBB2_2:
0x14: {  	p0 =	sne.s32 s1, $0xFE00;
	[tilespmem:s0+$0x70] =	vst v1  }
0x15: {  	[tilespmem:s0+$0x0] =	vst v1  }
0x16: {  	[tilespmem:s0+$0x10] =	vst v1  }
.Ltmp0:
0x17: {  	[tilespmem:s0+$0x20] =	vst v1;
	(pc) =	sbr.rel @p0 .LBB2_2-.Ltmp0, $4  }
0x18: {  	[tilespmem:s0+$0x30] =	vst v1  }
0x19: {  	[tilespmem:s0+$0x40] =	vst v1  }
0x1a: {  	[tilespmem:s0+$0x50] =	vst v1  }
0x1b: {  	[tilespmem:s0+$0x60] =	vst v1;
	s0 =	sshra.s32 s1, $0x2;
	s1 =	sadd.s32 $0x200, s1  }
0x1c: {  	[tilespmem:s0+$0x70] =	vst v1  }
0x1d: {  	[tilespmem:s0+$0x0] =	vst v1  }
0x1e: {  	[tilespmem:s0+$0x10] =	vst v1  }
0x1f: {  	[tilespmem:s0+$0x20] =	vst v1  }
0x20: {  	[tilespmem:s0+$0x30] =	vst v1  }
0x21: {  	[tilespmem:s0+$0x40] =	vst v1  }
0x22: {  	[tilespmem:s0+$0x50] =	vst v1  }
0x23: {  	[tilespmem:s0+$0x60] =	vst v1;
	s6 =	simm.s32 $0x0  }
0x24: {  	[spmem:s5] =	stream.linear.scatter [tilespmem:s6], [sflag:$0x3], $0x4000, $0x38;
	[tilespmem:$0x1C300] =	vst v63  }
0x25: {  	_ =	swait.ge [sflag:s18], $0x4000  }
0x26: {  	[sflag:s18] =	ssyncset.done $0x0  }
0x27: {  	s1 =	rddreg [dreg:$0x3];
	[sflag:s18] =	ssyncadd.s32 $0xFFFFC000  }
0x28: {  	[spmem:s1] =	stream.linear.scatter [tilespmem:s6], [sflag:$0x3], $0x4000, $0x38;
	[tilespmem:$0x1C300] =	vst v63  }
0x29: {  	_ =	swait.ge [sflag:s18], $0x4000  }
0x2a: {  	[sflag:s18] =	ssyncset.done $0x0  }
0x2b: {  	s7 =	rddreg [dreg:$0x4];
	[sflag:s18] =	ssyncadd.s32 $0xFFFFC000  }
0x2c: {  	[spmem:s7] =	stream.linear.scatter [tilespmem:s6], [sflag:$0x3], $0x4000, $0x38;
	[tilespmem:$0x1C300] =	vst v63  }
0x2d: {  	_ =	swait.ge [sflag:s18], $0x4000  }
0x2e: {  	[sflag:s18] =	ssyncset.done $0x0  }
0x2f: {  	[sflag:s18] =	ssyncadd.s32 $0xFFFFC000  }
0x30: {  	[spmem:s8] =	stream.linear.scatter [tilespmem:s6], [sflag:$0x3], $0x4000, $0x38;
	[tilespmem:$0x1C300] =	vst v63  }
0x31: {  	_ =	swait.ge [sflag:s18], $0x4000  }
0x32: {  	[sflag:s18] =	ssyncset.done $0x0  }
0x33: {  	[sflag:s18] =	ssyncadd.s32 $0xFFFFC000  }
0x34: {  	[spmem:s9] =	stream.linear.scatter [tilespmem:s6], [sflag:$0x3], $0x4000, $0x38;
	[tilespmem:$0x1C300] =	vst v63  }
0x35: {  	_ =	swait.ge [sflag:s18], $0x4000  }
0x36: {  	[sflag:s18] =	ssyncset.done $0x0  }
0x37: {  	[sflag:s18] =	ssyncadd.s32 $0xFFFFC000  }
0x38: {  	[bflag:$0x0] =	sbarrier.arrive $0xFFFF  }
0x39: {  	[tilespmem:s19], [sflag:$0x3] =	stream.linear.gather [hbm4b:s10+s6], $0x80, $0x38;
	[tilespmem:$0x1C300] =	vst v63  }
0x3a: {  	_ =	swait.ge [sflag:s18], $0x80  }
0x3b: {  	[sflag:s18] =	ssyncset.done $0x0  }
0x3c: {  	[sflag:s18] =	ssyncadd.s32 $0xFFFFFF80  }
0x3d: {  	[tilespmem:s20], [sflag:$0x3] =	stream.linear.gather [hbm4b:s11+s6], $0x80, $0x38;
	[tilespmem:$0x1C300] =	vst v63  }
0x3e: {  	_ =	swait.ge [sflag:s18], $0x80  }
0x3f: {  	[sflag:s18] =	ssyncset.done $0x0  }
0x40: {  	[sflag:s18] =	ssyncadd.s32 $0xFFFFFF80  }
0x41: {  	v2 =	vld [tilespmem:$0x8000]  }
0x42: {  	v3 =	vld [tilespmem:$0x8010]  }
0x43: {  	v4 =	vld [tilespmem:$0x8020]  }
0x44: {  	v5 =	vld [tilespmem:$0x8030]  }
0x45: {  	v6 =	vld [tilespmem:$0x8040]  }
0x46: {  	v7 =	vld [tilespmem:$0x8050];
	v2 =	vadd.s32 v0, v2  }
0x47: {  	[tilespmem:$0x8000] =	vst v2;
	v2 =	vadd.s32 v0, v3;
	v3 =	vld [tilespmem:$0x8060]  }
0x48: {  	[tilespmem:$0x8010] =	vst v2;
	v2 =	vadd.s32 v0, v4;
	v4 =	vld [tilespmem:$0x8070]  }
0x49: {  	[tilespmem:$0x8020] =	vst v2;
	v2 =	vadd.s32 v0, v5  }
0x4a: {  	[tilespmem:$0x8030] =	vst v2;
	v2 =	vadd.s32 v0, v6  }
0x4b: {  	[tilespmem:$0x8040] =	vst v2;
	v2 =	vadd.s32 v0, v7  }
0x4c: {  	[tilespmem:$0x8050] =	vst v2;
	v2 =	vadd.s32 v0, v3  }
0x4d: {  	[tilespmem:$0x8060] =	vst v2;
	v2 =	vadd.s32 v0, v4  }
0x4e: {  	[tilespmem:$0x8070] =	vst v2  }
0x4f: {  	[tilespmem:s6], [sflag:$0x1] =	stream.indirect.gather [hbm4b:s4+s21], $0x80, s19, s21, $0xb8;
	[tilespmem:$0x1C300] =	vst v63  }
0x50: {  	_ = 	snop  }
0x51: {  	[tilespmem:s22], [sflag:$0x3] =	stream.linear.gather [hbm4b:s12+s6], $0x80, $0x38;
	[tilespmem:$0x1C300] =	vst v63  }
0x52: {  	_ =	swait.ge [sflag:s18], $0x80  }
0x53: {  	[sflag:s18] =	ssyncset.done $0x0  }
0x54: {  	[sflag:s18] =	ssyncadd.s32 $0xFFFFFF80  }
0x55: {  	[tilespmem:s23], [sflag:$0x3] =	stream.linear.gather [hbm4b:s13+s6], $0x80, $0x38;
	[tilespmem:$0x1C300] =	vst v63  }
0x56: {  	_ =	swait.ge [sflag:s18], $0x80  }
0x57: {  	[sflag:s18] =	ssyncset.done $0x0  }
0x58: {  	[sflag:s18] =	ssyncadd.s32 $0xFFFFFF80  }
0x59: {  	v2 =	vld [tilespmem:$0x8080]  }
0x5a: {  	v3 =	vld [tilespmem:$0x8090]  }
0x5b: {  	v4 =	vld [tilespmem:$0x80A0]  }
0x5c: {  	v5 =	vld [tilespmem:$0x80B0]  }
0x5d: {  	v6 =	vld [tilespmem:$0x80C0]  }
0x5e: {  	v7 =	vld [tilespmem:$0x80D0];
	v2 =	vadd.s32 v0, v2  }
0x5f: {  	[tilespmem:$0x8080] =	vst v2;
	v2 =	vadd.s32 v0, v3;
	v3 =	vld [tilespmem:$0x80E0]  }
0x60: {  	[tilespmem:$0x8090] =	vst v2;
	v2 =	vadd.s32 v0, v4;
	v4 =	vld [tilespmem:$0x80F0]  }
0x61: {  	[tilespmem:$0x80A0] =	vst v2;
	v2 =	vadd.s32 v0, v5  }
0x62: {  	[tilespmem:$0x80B0] =	vst v2;
	v2 =	vadd.s32 v0, v6  }
0x63: {  	[tilespmem:$0x80C0] =	vst v2;
	v2 =	vadd.s32 v0, v7  }
0x64: {  	[tilespmem:$0x80D0] =	vst v2;
	v2 =	vadd.s32 v0, v3  }
0x65: {  	[tilespmem:$0x80E0] =	vst v2;
	v2 =	vadd.s32 v0, v4  }
0x66: {  	[tilespmem:$0x80F0] =	vst v2  }
0x67: {  	[tilespmem:s24], [sflag:$0x2] =	stream.indirect.gather [hbm4b:s4+s21], $0x80, s22, s21, $0xb8;
	[tilespmem:$0x1C300] =	vst v63  }
0x68: {  	_ =	swait.ge [sflag:s25], $0x4000  }
0x69: {  	[sflag:s25] =	ssyncset.done $0x0  }
0x6a: {  	s31 =	sadd.s32 $0x0, s17;
	[sflag:s25] =	ssyncadd.s32 $0xFFFFC000  }
0x6b: {  	[spmem:s2] =	stream.indirect.scatter.add.f32 [tilespmem:s3], [sflag:$0x1], $0x80, s20, s21, $0xb8;
	[tilespmem:$0x1C300] =	vst v63  }
0x6c: {  	s1 =	sadd.s32 $0x20, s31  }
0x6d: {  	[tilespmem:s19], [sflag:$0x3] =	stream.linear.gather [hbm4b:s1+s3], $0x80, $0x38;
	[tilespmem:$0x1C300] =	vst v63  }
0x6e: {  	_ =	swait.ge [sflag:s18], $0x80  }
0x6f: {  	[sflag:s18] =	ssyncset.done $0x0  }
0x70: {  	[sflag:s18] =	ssyncadd.s32 $0xFFFFFF80  }
0x71: {  	v2 =	vld [tilespmem:$0x8000]  }
0x72: {  	v3 =	vld [tilespmem:$0x8070]  }
0x73: {  	v4 =	vld [tilespmem:$0x8030]  }
0x74: {  	v5 =	vld [tilespmem:$0x8060]  }
0x75: {  	v6 =	vld [tilespmem:$0x8040]  }
0x76: {  	v7 =	vld [tilespmem:$0x8020];
	v2 =	vadd.s32 v0, v2  }
0x77: {  	v8 =	vld [tilespmem:$0x8010];
	v3 =	vadd.s32 v0, v3;
	[tilespmem:$0x8000] =	vst v2  }
0x78: {  	v4 =	vadd.s32 v0, v4;
	v2 =	vld [tilespmem:$0x8050];
	[tilespmem:$0x8070] =	vst v3  }
0x79: {  	[tilespmem:$0x8030] =	vst v4;
	v3 =	vadd.s32 v0, v5  }
0x7a: {  	v4 =	vadd.s32 v0, v6;
	[tilespmem:$0x8060] =	vst v3  }
0x7b: {  	v3 =	vadd.s32 v0, v7;
	[tilespmem:$0x8040] =	vst v4  }
0x7c: {  	[tilespmem:$0x8020] =	vst v3;
	v3 =	vadd.s32 v0, v8  }
0x7d: {  	s0 =	sadd.s32 $0x0, s16;
	[tilespmem:$0x8010] =	vst v3;
	v2 =	vadd.s32 v0, v2  }
0x7e: {  	s6 =	sadd.s32 $0x20, s0;
	[tilespmem:$0x8050] =	vst v2  }
0x7f: {  	[tilespmem:s26], [sflag:$0x3] =	stream.linear.gather [hbm4b:s6+s3], $0x80, $0x38;
	[tilespmem:$0x1C300] =	vst v63  }
0x80: {  	_ =	swait.ge [sflag:s18], $0x80  }
0x81: {  	[sflag:s18] =	ssyncset.done $0x0  }
0x82: {  	[sflag:s18] =	ssyncadd.s32 $0xFFFFFF80  }
0x83: {  	_ =	swait.ge [sflag:s25], $0x4000  }
0x84: {  	[sflag:s25] =	ssyncset.done $0x0  }
0x85: {  	[sflag:s25] =	ssyncadd.s32 $0xFFFFC000  }
0x86: {  	[tilespmem:s3], [sflag:$0x1] =	stream.indirect.gather [hbm4b:s4+s21], $0x80, s19, s21, $0xb8;
	[tilespmem:$0x1C300] =	vst v63  }
0x87: {  	_ =	swait.ge [sflag:s28], $0x4000  }
0x88: {  	[sflag:s28] =	ssyncset.done $0x0  }
0x89: {  	[sflag:s28] =	ssyncadd.s32 $0xFFFFC000  }
0x8a: {  	[spmem:s2] =	stream.indirect.scatter.add.f32 [tilespmem:s24], [sflag:$0x2], $0x80, s23, s21, $0xb8;
	[tilespmem:$0x1C300] =	vst v63  }
0x8b: {  	s7 =	sadd.s32 $0x30, s31  }
0x8c: {  	[tilespmem:s22], [sflag:$0x3] =	stream.linear.gather [hbm4b:s7+s3], $0x80, $0x38;
	[tilespmem:$0x1C300] =	vst v63  }
0x8d: {  	_ =	swait.ge [sflag:s18], $0x80  }
0x8e: {  	[sflag:s18] =	ssyncset.done $0x0  }
0x8f: {  	[sflag:s18] =	ssyncadd.s32 $0xFFFFFF80  }
0x90: {  	v2 =	vld [tilespmem:$0x80A0]  }
0x91: {  	v3 =	vld [tilespmem:$0x80B0]  }
0x92: {  	v4 =	vld [tilespmem:$0x80C0]  }
0x93: {  	v6 =	vld [tilespmem:$0x8080]  }
0x94: {  	v5 =	vld [tilespmem:$0x80D0]  }
0x95: {  	v8 =	vld [tilespmem:$0x8090];
	v2 =	vadd.s32 v0, v2  }
0x96: {  	v7 =	vld [tilespmem:$0x80E0];
	[tilespmem:$0x80A0] =	vst v2;
	v2 =	vadd.s32 v0, v3  }
0x97: {  	v3 =	vld [tilespmem:$0x80F0];
	[tilespmem:$0x80B0] =	vst v2;
	v2 =	vadd.s32 v0, v4  }
0x98: {  	v4 =	vadd.s32 v0, v6;
	[tilespmem:$0x80C0] =	vst v2  }
0x99: {  	v2 =	vadd.s32 v0, v5;
	[tilespmem:$0x8080] =	vst v4  }
0x9a: {  	v4 =	vadd.s32 v0, v8;
	[tilespmem:$0x80D0] =	vst v2  }
0x9b: {  	v2 =	vadd.s32 v0, v7;
	[tilespmem:$0x8090] =	vst v4  }
0x9c: {  	[tilespmem:$0x80E0] =	vst v2;
	v2 =	vadd.s32 v0, v3  }
0x9d: {  	s6 =	sadd.s32 $0x30, s0;
	[tilespmem:$0x80F0] =	vst v2  }
0x9e: {  	[tilespmem:s29], [sflag:$0x3] =	stream.linear.gather [hbm4b:s6+s3], $0x80, $0x38;
	[tilespmem:$0x1C300] =	vst v63  }
0x9f: {  	_ =	swait.ge [sflag:s18], $0x80  }
0xa0: {  	[sflag:s18] =	ssyncset.done $0x0  }
0xa1: {  	[sflag:s18] =	ssyncadd.s32 $0xFFFFFF80  }
0xa2: {  	_ =	swait.ge [sflag:s28], $0x4000  }
0xa3: {  	[sflag:s28] =	ssyncset.done $0x0  }
0xa4: {  	[sflag:s28] =	ssyncadd.s32 $0xFFFFC000  }
0xa5: {  	[tilespmem:s24], [sflag:$0x2] =	stream.indirect.gather [hbm4b:s4+s21], $0x80, s22, s21, $0xb8;
	[tilespmem:$0x1C300] =	vst v63  }
0xa6: {  	_ =	swait.ge [sflag:s25], $0x4000  }
0xa7: {  	[sflag:s25] =	ssyncset.done $0x0  }
0xa8: {  	[sflag:s25] =	ssyncadd.s32 $0xFFFFC000  }
0xa9: {  	[spmem:s2] =	stream.indirect.scatter.add.f32 [tilespmem:s3], [sflag:$0x1], $0x80, s26, s21, $0xb8;
	[tilespmem:$0x1C300] =	vst v63  }
0xaa: {  	s7 =	sadd.s32 $0x40, s31  }
0xab: {  	[tilespmem:s19], [sflag:$0x3] =	stream.linear.gather [hbm4b:s7+s3], $0x80, $0x38;
	[tilespmem:$0x1C300] =	vst v63  }
0xac: {  	_ =	swait.ge [sflag:s18], $0x80  }
0xad: {  	[sflag:s18] =	ssyncset.done $0x0  }
0xae: {  	[sflag:s18] =	ssyncadd.s32 $0xFFFFFF80  }
0xaf: {  	v3 =	vld [tilespmem:$0x8020]  }
0xb0: {  	v7 =	vld [tilespmem:$0x8040]  }
0xb1: {  	v2 =	vld [tilespmem:$0x8060]  }
0xb2: {  	v5 =	vld [tilespmem:$0x8070]  }
0xb3: {  	v6 =	vld [tilespmem:$0x8050]  }
0xb4: {  	v4 =	vld [tilespmem:$0x8000];
	v8 =	vadd.s32 v0, v3  }
0xb5: {  	s1 =	simm.s32 $0x40;
	v3 =	vld [tilespmem:$0x8010];
	v7 =	vadd.s32 v0, v7;
	[tilespmem:$0x8020] =	vst v8  }
.LBB2_4:
0xb6: {  	p0 =	sne.s32 s1, $0x980;
	v8 =	vld [tilespmem:$0x8030];
	s6 =	smov.u32 s1;
	s1 =	sadd.s32 $0x40, s1  }
0xb7: {  	[tilespmem:$0x8040] =	vst v7;
	v5 =	vadd.s32 v0, v5  }
0xb8: {  	v6 =	vadd.s32 v0, v6;
	[tilespmem:$0x8070] =	vst v5  }
0xb9: {  	v4 =	vadd.s32 v0, v4;
	[tilespmem:$0x8050] =	vst v6  }
0xba: {  	v2 =	vadd.s32 v0, v2;
	[tilespmem:$0x8000] =	vst v4;
	v3 =	vadd.s32 v0, v3  }
0xbb: {  	[tilespmem:$0x8010] =	vst v3;
	v3 =	vadd.s32 v0, v8  }
0xbc: {  	[tilespmem:$0x8060] =	vst v2  }
0xbd: {  	s7 =	sadd.s32 $0x40, s0;
	[tilespmem:$0x8030] =	vst v3  }
0xbe: {  	[tilespmem:s20], [sflag:$0x3] =	stream.linear.gather [hbm4b:s7+s3], $0x80, $0x38;
	[tilespmem:$0x1C300] =	vst v63  }
0xbf: {  	_ =	swait.ge [sflag:s18], $0x80  }
0xc0: {  	[sflag:s18] =	ssyncset.done $0x0  }
0xc1: {  	[sflag:s18] =	ssyncadd.s32 $0xFFFFFF80  }
0xc2: {  	_ =	swait.ge [sflag:s25], $0x4000  }
0xc3: {  	[sflag:s25] =	ssyncset.done $0x0  }
0xc4: {  	[sflag:s25] =	ssyncadd.s32 $0xFFFFC000  }
0xc5: {  	[tilespmem:s3], [sflag:$0x1] =	stream.indirect.gather [hbm4b:s4+s21], $0x80, s19, s21, $0xb8;
	[tilespmem:$0x1C300] =	vst v63  }
0xc6: {  	_ =	swait.ge [sflag:s28], $0x4000  }
0xc7: {  	[sflag:s28] =	ssyncset.done $0x0  }
0xc8: {  	[sflag:s28] =	ssyncadd.s32 $0xFFFFC000  }
0xc9: {  	[spmem:s2] =	stream.indirect.scatter.add.f32 [tilespmem:s24], [sflag:$0x2], $0x80, s29, s21, $0xb8;
	[tilespmem:$0x1C300] =	vst v63  }
0xca: {  	s7 =	sadd.s32 $0x50, s31  }
0xcb: {  	[tilespmem:s22], [sflag:$0x3] =	stream.linear.gather [hbm4b:s7+s3], $0x80, $0x38;
	[tilespmem:$0x1C300] =	vst v63  }
0xcc: {  	_ =	swait.ge [sflag:s18], $0x80  }
0xcd: {  	[sflag:s18] =	ssyncset.done $0x0  }
0xce: {  	[sflag:s18] =	ssyncadd.s32 $0xFFFFFF80  }
0xcf: {  	v2 =	vld [tilespmem:$0x8080]  }
0xd0: {  	v3 =	vld [tilespmem:$0x8090]  }
0xd1: {  	v4 =	vld [tilespmem:$0x80A0]  }
0xd2: {  	v5 =	vld [tilespmem:$0x80B0]  }
0xd3: {  	v6 =	vld [tilespmem:$0x80C0]  }
0xd4: {  	v2 =	vadd.s32 v0, v2;
	v7 =	vld [tilespmem:$0x80D0]  }
0xd5: {  	[tilespmem:$0x8080] =	vst v2;
	v2 =	vadd.s32 v0, v3;
	v3 =	vld [tilespmem:$0x80F0]  }
0xd6: {  	[tilespmem:$0x8090] =	vst v2;
	v2 =	vadd.s32 v0, v4;
	v4 =	vld [tilespmem:$0x80E0]  }
0xd7: {  	[tilespmem:$0x80A0] =	vst v2;
	v2 =	vadd.s32 v0, v5  }
0xd8: {  	[tilespmem:$0x80B0] =	vst v2;
	v2 =	vadd.s32 v0, v6  }
0xd9: {  	[tilespmem:$0x80C0] =	vst v2;
	v2 =	vadd.s32 v0, v7  }
0xda: {  	[tilespmem:$0x80D0] =	vst v2;
	v2 =	vadd.s32 v0, v3  }
0xdb: {  	v3 =	vadd.s32 v0, v4;
	[tilespmem:$0x80F0] =	vst v2  }
0xdc: {  	s0 =	sadd.s32 $0x50, s0;
	[tilespmem:$0x80E0] =	vst v3  }
0xdd: {  	[tilespmem:s23], [sflag:$0x3] =	stream.linear.gather [hbm4b:s0+s3], $0x80, $0x38;
	[tilespmem:$0x1C300] =	vst v63  }
0xde: {  	_ =	swait.ge [sflag:s18], $0x80  }
0xdf: {  	[sflag:s18] =	ssyncset.done $0x0  }
0xe0: {  	[sflag:s18] =	ssyncadd.s32 $0xFFFFFF80  }
0xe1: {  	_ =	swait.ge [sflag:s28], $0x4000  }
0xe2: {  	[sflag:s28] =	ssyncset.done $0x0  }
0xe3: {  	[sflag:s28] =	ssyncadd.s32 $0xFFFFC000  }
0xe4: {  	[tilespmem:s24], [sflag:$0x2] =	stream.indirect.gather [hbm4b:s4+s21], $0x80, s22, s21, $0xb8;
	[tilespmem:$0x1C300] =	vst v63  }
0xe5: {  	_ =	swait.ge [sflag:s25], $0x4000  }
0xe6: {  	[sflag:s25] =	ssyncset.done $0x0  }
0xe7: {  	s31 =	sadd.s32 s6, s17;
	[sflag:s25] =	ssyncadd.s32 $0xFFFFC000  }
0xe8: {  	[spmem:s2] =	stream.indirect.scatter.add.f32 [tilespmem:s3], [sflag:$0x1], $0x80, s20, s21, $0xb8;
	[tilespmem:$0x1C300] =	vst v63  }
0xe9: {  	s0 =	sadd.s32 $0x20, s31  }
0xea: {  	[tilespmem:s19], [sflag:$0x3] =	stream.linear.gather [hbm4b:s0+s3], $0x80, $0x38;
	[tilespmem:$0x1C300] =	vst v63  }
0xeb: {  	_ =	swait.ge [sflag:s18], $0x80  }
0xec: {  	[sflag:s18] =	ssyncset.done $0x0  }
0xed: {  	[sflag:s18] =	ssyncadd.s32 $0xFFFFFF80  }
0xee: {  	v2 =	vld [tilespmem:$0x8070]  }
0xef: {  	v3 =	vld [tilespmem:$0x8000]  }
0xf0: {  	v4 =	vld [tilespmem:$0x8030]  }
0xf1: {  	v5 =	vld [tilespmem:$0x8040]  }
0xf2: {  	v6 =	vld [tilespmem:$0x8060]  }
0xf3: {  	v7 =	vld [tilespmem:$0x8010]  }
0xf4: {  	v2 =	vadd.s32 v0, v2;
	v3 =	vadd.s32 v0, v3;
	v8 =	vld [tilespmem:$0x8020]  }
0xf5: {  	[tilespmem:$0x8000] =	vst v3;
	v3 =	vadd.s32 v0, v4;
	v4 =	vld [tilespmem:$0x8050]  }
0xf6: {  	v5 =	vadd.s32 v0, v5;
	[tilespmem:$0x8070] =	vst v2  }
0xf7: {  	[tilespmem:$0x8030] =	vst v3;
	v2 =	vadd.s32 v0, v6  }
0xf8: {  	v3 =	vadd.s32 v0, v7;
	[tilespmem:$0x8060] =	vst v2  }
0xf9: {  	v2 =	vadd.s32 v0, v8;
	[tilespmem:$0x8040] =	vst v5  }
0xfa: {  	[tilespmem:$0x8020] =	vst v2;
	v2 =	vadd.s32 v0, v4  }
0xfb: {  	s0 =	sadd.s32 s6, s16;
	[tilespmem:$0x8050] =	vst v2  }
0xfc: {  	s6 =	sadd.s32 $0x20, s0;
	[tilespmem:$0x8010] =	vst v3  }
0xfd: {  	[tilespmem:s26], [sflag:$0x3] =	stream.linear.gather [hbm4b:s6+s3], $0x80, $0x38;
	[tilespmem:$0x1C300] =	vst v63  }
0xfe: {  	_ =	swait.ge [sflag:s18], $0x80  }
0xff: {  	[sflag:s18] =	ssyncset.done $0x0  }
0x100: {  	[sflag:s18] =	ssyncadd.s32 $0xFFFFFF80  }
0x101: {  	_ =	swait.ge [sflag:s25], $0x4000  }
0x102: {  	[sflag:s25] =	ssyncset.done $0x0  }
0x103: {  	[sflag:s25] =	ssyncadd.s32 $0xFFFFC000  }
0x104: {  	[tilespmem:s3], [sflag:$0x1] =	stream.indirect.gather [hbm4b:s4+s21], $0x80, s19, s21, $0xb8;
	[tilespmem:$0x1C300] =	vst v63  }
0x105: {  	_ =	swait.ge [sflag:s28], $0x4000  }
0x106: {  	[sflag:s28] =	ssyncset.done $0x0  }
0x107: {  	[sflag:s28] =	ssyncadd.s32 $0xFFFFC000  }
0x108: {  	[spmem:s2] =	stream.indirect.scatter.add.f32 [tilespmem:s24], [sflag:$0x2], $0x80, s23, s21, $0xb8;
	[tilespmem:$0x1C300] =	vst v63  }
0x109: {  	s6 =	sadd.s32 $0x30, s31  }
0x10a: {  	[tilespmem:s22], [sflag:$0x3] =	stream.linear.gather [hbm4b:s6+s3], $0x80, $0x38;
	[tilespmem:$0x1C300] =	vst v63  }
0x10b: {  	_ =	swait.ge [sflag:s18], $0x80  }
0x10c: {  	[sflag:s18] =	ssyncset.done $0x0  }
0x10d: {  	[sflag:s18] =	ssyncadd.s32 $0xFFFFFF80  }
0x10e: {  	v2 =	vld [tilespmem:$0x8090]  }
0x10f: {  	v3 =	vld [tilespmem:$0x80A0]  }
0x110: {  	v4 =	vld [tilespmem:$0x80B0]  }
0x111: {  	v5 =	vld [tilespmem:$0x80C0]  }
0x112: {  	v6 =	vld [tilespmem:$0x80D0]  }
0x113: {  	v7 =	vld [tilespmem:$0x8080];
	v2 =	vadd.s32 v0, v2  }
0x114: {  	v3 =	vadd.s32 v0, v3;
	v8 =	vld [tilespmem:$0x80E0]  }
0x115: {  	[tilespmem:$0x80A0] =	vst v3;
	v3 =	vadd.s32 v0, v4;
	v4 =	vld [tilespmem:$0x80F0]  }
0x116: {  	[tilespmem:$0x80B0] =	vst v3;
	v3 =	vadd.s32 v0, v5  }
0x117: {  	[tilespmem:$0x80C0] =	vst v3;
	v3 =	vadd.s32 v0, v6  }
0x118: {  	v5 =	vadd.s32 v0, v7;
	[tilespmem:$0x80D0] =	vst v3  }
0x119: {  	[tilespmem:$0x8080] =	vst v5;
	v3 =	vadd.s32 v0, v8  }
0x11a: {  	[tilespmem:$0x80E0] =	vst v3;
	v3 =	vadd.s32 v0, v4  }
0x11b: {  	[tilespmem:$0x8090] =	vst v2  }
0x11c: {  	s6 =	sadd.s32 $0x30, s0;
	[tilespmem:$0x80F0] =	vst v3  }
0x11d: {  	[tilespmem:s29], [sflag:$0x3] =	stream.linear.gather [hbm4b:s6+s3], $0x80, $0x38;
	[tilespmem:$0x1C300] =	vst v63  }
0x11e: {  	_ =	swait.ge [sflag:s18], $0x80  }
0x11f: {  	[sflag:s18] =	ssyncset.done $0x0  }
0x120: {  	[sflag:s18] =	ssyncadd.s32 $0xFFFFFF80  }
0x121: {  	_ =	swait.ge [sflag:s28], $0x4000  }
0x122: {  	[sflag:s28] =	ssyncset.done $0x0  }
0x123: {  	[sflag:s28] =	ssyncadd.s32 $0xFFFFC000  }
0x124: {  	[tilespmem:s24], [sflag:$0x2] =	stream.indirect.gather [hbm4b:s4+s21], $0x80, s22, s21, $0xb8;
	[tilespmem:$0x1C300] =	vst v63  }
0x125: {  	_ =	swait.ge [sflag:s25], $0x4000  }
0x126: {  	[sflag:s25] =	ssyncset.done $0x0  }
0x127: {  	[sflag:s25] =	ssyncadd.s32 $0xFFFFC000  }
0x128: {  	[spmem:s2] =	stream.indirect.scatter.add.f32 [tilespmem:s3], [sflag:$0x1], $0x80, s26, s21, $0xb8;
	[tilespmem:$0x1C300] =	vst v63  }
0x129: {  	s6 =	sadd.s32 $0x40, s31  }
0x12a: {  	[tilespmem:s19], [sflag:$0x3] =	stream.linear.gather [hbm4b:s6+s3], $0x80, $0x38;
	[tilespmem:$0x1C300] =	vst v63  }
0x12b: {  	_ =	swait.ge [sflag:s18], $0x80  }
0x12c: {  	[sflag:s18] =	ssyncset.done $0x0  }
0x12d: {  	[sflag:s18] =	ssyncadd.s32 $0xFFFFFF80  }
0x12e: {  	v3 =	vld [tilespmem:$0x8020]  }
0x12f: {  	v7 =	vld [tilespmem:$0x8040]  }
.Ltmp1:
0x130: {  	v2 =	vld [tilespmem:$0x8060];
	(pc) =	sbr.rel @p0 .LBB2_4-.Ltmp1, $4  }
0x131: {  	v5 =	vld [tilespmem:$0x8070]  }
0x132: {  	v6 =	vld [tilespmem:$0x8050]  }
0x133: {  	v4 =	vld [tilespmem:$0x8000];
	v8 =	vadd.s32 v0, v3  }
0x134: {  	v3 =	vld [tilespmem:$0x8010];
	[tilespmem:$0x8020] =	vst v8;
	v7 =	vadd.s32 v0, v7  }
0x135: {  	v8 =	vld [tilespmem:$0x8030];
	[tilespmem:$0x8040] =	vst v7;
	v2 =	vadd.s32 v0, v2  }
0x136: {  	v5 =	vadd.s32 v0, v5;
	[tilespmem:$0x8060] =	vst v2  }
0x137: {  	v6 =	vadd.s32 v0, v6;
	[tilespmem:$0x8070] =	vst v5  }
0x138: {  	v4 =	vadd.s32 v0, v4;
	[tilespmem:$0x8050] =	vst v6  }
0x139: {  	[tilespmem:$0x8000] =	vst v4;
	v3 =	vadd.s32 v0, v3  }
0x13a: {  	[tilespmem:$0x8010] =	vst v3;
	v3 =	vadd.s32 v0, v8  }
0x13b: {  	s1 =	sadd.s32 $0x40, s0;
	[tilespmem:$0x8030] =	vst v3  }
0x13c: {  	[tilespmem:s20], [sflag:$0x3] =	stream.linear.gather [hbm4b:s1+s3], $0x80, $0x38;
	[tilespmem:$0x1C300] =	vst v63  }
0x13d: {  	_ =	swait.ge [sflag:s18], $0x80  }
0x13e: {  	[sflag:s18] =	ssyncset.done $0x0  }
0x13f: {  	[sflag:s18] =	ssyncadd.s32 $0xFFFFFF80  }
0x140: {  	_ =	swait.ge [sflag:s25], $0x4000  }
0x141: {  	[sflag:s25] =	ssyncset.done $0x0  }
0x142: {  	[sflag:s25] =	ssyncadd.s32 $0xFFFFC000  }
0x143: {  	[tilespmem:s3], [sflag:$0x1] =	stream.indirect.gather [hbm4b:s4+s21], $0x80, s19, s21, $0xb8;
	[tilespmem:$0x1C300] =	vst v63  }
0x144: {  	_ =	swait.ge [sflag:s28], $0x4000  }
0x145: {  	[sflag:s28] =	ssyncset.done $0x0  }
0x146: {  	[sflag:s28] =	ssyncadd.s32 $0xFFFFC000  }
0x147: {  	[spmem:s2] =	stream.indirect.scatter.add.f32 [tilespmem:s24], [sflag:$0x2], $0x80, s29, s21, $0xb8;
	[tilespmem:$0x1C300] =	vst v63  }
0x148: {  	s31 =	sadd.s32 $0x50, s31  }
0x149: {  	[tilespmem:s22], [sflag:$0x3] =	stream.linear.gather [hbm4b:s31+s3], $0x80, $0x38;
	[tilespmem:$0x1C300] =	vst v63  }
0x14a: {  	_ =	swait.ge [sflag:s18], $0x80  }
0x14b: {  	[sflag:s18] =	ssyncset.done $0x0  }
0x14c: {  	[sflag:s18] =	ssyncadd.s32 $0xFFFFFF80  }
0x14d: {  	v2 =	vld [tilespmem:$0x8080]  }
0x14e: {  	v3 =	vld [tilespmem:$0x8090]  }
0x14f: {  	v59 =	vld [tilespmem:$0x80A0]  }
0x150: {  	v60 =	vld [tilespmem:$0x80B0]  }
0x151: {  	v61 =	vld [tilespmem:$0x80C0]  }
0x152: {  	v62 =	vld [tilespmem:$0x80D0];
	v2 =	vadd.s32 v0, v2  }
0x153: {  	[tilespmem:$0x8080] =	vst v2;
	v2 =	vadd.s32 v0, v3;
	v3 =	vld [tilespmem:$0x80F0]  }
0x154: {  	v63 =	vld [tilespmem:$0x80E0];
	[tilespmem:$0x8090] =	vst v2;
	v2 =	vadd.s32 v0, v59  }
0x155: {  	[tilespmem:$0x80A0] =	vst v2;
	v2 =	vadd.s32 v0, v60  }
0x156: {  	[tilespmem:$0x80B0] =	vst v2;
	v2 =	vadd.s32 v0, v61  }
0x157: {  	[tilespmem:$0x80C0] =	vst v2;
	v2 =	vadd.s32 v0, v62  }
0x158: {  	[tilespmem:$0x80D0] =	vst v2;
	v2 =	vadd.s32 v0, v3  }
0x159: {  	v3 =	vadd.s32 v0, v63;
	[tilespmem:$0x80F0] =	vst v2  }
0x15a: {  	s6 =	sadd.s32 $0x50, s0;
	[tilespmem:$0x80E0] =	vst v3  }
0x15b: {  	[tilespmem:s23], [sflag:$0x3] =	stream.linear.gather [hbm4b:s6+s3], $0x80, $0x38;
	[tilespmem:$0x1C300] =	vst v63  }
0x15c: {  	_ =	swait.ge [sflag:s18], $0x80  }
0x15d: {  	[sflag:s18] =	ssyncset.done $0x0  }
0x15e: {  	[sflag:s18] =	ssyncadd.s32 $0xFFFFFF80  }
0x15f: {  	_ =	swait.ge [sflag:s28], $0x4000  }
0x160: {  	[sflag:s28] =	ssyncset.done $0x0  }
0x161: {  	[sflag:s28] =	ssyncadd.s32 $0xFFFFC000  }
0x162: {  	[tilespmem:s24], [sflag:$0x2] =	stream.indirect.gather [hbm4b:s4+s21], $0x80, s22, s21, $0xb8;
	[tilespmem:$0x1C300] =	vst v63  }
0x163: {  	_ =	swait.ge [sflag:s25], $0x4000  }
0x164: {  	[sflag:s25] =	ssyncset.done $0x0  }
0x165: {  	[sflag:s25] =	ssyncadd.s32 $0xFFFFC000  }
0x166: {  	[spmem:s2] =	stream.indirect.scatter.add.f32 [tilespmem:s3], [sflag:$0x1], $0x80, s20, s21, $0xb8;
	[tilespmem:$0x1C300] =	vst v63  }
0x167: {  	_ =	swait.ge [sflag:s25], $0x4000  }
0x168: {  	[sflag:s25] =	ssyncset.done $0x0  }
0x169: {  	[sflag:s25] =	ssyncadd.s32 $0xFFFFC000  }
0x16a: {  	_ =	swait.ge [sflag:s28], $0x4000  }
0x16b: {  	[sflag:s28] =	ssyncset.done $0x0  }
0x16c: {  	[sflag:s28] =	ssyncadd.s32 $0xFFFFC000  }
0x16d: {  	[spmem:s2] =	stream.indirect.scatter.add.f32 [tilespmem:s24], [sflag:$0x2], $0x80, s23, s21, $0xb8;
	[tilespmem:$0x1C300] =	vst v63  }
0x16e: {  	s7 =	stileid.u32;
	_ =	swait.ge [sflag:s28], $0x4000  }
0x16f: {  	s30 =	sadd.s32 $0x1, s30;
	s0 =	sshll.u32 s7, $0x6;
	[sflag:s28] =	ssyncset.done $0x0  }
0x170: {  	p0 =	sne.s32 s30, s15;
	s0 =	sor.u32 $0x1C03, s0;
	[sflag:s28] =	ssyncadd.s32 $0xFFFFC000  }
.Ltmp2:
0x171: {  	s31 =	sshrl.u32 s5, $0x3;
	[bflag:$0x0] =	sbarrier.arrive $0xFFFF;
	(pc) =	sbr.rel @p0 .LBB2_1-.Ltmp2, $4  }
0x172: {  	[hbm:s14], [sflag:s0] =	dma.local [spmem:s31], $0x2800  }
0x173: {  	_ =	swait.ge [sflag:s18], $0x2800  }
0x174: {  	[sflag:s18] =	ssyncset.done $0x0  }
0x175: {  	[sflag:s18] =	ssyncadd.s32 $0xFFFFD800  }
0x176: {  	_ =	sfence.sel $0x180000  }
0x177: {  	[bflag:$0x0] =	sbarrier.arrive $0xFFFF  }
0x178: {  	_ =	strace $0x90000050  }
0x179: {  	s0 =	stileid.u32;
	[bflag:$0x2] =	sbarrier.arrive $0xFFFF  }
0x17a: {  	p0 =	sne.s32 s0, $0x0;
	s0 =	rddreg [dreg:$0x2]  }
0x17b: {  	s0 =	sadd.s32 @!p0 $0x100000, s0  }
0x17c: {  	[sflag:s0] =	ssyncadd.tile.s32 @!p0 $0x1;
	_ =	shalt  }
.Lfunc_end2:
_tile_overlayer_lowered:
.L_overlay_start_2:
0x17d: {  	(tag) =	ssettag $0x2  }
0x17e: {  	s0 =	rddreg [dreg:$0x0];
	s2 =	stileid.u32  }
0x17f: {  	s1 =	rddreg [dreg:$0x1];
	p0 =	sne.s32 s2, $0x0  }
0x180: {  	s3 =	rddreg [dreg:$0x2];
	[bflag:$0x3] =	sbarrier.arrive $0xFFFF;
	s2 =	simm.s32 @!p0 $0x1C03  }
0x181: {  	[timem:s3], [sflag:s2] =	dma.local @!p0 [hbm:s0], s1  }
0x182: {  	s0 =	simm.s32 @!p0 $0x3  }
0x183: {  	_ =	swait.ge @!p0 [sflag:s0], s1  }
0x184: {  	s1 =	ssub.s32 @!p0 $0x0, s1;
	[sflag:s0] =	ssyncset.done @!p0 $0x0  }
0x185: {  	[sflag:s0] =	ssyncadd.s32 @!p0 s1  }
0x186: {  	[bflag:$0x3] =	sbarrier.arrive $0xFFFF  }
0x187: {  	_ =	shalt  }

</sc_bundles>
